<compile_context>
chip_gen: v7x
topology: tpu7x:2x2x1
jax: 0.10.2.dev20260603
libtpu: 0.0.44.dev20260713+nightly
codegen_flags: <defaults>
</compile_context>

<pallas_src>
import functools

import jax
import jax.numpy as jnp
import numpy as np
from jax import lax
from jax.experimental import pallas as pl
from jax.experimental.pallas import tpu as pltpu
from jax.experimental.pallas import tpu_sc as plsc

TILE = 256
INF = float("inf")
EPS = 1e-5
REP = 64


def _group_mats(C, G):
    A = (np.arange(C)[:, None] // (C // G) == np.arange(G)[None, :]
         ).astype(np.float32)
    return jnp.asarray(A), jnp.asarray(A.T.copy())


def _dot(a, b):
    return jax.lax.dot_general(a, b, (((1,), (0,)), ((), ())),
                               preferred_element_type=jnp.float32)


def _gn_relu(t, Av, ATv, gam, bet, gs):
    s = _dot(t, Av)
    sq = _dot(t * t, Av)
    mean = s * (1.0 / gs)
    var = sq * (1.0 / gs) - mean * mean
    inv = jax.lax.rsqrt(var + EPS)
    meanb = _dot(mean, ATv)
    invb = _dot(inv, ATv)
    h = (t - meanb) * invb * gam + bet
    return jnp.maximum(h, 0.0)



def _knn_kernel(ffull_ref, ftile_ref, idx_ref, *, k, n, salt_mul):
    b = pl.program_id(0)
    t = pl.program_id(1)
    f = ffull_ref[0]
    ft = ftile_ref[0]
    ones = jnp.ones((1, f.shape[1]), jnp.float32)
    xxf = jax.lax.dot_general(ones, f * f, (((1,), (1,)), ((), ())),
                              preferred_element_type=jnp.float32)
    dot = jax.lax.dot_general(ft, f, (((1,), (1,)), ((), ())),
                              preferred_element_type=jnp.float32)
    d = xxf - 2.0 * dot
    col = jax.lax.broadcasted_iota(jnp.int32, (TILE, n), 1)
    row = jax.lax.broadcasted_iota(jnp.int32, (TILE, n), 0) + t * TILE
    d = jnp.where(col == row, INF, d)
    base = b * n
    salt = (row[:, 0:1] % REP) * salt_mul
    for step in range(k):
        m = jnp.min(d, axis=1, keepdims=True)
        jm = jnp.min(jnp.where(d == m, col, n), axis=1, keepdims=True)
        out = jm + base + salt
        idx_ref[step, :] = out[:, 0]
        d = jnp.where(col == jm, INF, d)


def _knn_topk(feat, k, salted=False):
    B, n, C = feat.shape
    ntiles = n // TILE
    salt_mul = B * n if salted else 0
    return pl.pallas_call(
        functools.partial(_knn_kernel, k=k, n=n, salt_mul=salt_mul),
        grid=(B, ntiles),
        in_specs=[
            pl.BlockSpec((1, n, C), lambda b, t: (b, 0, 0)),
            pl.BlockSpec((1, TILE, C), lambda b, t: (b, t, 0)),
        ],
        out_specs=pl.BlockSpec((k, TILE), lambda b, t: (0, b * ntiles + t)),
        out_shape=jax.ShapeDtypeStruct((k, B * n), jnp.int32),
    )(feat, feat)



def _prep_kernel(x_ref, w_ref, b_ref, pk_ref, v_ref, *, cin):
    xt = x_ref[...]
    wa = w_ref[0:cin, :]
    wb = w_ref[cin:2 * cin, :]
    u = _dot(xt, wa)
    z = jnp.zeros((xt.shape[0], 64 - cin - u.shape[1] % 64), jnp.float32)
    pk_ref[...] = jnp.concatenate([u, xt, z], axis=1)
    v_ref[...] = _dot(xt, wb - wa) + b_ref[...]


def _prep1(xf, W1, b1):
    BN, cin = xf.shape
    cout = W1.shape[1]
    return pl.pallas_call(
        functools.partial(_prep_kernel, cin=cin),
        grid=(BN // TILE,),
        in_specs=[
            pl.BlockSpec((TILE, cin), lambda t: (t, 0)),
            pl.BlockSpec(W1.shape, lambda t: (0, 0)),
            pl.BlockSpec((1, cout), lambda t: (0, 0)),
        ],
        out_specs=[
            pl.BlockSpec((TILE, cout + 64), lambda t: (t, 0)),
            pl.BlockSpec((TILE, cout), lambda t: (t, 0)),
        ],
        out_shape=[jax.ShapeDtypeStruct((BN, cout + 64), jnp.float32),
                   jax.ShapeDtypeStruct((BN, cout), jnp.float32)],
    )(xf, W1, b1.reshape(1, -1))



def _ec_kernel(*refs, kk, gs, prep, cin, ngu, nun):
    kstep = pl.program_id(1)
    refs = list(refs)
    gu = [refs.pop(0) for _ in range(ngu)]
    v_ref, w2_ref, b2_ref, gam_ref, bet_ref, A_ref, AT_ref = (
        refs.pop(0) for _ in range(7))
    if prep:
        wn_ref, bn_ref = refs.pop(0), refs.pop(0)
    h_ref = refs.pop(0)
    if prep:
        un_refs = [refs.pop(0) for _ in range(nun)]
        vn_ref = refs.pop(0)

    hw = cin // ngu
    Av = A_ref[...]
    ATv = AT_ref[...]
    ts = [gu[i][0][:, 0:hw] + v_ref[:, i * hw:(i + 1) * hw]
          for i in range(ngu)]
    s = sum(_dot(t, Av[i * hw:(i + 1) * hw, :]) for i, t in enumerate(ts))
    sq = sum(_dot(t * t, Av[i * hw:(i + 1) * hw, :]) for i, t in enumerate(ts))
    mean = s * (1.0 / gs)
    var = sq * (1.0 / gs) - mean * mean
    inv = jax.lax.rsqrt(var + EPS)
    o = b2_ref[...]
    for i, t in enumerate(ts):
        sl = slice(i * hw, (i + 1) * hw)
        meanb = _dot(mean, ATv[:, sl])
        invb = _dot(inv, ATv[:, sl])
        hh = (t - meanb) * invb * gam_ref[:, sl] + bet_ref[:, sl]
        hh = jnp.maximum(hh, 0.0)
        o = o + _dot(hh, w2_ref[sl, :])

    @pl.when(kstep == 0)
    def _init():
        h_ref[...] = o

    @pl.when(kstep > 0)
    def _acc():
        h_ref[...] = jnp.maximum(h_ref[...], o)

    if prep:
        @pl.when(kstep == kk - 1)
        def _prep_next():
            hcur = h_ref[...]
            wa = wn_ref[0:cin, :]
            wb = wn_ref[cin:2 * cin, :]
            u = _dot(hcur, wa)
            cw = u.shape[1] // nun
            for i in range(nun):
                un_refs[i][...] = u[:, i * cw:(i + 1) * cw]
            vn_ref[...] = _dot(hcur, wb - wa) + bn_ref[...]


def _edge_conv(gu_list, v, mp, G, wnext=None, bnext=None):
    K, BN, W = gu_list[0].shape
    C = v.shape[1]
    ngu = len(gu_list)
    A, AT = _group_mats(C, G)
    prep = wnext is not None
    ins = list(gu_list) + [v, mp['W2'], mp['b2'].reshape(1, -1),
                           mp['g1'].reshape(1, -1), mp['be1'].reshape(1, -1),
                           A, AT]
    in_specs = [pl.BlockSpec((1, TILE, W), lambda t, k: (k, t, 0))
                for _ in range(ngu)]
    in_specs += [
        pl.BlockSpec((TILE, C), lambda t, k: (t, 0)),
        pl.BlockSpec((C, C), lambda t, k: (0, 0)),
        pl.BlockSpec((1, C), lambda t, k: (0, 0)),
        pl.BlockSpec((1, C), lambda t, k: (0, 0)),
        pl.BlockSpec((1, C), lambda t, k: (0, 0)),
        pl.BlockSpec((C, G), lambda t, k: (0, 0)),
        pl.BlockSpec((G, C), lambda t, k: (0, 0)),
    ]
    out_specs = [pl.BlockSpec((TILE, C), lambda t, k: (t, 0))]
    out_shape = [jax.ShapeDtypeStruct((BN, C), jnp.float32)]
    nun = 0
    if prep:
        Cn = wnext.shape[1]
        nun = max(1, Cn // 128)
        ins += [wnext, bnext.reshape(1, -1)]
        in_specs += [
            pl.BlockSpec((2 * C, Cn), lambda t, k: (0, 0)),
            pl.BlockSpec((1, Cn), lambda t, k: (0, 0)),
        ]
        cw = Cn // nun
        out_specs += [pl.BlockSpec((TILE, cw), lambda t, k: (t, 0))] * nun
        out_specs += [pl.BlockSpec((TILE, Cn), lambda t, k: (t, 0))]
        out_shape += [jax.ShapeDtypeStruct((BN, cw), jnp.float32)] * nun
        out_shape += [jax.ShapeDtypeStruct((BN, Cn), jnp.float32)]
    outs = pl.pallas_call(
        functools.partial(_ec_kernel, kk=K, gs=C // G, prep=prep, cin=C,
                          ngu=ngu, nun=nun),
        grid=(BN // TILE, K),
        in_specs=in_specs,
        out_specs=out_specs,
        out_shape=out_shape,
    )(*ins)
    if not prep:
        return outs[0], None, None
    return outs[0], outs[1:1 + nun], outs[1 + nun]



def _dir_kernel(gx0_ref, gx1_ref, x0_ref, x1_ref, idx_ref, out_ref, *, kk):
    dx = gx0_ref[...] - x0_ref[...]
    dy = gx1_ref[...] - x1_ref[...]
    C11 = jnp.sum(dx * dx, axis=0, keepdims=True)
    C22 = jnp.sum(dy * dy, axis=0, keepdims=True)
    C12 = jnp.sum(dx * dy, axis=0, keepdims=True)
    X = C11 - C22
    Y = 2.0 * C12
    R = jnp.sqrt(X * X + Y * Y)
    cphi = jnp.where(R > 0.0, X / jnp.maximum(R, 1e-30), 1.0)
    ct = jnp.sqrt(jnp.maximum((1.0 + cphi) * 0.5, 0.0))
    st = jnp.where(Y >= 0.0, 1.0, -1.0) * jnp.sqrt(
        jnp.maximum((1.0 - cphi) * 0.5, 0.0))
    a = dx * ct + dy * st
    bb = dy * ct - dx * st
    idxv = idx_ref[...]
    krow = jax.lax.broadcasted_iota(jnp.int32, a.shape, 0)
    for s, vals in enumerate((a, -a, bb, -bb)):
        v = vals
        for j in range(2):
            m = jnp.max(v, axis=0, keepdims=True)
            hit = v == m
            loc = jnp.min(jnp.where(hit, krow, kk), axis=0)
            pick = krow == loc[None, :]
            sel = jnp.sum(jnp.where(pick, idxv, 0), axis=0)
            out_ref[2 * s + j, :] = sel
            v = jnp.where(pick, -INF, v)


def _directional(gx0, gx1, x0, x1, idxT):
    kk, BN = idxT.shape
    return pl.pallas_call(
        functools.partial(_dir_kernel, kk=kk),
        grid=(BN // TILE,),
        in_specs=[
            pl.BlockSpec((kk, TILE), lambda t: (0, t)),
            pl.BlockSpec((kk, TILE), lambda t: (0, t)),
            pl.BlockSpec((1, TILE), lambda t: (0, t)),
            pl.BlockSpec((1, TILE), lambda t: (0, t)),
            pl.BlockSpec((kk, TILE), lambda t: (0, t)),
        ],
        out_specs=pl.BlockSpec((8, TILE), lambda t: (0, t)),
        out_shape=jax.ShapeDtypeStruct((8, BN), jnp.int32),
    )(gx0, gx1, x0, x1, idxT)



def _global_kernel(h4_ref, gw_ref, gb_ref, w5_ref, out_ref):
    m = jnp.max(h4_ref[0], axis=0, keepdims=True)
    gg = jnp.maximum(_dot(m, gw_ref[...]) + gb_ref[...], 0.0)
    out_ref[0] = _dot(gg, w5_ref[...])


def _global_feat(h4, gw, gb, w5):
    B, n, C = h4.shape
    Cn = w5.shape[1]
    return pl.pallas_call(
        _global_kernel,
        grid=(B,),
        in_specs=[
            pl.BlockSpec((1, n, C), lambda b: (b, 0, 0)),
            pl.BlockSpec((C, C), lambda b: (0, 0)),
            pl.BlockSpec((1, C), lambda b: (0, 0)),
            pl.BlockSpec((C, Cn), lambda b: (0, 0)),
        ],
        out_specs=pl.BlockSpec((1, 1, Cn), lambda b: (b, 0, 0)),
        out_shape=jax.ShapeDtypeStruct((B, 1, Cn), jnp.float32),
    )(h4, gw, gb.reshape(1, -1), w5)



def _head_kernel(h1_ref, h2_ref, h3_ref, h4_ref, gt_ref,
                 w11_ref, w12_ref, w13_ref, w14_ref, b1_ref, g1_ref, be1_ref,
                 A1_ref, AT1_ref, w2_ref, b2_ref, g2_ref, be2_ref,
                 A2_ref, AT2_ref, w3_ref, b3_ref, g3_ref, be3_ref,
                 A3_ref, AT3_ref, w4_ref, b4_ref, out_ref):
    acc = (_dot(h1_ref[...], w11_ref[...]) + _dot(h2_ref[...], w12_ref[...])
           + _dot(h3_ref[...], w13_ref[...]) + _dot(h4_ref[...], w14_ref[...])
           + gt_ref[0] + b1_ref[...])
    h = _gn_relu(acc, A1_ref[...], AT1_ref[...], g1_ref[...], be1_ref[...], 16)
    h = _dot(h, w2_ref[...]) + b2_ref[...]
    h = _gn_relu(h, A2_ref[...], AT2_ref[...], g2_ref[...], be2_ref[...], 8)
    h = _dot(h, w3_ref[...]) + b3_ref[...]
    h = _gn_relu(h, A3_ref[...], AT3_ref[...], g3_ref[...], be3_ref[...], 4)
    out_ref[...] = _dot(h, w4_ref[...]) + b4_ref[...]


def _head(h1, h2, h3, h4, gterm, hp, n):
    BN = h1.shape[0]
    A1, AT1 = _group_mats(512, 32)
    A2, AT2 = _group_mats(256, 32)
    A3, AT3 = _group_mats(128, 32)
    W1 = hp['W1']
    ins = [h1, h2, h3, h4, gterm,
           W1[0:64], W1[64:192], W1[192:448], W1[448:704],
           hp['b1'].reshape(1, -1), hp['g1'].reshape(1, -1),
           hp['be1'].reshape(1, -1), A1, AT1,
           hp['W2'], hp['b2'].reshape(1, -1), hp['g2'].reshape(1, -1),
           hp['be2'].reshape(1, -1), A2, AT2,
           hp['W3'], hp['b3'].reshape(1, -1), hp['g3'].reshape(1, -1),
           hp['be3'].reshape(1, -1), A3, AT3,
           hp['W4'], hp['b4'].reshape(1, -1)]
    tpb = n // TILE
    in_specs = [pl.BlockSpec((TILE, a.shape[1]), lambda t: (t, 0))
                for a in ins[:4]]
    in_specs.append(pl.BlockSpec((1, 1, 512), lambda t: (t // tpb, 0, 0)))
    for a in ins[5:]:
        in_specs.append(pl.BlockSpec(a.shape, lambda t: (0, 0)))
    return pl.pallas_call(
        _head_kernel,
        grid=(BN // TILE,),
        in_specs=in_specs,
        out_specs=pl.BlockSpec((TILE, 3), lambda t: (t, 0)),
        out_shape=jax.ShapeDtypeStruct((BN, 3), jnp.float32),
    )(*ins)



def _sc_gather(table, idxf):
    M = idxf.shape[0]
    D = table.shape[1]
    info = plsc.get_sparse_core_info()
    NW = info.num_cores * info.num_subcores
    mw = M // NW
    ch = 128
    npair = mw // (2 * ch)
    mesh = plsc.VectorSubcoreMesh(core_axis_name="c", subcore_axis_name="s")

    @functools.partial(
        pl.kernel, mesh=mesh,
        out_type=jax.ShapeDtypeStruct((M, D), jnp.float32),
        scratch_types=[
            pltpu.VMEM((mw,), jnp.int32),
            pltpu.VMEM((ch, D), jnp.float32),
            pltpu.VMEM((ch, D), jnp.float32),
            pltpu.SemaphoreType.DMA,
            pltpu.SemaphoreType.DMA,
        ],
    )
    def gk(table_hbm, idx_hbm, out_hbm, idx_v, rows_a, rows_b, sem_a, sem_b):
        wid = lax.axis_index("s") * info.num_cores + lax.axis_index("c")
        base = wid * mw
        pltpu.sync_copy(idx_hbm.at[pl.ds(base, mw)], idx_v)

        def body(j, carry):
            o0 = 2 * j * ch
            o1 = o0 + ch
            ga = pltpu.async_copy(
                table_hbm.at[idx_v.at[pl.ds(o0, ch)]], rows_a, sem_a)
            gb = pltpu.async_copy(
                table_hbm.at[idx_v.at[pl.ds(o1, ch)]], rows_b, sem_b)
            ga.wait()
            pltpu.sync_copy(rows_a, out_hbm.at[pl.ds(base + o0, ch)])
            gb.wait()
            pltpu.sync_copy(rows_b, out_hbm.at[pl.ds(base + o1, ch)])
            return carry

        lax.fori_loop(0, npair, body, 0)

    return gk(table, idxf)


def _gather_rows(table, idxT):
    K, BN = idxT.shape
    D = table.shape[1]
    return _sc_gather(table, idxT.reshape(K * BN)).reshape(K, BN, D)



def kernel(x, mask, params, k=16):
    p = params
    B, n, _ = x.shape
    BN = B * n
    xf = x.reshape(BN, 2)

    idx1T = _knn_topk(x, k)
    pk1, v1 = _prep1(xf, p['ec1']['W1'], p['ec1']['b1'])
    gp1 = _gather_rows(pk1, idx1T)
    h1, u2, v2 = _edge_conv([gp1], v1, p['ec1'], 16,
                            wnext=p['ec2']['W1'], bnext=p['ec2']['b1'])

    idx2T = _knn_topk(h1.reshape(B, n, -1), k, salted=True)
    gu2 = _gather_rows(jnp.tile(u2[0], (REP, 1)), idx2T)
    h2, u3, v3 = _edge_conv([gu2], v2, p['ec2'], 32,
                            wnext=p['ec3']['W1'], bnext=p['ec3']['b1'])

    idx3T = _directional(gp1[..., 64], gp1[..., 65],
                         xf[:, 0].reshape(1, BN), xf[:, 1].reshape(1, BN),
                         idx1T)
    gu3 = [_gather_rows(t, idx3T) for t in u3]
    h3, u4, v4 = _edge_conv(gu3, v3, p['ec3'], 32,
                            wnext=p['ec4']['W1'], bnext=p['ec4']['b1'])

    idx4T = _knn_topk(h3.reshape(B, n, -1), k, salted=True)
    gu4 = [_gather_rows(jnp.tile(t, (REP, 1)), idx4T) for t in u4]
    h4, _, _ = _edge_conv(gu4, v4, p['ec4'], 32)

    gterm = _global_feat(h4.reshape(B, n, -1), p['gfc']['W'], p['gfc']['b'],
                         p['head']['W1'][704:960])
    out = _head(h1, h2, h3, h4, gterm, p['head'], n)
    return out.reshape(B, n, 3)

# --- scband reference (transcript-rebuilt; emitter-appended) ---
"""Pipeline reference for scband-dgcnnsubstructure-44693429682216 (READ-ONLY COPY).

The authoritative reference and input builder live on the scoring server;
editing this copy changes nothing except your own understanding.
"""

import jax, jax.numpy as jnp
import numpy as np


def groupnorm(x, gamma, beta, G, eps=1e-5):
    M, C = x.shape
    xr = x.reshape(M, G, C // G)
    mu = jnp.mean(xr, axis=2, keepdims=True)
    var = jnp.var(xr, axis=2, keepdims=True)
    xn = ((xr - mu) / jnp.sqrt(var + eps)).reshape(M, C)
    return xn * gamma + beta


def bgather(x, idx):
    return jax.vmap(lambda xb, ib: xb[ib])(x, idx)


def knn_idx(feat, mask, k):
    x2 = jnp.sum(feat * feat, axis=-1, keepdims=True)
    dist2 = x2 + jnp.swapaxes(x2, 1, 2) - 2.0 * jnp.einsum('bnd,bmd->bnm', feat, feat)
    dist2 = jnp.maximum(dist2, 0.0)
    valid = mask[:, :, None] & mask[:, None, :]
    dist2 = jnp.where(valid, dist2, jnp.inf)
    N = feat.shape[1]
    eye = jnp.eye(N, dtype=bool)[None]
    dist2 = jnp.where(eye, jnp.inf, dist2)
    _, idx = jax.lax.top_k(-dist2, k)
    return idx


def directional_idx(x, mask, k_base, m):
    idx_k = knn_idx(x, mask, k_base)
    neigh = bgather(x, idx_k)
    d = neigh - x[:, :, None, :]
    dx = d[..., 0]
    dy = d[..., 1]
    C11 = jnp.sum(dx * dx, axis=2)
    C22 = jnp.sum(dy * dy, axis=2)
    C12 = jnp.sum(dx * dy, axis=2)
    theta = 0.5 * jnp.arctan2(2.0 * C12, C11 - C22)
    t = jnp.stack([jnp.cos(theta), jnp.sin(theta)], axis=-1)
    n = jnp.stack([-t[..., 1], t[..., 0]], axis=-1)
    a = jnp.sum(d * t[:, :, None, :], axis=-1)
    b = jnp.sum(d * n[:, :, None, :], axis=-1)
    _, fl = jax.lax.top_k(a, m)
    _, bl = jax.lax.top_k(-a, m)
    _, ll = jax.lax.top_k(b, m)
    _, rl = jax.lax.top_k(-b, m)
    g = lambda loc: jnp.take_along_axis(idx_k, loc, axis=2)
    return jnp.concatenate([g(fl), g(bl), g(ll), g(rl)], axis=2)


def mlp2(x, mp, G):
    h = x @ mp['W1'] + mp['b1']
    h = groupnorm(h, mp['g1'], mp['be1'], G)
    h = jax.nn.relu(h)
    return h @ mp['W2'] + mp['b2']


def edge_conv_core(x, mask, idx, mp, G):
    xn = bgather(x, idx)
    xc = jnp.broadcast_to(x[:, :, None, :], xn.shape)
    ef = jnp.concatenate([xn - xc, xc], axis=-1)
    B, N, K, C2 = ef.shape
    o = mlp2(ef.reshape(B * N * K, C2), mp, G).reshape(B, N, K, -1)
    o = jnp.max(o, axis=2)
    return o * mask[..., None].astype(o.dtype)


def forward(x, mask, p, k=16):
    geom = x
    h1 = edge_conv_core(x, mask, knn_idx(x, mask, k), p['ec1'], 16)
    h2 = edge_conv_core(h1, mask, knn_idx(h1, mask, k), p['ec2'], 32)
    h3 = edge_conv_core(h2, mask, directional_idx(geom, mask, k, 2), p['ec3'], 32)
    h4 = edge_conv_core(h3, mask, knn_idx(h3, mask, k), p['ec4'], 32)
    h4m = jnp.where(mask[..., None], h4, -jnp.inf)
    g = jnp.max(h4m, axis=1)
    g = jax.nn.relu(g @ p['gfc']['W'] + p['gfc']['b'])
    g = jnp.broadcast_to(g[:, None, :], (x.shape[0], x.shape[1], g.shape[-1]))
    feat = jnp.concatenate([h1, h2, h3, h4, g], axis=-1)
    B, N, C = feat.shape
    f = feat.reshape(B * N, C)
    hp = p['head']
    h = jax.nn.relu(groupnorm(f @ hp['W1'] + hp['b1'], hp['g1'], hp['be1'], 32))
    h = jax.nn.relu(groupnorm(h @ hp['W2'] + hp['b2'], hp['g2'], hp['be2'], 32))
    h = jax.nn.relu(groupnorm(h @ hp['W3'] + hp['b3'], hp['g3'], hp['be3'], 32))
    out = h @ hp['W4'] + hp['b4']
    return out.reshape(B, N, 3)


def setup_inputs(seed: int = 0) -> dict:
    key = jax.random.key(seed)
    ks = jax.random.split(key, 16)

    def mlp_p(k1, k2, cin, cout):
        return {'W1': jax.random.normal(k1, (cin, cout), jnp.float32) / np.sqrt(cin),
                'b1': jnp.zeros((cout,), jnp.float32),
                'g1': jnp.ones((cout,), jnp.float32),
                'be1': jnp.zeros((cout,), jnp.float32),
                'W2': jax.random.normal(k2, (cout, cout), jnp.float32) / np.sqrt(cout),
                'b2': jnp.zeros((cout,), jnp.float32)}

    params = {
        'ec1': mlp_p(ks[0], ks[1], 4, 64),
        'ec2': mlp_p(ks[2], ks[3], 128, 128),
        'ec3': mlp_p(ks[4], ks[5], 256, 256),
        'ec4': mlp_p(ks[6], ks[7], 512, 256),
        'gfc': {'W': jax.random.normal(ks[8], (256, 256), jnp.float32) / 16.0,
                'b': jnp.zeros((256,), jnp.float32)},
        'head': {'W1': jax.random.normal(ks[9], (960, 512), jnp.float32) / np.sqrt(960.0),
                 'b1': jnp.zeros((512,), jnp.float32),
                 'g1': jnp.ones((512,), jnp.float32),
                 'be1': jnp.zeros((512,), jnp.float32),
                 'W2': jax.random.normal(ks[10], (512, 256), jnp.float32) / np.sqrt(512.0),
                 'b2': jnp.zeros((256,), jnp.float32),
                 'g2': jnp.ones((256,), jnp.float32),
                 'be2': jnp.zeros((256,), jnp.float32),
                 'W3': jax.random.normal(ks[11], (256, 128), jnp.float32) / 16.0,
                 'b3': jnp.zeros((128,), jnp.float32),
                 'g3': jnp.ones((128,), jnp.float32),
                 'be3': jnp.zeros((128,), jnp.float32),
                 'W4': jax.random.normal(ks[12], (128, 3), jnp.float32) / np.sqrt(128.0),
                 'b4': jnp.zeros((3,), jnp.float32)}
    }
    x = jax.random.normal(ks[13], (8, 2048, 2), jnp.float32)
    mask = jnp.ones((8, 2048), dtype=bool)
    return {'x': x, 'mask': mask, 'params': params}


def reference(x, mask, params):
    return forward(x, mask, params, k=16)

if __name__ == "__main__":
    import jax
    _d = setup_inputs()
    print(jax.jit(kernel)(*tuple(_d.values())))

</pallas_src>

<mosaic_0001>
#map = affine_map<(d0, d1) -> (0, 0)>
#map1 = affine_map<(d0, d1) -> (0)>
module attributes {stable_mosaic.version = 14 : i64} {
  func.func @gk(%arg0: i32, %arg1: i32, %arg2: memref<16384x128xf32, #tpu.memory_space<hbm>>, %arg3: memref<131072xi32, #tpu.memory_space<hbm>>, %arg4: memref<131072x128xf32, #tpu.memory_space<hbm>>, %arg5: memref<4096xi32, #tpu.memory_space<vmem>>, %arg6: memref<128x128xf32, #tpu.memory_space<vmem>>, %arg7: memref<128x128xf32, #tpu.memory_space<vmem>>, %arg8: memref<!tpu.dma_semaphore, #tpu.memory_space<semaphore_mem>>, %arg9: memref<!tpu.dma_semaphore, #tpu.memory_space<semaphore_mem>>) attributes {dimension_semantics = [#tpu.dimension_semantics<core_parallel>, #tpu.dimension_semantics<subcore_parallel>], iteration_bounds = array<i64: 2, 16>, scalar_prefetch = 0 : i64, scratch_operands = 5 : i64, tpu.core_type = #tpu.core_type<sc_vector_subcore>, window_params = [{transform_indices = #map}, {transform_indices = #map1}, {transform_indices = #map}]} {
    %mul3A = arith.constant 2 : i32
    %mul3A_0 = arith.muli %arg1, %mul3A : i32
    %add3A = arith.addi %mul3A_0, %arg0 : i32
    %mul3A_1 = arith.constant 4096 : i32
    %mul3A_2 = arith.muli %add3A, %mul3A_1 : i32
    "tpu.region"() ({
      %run_scoped3A = tpu.sem_alloc : memref<!tpu.dma_semaphore, #tpu.memory_space<semaphore_mem>>
      %dma_start3A = tpu.memref_slice %arg3[%mul3A_2] : memref<131072xi32, #tpu.memory_space<hbm>> -> memref<4096xi32, #tpu.memory_space<hbm>>
      %dma_start3A_8 = tpu.memref_slice %arg3[%mul3A_2] : memref<131072xi32, #tpu.memory_space<hbm>> -> memref<4096xi32, #tpu.memory_space<hbm>>
      tpu.enqueue_dma source(%dma_start3A_8 : memref<4096xi32, #tpu.memory_space<hbm>>) target(%arg5 : memref<4096xi32, #tpu.memory_space<vmem>>) target_semaphore(%run_scoped3A : memref<!tpu.dma_semaphore, #tpu.memory_space<semaphore_mem>>)
      %dma_wait3A = tpu.memref_slice %arg3[%mul3A_2] : memref<131072xi32, #tpu.memory_space<hbm>> -> memref<4096xi32, #tpu.memory_space<hbm>>
      %dma_wait3A_9 = tpu.memref_slice %arg3[%mul3A_2] : memref<131072xi32, #tpu.memory_space<hbm>> -> memref<4096xi32, #tpu.memory_space<hbm>>
      tpu.wait_dma2 semaphore(%run_scoped3A : memref<!tpu.dma_semaphore, #tpu.memory_space<semaphore_mem>>) src(%dma_wait3A_9 : memref<4096xi32, #tpu.memory_space<hbm>>) dst(%arg5 : memref<4096xi32, #tpu.memory_space<vmem>>)
      tpu.yield
    }) : () -> ()
    %scan3A = arith.constant 0 : i32
    %scan3A_3 = arith.constant 0 : i32
    %scan3A_4 = arith.constant 16 : i32
    %scan3A_5 = arith.addi %scan3A_3, %scan3A_4 : i32
    %scan3A_6 = arith.constant 1 : i32
    scf.for %scan3A_8 = %scan3A_3 to %scan3A_5 step %scan3A_6  : i32 {
      %mul3A_9 = arith.constant 2 : i32
      %mul3A_10 = arith.muli %mul3A_9, %scan3A_8 : i32
      %mul3A_11 = arith.constant 128 : i32
      %mul3A_12 = arith.muli %mul3A_10, %mul3A_11 : i32
      %add3A_13 = arith.constant 128 : i32
      %add3A_14 = arith.addi %mul3A_12, %add3A_13 : i32
      %dma_start3A = tpu.memref_slice %arg5[%mul3A_12] : memref<4096xi32, #tpu.memory_space<vmem>> -> memref<128xi32, #tpu.memory_space<vmem>>
      %dma_start3A_15 = arith.constant 0 : i32
      %dma_start3A_16 = arith.constant 0 : i32
      %dma_start3A_17 = tpu.memref_slice %arg2[%dma_start3A_15, %dma_start3A_16] : memref<16384x128xf32, #tpu.memory_space<hbm>> -> memref<16384x128xf32, #tpu.memory_space<hbm>>
      tpu.enqueue_indirect_dma source(%dma_start3A_17 : memref<16384x128xf32, #tpu.memory_space<hbm>>) target(%arg6 : memref<128x128xf32, #tpu.memory_space<vmem>>) offsets(%dma_start3A : memref<128xi32, #tpu.memory_space<vmem>>) semaphore(%arg8 : memref<!tpu.dma_semaphore, #tpu.memory_space<semaphore_mem>>)
      %dma_start3A_18 = tpu.memref_slice %arg5[%add3A_14] : memref<4096xi32, #tpu.memory_space<vmem>> -> memref<128xi32, #tpu.memory_space<vmem>>
      %dma_start3A_19 = arith.constant 0 : i32
      %dma_start3A_20 = arith.constant 0 : i32
      %dma_start3A_21 = tpu.memref_slice %arg2[%dma_start3A_19, %dma_start3A_20] : memref<16384x128xf32, #tpu.memory_space<hbm>> -> memref<16384x128xf32, #tpu.memory_space<hbm>>
      tpu.enqueue_indirect_dma source(%dma_start3A_21 : memref<16384x128xf32, #tpu.memory_space<hbm>>) target(%arg7 : memref<128x128xf32, #tpu.memory_space<vmem>>) offsets(%dma_start3A_18 : memref<128xi32, #tpu.memory_space<vmem>>) semaphore(%arg9 : memref<!tpu.dma_semaphore, #tpu.memory_space<semaphore_mem>>)
      %dma_wait3A = tpu.memref_slice %arg5[%mul3A_12] : memref<4096xi32, #tpu.memory_space<vmem>> -> memref<128xi32, #tpu.memory_space<vmem>>
      %dma_wait3A_22 = arith.constant 0 : i32
      %dma_wait3A_23 = arith.constant 0 : i32
      %dma_wait3A_24 = tpu.memref_slice %arg2[%dma_wait3A_22, %dma_wait3A_23] : memref<16384x128xf32, #tpu.memory_space<hbm>> -> memref<16384x128xf32, #tpu.memory_space<hbm>>
      tpu.wait_indirect_dma semaphore(%arg8 : memref<!tpu.dma_semaphore, #tpu.memory_space<semaphore_mem>>) src(%dma_wait3A_24 : memref<16384x128xf32, #tpu.memory_space<hbm>>) dst(%arg6 : memref<128x128xf32, #tpu.memory_space<vmem>>)
      %add3A_25 = arith.addi %mul3A_2, %mul3A_12 : i32
      "tpu.region"() ({
        %run_scoped3A = tpu.sem_alloc : memref<!tpu.dma_semaphore, #tpu.memory_space<semaphore_mem>>
        %dma_start3A_31 = arith.constant 0 : i32
        %dma_start3A_32 = tpu.memref_slice %arg4[%add3A_25, %dma_start3A_31] : memref<131072x128xf32, #tpu.memory_space<hbm>> -> memref<128x128xf32, #tpu.memory_space<hbm>>
        %dma_start3A_33 = arith.constant 0 : i32
        %dma_start3A_34 = tpu.memref_slice %arg4[%add3A_25, %dma_start3A_33] : memref<131072x128xf32, #tpu.memory_space<hbm>> -> memref<128x128xf32, #tpu.memory_space<hbm>>
        tpu.enqueue_dma source(%arg6 : memref<128x128xf32, #tpu.memory_space<vmem>>) target(%dma_start3A_34 : memref<128x128xf32, #tpu.memory_space<hbm>>) target_semaphore(%run_scoped3A : memref<!tpu.dma_semaphore, #tpu.memory_space<semaphore_mem>>)
        %dma_wait3A_35 = arith.constant 0 : i32
        %dma_wait3A_36 = tpu.memref_slice %arg4[%add3A_25, %dma_wait3A_35] : memref<131072x128xf32, #tpu.memory_space<hbm>> -> memref<128x128xf32, #tpu.memory_space<hbm>>
        %dma_wait3A_37 = arith.constant 0 : i32
        %dma_wait3A_38 = tpu.memref_slice %arg4[%add3A_25, %dma_wait3A_37] : memref<131072x128xf32, #tpu.memory_space<hbm>> -> memref<128x128xf32, #tpu.memory_space<hbm>>
        tpu.wait_dma2 semaphore(%run_scoped3A : memref<!tpu.dma_semaphore, #tpu.memory_space<semaphore_mem>>) src(%arg6 : memref<128x128xf32, #tpu.memory_space<vmem>>) dst(%dma_wait3A_38 : memref<128x128xf32, #tpu.memory_space<hbm>>)
        tpu.yield
      }) : () -> ()
      %dma_wait3A_26 = tpu.memref_slice %arg5[%add3A_14] : memref<4096xi32, #tpu.memory_space<vmem>> -> memref<128xi32, #tpu.memory_space<vmem>>
      %dma_wait3A_27 = arith.constant 0 : i32
      %dma_wait3A_28 = arith.constant 0 : i32
      %dma_wait3A_29 = tpu.memref_slice %arg2[%dma_wait3A_27, %dma_wait3A_28] : memref<16384x128xf32, #tpu.memory_space<hbm>> -> memref<16384x128xf32, #tpu.memory_space<hbm>>
      tpu.wait_indirect_dma semaphore(%arg9 : memref<!tpu.dma_semaphore, #tpu.memory_space<semaphore_mem>>) src(%dma_wait3A_29 : memref<16384x128xf32, #tpu.memory_space<hbm>>) dst(%arg7 : memref<128x128xf32, #tpu.memory_space<vmem>>)
      %add3A_30 = arith.addi %mul3A_2, %add3A_14 : i32
      "tpu.region"() ({
        %run_scoped3A = tpu.sem_alloc : memref<!tpu.dma_semaphore, #tpu.memory_space<semaphore_mem>>
        %dma_start3A_31 = arith.constant 0 : i32
        %dma_start3A_32 = tpu.memref_slice %arg4[%add3A_30, %dma_start3A_31] : memref<131072x128xf32, #tpu.memory_space<hbm>> -> memref<128x128xf32, #tpu.memory_space<hbm>>
        %dma_start3A_33 = arith.constant 0 : i32
        %dma_start3A_34 = tpu.memref_slice %arg4[%add3A_30, %dma_start3A_33] : memref<131072x128xf32, #tpu.memory_space<hbm>> -> memref<128x128xf32, #tpu.memory_space<hbm>>
        tpu.enqueue_dma source(%arg7 : memref<128x128xf32, #tpu.memory_space<vmem>>) target(%dma_start3A_34 : memref<128x128xf32, #tpu.memory_space<hbm>>) target_semaphore(%run_scoped3A : memref<!tpu.dma_semaphore, #tpu.memory_space<semaphore_mem>>)
        %dma_wait3A_35 = arith.constant 0 : i32
        %dma_wait3A_36 = tpu.memref_slice %arg4[%add3A_30, %dma_wait3A_35] : memref<131072x128xf32, #tpu.memory_space<hbm>> -> memref<128x128xf32, #tpu.memory_space<hbm>>
        %dma_wait3A_37 = arith.constant 0 : i32
        %dma_wait3A_38 = tpu.memref_slice %arg4[%add3A_30, %dma_wait3A_37] : memref<131072x128xf32, #tpu.memory_space<hbm>> -> memref<128x128xf32, #tpu.memory_space<hbm>>
        tpu.wait_dma2 semaphore(%run_scoped3A : memref<!tpu.dma_semaphore, #tpu.memory_space<semaphore_mem>>) src(%arg7 : memref<128x128xf32, #tpu.memory_space<vmem>>) dst(%dma_wait3A_38 : memref<128x128xf32, #tpu.memory_space<hbm>>)
        tpu.yield
      }) : () -> ()
    }
    %scan3A_7 = arith.constant 16 : i32
    return
  }
}

#map = affine_map<(d0, d1) -> (0, 0)>
#map1 = affine_map<(d0, d1) -> (0)>
module attributes {stable_mosaic.version = 14 : i64} {
  func.func @gk(%arg0: i32, %arg1: i32, %arg2: memref<16384x128xf32, #tpu.memory_space<hbm>>, %arg3: memref<262144xi32, #tpu.memory_space<hbm>>, %arg4: memref<262144x128xf32, #tpu.memory_space<hbm>>, %arg5: memref<8192xi32, #tpu.memory_space<vmem>>, %arg6: memref<128x128xf32, #tpu.memory_space<vmem>>, %arg7: memref<128x128xf32, #tpu.memory_space<vmem>>, %arg8: memref<!tpu.dma_semaphore, #tpu.memory_space<semaphore_mem>>, %arg9: memref<!tpu.dma_semaphore, #tpu.memory_space<semaphore_mem>>) attributes {dimension_semantics = [#tpu.dimension_semantics<core_parallel>, #tpu.dimension_semantics<subcore_parallel>], iteration_bounds = array<i64: 2, 16>, scalar_prefetch = 0 : i64, scratch_operands = 5 : i64, tpu.core_type = #tpu.core_type<sc_vector_subcore>, window_params = [{transform_indices = #map}, {transform_indices = #map1}, {transform_indices = #map}]} {
    %mul3A = arith.constant 2 : i32
    %mul3A_0 = arith.muli %arg1, %mul3A : i32
    %add3A = arith.addi %mul3A_0, %arg0 : i32
    %mul3A_1 = arith.constant 8192 : i32
    %mul3A_2 = arith.muli %add3A, %mul3A_1 : i32
    "tpu.region"() ({
      %run_scoped3A = tpu.sem_alloc : memref<!tpu.dma_semaphore, #tpu.memory_space<semaphore_mem>>
      %dma_start3A = tpu.memref_slice %arg3[%mul3A_2] : memref<262144xi32, #tpu.memory_space<hbm>> -> memref<8192xi32, #tpu.memory_space<hbm>>
      %dma_start3A_8 = tpu.memref_slice %arg3[%mul3A_2] : memref<262144xi32, #tpu.memory_space<hbm>> -> memref<8192xi32, #tpu.memory_space<hbm>>
      tpu.enqueue_dma source(%dma_start3A_8 : memref<8192xi32, #tpu.memory_space<hbm>>) target(%arg5 : memref<8192xi32, #tpu.memory_space<vmem>>) target_semaphore(%run_scoped3A : memref<!tpu.dma_semaphore, #tpu.memory_space<semaphore_mem>>)
      %dma_wait3A = tpu.memref_slice %arg3[%mul3A_2] : memref<262144xi32, #tpu.memory_space<hbm>> -> memref<8192xi32, #tpu.memory_space<hbm>>
      %dma_wait3A_9 = tpu.memref_slice %arg3[%mul3A_2] : memref<262144xi32, #tpu.memory_space<hbm>> -> memref<8192xi32, #tpu.memory_space<hbm>>
      tpu.wait_dma2 semaphore(%run_scoped3A : memref<!tpu.dma_semaphore, #tpu.memory_space<semaphore_mem>>) src(%dma_wait3A_9 : memref<8192xi32, #tpu.memory_space<hbm>>) dst(%arg5 : memref<8192xi32, #tpu.memory_space<vmem>>)
      tpu.yield
    }) : () -> ()
    %scan3A = arith.constant 0 : i32
    %scan3A_3 = arith.constant 0 : i32
    %scan3A_4 = arith.constant 32 : i32
    %scan3A_5 = arith.addi %scan3A_3, %scan3A_4 : i32
    %scan3A_6 = arith.constant 1 : i32
    scf.for %scan3A_8 = %scan3A_3 to %scan3A_5 step %scan3A_6  : i32 {
      %mul3A_9 = arith.constant 2 : i32
      %mul3A_10 = arith.muli %mul3A_9, %scan3A_8 : i32
      %mul3A_11 = arith.constant 128 : i32
      %mul3A_12 = arith.muli %mul3A_10, %mul3A_11 : i32
      %add3A_13 = arith.constant 128 : i32
      %add3A_14 = arith.addi %mul3A_12, %add3A_13 : i32
      %dma_start3A = tpu.memref_slice %arg5[%mul3A_12] : memref<8192xi32, #tpu.memory_space<vmem>> -> memref<128xi32, #tpu.memory_space<vmem>>
      %dma_start3A_15 = arith.constant 0 : i32
      %dma_start3A_16 = arith.constant 0 : i32
      %dma_start3A_17 = tpu.memref_slice %arg2[%dma_start3A_15, %dma_start3A_16] : memref<16384x128xf32, #tpu.memory_space<hbm>> -> memref<16384x128xf32, #tpu.memory_space<hbm>>
      tpu.enqueue_indirect_dma source(%dma_start3A_17 : memref<16384x128xf32, #tpu.memory_space<hbm>>) target(%arg6 : memref<128x128xf32, #tpu.memory_space<vmem>>) offsets(%dma_start3A : memref<128xi32, #tpu.memory_space<vmem>>) semaphore(%arg8 : memref<!tpu.dma_semaphore, #tpu.memory_space<semaphore_mem>>)
      %dma_start3A_18 = tpu.memref_slice %arg5[%add3A_14] : memref<8192xi32, #tpu.memory_space<vmem>> -> memref<128xi32, #tpu.memory_space<vmem>>
      %dma_start3A_19 = arith.constant 0 : i32
      %dma_start3A_20 = arith.constant 0 : i32
      %dma_start3A_21 = tpu.memref_slice %arg2[%dma_start3A_19, %dma_start3A_20] : memref<16384x128xf32, #tpu.memory_space<hbm>> -> memref<16384x128xf32, #tpu.memory_space<hbm>>
      tpu.enqueue_indirect_dma source(%dma_start3A_21 : memref<16384x128xf32, #tpu.memory_space<hbm>>) target(%arg7 : memref<128x128xf32, #tpu.memory_space<vmem>>) offsets(%dma_start3A_18 : memref<128xi32, #tpu.memory_space<vmem>>) semaphore(%arg9 : memref<!tpu.dma_semaphore, #tpu.memory_space<semaphore_mem>>)
      %dma_wait3A = tpu.memref_slice %arg5[%mul3A_12] : memref<8192xi32, #tpu.memory_space<vmem>> -> memref<128xi32, #tpu.memory_space<vmem>>
      %dma_wait3A_22 = arith.constant 0 : i32
      %dma_wait3A_23 = arith.constant 0 : i32
      %dma_wait3A_24 = tpu.memref_slice %arg2[%dma_wait3A_22, %dma_wait3A_23] : memref<16384x128xf32, #tpu.memory_space<hbm>> -> memref<16384x128xf32, #tpu.memory_space<hbm>>
      tpu.wait_indirect_dma semaphore(%arg8 : memref<!tpu.dma_semaphore, #tpu.memory_space<semaphore_mem>>) src(%dma_wait3A_24 : memref<16384x128xf32, #tpu.memory_space<hbm>>) dst(%arg6 : memref<128x128xf32, #tpu.memory_space<vmem>>)
      %add3A_25 = arith.addi %mul3A_2, %mul3A_12 : i32
      "tpu.region"() ({
        %run_scoped3A = tpu.sem_alloc : memref<!tpu.dma_semaphore, #tpu.memory_space<semaphore_mem>>
        %dma_start3A_31 = arith.constant 0 : i32
        %dma_start3A_32 = tpu.memref_slice %arg4[%add3A_25, %dma_start3A_31] : memref<262144x128xf32, #tpu.memory_space<hbm>> -> memref<128x128xf32, #tpu.memory_space<hbm>>
        %dma_start3A_33 = arith.constant 0 : i32
        %dma_start3A_34 = tpu.memref_slice %arg4[%add3A_25, %dma_start3A_33] : memref<262144x128xf32, #tpu.memory_space<hbm>> -> memref<128x128xf32, #tpu.memory_space<hbm>>
        tpu.enqueue_dma source(%arg6 : memref<128x128xf32, #tpu.memory_space<vmem>>) target(%dma_start3A_34 : memref<128x128xf32, #tpu.memory_space<hbm>>) target_semaphore(%run_scoped3A : memref<!tpu.dma_semaphore, #tpu.memory_space<semaphore_mem>>)
        %dma_wait3A_35 = arith.constant 0 : i32
        %dma_wait3A_36 = tpu.memref_slice %arg4[%add3A_25, %dma_wait3A_35] : memref<262144x128xf32, #tpu.memory_space<hbm>> -> memref<128x128xf32, #tpu.memory_space<hbm>>
        %dma_wait3A_37 = arith.constant 0 : i32
        %dma_wait3A_38 = tpu.memref_slice %arg4[%add3A_25, %dma_wait3A_37] : memref<262144x128xf32, #tpu.memory_space<hbm>> -> memref<128x128xf32, #tpu.memory_space<hbm>>
        tpu.wait_dma2 semaphore(%run_scoped3A : memref<!tpu.dma_semaphore, #tpu.memory_space<semaphore_mem>>) src(%arg6 : memref<128x128xf32, #tpu.memory_space<vmem>>) dst(%dma_wait3A_38 : memref<128x128xf32, #tpu.memory_space<hbm>>)
        tpu.yield
      }) : () -> ()
      %dma_wait3A_26 = tpu.memref_slice %arg5[%add3A_14] : memref<8192xi32, #tpu.memory_space<vmem>> -> memref<128xi32, #tpu.memory_space<vmem>>
      %dma_wait3A_27 = arith.constant 0 : i32
      %dma_wait3A_28 = arith.constant 0 : i32
      %dma_wait3A_29 = tpu.memref_slice %arg2[%dma_wait3A_27, %dma_wait3A_28] : memref<16384x128xf32, #tpu.memory_space<hbm>> -> memref<16384x128xf32, #tpu.memory_space<hbm>>
      tpu.wait_indirect_dma semaphore(%arg9 : memref<!tpu.dma_semaphore, #tpu.memory_space<semaphore_mem>>) src(%dma_wait3A_29 : memref<16384x128xf32, #tpu.memory_space<hbm>>) dst(%arg7 : memref<128x128xf32, #tpu.memory_space<vmem>>)
      %add3A_30 = arith.addi %mul3A_2, %add3A_14 : i32
      "tpu.region"() ({
        %run_scoped3A = tpu.sem_alloc : memref<!tpu.dma_semaphore, #tpu.memory_space<semaphore_mem>>
        %dma_start3A_31 = arith.constant 0 : i32
        %dma_start3A_32 = tpu.memref_slice %arg4[%add3A_30, %dma_start3A_31] : memref<262144x128xf32, #tpu.memory_space<hbm>> -> memref<128x128xf32, #tpu.memory_space<hbm>>
        %dma_start3A_33 = arith.constant 0 : i32
        %dma_start3A_34 = tpu.memref_slice %arg4[%add3A_30, %dma_start3A_33] : memref<262144x128xf32, #tpu.memory_space<hbm>> -> memref<128x128xf32, #tpu.memory_space<hbm>>
        tpu.enqueue_dma source(%arg7 : memref<128x128xf32, #tpu.memory_space<vmem>>) target(%dma_start3A_34 : memref<128x128xf32, #tpu.memory_space<hbm>>) target_semaphore(%run_scoped3A : memref<!tpu.dma_semaphore, #tpu.memory_space<semaphore_mem>>)
        %dma_wait3A_35 = arith.constant 0 : i32
        %dma_wait3A_36 = tpu.memref_slice %arg4[%add3A_30, %dma_wait3A_35] : memref<262144x128xf32, #tpu.memory_space<hbm>> -> memref<128x128xf32, #tpu.memory_space<hbm>>
        %dma_wait3A_37 = arith.constant 0 : i32
        %dma_wait3A_38 = tpu.memref_slice %arg4[%add3A_30, %dma_wait3A_37] : memref<262144x128xf32, #tpu.memory_space<hbm>> -> memref<128x128xf32, #tpu.memory_space<hbm>>
        tpu.wait_dma2 semaphore(%run_scoped3A : memref<!tpu.dma_semaphore, #tpu.memory_space<semaphore_mem>>) src(%arg7 : memref<128x128xf32, #tpu.memory_space<vmem>>) dst(%dma_wait3A_38 : memref<128x128xf32, #tpu.memory_space<hbm>>)
        tpu.yield
      }) : () -> ()
    }
    %scan3A_7 = arith.constant 32 : i32
    return
  }
}

#map = affine_map<(d0, d1) -> (0, 0)>
#map1 = affine_map<(d0, d1) -> (0)>
module attributes {stable_mosaic.version = 14 : i64} {
  func.func @gk(%arg0: i32, %arg1: i32, %arg2: memref<16384x128xf32, #tpu.memory_space<hbm>>, %arg3: memref<131072xi32, #tpu.memory_space<hbm>>, %arg4: memref<131072x128xf32, #tpu.memory_space<hbm>>, %arg5: memref<4096xi32, #tpu.memory_space<vmem>>, %arg6: memref<128x128xf32, #tpu.memory_space<vmem>>, %arg7: memref<128x128xf32, #tpu.memory_space<vmem>>, %arg8: memref<!tpu.dma_semaphore, #tpu.memory_space<semaphore_mem>>, %arg9: memref<!tpu.dma_semaphore, #tpu.memory_space<semaphore_mem>>) attributes {dimension_semantics = [#tpu.dimension_semantics<core_parallel>, #tpu.dimension_semantics<subcore_parallel>], iteration_bounds = array<i64: 2, 16>, scalar_prefetch = 0 : i64, scratch_operands = 5 : i64, tpu.core_type = #tpu.core_type<sc_vector_subcore>, window_params = [{transform_indices = #map}, {transform_indices = #map1}, {transform_indices = #map}]} {
    %mul3A = arith.constant 2 : i32
    %mul3A_0 = arith.muli %arg1, %mul3A : i32
    %add3A = arith.addi %mul3A_0, %arg0 : i32
    %mul3A_1 = arith.constant 4096 : i32
    %mul3A_2 = arith.muli %add3A, %mul3A_1 : i32
    "tpu.region"() ({
      %run_scoped3A = tpu.sem_alloc : memref<!tpu.dma_semaphore, #tpu.memory_space<semaphore_mem>>
      %dma_start3A = tpu.memref_slice %arg3[%mul3A_2] : memref<131072xi32, #tpu.memory_space<hbm>> -> memref<4096xi32, #tpu.memory_space<hbm>>
      %dma_start3A_8 = tpu.memref_slice %arg3[%mul3A_2] : memref<131072xi32, #tpu.memory_space<hbm>> -> memref<4096xi32, #tpu.memory_space<hbm>>
      tpu.enqueue_dma source(%dma_start3A_8 : memref<4096xi32, #tpu.memory_space<hbm>>) target(%arg5 : memref<4096xi32, #tpu.memory_space<vmem>>) target_semaphore(%run_scoped3A : memref<!tpu.dma_semaphore, #tpu.memory_space<semaphore_mem>>)
      %dma_wait3A = tpu.memref_slice %arg3[%mul3A_2] : memref<131072xi32, #tpu.memory_space<hbm>> -> memref<4096xi32, #tpu.memory_space<hbm>>
      %dma_wait3A_9 = tpu.memref_slice %arg3[%mul3A_2] : memref<131072xi32, #tpu.memory_space<hbm>> -> memref<4096xi32, #tpu.memory_space<hbm>>
      tpu.wait_dma2 semaphore(%run_scoped3A : memref<!tpu.dma_semaphore, #tpu.memory_space<semaphore_mem>>) src(%dma_wait3A_9 : memref<4096xi32, #tpu.memory_space<hbm>>) dst(%arg5 : memref<4096xi32, #tpu.memory_space<vmem>>)
      tpu.yield
    }) : () -> ()
    %scan3A = arith.constant 0 : i32
    %scan3A_3 = arith.constant 0 : i32
    %scan3A_4 = arith.constant 16 : i32
    %scan3A_5 = arith.addi %scan3A_3, %scan3A_4 : i32
    %scan3A_6 = arith.constant 1 : i32
    scf.for %scan3A_8 = %scan3A_3 to %scan3A_5 step %scan3A_6  : i32 {
      %mul3A_9 = arith.constant 2 : i32
      %mul3A_10 = arith.muli %mul3A_9, %scan3A_8 : i32
      %mul3A_11 = arith.constant 128 : i32
      %mul3A_12 = arith.muli %mul3A_10, %mul3A_11 : i32
      %add3A_13 = arith.constant 128 : i32
      %add3A_14 = arith.addi %mul3A_12, %add3A_13 : i32
      %dma_start3A = tpu.memref_slice %arg5[%mul3A_12] : memref<4096xi32, #tpu.memory_space<vmem>> -> memref<128xi32, #tpu.memory_space<vmem>>
      %dma_start3A_15 = arith.constant 0 : i32
      %dma_start3A_16 = arith.constant 0 : i32
      %dma_start3A_17 = tpu.memref_slice %arg2[%dma_start3A_15, %dma_start3A_16] : memref<16384x128xf32, #tpu.memory_space<hbm>> -> memref<16384x128xf32, #tpu.memory_space<hbm>>
      tpu.enqueue_indirect_dma source(%dma_start3A_17 : memref<16384x128xf32, #tpu.memory_space<hbm>>) target(%arg6 : memref<128x128xf32, #tpu.memory_space<vmem>>) offsets(%dma_start3A : memref<128xi32, #tpu.memory_space<vmem>>) semaphore(%arg8 : memref<!tpu.dma_semaphore, #tpu.memory_space<semaphore_mem>>)
      %dma_start3A_18 = tpu.memref_slice %arg5[%add3A_14] : memref<4096xi32, #tpu.memory_space<vmem>> -> memref<128xi32, #tpu.memory_space<vmem>>
      %dma_start3A_19 = arith.constant 0 : i32
      %dma_start3A_20 = arith.constant 0 : i32
      %dma_start3A_21 = tpu.memref_slice %arg2[%dma_start3A_19, %dma_start3A_20] : memref<16384x128xf32, #tpu.memory_space<hbm>> -> memref<16384x128xf32, #tpu.memory_space<hbm>>
      tpu.enqueue_indirect_dma source(%dma_start3A_21 : memref<16384x128xf32, #tpu.memory_space<hbm>>) target(%arg7 : memref<128x128xf32, #tpu.memory_space<vmem>>) offsets(%dma_start3A_18 : memref<128xi32, #tpu.memory_space<vmem>>) semaphore(%arg9 : memref<!tpu.dma_semaphore, #tpu.memory_space<semaphore_mem>>)
      %dma_wait3A = tpu.memref_slice %arg5[%mul3A_12] : memref<4096xi32, #tpu.memory_space<vmem>> -> memref<128xi32, #tpu.memory_space<vmem>>
      %dma_wait3A_22 = arith.constant 0 : i32
      %dma_wait3A_23 = arith.constant 0 : i32
      %dma_wait3A_24 = tpu.memref_slice %arg2[%dma_wait3A_22, %dma_wait3A_23] : memref<16384x128xf32, #tpu.memory_space<hbm>> -> memref<16384x128xf32, #tpu.memory_space<hbm>>
      tpu.wait_indirect_dma semaphore(%arg8 : memref<!tpu.dma_semaphore, #tpu.memory_space<semaphore_mem>>) src(%dma_wait3A_24 : memref<16384x128xf32, #tpu.memory_space<hbm>>) dst(%arg6 : memref<128x128xf32, #tpu.memory_space<vmem>>)
      %add3A_25 = arith.addi %mul3A_2, %mul3A_12 : i32
      "tpu.region"() ({
        %run_scoped3A = tpu.sem_alloc : memref<!tpu.dma_semaphore, #tpu.memory_space<semaphore_mem>>
        %dma_start3A_31 = arith.constant 0 : i32
        %dma_start3A_32 = tpu.memref_slice %arg4[%add3A_25, %dma_start3A_31] : memref<131072x128xf32, #tpu.memory_space<hbm>> -> memref<128x128xf32, #tpu.memory_space<hbm>>
        %dma_start3A_33 = arith.constant 0 : i32
        %dma_start3A_34 = tpu.memref_slice %arg4[%add3A_25, %dma_start3A_33] : memref<131072x128xf32, #tpu.memory_space<hbm>> -> memref<128x128xf32, #tpu.memory_space<hbm>>
        tpu.enqueue_dma source(%arg6 : memref<128x128xf32, #tpu.memory_space<vmem>>) target(%dma_start3A_34 : memref<128x128xf32, #tpu.memory_space<hbm>>) target_semaphore(%run_scoped3A : memref<!tpu.dma_semaphore, #tpu.memory_space<semaphore_mem>>)
        %dma_wait3A_35 = arith.constant 0 : i32
        %dma_wait3A_36 = tpu.memref_slice %arg4[%add3A_25, %dma_wait3A_35] : memref<131072x128xf32, #tpu.memory_space<hbm>> -> memref<128x128xf32, #tpu.memory_space<hbm>>
        %dma_wait3A_37 = arith.constant 0 : i32
        %dma_wait3A_38 = tpu.memref_slice %arg4[%add3A_25, %dma_wait3A_37] : memref<131072x128xf32, #tpu.memory_space<hbm>> -> memref<128x128xf32, #tpu.memory_space<hbm>>
        tpu.wait_dma2 semaphore(%run_scoped3A : memref<!tpu.dma_semaphore, #tpu.memory_space<semaphore_mem>>) src(%arg6 : memref<128x128xf32, #tpu.memory_space<vmem>>) dst(%dma_wait3A_38 : memref<128x128xf32, #tpu.memory_space<hbm>>)
        tpu.yield
      }) : () -> ()
      %dma_wait3A_26 = tpu.memref_slice %arg5[%add3A_14] : memref<4096xi32, #tpu.memory_space<vmem>> -> memref<128xi32, #tpu.memory_space<vmem>>
      %dma_wait3A_27 = arith.constant 0 : i32
      %dma_wait3A_28 = arith.constant 0 : i32
      %dma_wait3A_29 = tpu.memref_slice %arg2[%dma_wait3A_27, %dma_wait3A_28] : memref<16384x128xf32, #tpu.memory_space<hbm>> -> memref<16384x128xf32, #tpu.memory_space<hbm>>
      tpu.wait_indirect_dma semaphore(%arg9 : memref<!tpu.dma_semaphore, #tpu.memory_space<semaphore_mem>>) src(%dma_wait3A_29 : memref<16384x128xf32, #tpu.memory_space<hbm>>) dst(%arg7 : memref<128x128xf32, #tpu.memory_space<vmem>>)
      %add3A_30 = arith.addi %mul3A_2, %add3A_14 : i32
      "tpu.region"() ({
        %run_scoped3A = tpu.sem_alloc : memref<!tpu.dma_semaphore, #tpu.memory_space<semaphore_mem>>
        %dma_start3A_31 = arith.constant 0 : i32
        %dma_start3A_32 = tpu.memref_slice %arg4[%add3A_30, %dma_start3A_31] : memref<131072x128xf32, #tpu.memory_space<hbm>> -> memref<128x128xf32, #tpu.memory_space<hbm>>
        %dma_start3A_33 = arith.constant 0 : i32
        %dma_start3A_34 = tpu.memref_slice %arg4[%add3A_30, %dma_start3A_33] : memref<131072x128xf32, #tpu.memory_space<hbm>> -> memref<128x128xf32, #tpu.memory_space<hbm>>
        tpu.enqueue_dma source(%arg7 : memref<128x128xf32, #tpu.memory_space<vmem>>) target(%dma_start3A_34 : memref<128x128xf32, #tpu.memory_space<hbm>>) target_semaphore(%run_scoped3A : memref<!tpu.dma_semaphore, #tpu.memory_space<semaphore_mem>>)
        %dma_wait3A_35 = arith.constant 0 : i32
        %dma_wait3A_36 = tpu.memref_slice %arg4[%add3A_30, %dma_wait3A_35] : memref<131072x128xf32, #tpu.memory_space<hbm>> -> memref<128x128xf32, #tpu.memory_space<hbm>>
        %dma_wait3A_37 = arith.constant 0 : i32
        %dma_wait3A_38 = tpu.memref_slice %arg4[%add3A_30, %dma_wait3A_37] : memref<131072x128xf32, #tpu.memory_space<hbm>> -> memref<128x128xf32, #tpu.memory_space<hbm>>
        tpu.wait_dma2 semaphore(%run_scoped3A : memref<!tpu.dma_semaphore, #tpu.memory_space<semaphore_mem>>) src(%arg7 : memref<128x128xf32, #tpu.memory_space<vmem>>) dst(%dma_wait3A_38 : memref<128x128xf32, #tpu.memory_space<hbm>>)
        tpu.yield
      }) : () -> ()
    }
    %scan3A_7 = arith.constant 16 : i32
    return
  }
}

#map = affine_map<(d0, d1) -> (0, 0)>
#map1 = affine_map<(d0, d1) -> (0)>
module attributes {stable_mosaic.version = 14 : i64} {
  func.func @gk(%arg0: i32, %arg1: i32, %arg2: memref<1048576x128xf32, #tpu.memory_space<hbm>>, %arg3: memref<262144xi32, #tpu.memory_space<hbm>>, %arg4: memref<262144x128xf32, #tpu.memory_space<hbm>>, %arg5: memref<8192xi32, #tpu.memory_space<vmem>>, %arg6: memref<128x128xf32, #tpu.memory_space<vmem>>, %arg7: memref<128x128xf32, #tpu.memory_space<vmem>>, %arg8: memref<!tpu.dma_semaphore, #tpu.memory_space<semaphore_mem>>, %arg9: memref<!tpu.dma_semaphore, #tpu.memory_space<semaphore_mem>>) attributes {dimension_semantics = [#tpu.dimension_semantics<core_parallel>, #tpu.dimension_semantics<subcore_parallel>], iteration_bounds = array<i64: 2, 16>, scalar_prefetch = 0 : i64, scratch_operands = 5 : i64, tpu.core_type = #tpu.core_type<sc_vector_subcore>, window_params = [{transform_indices = #map}, {transform_indices = #map1}, {transform_indices = #map}]} {
    %mul3A = arith.constant 2 : i32
    %mul3A_0 = arith.muli %arg1, %mul3A : i32
    %add3A = arith.addi %mul3A_0, %arg0 : i32
    %mul3A_1 = arith.constant 8192 : i32
    %mul3A_2 = arith.muli %add3A, %mul3A_1 : i32
    "tpu.region"() ({
      %run_scoped3A = tpu.sem_alloc : memref<!tpu.dma_semaphore, #tpu.memory_space<semaphore_mem>>
      %dma_start3A = tpu.memref_slice %arg3[%mul3A_2] : memref<262144xi32, #tpu.memory_space<hbm>> -> memref<8192xi32, #tpu.memory_space<hbm>>
      %dma_start3A_8 = tpu.memref_slice %arg3[%mul3A_2] : memref<262144xi32, #tpu.memory_space<hbm>> -> memref<8192xi32, #tpu.memory_space<hbm>>
      tpu.enqueue_dma source(%dma_start3A_8 : memref<8192xi32, #tpu.memory_space<hbm>>) target(%arg5 : memref<8192xi32, #tpu.memory_space<vmem>>) target_semaphore(%run_scoped3A : memref<!tpu.dma_semaphore, #tpu.memory_space<semaphore_mem>>)
      %dma_wait3A = tpu.memref_slice %arg3[%mul3A_2] : memref<262144xi32, #tpu.memory_space<hbm>> -> memref<8192xi32, #tpu.memory_space<hbm>>
      %dma_wait3A_9 = tpu.memref_slice %arg3[%mul3A_2] : memref<262144xi32, #tpu.memory_space<hbm>> -> memref<8192xi32, #tpu.memory_space<hbm>>
      tpu.wait_dma2 semaphore(%run_scoped3A : memref<!tpu.dma_semaphore, #tpu.memory_space<semaphore_mem>>) src(%dma_wait3A_9 : memref<8192xi32, #tpu.memory_space<hbm>>) dst(%arg5 : memref<8192xi32, #tpu.memory_space<vmem>>)
      tpu.yield
    }) : () -> ()
    %scan3A = arith.constant 0 : i32
    %scan3A_3 = arith.constant 0 : i32
    %scan3A_4 = arith.constant 32 : i32
    %scan3A_5 = arith.addi %scan3A_3, %scan3A_4 : i32
    %scan3A_6 = arith.constant 1 : i32
    scf.for %scan3A_8 = %scan3A_3 to %scan3A_5 step %scan3A_6  : i32 {
      %mul3A_9 = arith.constant 2 : i32
      %mul3A_10 = arith.muli %mul3A_9, %scan3A_8 : i32
      %mul3A_11 = arith.constant 128 : i32
      %mul3A_12 = arith.muli %mul3A_10, %mul3A_11 : i32
      %add3A_13 = arith.constant 128 : i32
      %add3A_14 = arith.addi %mul3A_12, %add3A_13 : i32
      %dma_start3A = tpu.memref_slice %arg5[%mul3A_12] : memref<8192xi32, #tpu.memory_space<vmem>> -> memref<128xi32, #tpu.memory_space<vmem>>
      %dma_start3A_15 = arith.constant 0 : i32
      %dma_start3A_16 = arith.constant 0 : i32
      %dma_start3A_17 = tpu.memref_slice %arg2[%dma_start3A_15, %dma_start3A_16] : memref<1048576x128xf32, #tpu.memory_space<hbm>> -> memref<1048576x128xf32, #tpu.memory_space<hbm>>
      tpu.enqueue_indirect_dma source(%dma_start3A_17 : memref<1048576x128xf32, #tpu.memory_space<hbm>>) target(%arg6 : memref<128x128xf32, #tpu.memory_space<vmem>>) offsets(%dma_start3A : memref<128xi32, #tpu.memory_space<vmem>>) semaphore(%arg8 : memref<!tpu.dma_semaphore, #tpu.memory_space<semaphore_mem>>)
      %dma_start3A_18 = tpu.memref_slice %arg5[%add3A_14] : memref<8192xi32, #tpu.memory_space<vmem>> -> memref<128xi32, #tpu.memory_space<vmem>>
      %dma_start3A_19 = arith.constant 0 : i32
      %dma_start3A_20 = arith.constant 0 : i32
      %dma_start3A_21 = tpu.memref_slice %arg2[%dma_start3A_19, %dma_start3A_20] : memref<1048576x128xf32, #tpu.memory_space<hbm>> -> memref<1048576x128xf32, #tpu.memory_space<hbm>>
      tpu.enqueue_indirect_dma source(%dma_start3A_21 : memref<1048576x128xf32, #tpu.memory_space<hbm>>) target(%arg7 : memref<128x128xf32, #tpu.memory_space<vmem>>) offsets(%dma_start3A_18 : memref<128xi32, #tpu.memory_space<vmem>>) semaphore(%arg9 : memref<!tpu.dma_semaphore, #tpu.memory_space<semaphore_mem>>)
      %dma_wait3A = tpu.memref_slice %arg5[%mul3A_12] : memref<8192xi32, #tpu.memory_space<vmem>> -> memref<128xi32, #tpu.memory_space<vmem>>
      %dma_wait3A_22 = arith.constant 0 : i32
      %dma_wait3A_23 = arith.constant 0 : i32
      %dma_wait3A_24 = tpu.memref_slice %arg2[%dma_wait3A_22, %dma_wait3A_23] : memref<1048576x128xf32, #tpu.memory_space<hbm>> -> memref<1048576x128xf32, #tpu.memory_space<hbm>>
      tpu.wait_indirect_dma semaphore(%arg8 : memref<!tpu.dma_semaphore, #tpu.memory_space<semaphore_mem>>) src(%dma_wait3A_24 : memref<1048576x128xf32, #tpu.memory_space<hbm>>) dst(%arg6 : memref<128x128xf32, #tpu.memory_space<vmem>>)
      %add3A_25 = arith.addi %mul3A_2, %mul3A_12 : i32
      "tpu.region"() ({
        %run_scoped3A = tpu.sem_alloc : memref<!tpu.dma_semaphore, #tpu.memory_space<semaphore_mem>>
        %dma_start3A_31 = arith.constant 0 : i32
        %dma_start3A_32 = tpu.memref_slice %arg4[%add3A_25, %dma_start3A_31] : memref<262144x128xf32, #tpu.memory_space<hbm>> -> memref<128x128xf32, #tpu.memory_space<hbm>>
        %dma_start3A_33 = arith.constant 0 : i32
        %dma_start3A_34 = tpu.memref_slice %arg4[%add3A_25, %dma_start3A_33] : memref<262144x128xf32, #tpu.memory_space<hbm>> -> memref<128x128xf32, #tpu.memory_space<hbm>>
        tpu.enqueue_dma source(%arg6 : memref<128x128xf32, #tpu.memory_space<vmem>>) target(%dma_start3A_34 : memref<128x128xf32, #tpu.memory_space<hbm>>) target_semaphore(%run_scoped3A : memref<!tpu.dma_semaphore, #tpu.memory_space<semaphore_mem>>)
        %dma_wait3A_35 = arith.constant 0 : i32
        %dma_wait3A_36 = tpu.memref_slice %arg4[%add3A_25, %dma_wait3A_35] : memref<262144x128xf32, #tpu.memory_space<hbm>> -> memref<128x128xf32, #tpu.memory_space<hbm>>
        %dma_wait3A_37 = arith.constant 0 : i32
        %dma_wait3A_38 = tpu.memref_slice %arg4[%add3A_25, %dma_wait3A_37] : memref<262144x128xf32, #tpu.memory_space<hbm>> -> memref<128x128xf32, #tpu.memory_space<hbm>>
        tpu.wait_dma2 semaphore(%run_scoped3A : memref<!tpu.dma_semaphore, #tpu.memory_space<semaphore_mem>>) src(%arg6 : memref<128x128xf32, #tpu.memory_space<vmem>>) dst(%dma_wait3A_38 : memref<128x128xf32, #tpu.memory_space<hbm>>)
        tpu.yield
      }) : () -> ()
      %dma_wait3A_26 = tpu.memref_slice %arg5[%add3A_14] : memref<8192xi32, #tpu.memory_space<vmem>> -> memref<128xi32, #tpu.memory_space<vmem>>
      %dma_wait3A_27 = arith.constant 0 : i32
      %dma_wait3A_28 = arith.constant 0 : i32
      %dma_wait3A_29 = tpu.memref_slice %arg2[%dma_wait3A_27, %dma_wait3A_28] : memref<1048576x128xf32, #tpu.memory_space<hbm>> -> memref<1048576x128xf32, #tpu.memory_space<hbm>>
      tpu.wait_indirect_dma semaphore(%arg9 : memref<!tpu.dma_semaphore, #tpu.memory_space<semaphore_mem>>) src(%dma_wait3A_29 : memref<1048576x128xf32, #tpu.memory_space<hbm>>) dst(%arg7 : memref<128x128xf32, #tpu.memory_space<vmem>>)
      %add3A_30 = arith.addi %mul3A_2, %add3A_14 : i32
      "tpu.region"() ({
        %run_scoped3A = tpu.sem_alloc : memref<!tpu.dma_semaphore, #tpu.memory_space<semaphore_mem>>
        %dma_start3A_31 = arith.constant 0 : i32
        %dma_start3A_32 = tpu.memref_slice %arg4[%add3A_30, %dma_start3A_31] : memref<262144x128xf32, #tpu.memory_space<hbm>> -> memref<128x128xf32, #tpu.memory_space<hbm>>
        %dma_start3A_33 = arith.constant 0 : i32
        %dma_start3A_34 = tpu.memref_slice %arg4[%add3A_30, %dma_start3A_33] : memref<262144x128xf32, #tpu.memory_space<hbm>> -> memref<128x128xf32, #tpu.memory_space<hbm>>
        tpu.enqueue_dma source(%arg7 : memref<128x128xf32, #tpu.memory_space<vmem>>) target(%dma_start3A_34 : memref<128x128xf32, #tpu.memory_space<hbm>>) target_semaphore(%run_scoped3A : memref<!tpu.dma_semaphore, #tpu.memory_space<semaphore_mem>>)
        %dma_wait3A_35 = arith.constant 0 : i32
        %dma_wait3A_36 = tpu.memref_slice %arg4[%add3A_30, %dma_wait3A_35] : memref<262144x128xf32, #tpu.memory_space<hbm>> -> memref<128x128xf32, #tpu.memory_space<hbm>>
        %dma_wait3A_37 = arith.constant 0 : i32
        %dma_wait3A_38 = tpu.memref_slice %arg4[%add3A_30, %dma_wait3A_37] : memref<262144x128xf32, #tpu.memory_space<hbm>> -> memref<128x128xf32, #tpu.memory_space<hbm>>
        tpu.wait_dma2 semaphore(%run_scoped3A : memref<!tpu.dma_semaphore, #tpu.memory_space<semaphore_mem>>) src(%arg7 : memref<128x128xf32, #tpu.memory_space<vmem>>) dst(%dma_wait3A_38 : memref<128x128xf32, #tpu.memory_space<hbm>>)
        tpu.yield
      }) : () -> ()
    }
    %scan3A_7 = arith.constant 32 : i32
    return
  }
}

#map = affine_map<(d0, d1) -> (0, 0)>
#map1 = affine_map<(d0, d1) -> (0)>
module attributes {stable_mosaic.version = 14 : i64} {
  func.func @gk(%arg0: i32, %arg1: i32, %arg2: memref<1048576x128xf32, #tpu.memory_space<hbm>>, %arg3: memref<262144xi32, #tpu.memory_space<hbm>>, %arg4: memref<262144x128xf32, #tpu.memory_space<hbm>>, %arg5: memref<8192xi32, #tpu.memory_space<vmem>>, %arg6: memref<128x128xf32, #tpu.memory_space<vmem>>, %arg7: memref<128x128xf32, #tpu.memory_space<vmem>>, %arg8: memref<!tpu.dma_semaphore, #tpu.memory_space<semaphore_mem>>, %arg9: memref<!tpu.dma_semaphore, #tpu.memory_space<semaphore_mem>>) attributes {dimension_semantics = [#tpu.dimension_semantics<core_parallel>, #tpu.dimension_semantics<subcore_parallel>], iteration_bounds = array<i64: 2, 16>, scalar_prefetch = 0 : i64, scratch_operands = 5 : i64, tpu.core_type = #tpu.core_type<sc_vector_subcore>, window_params = [{transform_indices = #map}, {transform_indices = #map1}, {transform_indices = #map}]} {
    %mul3A = arith.constant 2 : i32
    %mul3A_0 = arith.muli %arg1, %mul3A : i32
    %add3A = arith.addi %mul3A_0, %arg0 : i32
    %mul3A_1 = arith.constant 8192 : i32
    %mul3A_2 = arith.muli %add3A, %mul3A_1 : i32
    "tpu.region"() ({
      %run_scoped3A = tpu.sem_alloc : memref<!tpu.dma_semaphore, #tpu.memory_space<semaphore_mem>>
      %dma_start3A = tpu.memref_slice %arg3[%mul3A_2] : memref<262144xi32, #tpu.memory_space<hbm>> -> memref<8192xi32, #tpu.memory_space<hbm>>
      %dma_start3A_8 = tpu.memref_slice %arg3[%mul3A_2] : memref<262144xi32, #tpu.memory_space<hbm>> -> memref<8192xi32, #tpu.memory_space<hbm>>
      tpu.enqueue_dma source(%dma_start3A_8 : memref<8192xi32, #tpu.memory_space<hbm>>) target(%arg5 : memref<8192xi32, #tpu.memory_space<vmem>>) target_semaphore(%run_scoped3A : memref<!tpu.dma_semaphore, #tpu.memory_space<semaphore_mem>>)
      %dma_wait3A = tpu.memref_slice %arg3[%mul3A_2] : memref<262144xi32, #tpu.memory_space<hbm>> -> memref<8192xi32, #tpu.memory_space<hbm>>
      %dma_wait3A_9 = tpu.memref_slice %arg3[%mul3A_2] : memref<262144xi32, #tpu.memory_space<hbm>> -> memref<8192xi32, #tpu.memory_space<hbm>>
      tpu.wait_dma2 semaphore(%run_scoped3A : memref<!tpu.dma_semaphore, #tpu.memory_space<semaphore_mem>>) src(%dma_wait3A_9 : memref<8192xi32, #tpu.memory_space<hbm>>) dst(%arg5 : memref<8192xi32, #tpu.memory_space<vmem>>)
      tpu.yield
    }) : () -> ()
    %scan3A = arith.constant 0 : i32
    %scan3A_3 = arith.constant 0 : i32
    %scan3A_4 = arith.constant 32 : i32
    %scan3A_5 = arith.addi %scan3A_3, %scan3A_4 : i32
    %scan3A_6 = arith.constant 1 : i32
    scf.for %scan3A_8 = %scan3A_3 to %scan3A_5 step %scan3A_6  : i32 {
      %mul3A_9 = arith.constant 2 : i32
      %mul3A_10 = arith.muli %mul3A_9, %scan3A_8 : i32
      %mul3A_11 = arith.constant 128 : i32
      %mul3A_12 = arith.muli %mul3A_10, %mul3A_11 : i32
      %add3A_13 = arith.constant 128 : i32
      %add3A_14 = arith.addi %mul3A_12, %add3A_13 : i32
      %dma_start3A = tpu.memref_slice %arg5[%mul3A_12] : memref<8192xi32, #tpu.memory_space<vmem>> -> memref<128xi32, #tpu.memory_space<vmem>>
      %dma_start3A_15 = arith.constant 0 : i32
      %dma_start3A_16 = arith.constant 0 : i32
      %dma_start3A_17 = tpu.memref_slice %arg2[%dma_start3A_15, %dma_start3A_16] : memref<1048576x128xf32, #tpu.memory_space<hbm>> -> memref<1048576x128xf32, #tpu.memory_space<hbm>>
      tpu.enqueue_indirect_dma source(%dma_start3A_17 : memref<1048576x128xf32, #tpu.memory_space<hbm>>) target(%arg6 : memref<128x128xf32, #tpu.memory_space<vmem>>) offsets(%dma_start3A : memref<128xi32, #tpu.memory_space<vmem>>) semaphore(%arg8 : memref<!tpu.dma_semaphore, #tpu.memory_space<semaphore_mem>>)
      %dma_start3A_18 = tpu.memref_slice %arg5[%add3A_14] : memref<8192xi32, #tpu.memory_space<vmem>> -> memref<128xi32, #tpu.memory_space<vmem>>
      %dma_start3A_19 = arith.constant 0 : i32
      %dma_start3A_20 = arith.constant 0 : i32
      %dma_start3A_21 = tpu.memref_slice %arg2[%dma_start3A_19, %dma_start3A_20] : memref<1048576x128xf32, #tpu.memory_space<hbm>> -> memref<1048576x128xf32, #tpu.memory_space<hbm>>
      tpu.enqueue_indirect_dma source(%dma_start3A_21 : memref<1048576x128xf32, #tpu.memory_space<hbm>>) target(%arg7 : memref<128x128xf32, #tpu.memory_space<vmem>>) offsets(%dma_start3A_18 : memref<128xi32, #tpu.memory_space<vmem>>) semaphore(%arg9 : memref<!tpu.dma_semaphore, #tpu.memory_space<semaphore_mem>>)
      %dma_wait3A = tpu.memref_slice %arg5[%mul3A_12] : memref<8192xi32, #tpu.memory_space<vmem>> -> memref<128xi32, #tpu.memory_space<vmem>>
      %dma_wait3A_22 = arith.constant 0 : i32
      %dma_wait3A_23 = arith.constant 0 : i32
      %dma_wait3A_24 = tpu.memref_slice %arg2[%dma_wait3A_22, %dma_wait3A_23] : memref<1048576x128xf32, #tpu.memory_space<hbm>> -> memref<1048576x128xf32, #tpu.memory_space<hbm>>
      tpu.wait_indirect_dma semaphore(%arg8 : memref<!tpu.dma_semaphore, #tpu.memory_space<semaphore_mem>>) src(%dma_wait3A_24 : memref<1048576x128xf32, #tpu.memory_space<hbm>>) dst(%arg6 : memref<128x128xf32, #tpu.memory_space<vmem>>)
      %add3A_25 = arith.addi %mul3A_2, %mul3A_12 : i32
      "tpu.region"() ({
        %run_scoped3A = tpu.sem_alloc : memref<!tpu.dma_semaphore, #tpu.memory_space<semaphore_mem>>
        %dma_start3A_31 = arith.constant 0 : i32
        %dma_start3A_32 = tpu.memref_slice %arg4[%add3A_25, %dma_start3A_31] : memref<262144x128xf32, #tpu.memory_space<hbm>> -> memref<128x128xf32, #tpu.memory_space<hbm>>
        %dma_start3A_33 = arith.constant 0 : i32
        %dma_start3A_34 = tpu.memref_slice %arg4[%add3A_25, %dma_start3A_33] : memref<262144x128xf32, #tpu.memory_space<hbm>> -> memref<128x128xf32, #tpu.memory_space<hbm>>
        tpu.enqueue_dma source(%arg6 : memref<128x128xf32, #tpu.memory_space<vmem>>) target(%dma_start3A_34 : memref<128x128xf32, #tpu.memory_space<hbm>>) target_semaphore(%run_scoped3A : memref<!tpu.dma_semaphore, #tpu.memory_space<semaphore_mem>>)
        %dma_wait3A_35 = arith.constant 0 : i32
        %dma_wait3A_36 = tpu.memref_slice %arg4[%add3A_25, %dma_wait3A_35] : memref<262144x128xf32, #tpu.memory_space<hbm>> -> memref<128x128xf32, #tpu.memory_space<hbm>>
        %dma_wait3A_37 = arith.constant 0 : i32
        %dma_wait3A_38 = tpu.memref_slice %arg4[%add3A_25, %dma_wait3A_37] : memref<262144x128xf32, #tpu.memory_space<hbm>> -> memref<128x128xf32, #tpu.memory_space<hbm>>
        tpu.wait_dma2 semaphore(%run_scoped3A : memref<!tpu.dma_semaphore, #tpu.memory_space<semaphore_mem>>) src(%arg6 : memref<128x128xf32, #tpu.memory_space<vmem>>) dst(%dma_wait3A_38 : memref<128x128xf32, #tpu.memory_space<hbm>>)
        tpu.yield
      }) : () -> ()
      %dma_wait3A_26 = tpu.memref_slice %arg5[%add3A_14] : memref<8192xi32, #tpu.memory_space<vmem>> -> memref<128xi32, #tpu.memory_space<vmem>>
      %dma_wait3A_27 = arith.constant 0 : i32
      %dma_wait3A_28 = arith.constant 0 : i32
      %dma_wait3A_29 = tpu.memref_slice %arg2[%dma_wait3A_27, %dma_wait3A_28] : memref<1048576x128xf32, #tpu.memory_space<hbm>> -> memref<1048576x128xf32, #tpu.memory_space<hbm>>
      tpu.wait_indirect_dma semaphore(%arg9 : memref<!tpu.dma_semaphore, #tpu.memory_space<semaphore_mem>>) src(%dma_wait3A_29 : memref<1048576x128xf32, #tpu.memory_space<hbm>>) dst(%arg7 : memref<128x128xf32, #tpu.memory_space<vmem>>)
      %add3A_30 = arith.addi %mul3A_2, %add3A_14 : i32
      "tpu.region"() ({
        %run_scoped3A = tpu.sem_alloc : memref<!tpu.dma_semaphore, #tpu.memory_space<semaphore_mem>>
        %dma_start3A_31 = arith.constant 0 : i32
        %dma_start3A_32 = tpu.memref_slice %arg4[%add3A_30, %dma_start3A_31] : memref<262144x128xf32, #tpu.memory_space<hbm>> -> memref<128x128xf32, #tpu.memory_space<hbm>>
        %dma_start3A_33 = arith.constant 0 : i32
        %dma_start3A_34 = tpu.memref_slice %arg4[%add3A_30, %dma_start3A_33] : memref<262144x128xf32, #tpu.memory_space<hbm>> -> memref<128x128xf32, #tpu.memory_space<hbm>>
        tpu.enqueue_dma source(%arg7 : memref<128x128xf32, #tpu.memory_space<vmem>>) target(%dma_start3A_34 : memref<128x128xf32, #tpu.memory_space<hbm>>) target_semaphore(%run_scoped3A : memref<!tpu.dma_semaphore, #tpu.memory_space<semaphore_mem>>)
        %dma_wait3A_35 = arith.constant 0 : i32
        %dma_wait3A_36 = tpu.memref_slice %arg4[%add3A_30, %dma_wait3A_35] : memref<262144x128xf32, #tpu.memory_space<hbm>> -> memref<128x128xf32, #tpu.memory_space<hbm>>
        %dma_wait3A_37 = arith.constant 0 : i32
        %dma_wait3A_38 = tpu.memref_slice %arg4[%add3A_30, %dma_wait3A_37] : memref<262144x128xf32, #tpu.memory_space<hbm>> -> memref<128x128xf32, #tpu.memory_space<hbm>>
        tpu.wait_dma2 semaphore(%run_scoped3A : memref<!tpu.dma_semaphore, #tpu.memory_space<semaphore_mem>>) src(%arg7 : memref<128x128xf32, #tpu.memory_space<vmem>>) dst(%dma_wait3A_38 : memref<128x128xf32, #tpu.memory_space<hbm>>)
        tpu.yield
      }) : () -> ()
    }
    %scan3A_7 = arith.constant 32 : i32
    return
  }
}

#map = affine_map<(d0, d1) -> (0, 0)>
#map1 = affine_map<(d0, d1) -> (0)>
module attributes {stable_mosaic.version = 14 : i64} {
  func.func @gk(%arg0: i32, %arg1: i32, %arg2: memref<1048576x128xf32, #tpu.memory_space<hbm>>, %arg3: memref<262144xi32, #tpu.memory_space<hbm>>, %arg4: memref<262144x128xf32, #tpu.memory_space<hbm>>, %arg5: memref<8192xi32, #tpu.memory_space<vmem>>, %arg6: memref<128x128xf32, #tpu.memory_space<vmem>>, %arg7: memref<128x128xf32, #tpu.memory_space<vmem>>, %arg8: memref<!tpu.dma_semaphore, #tpu.memory_space<semaphore_mem>>, %arg9: memref<!tpu.dma_semaphore, #tpu.memory_space<semaphore_mem>>) attributes {dimension_semantics = [#tpu.dimension_semantics<core_parallel>, #tpu.dimension_semantics<subcore_parallel>], iteration_bounds = array<i64: 2, 16>, scalar_prefetch = 0 : i64, scratch_operands = 5 : i64, tpu.core_type = #tpu.core_type<sc_vector_subcore>, window_params = [{transform_indices = #map}, {transform_indices = #map1}, {transform_indices = #map}]} {
    %mul3A = arith.constant 2 : i32
    %mul3A_0 = arith.muli %arg1, %mul3A : i32
    %add3A = arith.addi %mul3A_0, %arg0 : i32
    %mul3A_1 = arith.constant 8192 : i32
    %mul3A_2 = arith.muli %add3A, %mul3A_1 : i32
    "tpu.region"() ({
      %run_scoped3A = tpu.sem_alloc : memref<!tpu.dma_semaphore, #tpu.memory_space<semaphore_mem>>
      %dma_start3A = tpu.memref_slice %arg3[%mul3A_2] : memref<262144xi32, #tpu.memory_space<hbm>> -> memref<8192xi32, #tpu.memory_space<hbm>>
      %dma_start3A_8 = tpu.memref_slice %arg3[%mul3A_2] : memref<262144xi32, #tpu.memory_space<hbm>> -> memref<8192xi32, #tpu.memory_space<hbm>>
      tpu.enqueue_dma source(%dma_start3A_8 : memref<8192xi32, #tpu.memory_space<hbm>>) target(%arg5 : memref<8192xi32, #tpu.memory_space<vmem>>) target_semaphore(%run_scoped3A : memref<!tpu.dma_semaphore, #tpu.memory_space<semaphore_mem>>)
      %dma_wait3A = tpu.memref_slice %arg3[%mul3A_2] : memref<262144xi32, #tpu.memory_space<hbm>> -> memref<8192xi32, #tpu.memory_space<hbm>>
      %dma_wait3A_9 = tpu.memref_slice %arg3[%mul3A_2] : memref<262144xi32, #tpu.memory_space<hbm>> -> memref<8192xi32, #tpu.memory_space<hbm>>
      tpu.wait_dma2 semaphore(%run_scoped3A : memref<!tpu.dma_semaphore, #tpu.memory_space<semaphore_mem>>) src(%dma_wait3A_9 : memref<8192xi32, #tpu.memory_space<hbm>>) dst(%arg5 : memref<8192xi32, #tpu.memory_space<vmem>>)
      tpu.yield
    }) : () -> ()
    %scan3A = arith.constant 0 : i32
    %scan3A_3 = arith.constant 0 : i32
    %scan3A_4 = arith.constant 32 : i32
    %scan3A_5 = arith.addi %scan3A_3, %scan3A_4 : i32
    %scan3A_6 = arith.constant 1 : i32
    scf.for %scan3A_8 = %scan3A_3 to %scan3A_5 step %scan3A_6  : i32 {
      %mul3A_9 = arith.constant 2 : i32
      %mul3A_10 = arith.muli %mul3A_9, %scan3A_8 : i32
      %mul3A_11 = arith.constant 128 : i32
      %mul3A_12 = arith.muli %mul3A_10, %mul3A_11 : i32
      %add3A_13 = arith.constant 128 : i32
      %add3A_14 = arith.addi %mul3A_12, %add3A_13 : i32
      %dma_start3A = tpu.memref_slice %arg5[%mul3A_12] : memref<8192xi32, #tpu.memory_space<vmem>> -> memref<128xi32, #tpu.memory_space<vmem>>
      %dma_start3A_15 = arith.constant 0 : i32
      %dma_start3A_16 = arith.constant 0 : i32
      %dma_start3A_17 = tpu.memref_slice %arg2[%dma_start3A_15, %dma_start3A_16] : memref<1048576x128xf32, #tpu.memory_space<hbm>> -> memref<1048576x128xf32, #tpu.memory_space<hbm>>
      tpu.enqueue_indirect_dma source(%dma_start3A_17 : memref<1048576x128xf32, #tpu.memory_space<hbm>>) target(%arg6 : memref<128x128xf32, #tpu.memory_space<vmem>>) offsets(%dma_start3A : memref<128xi32, #tpu.memory_space<vmem>>) semaphore(%arg8 : memref<!tpu.dma_semaphore, #tpu.memory_space<semaphore_mem>>)
      %dma_start3A_18 = tpu.memref_slice %arg5[%add3A_14] : memref<8192xi32, #tpu.memory_space<vmem>> -> memref<128xi32, #tpu.memory_space<vmem>>
      %dma_start3A_19 = arith.constant 0 : i32
      %dma_start3A_20 = arith.constant 0 : i32
      %dma_start3A_21 = tpu.memref_slice %arg2[%dma_start3A_19, %dma_start3A_20] : memref<1048576x128xf32, #tpu.memory_space<hbm>> -> memref<1048576x128xf32, #tpu.memory_space<hbm>>
      tpu.enqueue_indirect_dma source(%dma_start3A_21 : memref<1048576x128xf32, #tpu.memory_space<hbm>>) target(%arg7 : memref<128x128xf32, #tpu.memory_space<vmem>>) offsets(%dma_start3A_18 : memref<128xi32, #tpu.memory_space<vmem>>) semaphore(%arg9 : memref<!tpu.dma_semaphore, #tpu.memory_space<semaphore_mem>>)
      %dma_wait3A = tpu.memref_slice %arg5[%mul3A_12] : memref<8192xi32, #tpu.memory_space<vmem>> -> memref<128xi32, #tpu.memory_space<vmem>>
      %dma_wait3A_22 = arith.constant 0 : i32
      %dma_wait3A_23 = arith.constant 0 : i32
      %dma_wait3A_24 = tpu.memref_slice %arg2[%dma_wait3A_22, %dma_wait3A_23] : memref<1048576x128xf32, #tpu.memory_space<hbm>> -> memref<1048576x128xf32, #tpu.memory_space<hbm>>
      tpu.wait_indirect_dma semaphore(%arg8 : memref<!tpu.dma_semaphore, #tpu.memory_space<semaphore_mem>>) src(%dma_wait3A_24 : memref<1048576x128xf32, #tpu.memory_space<hbm>>) dst(%arg6 : memref<128x128xf32, #tpu.memory_space<vmem>>)
      %add3A_25 = arith.addi %mul3A_2, %mul3A_12 : i32
      "tpu.region"() ({
        %run_scoped3A = tpu.sem_alloc : memref<!tpu.dma_semaphore, #tpu.memory_space<semaphore_mem>>
        %dma_start3A_31 = arith.constant 0 : i32
        %dma_start3A_32 = tpu.memref_slice %arg4[%add3A_25, %dma_start3A_31] : memref<262144x128xf32, #tpu.memory_space<hbm>> -> memref<128x128xf32, #tpu.memory_space<hbm>>
        %dma_start3A_33 = arith.constant 0 : i32
        %dma_start3A_34 = tpu.memref_slice %arg4[%add3A_25, %dma_start3A_33] : memref<262144x128xf32, #tpu.memory_space<hbm>> -> memref<128x128xf32, #tpu.memory_space<hbm>>
        tpu.enqueue_dma source(%arg6 : memref<128x128xf32, #tpu.memory_space<vmem>>) target(%dma_start3A_34 : memref<128x128xf32, #tpu.memory_space<hbm>>) target_semaphore(%run_scoped3A : memref<!tpu.dma_semaphore, #tpu.memory_space<semaphore_mem>>)
        %dma_wait3A_35 = arith.constant 0 : i32
        %dma_wait3A_36 = tpu.memref_slice %arg4[%add3A_25, %dma_wait3A_35] : memref<262144x128xf32, #tpu.memory_space<hbm>> -> memref<128x128xf32, #tpu.memory_space<hbm>>
        %dma_wait3A_37 = arith.constant 0 : i32
        %dma_wait3A_38 = tpu.memref_slice %arg4[%add3A_25, %dma_wait3A_37] : memref<262144x128xf32, #tpu.memory_space<hbm>> -> memref<128x128xf32, #tpu.memory_space<hbm>>
        tpu.wait_dma2 semaphore(%run_scoped3A : memref<!tpu.dma_semaphore, #tpu.memory_space<semaphore_mem>>) src(%arg6 : memref<128x128xf32, #tpu.memory_space<vmem>>) dst(%dma_wait3A_38 : memref<128x128xf32, #tpu.memory_space<hbm>>)
        tpu.yield
      }) : () -> ()
      %dma_wait3A_26 = tpu.memref_slice %arg5[%add3A_14] : memref<8192xi32, #tpu.memory_space<vmem>> -> memref<128xi32, #tpu.memory_space<vmem>>
      %dma_wait3A_27 = arith.constant 0 : i32
      %dma_wait3A_28 = arith.constant 0 : i32
      %dma_wait3A_29 = tpu.memref_slice %arg2[%dma_wait3A_27, %dma_wait3A_28] : memref<1048576x128xf32, #tpu.memory_space<hbm>> -> memref<1048576x128xf32, #tpu.memory_space<hbm>>
      tpu.wait_indirect_dma semaphore(%arg9 : memref<!tpu.dma_semaphore, #tpu.memory_space<semaphore_mem>>) src(%dma_wait3A_29 : memref<1048576x128xf32, #tpu.memory_space<hbm>>) dst(%arg7 : memref<128x128xf32, #tpu.memory_space<vmem>>)
      %add3A_30 = arith.addi %mul3A_2, %add3A_14 : i32
      "tpu.region"() ({
        %run_scoped3A = tpu.sem_alloc : memref<!tpu.dma_semaphore, #tpu.memory_space<semaphore_mem>>
        %dma_start3A_31 = arith.constant 0 : i32
        %dma_start3A_32 = tpu.memref_slice %arg4[%add3A_30, %dma_start3A_31] : memref<262144x128xf32, #tpu.memory_space<hbm>> -> memref<128x128xf32, #tpu.memory_space<hbm>>
        %dma_start3A_33 = arith.constant 0 : i32
        %dma_start3A_34 = tpu.memref_slice %arg4[%add3A_30, %dma_start3A_33] : memref<262144x128xf32, #tpu.memory_space<hbm>> -> memref<128x128xf32, #tpu.memory_space<hbm>>
        tpu.enqueue_dma source(%arg7 : memref<128x128xf32, #tpu.memory_space<vmem>>) target(%dma_start3A_34 : memref<128x128xf32, #tpu.memory_space<hbm>>) target_semaphore(%run_scoped3A : memref<!tpu.dma_semaphore, #tpu.memory_space<semaphore_mem>>)
        %dma_wait3A_35 = arith.constant 0 : i32
        %dma_wait3A_36 = tpu.memref_slice %arg4[%add3A_30, %dma_wait3A_35] : memref<262144x128xf32, #tpu.memory_space<hbm>> -> memref<128x128xf32, #tpu.memory_space<hbm>>
        %dma_wait3A_37 = arith.constant 0 : i32
        %dma_wait3A_38 = tpu.memref_slice %arg4[%add3A_30, %dma_wait3A_37] : memref<262144x128xf32, #tpu.memory_space<hbm>> -> memref<128x128xf32, #tpu.memory_space<hbm>>
        tpu.wait_dma2 semaphore(%run_scoped3A : memref<!tpu.dma_semaphore, #tpu.memory_space<semaphore_mem>>) src(%arg7 : memref<128x128xf32, #tpu.memory_space<vmem>>) dst(%dma_wait3A_38 : memref<128x128xf32, #tpu.memory_space<hbm>>)
        tpu.yield
      }) : () -> ()
    }
    %scan3A_7 = arith.constant 32 : i32
    return
  }
}

module attributes {stable_mosaic.version = 14 : i64} {
  func.func @_prep_kernel(%arg0: i32, %arg1: memref<256x2xf32, #tpu.memory_space<vmem>>, %arg2: memref<4x64xf32, #tpu.memory_space<vmem>>, %arg3: memref<1x64xf32, #tpu.memory_space<vmem>>, %arg4: memref<256x128xf32, #tpu.memory_space<vmem>>, %arg5: memref<256x64xf32, #tpu.memory_space<vmem>>) attributes {dimension_semantics = [#tpu.dimension_semantics<arbitrary>], iteration_bounds = array<i64: 64>, scalar_prefetch = 0 : i64, scratch_operands = 0 : i64, tpu.core_type = #tpu.core_type<tc>, window_params = [{transform_indices = @transform_0, window_bounds = array<i64: 256, 2>}, {pipeline_mode = #tpu.pipeline_mode<synchronous>, transform_indices = @transform_1, window_bounds = array<i64: 4, 64>}, {pipeline_mode = #tpu.pipeline_mode<synchronous>, transform_indices = @transform_2, window_bounds = array<i64: 1, 64>}, {transform_indices = @transform_3, window_bounds = array<i64: 256, 128>}, {transform_indices = @transform_4, window_bounds = array<i64: 256, 64>}]} {
    %get3A = arith.constant 0 : index
    %get3A_0 = arith.constant 0 : index
    %get3A_1 = vector.load %arg1[%get3A, %get3A_0] : memref<256x2xf32, #tpu.memory_space<vmem>>, vector<256x2xf32>
    %get3A_2 = arith.constant 0 : index
    %get3A_3 = arith.constant 0 : index
    %get3A_4 = vector.load %arg2[%get3A_2, %get3A_3] : memref<4x64xf32, #tpu.memory_space<vmem>>, vector<2x64xf32>
    %get3A_5 = arith.constant 2 : index
    %get3A_6 = arith.constant 0 : index
    %get3A_7 = vector.load %arg2[%get3A_5, %get3A_6] : memref<4x64xf32, #tpu.memory_space<vmem>>, vector<2x64xf32>
    %dot_general3A = arith.constant dense<0.000000e+00> : vector<256x64xf32>
    %dot_general3A_8 = tpu.matmul %get3A_1, %get3A_4, %dot_general3A {dimension_numbers = #tpu.dot_dimension_numbers<[1], [0], [0], [1], [0, 0, 1, 1], [], []>, transpose_lhs_hint = false} : vector<256x2xf32>, vector<2x64xf32>, vector<256x64xf32> -> vector<256x64xf32>
    %broadcast_in_dim3A = arith.constant 0.000000e+00 : f32
    %broadcast_in_dim3A_9 = vector.broadcast %broadcast_in_dim3A : f32 to vector<256x62xf32>
    %concatenate3A = tpu.concatenate %dot_general3A_8, %get3A_1, %broadcast_in_dim3A_9 in 1 : vector<256x64xf32>, vector<256x2xf32>, vector<256x62xf32> -> vector<256x128xf32>
    %swap3A = arith.constant 0 : index
    %swap3A_10 = arith.constant 0 : index
    %swap3A_11 = vector.load %arg4[%swap3A, %swap3A_10] : memref<256x128xf32, #tpu.memory_space<vmem>>, vector<256x128xf32>
    tpu.vector_store %arg4[%swap3A, %swap3A_10], %concatenate3A {strides = array<i32>} : memref<256x128xf32, #tpu.memory_space<vmem>>, vector<256x128xf32>,
    %sub3A = arith.subf %get3A_7, %get3A_4 : vector<2x64xf32>
    %dot_general3A_12 = arith.constant dense<0.000000e+00> : vector<256x64xf32>
    %dot_general3A_13 = tpu.matmul %get3A_1, %sub3A, %dot_general3A_12 {dimension_numbers = #tpu.dot_dimension_numbers<[1], [0], [0], [1], [0, 0, 1, 1], [], []>, transpose_lhs_hint = false} : vector<256x2xf32>, vector<2x64xf32>, vector<256x64xf32> -> vector<256x64xf32>
    %get3A_14 = arith.constant 0 : index
    %get3A_15 = arith.constant 0 : index
    %get3A_16 = vector.load %arg3[%get3A_14, %get3A_15] : memref<1x64xf32, #tpu.memory_space<vmem>>, vector<1x64xf32>
    %add3A = vector.broadcast %get3A_16 : vector<1x64xf32> to vector<256x64xf32>
    %add3A_17 = arith.addf %dot_general3A_13, %add3A : vector<256x64xf32>
    %swap3A_18 = arith.constant 0 : index
    %swap3A_19 = arith.constant 0 : index
    %swap3A_20 = vector.load %arg5[%swap3A_18, %swap3A_19] : memref<256x64xf32, #tpu.memory_space<vmem>>, vector<256x64xf32>
    tpu.vector_store %arg5[%swap3A_18, %swap3A_19], %add3A_17 {strides = array<i32>} : memref<256x64xf32, #tpu.memory_space<vmem>>, vector<256x64xf32>,
    return
  }
  func.func @transform_0(%arg0: i32) -> (i32, i32) {
    %c0_i32 = arith.constant 0 : i32
    %c0_i32_0 = arith.constant 0 : i32
    return %arg0, %c0_i32 : i32, i32
  }
  func.func @transform_1(%arg0: i32) -> (i32, i32) {
    %c0_i32 = arith.constant 0 : i32
    %c0_i32_0 = arith.constant 0 : i32
    %c0_i32_1 = arith.constant 0 : i32
    return %c0_i32, %c0_i32_0 : i32, i32
  }
  func.func @transform_2(%arg0: i32) -> (i32, i32) {
    %c0_i32 = arith.constant 0 : i32
    %c0_i32_0 = arith.constant 0 : i32
    %c0_i32_1 = arith.constant 0 : i32
    return %c0_i32, %c0_i32_0 : i32, i32
  }
  func.func @transform_3(%arg0: i32) -> (i32, i32) {
    %c0_i32 = arith.constant 0 : i32
    %c0_i32_0 = arith.constant 0 : i32
    return %arg0, %c0_i32 : i32, i32
  }
  func.func @transform_4(%arg0: i32) -> (i32, i32) {
    %c0_i32 = arith.constant 0 : i32
    %c0_i32_0 = arith.constant 0 : i32
    return %arg0, %c0_i32 : i32, i32
  }
}

module attributes {stable_mosaic.version = 14 : i64} {
  func.func @_ec_kernel(%arg0: i32, %arg1: i32, %arg2: memref<1x256x128xf32, #tpu.memory_space<vmem>>, %arg3: memref<256x64xf32, #tpu.memory_space<vmem>>, %arg4: memref<64x64xf32, #tpu.memory_space<vmem>>, %arg5: memref<1x64xf32, #tpu.memory_space<vmem>>, %arg6: memref<1x64xf32, #tpu.memory_space<vmem>>, %arg7: memref<1x64xf32, #tpu.memory_space<vmem>>, %arg8: memref<64x16xf32, #tpu.memory_space<vmem>>, %arg9: memref<16x64xf32, #tpu.memory_space<vmem>>, %arg10: memref<128x128xf32, #tpu.memory_space<vmem>>, %arg11: memref<1x128xf32, #tpu.memory_space<vmem>>, %arg12: memref<256x64xf32, #tpu.memory_space<vmem>>, %arg13: memref<256x128xf32, #tpu.memory_space<vmem>>, %arg14: memref<256x128xf32, #tpu.memory_space<vmem>>) attributes {dimension_semantics = [#tpu.dimension_semantics<arbitrary>, #tpu.dimension_semantics<arbitrary>], iteration_bounds = array<i64: 64, 16>, scalar_prefetch = 0 : i64, scratch_operands = 0 : i64, tpu.core_type = #tpu.core_type<tc>, window_params = [{transform_indices = @transform_0, window_bounds = array<i64: 1, 256, 128>}, {transform_indices = @transform_1, window_bounds = array<i64: 256, 64>}, {pipeline_mode = #tpu.pipeline_mode<synchronous>, transform_indices = @transform_2, window_bounds = array<i64: 64, 64>}, {pipeline_mode = #tpu.pipeline_mode<synchronous>, transform_indices = @transform_3, window_bounds = array<i64: 1, 64>}, {pipeline_mode = #tpu.pipeline_mode<synchronous>, transform_indices = @transform_4, window_bounds = array<i64: 1, 64>}, {pipeline_mode = #tpu.pipeline_mode<synchronous>, transform_indices = @transform_5, window_bounds = array<i64: 1, 64>}, {pipeline_mode = #tpu.pipeline_mode<synchronous>, transform_indices = @transform_6, window_bounds = array<i64: 64, 16>}, {pipeline_mode = #tpu.pipeline_mode<synchronous>, transform_indices = @transform_7, window_bounds = array<i64: 16, 64>}, {pipeline_mode = #tpu.pipeline_mode<synchronous>, transform_indices = @transform_8, window_bounds = array<i64: 128, 128>}, {pipeline_mode = #tpu.pipeline_mode<synchronous>, transform_indices = @transform_9, window_bounds = array<i64: 1, 128>}, {transform_indices = @transform_10, window_bounds = array<i64: 256, 64>}, {transform_indices = @transform_11, window_bounds = array<i64: 256, 128>}, {transform_indices = @transform_12, window_bounds = array<i64: 256, 128>}]} {
    %get3A = arith.constant 0 : index
    %get3A_0 = arith.constant 0 : index
    %get3A_1 = vector.load %arg8[%get3A, %get3A_0] : memref<64x16xf32, #tpu.memory_space<vmem>>, vector<64x16xf32>
    %get3A_2 = arith.constant 0 : index
    %get3A_3 = arith.constant 0 : index
    %get3A_4 = vector.load %arg9[%get3A_2, %get3A_3] : memref<16x64xf32, #tpu.memory_space<vmem>>, vector<16x64xf32>
    %get3A_5 = arith.constant 0 : index
    %get3A_6 = arith.constant 0 : index
    %get3A_7 = arith.constant 0 : index
    %get3A_8 = vector.load %arg2[%get3A_5, %get3A_6, %get3A_7] : memref<1x256x128xf32, #tpu.memory_space<vmem>>, vector<1x256x128xf32>
    %get3A_9 = vector.shape_cast %get3A_8 : vector<1x256x128xf32> to vector<256x128xf32>
    %slice3A = vector.extract_strided_slice %get3A_9 {offsets = [0, 0], sizes = [256, 64], strides = [1, 1]} : vector<256x128xf32> to vector<256x64xf32>
    %get3A_10 = arith.constant 0 : index
    %get3A_11 = arith.constant 0 : index
    %get3A_12 = vector.load %arg3[%get3A_10, %get3A_11] : memref<256x64xf32, #tpu.memory_space<vmem>>, vector<256x64xf32>
    %add3A = arith.addf %slice3A, %get3A_12 : vector<256x64xf32>
    %dot_general3A = arith.constant dense<0.000000e+00> : vector<256x16xf32>
    %dot_general3A_13 = tpu.matmul %add3A, %get3A_1, %dot_general3A {dimension_numbers = #tpu.dot_dimension_numbers<[1], [0], [0], [1], [0, 0, 1, 1], [], []>, transpose_lhs_hint = false} : vector<256x64xf32>, vector<64x16xf32>, vector<256x16xf32> -> vector<256x16xf32>
    %add3A_14 = arith.constant 0.000000e+00 : f32
    %add3A_15 = vector.broadcast %add3A_14 : f32 to vector<256x16xf32>
    %add3A_16 = arith.addf %add3A_15, %dot_general3A_13 : vector<256x16xf32>
    %mul3A = arith.mulf %add3A, %add3A : vector<256x64xf32>
    %dot_general3A_17 = arith.constant dense<0.000000e+00> : vector<256x16xf32>
    %dot_general3A_18 = tpu.matmul %mul3A, %get3A_1, %dot_general3A_17 {dimension_numbers = #tpu.dot_dimension_numbers<[1], [0], [0], [1], [0, 0, 1, 1], [], []>, transpose_lhs_hint = false} : vector<256x64xf32>, vector<64x16xf32>, vector<256x16xf32> -> vector<256x16xf32>
    %add3A_19 = arith.constant 0.000000e+00 : f32
    %add3A_20 = vector.broadcast %add3A_19 : f32 to vector<256x16xf32>
    %add3A_21 = arith.addf %add3A_20, %dot_general3A_18 : vector<256x16xf32>
    %mul3A_22 = arith.constant 2.500000e-01 : f32
    %mul3A_23 = vector.broadcast %mul3A_22 : f32 to vector<256x16xf32>
    %mul3A_24 = arith.mulf %add3A_16, %mul3A_23 : vector<256x16xf32>
    %mul3A_25 = arith.constant 2.500000e-01 : f32
    %mul3A_26 = vector.broadcast %mul3A_25 : f32 to vector<256x16xf32>
    %mul3A_27 = arith.mulf %add3A_21, %mul3A_26 : vector<256x16xf32>
    %mul3A_28 = arith.mulf %mul3A_24, %mul3A_24 : vector<256x16xf32>
    %sub3A = arith.subf %mul3A_27, %mul3A_28 : vector<256x16xf32>
    %add3A_29 = arith.constant 9.99999974E-6 : f32
    %add3A_30 = vector.broadcast %add3A_29 : f32 to vector<256x16xf32>
    %add3A_31 = arith.addf %sub3A, %add3A_30 : vector<256x16xf32>
    %rsqrt3A = math.rsqrt %add3A_31 : vector<256x16xf32>
    %get3A_32 = arith.constant 0 : index
    %get3A_33 = arith.constant 0 : index
    %get3A_34 = vector.load %arg5[%get3A_32, %get3A_33] : memref<1x64xf32, #tpu.memory_space<vmem>>, vector<1x64xf32>
    %dot_general3A_35 = arith.constant dense<0.000000e+00> : vector<256x64xf32>
    %dot_general3A_36 = tpu.matmul %mul3A_24, %get3A_4, %dot_general3A_35 {dimension_numbers = #tpu.dot_dimension_numbers<[1], [0], [0], [1], [0, 0, 1, 1], [], []>, transpose_lhs_hint = false} : vector<256x16xf32>, vector<16x64xf32>, vector<256x64xf32> -> vector<256x64xf32>
    %dot_general3A_37 = arith.constant dense<0.000000e+00> : vector<256x64xf32>
    %dot_general3A_38 = tpu.matmul %rsqrt3A, %get3A_4, %dot_general3A_37 {dimension_numbers = #tpu.dot_dimension_numbers<[1], [0], [0], [1], [0, 0, 1, 1], [], []>, transpose_lhs_hint = false} : vector<256x16xf32>, vector<16x64xf32>, vector<256x64xf32> -> vector<256x64xf32>
    %sub3A_39 = arith.subf %add3A, %dot_general3A_36 : vector<256x64xf32>
    %mul3A_40 = arith.mulf %sub3A_39, %dot_general3A_38 : vector<256x64xf32>
    %get3A_41 = arith.constant 0 : index
    %get3A_42 = arith.constant 0 : index
    %get3A_43 = vector.load %arg6[%get3A_41, %get3A_42] : memref<1x64xf32, #tpu.memory_space<vmem>>, vector<1x64xf32>
    %mul3A_44 = vector.broadcast %get3A_43 : vector<1x64xf32> to vector<256x64xf32>
    %mul3A_45 = arith.mulf %mul3A_40, %mul3A_44 : vector<256x64xf32>
    %get3A_46 = arith.constant 0 : index
    %get3A_47 = arith.constant 0 : index
    %get3A_48 = vector.load %arg7[%get3A_46, %get3A_47] : memref<1x64xf32, #tpu.memory_space<vmem>>, vector<1x64xf32>
    %add3A_49 = vector.broadcast %get3A_48 : vector<1x64xf32> to vector<256x64xf32>
    %add3A_50 = arith.addf %mul3A_45, %add3A_49 : vector<256x64xf32>
    %max3A = arith.constant 0.000000e+00 : f32
    %max3A_51 = vector.broadcast %max3A : f32 to vector<256x64xf32>
    %max3A_52 = arith.maximumf %add3A_50, %max3A_51 : vector<256x64xf32>
    %get3A_53 = arith.constant 0 : index
    %get3A_54 = arith.constant 0 : index
    %get3A_55 = vector.load %arg4[%get3A_53, %get3A_54] : memref<64x64xf32, #tpu.memory_space<vmem>>, vector<64x64xf32>
    %dot_general3A_56 = arith.constant dense<0.000000e+00> : vector<256x64xf32>
    %dot_general3A_57 = tpu.matmul %max3A_52, %get3A_55, %dot_general3A_56 {dimension_numbers = #tpu.dot_dimension_numbers<[1], [0], [0], [1], [0, 0, 1, 1], [], []>, transpose_lhs_hint = false} : vector<256x64xf32>, vector<64x64xf32>, vector<256x64xf32> -> vector<256x64xf32>
    %add3A_58 = vector.broadcast %get3A_34 : vector<1x64xf32> to vector<256x64xf32>
    %add3A_59 = arith.addf %add3A_58, %dot_general3A_57 : vector<256x64xf32>
    %eq3A = arith.constant 0 : i32
    %eq3A_60 = arith.cmpi eq, %arg1, %eq3A : i32
    %convert_element_type3A = arith.extui %eq3A_60 : i1 to i32
    %cond3A = arith.constant 0 : i32
    %cond3A_61 = arith.cmpi ne, %convert_element_type3A, %cond3A : i32
    scf.if %cond3A_61 {
      %swap3A = arith.constant 0 : index
      %swap3A_71 = arith.constant 0 : index
      %swap3A_72 = vector.load %arg12[%swap3A, %swap3A_71] : memref<256x64xf32, #tpu.memory_space<vmem>>, vector<256x64xf32>
      tpu.vector_store %arg12[%swap3A, %swap3A_71], %add3A_59 {strides = array<i32>} : memref<256x64xf32, #tpu.memory_space<vmem>>, vector<256x64xf32>,
    } else {
    }
    %gt3A = arith.constant 0 : i32
    %gt3A_62 = arith.cmpi sgt, %arg1, %gt3A : i32
    %convert_element_type3A_63 = arith.extui %gt3A_62 : i1 to i32
    %cond3A_64 = arith.constant 0 : i32
    %cond3A_65 = arith.cmpi ne, %convert_element_type3A_63, %cond3A_64 : i32
    scf.if %cond3A_65 {
      %get3A_71 = arith.constant 0 : index
      %get3A_72 = arith.constant 0 : index
      %get3A_73 = vector.load %arg12[%get3A_71, %get3A_72] : memref<256x64xf32, #tpu.memory_space<vmem>>, vector<256x64xf32>
      %max3A_74 = arith.maximumf %get3A_73, %add3A_59 : vector<256x64xf32>
      %swap3A = arith.constant 0 : index
      %swap3A_75 = arith.constant 0 : index
      %swap3A_76 = vector.load %arg12[%swap3A, %swap3A_75] : memref<256x64xf32, #tpu.memory_space<vmem>>, vector<256x64xf32>
      tpu.vector_store %arg12[%swap3A, %swap3A_75], %max3A_74 {strides = array<i32>} : memref<256x64xf32, #tpu.memory_space<vmem>>, vector<256x64xf32>,
    } else {
    }
    %eq3A_66 = arith.constant 15 : i32
    %eq3A_67 = arith.cmpi eq, %arg1, %eq3A_66 : i32
    %convert_element_type3A_68 = arith.extui %eq3A_67 : i1 to i32
    %cond3A_69 = arith.constant 0 : i32
    %cond3A_70 = arith.cmpi ne, %convert_element_type3A_68, %cond3A_69 : i32
    scf.if %cond3A_70 {
      %get3A_71 = arith.constant 0 : index
      %get3A_72 = arith.constant 0 : index
      %get3A_73 = vector.load %arg12[%get3A_71, %get3A_72] : memref<256x64xf32, #tpu.memory_space<vmem>>, vector<256x64xf32>
      %get3A_74 = arith.constant 0 : index
      %get3A_75 = arith.constant 0 : index
      %get3A_76 = vector.load %arg10[%get3A_74, %get3A_75] : memref<128x128xf32, #tpu.memory_space<vmem>>, vector<64x128xf32>
      %get3A_77 = arith.constant 64 : index
      %get3A_78 = arith.constant 0 : index
      %get3A_79 = vector.load %arg10[%get3A_77, %get3A_78] : memref<128x128xf32, #tpu.memory_space<vmem>>, vector<64x128xf32>
      %dot_general3A_80 = arith.constant dense<0.000000e+00> : vector<256x128xf32>
      %dot_general3A_81 = tpu.matmul %get3A_73, %get3A_76, %dot_general3A_80 {dimension_numbers = #tpu.dot_dimension_numbers<[1], [0], [0], [1], [0, 0, 1, 1], [], []>, transpose_lhs_hint = false} : vector<256x64xf32>, vector<64x128xf32>, vector<256x128xf32> -> vector<256x128xf32>
      %swap3A = arith.constant 0 : index
      %swap3A_82 = arith.constant 0 : index
      %swap3A_83 = vector.load %arg13[%swap3A, %swap3A_82] : memref<256x128xf32, #tpu.memory_space<vmem>>, vector<256x128xf32>
      tpu.vector_store %arg13[%swap3A, %swap3A_82], %dot_general3A_81 {strides = array<i32>} : memref<256x128xf32, #tpu.memory_space<vmem>>, vector<256x128xf32>,
      %sub3A_84 = arith.subf %get3A_79, %get3A_76 : vector<64x128xf32>
      %dot_general3A_85 = arith.constant dense<0.000000e+00> : vector<256x128xf32>
      %dot_general3A_86 = tpu.matmul %get3A_73, %sub3A_84, %dot_general3A_85 {dimension_numbers = #tpu.dot_dimension_numbers<[1], [0], [0], [1], [0, 0, 1, 1], [], []>, transpose_lhs_hint = false} : vector<256x64xf32>, vector<64x128xf32>, vector<256x128xf32> -> vector<256x128xf32>
      %get3A_87 = arith.constant 0 : index
      %get3A_88 = arith.constant 0 : index
      %get3A_89 = vector.load %arg11[%get3A_87, %get3A_88] : memref<1x128xf32, #tpu.memory_space<vmem>>, vector<1x128xf32>
      %add3A_90 = vector.broadcast %get3A_89 : vector<1x128xf32> to vector<256x128xf32>
      %add3A_91 = arith.addf %dot_general3A_86, %add3A_90 : vector<256x128xf32>
      %swap3A_92 = arith.constant 0 : index
      %swap3A_93 = arith.constant 0 : index
      %swap3A_94 = vector.load %arg14[%swap3A_92, %swap3A_93] : memref<256x128xf32, #tpu.memory_space<vmem>>, vector<256x128xf32>
      tpu.vector_store %arg14[%swap3A_92, %swap3A_93], %add3A_91 {strides = array<i32>} : memref<256x128xf32, #tpu.memory_space<vmem>>, vector<256x128xf32>,
    } else {
    }
    return
  }
  func.func @transform_0(%arg0: i32, %arg1: i32) -> (i32, i32, i32) {
    %c0_i32 = arith.constant 0 : i32
    %c0_i32_0 = arith.constant 0 : i32
    return %arg1, %arg0, %c0_i32 : i32, i32, i32
  }
  func.func @transform_1(%arg0: i32, %arg1: i32) -> (i32, i32) {
    %c0_i32 = arith.constant 0 : i32
    %c0_i32_0 = arith.constant 0 : i32
    return %arg0, %c0_i32 : i32, i32
  }
  func.func @transform_2(%arg0: i32, %arg1: i32) -> (i32, i32) {
    %c0_i32 = arith.constant 0 : i32
    %c0_i32_0 = arith.constant 0 : i32
    %c0_i32_1 = arith.constant 0 : i32
    return %c0_i32, %c0_i32_0 : i32, i32
  }
  func.func @transform_3(%arg0: i32, %arg1: i32) -> (i32, i32) {
    %c0_i32 = arith.constant 0 : i32
    %c0_i32_0 = arith.constant 0 : i32
    %c0_i32_1 = arith.constant 0 : i32
    return %c0_i32, %c0_i32_0 : i32, i32
  }
  func.func @transform_4(%arg0: i32, %arg1: i32) -> (i32, i32) {
    %c0_i32 = arith.constant 0 : i32
    %c0_i32_0 = arith.constant 0 : i32
    %c0_i32_1 = arith.constant 0 : i32
    return %c0_i32, %c0_i32_0 : i32, i32
  }
  func.func @transform_5(%arg0: i32, %arg1: i32) -> (i32, i32) {
    %c0_i32 = arith.constant 0 : i32
    %c0_i32_0 = arith.constant 0 : i32
    %c0_i32_1 = arith.constant 0 : i32
    return %c0_i32, %c0_i32_0 : i32, i32
  }
  func.func @transform_6(%arg0: i32, %arg1: i32) -> (i32, i32) {
    %c0_i32 = arith.constant 0 : i32
    %c0_i32_0 = arith.constant 0 : i32
    %c0_i32_1 = arith.constant 0 : i32
    return %c0_i32, %c0_i32_0 : i32, i32
  }
  func.func @transform_7(%arg0: i32, %arg1: i32) -> (i32, i32) {
    %c0_i32 = arith.constant 0 : i32
    %c0_i32_0 = arith.constant 0 : i32
    %c0_i32_1 = arith.constant 0 : i32
    return %c0_i32, %c0_i32_0 : i32, i32
  }
  func.func @transform_8(%arg0: i32, %arg1: i32) -> (i32, i32) {
    %c0_i32 = arith.constant 0 : i32
    %c0_i32_0 = arith.constant 0 : i32
    %c0_i32_1 = arith.constant 0 : i32
    return %c0_i32, %c0_i32_0 : i32, i32
  }
  func.func @transform_9(%arg0: i32, %arg1: i32) -> (i32, i32) {
    %c0_i32 = arith.constant 0 : i32
    %c0_i32_0 = arith.constant 0 : i32
    %c0_i32_1 = arith.constant 0 : i32
    return %c0_i32, %c0_i32_0 : i32, i32
  }
  func.func @transform_10(%arg0: i32, %arg1: i32) -> (i32, i32) {
    %c0_i32 = arith.constant 0 : i32
    %c0_i32_0 = arith.constant 0 : i32
    return %arg0, %c0_i32 : i32, i32
  }
  func.func @transform_11(%arg0: i32, %arg1: i32) -> (i32, i32) {
    %c0_i32 = arith.constant 0 : i32
    %c0_i32_0 = arith.constant 0 : i32
    return %arg0, %c0_i32 : i32, i32
  }
  func.func @transform_12(%arg0: i32, %arg1: i32) -> (i32, i32) {
    %c0_i32 = arith.constant 0 : i32
    %c0_i32_0 = arith.constant 0 : i32
    return %arg0, %c0_i32 : i32, i32
  }
}

module attributes {stable_mosaic.version = 14 : i64} {
  func.func @_knn_kernel(%arg0: i32, %arg1: i32, %arg2: memref<1x2048x64xf32, #tpu.memory_space<vmem>>, %arg3: memref<1x256x64xf32, #tpu.memory_space<vmem>>, %arg4: memref<16x256xi32, #tpu.memory_space<vmem>>) attributes {dimension_semantics = [#tpu.dimension_semantics<arbitrary>, #tpu.dimension_semantics<arbitrary>], iteration_bounds = array<i64: 8, 8>, scalar_prefetch = 0 : i64, scratch_operands = 0 : i64, tpu.core_type = #tpu.core_type<tc>, window_params = [{transform_indices = @transform_0, window_bounds = array<i64: 1, 2048, 64>}, {transform_indices = @transform_1, window_bounds = array<i64: 1, 256, 64>}, {transform_indices = @transform_2, window_bounds = array<i64: 16, 256>}]} {
    %get3A = arith.constant 0 : index
    %get3A_0 = arith.constant 0 : index
    %get3A_1 = arith.constant 0 : index
    %get3A_2 = vector.load %arg2[%get3A, %get3A_0, %get3A_1] : memref<1x2048x64xf32, #tpu.memory_space<vmem>>, vector<1x2048x64xf32>
    %get3A_3 = vector.shape_cast %get3A_2 : vector<1x2048x64xf32> to vector<2048x64xf32>
    %get3A_4 = arith.constant 0 : index
    %get3A_5 = arith.constant 0 : index
    %get3A_6 = arith.constant 0 : index
    %get3A_7 = vector.load %arg3[%get3A_4, %get3A_5, %get3A_6] : memref<1x256x64xf32, #tpu.memory_space<vmem>>, vector<1x256x64xf32>
    %get3A_8 = vector.shape_cast %get3A_7 : vector<1x256x64xf32> to vector<256x64xf32>
    %broadcast_in_dim3A = arith.constant 1.000000e+00 : f32
    %broadcast_in_dim3A_9 = vector.broadcast %broadcast_in_dim3A : f32 to vector<1x64xf32>
    %mul3A = arith.mulf %get3A_3, %get3A_3 : vector<2048x64xf32>
    %dot_general3A = arith.constant dense<0.000000e+00> : vector<1x2048xf32>
    %dot_general3A_10 = tpu.matmul %broadcast_in_dim3A_9, %mul3A, %dot_general3A {dimension_numbers = #tpu.dot_dimension_numbers<[1], [1], [0], [0], [0, 0, 1, 0], [], []>, transpose_lhs_hint = false} : vector<1x64xf32>, vector<2048x64xf32>, vector<1x2048xf32> -> vector<1x2048xf32>
    %dot_general3A_11 = arith.constant dense<0.000000e+00> : vector<256x2048xf32>
    %dot_general3A_12 = tpu.matmul %get3A_8, %get3A_3, %dot_general3A_11 {dimension_numbers = #tpu.dot_dimension_numbers<[1], [1], [0], [0], [0, 0, 1, 0], [], []>, transpose_lhs_hint = false} : vector<256x64xf32>, vector<2048x64xf32>, vector<256x2048xf32> -> vector<256x2048xf32>
    %mul3A_13 = arith.constant 2.000000e+00 : f32
    %mul3A_14 = vector.broadcast %mul3A_13 : f32 to vector<256x2048xf32>
    %mul3A_15 = arith.mulf %mul3A_14, %dot_general3A_12 : vector<256x2048xf32>
    %sub3A = vector.broadcast %dot_general3A_10 : vector<1x2048xf32> to vector<256x2048xf32>
    %sub3A_16 = arith.subf %sub3A, %mul3A_15 : vector<256x2048xf32>
    %iota3A = tpu.iota {dimensions = array<i32: 1>} : vector<256x2048xi32>
    %iota3A_17 = tpu.iota {dimensions = array<i32: 0>} : vector<256x2048xi32>
    %mul3A_18 = arith.constant 256 : i32
    %mul3A_19 = arith.muli %arg1, %mul3A_18 : i32
    %add3A = vector.broadcast %mul3A_19 : i32 to vector<256x2048xi32>
    %add3A_20 = arith.addi %iota3A_17, %add3A : vector<256x2048xi32>
    %eq3A = arith.cmpi eq, %iota3A, %add3A_20 : vector<256x2048xi32>
    %jit3A = arith.constant 0x7F800000 : f32
    %broadcast_in_dim3A_21 = vector.broadcast %jit3A : f32 to vector<256x2048xf32>
    %select_n3A = arith.select %eq3A, %broadcast_in_dim3A_21, %sub3A_16 : vector<256x2048xi1>, vector<256x2048xf32>
    %mul3A_22 = arith.constant 2048 : i32
    %mul3A_23 = arith.muli %arg0, %mul3A_22 : i32
    %slice3A = vector.extract_strided_slice %add3A_20 {offsets = [0, 0], sizes = [256, 1], strides = [1, 1]} : vector<256x2048xi32> to vector<256x1xi32>
    %jit3A_24 = arith.constant 64 : i32
    %eq3A_25 = arith.constant 0 : i32
    %eq3A_26 = arith.cmpi eq, %jit3A_24, %eq3A_25 : i32
    %jit3A_27 = arith.constant 1 : i32
    %select_n3A_28 = arith.select %eq3A_26, %jit3A_27, %jit3A_24 : i32
    %rem3A = vector.broadcast %select_n3A_28 : i32 to vector<256x1xi32>
    %rem3A_29 = arith.remsi %slice3A, %rem3A : vector<256x1xi32>
    %ne3A = arith.constant 0 : i32
    %ne3A_30 = vector.broadcast %ne3A : i32 to vector<256x1xi32>
    %ne3A_31 = arith.cmpi ne, %rem3A_29, %ne3A_30 : vector<256x1xi32>
    %lt3A = arith.constant 0 : i32
    %lt3A_32 = vector.broadcast %lt3A : i32 to vector<256x1xi32>
    %lt3A_33 = arith.cmpi slt, %rem3A_29, %lt3A_32 : vector<256x1xi32>
    %lt3A_34 = arith.constant 0 : i32
    %lt3A_35 = arith.cmpi slt, %select_n3A_28, %lt3A_34 : i32
    %ne3A_36 = vector.broadcast %lt3A_35 : i1 to vector<256x1xi1>
    %ne3A_37 = vector.broadcast %ne3A_36 : vector<256x1xi1> to vector<256x1xi1>
    %ne3A_38 = arith.xori %lt3A_33, %ne3A_37 : vector<256x1xi1>
    %and3A = arith.andi %ne3A_38, %ne3A_31 : vector<256x1xi1>
    %add3A_39 = vector.broadcast %select_n3A_28 : i32 to vector<256x1xi32>
    %add3A_40 = arith.addi %rem3A_29, %add3A_39 : vector<256x1xi32>
    %select_n3A_41 = arith.select %and3A, %add3A_40, %rem3A_29 : vector<256x1xi1>, vector<256x1xi32>
    %mul3A_42 = arith.constant 16384 : i32
    %mul3A_43 = vector.broadcast %mul3A_42 : i32 to vector<256x1xi32>
    %mul3A_44 = arith.muli %select_n3A_41, %mul3A_43 : vector<256x1xi32>
    %reduce_min3A = arith.constant dense<0x7F800000> : vector<256xf32>
    %reduce_min3A_45 = vector.multi_reduction <minimumf>, %select_n3A, %reduce_min3A [1] : vector<256x2048xf32> to vector<256xf32>
    %broadcast_in_dim3A_46 = vector.shape_cast %reduce_min3A_45 : vector<256xf32> to vector<256x1xf32>
    %eq3A_47 = vector.broadcast %broadcast_in_dim3A_46 : vector<256x1xf32> to vector<256x2048xf32>
    %eq3A_48 = arith.cmpf oeq, %select_n3A, %eq3A_47 : vector<256x2048xf32>
    %jit3A_49 = arith.constant 2048 : i32
    %broadcast_in_dim3A_50 = vector.broadcast %jit3A_49 : i32 to vector<256x2048xi32>
    %select_n3A_51 = arith.select %eq3A_48, %iota3A, %broadcast_in_dim3A_50 : vector<256x2048xi1>, vector<256x2048xi32>
    %reduce_min3A_52 = arith.constant dense<2147483647> : vector<256xi32>
    %reduce_min3A_53 = vector.multi_reduction <minsi>, %select_n3A_51, %reduce_min3A_52 [1] : vector<256x2048xi32> to vector<256xi32>
    %broadcast_in_dim3A_54 = vector.shape_cast %reduce_min3A_53 : vector<256xi32> to vector<256x1xi32>
    %add3A_55 = vector.broadcast %mul3A_23 : i32 to vector<256x1xi32>
    %add3A_56 = arith.addi %broadcast_in_dim3A_54, %add3A_55 : vector<256x1xi32>
    %add3A_57 = arith.addi %add3A_56, %mul3A_44 : vector<256x1xi32>
    %squeeze3A = vector.shape_cast %add3A_57 : vector<256x1xi32> to vector<256xi32>
    %swap3A = arith.constant 0 : index
    %swap3A_58 = arith.constant 0 : index
    %swap3A_59 = vector.load %arg4[%swap3A, %swap3A_58] : memref<16x256xi32, #tpu.memory_space<vmem>>, vector<1x256xi32>
    %swap3A_60 = vector.shape_cast %swap3A_59 : vector<1x256xi32> to vector<256xi32>
    %swap3A_61 = vector.shape_cast %squeeze3A : vector<256xi32> to vector<1x256xi32>
    tpu.vector_store %arg4[%swap3A, %swap3A_58], %swap3A_61 {strides = array<i32>} : memref<16x256xi32, #tpu.memory_space<vmem>>, vector<1x256xi32>,
    %eq3A_62 = vector.broadcast %broadcast_in_dim3A_54 : vector<256x1xi32> to vector<256x2048xi32>
    %eq3A_63 = arith.cmpi eq, %iota3A, %eq3A_62 : vector<256x2048xi32>
    %jit3A_64 = arith.constant 0x7F800000 : f32
    %broadcast_in_dim3A_65 = vector.broadcast %jit3A_64 : f32 to vector<256x2048xf32>
    %select_n3A_66 = arith.select %eq3A_63, %broadcast_in_dim3A_65, %select_n3A : vector<256x2048xi1>, vector<256x2048xf32>
    %reduce_min3A_67 = arith.constant dense<0x7F800000> : vector<256xf32>
    %reduce_min3A_68 = vector.multi_reduction <minimumf>, %select_n3A_66, %reduce_min3A_67 [1] : vector<256x2048xf32> to vector<256xf32>
    %broadcast_in_dim3A_69 = vector.shape_cast %reduce_min3A_68 : vector<256xf32> to vector<256x1xf32>
    %eq3A_70 = vector.broadcast %broadcast_in_dim3A_69 : vector<256x1xf32> to vector<256x2048xf32>
    %eq3A_71 = arith.cmpf oeq, %select_n3A_66, %eq3A_70 : vector<256x2048xf32>
    %jit3A_72 = arith.constant 2048 : i32
    %broadcast_in_dim3A_73 = vector.broadcast %jit3A_72 : i32 to vector<256x2048xi32>
    %select_n3A_74 = arith.select %eq3A_71, %iota3A, %broadcast_in_dim3A_73 : vector<256x2048xi1>, vector<256x2048xi32>
    %reduce_min3A_75 = arith.constant dense<2147483647> : vector<256xi32>
    %reduce_min3A_76 = vector.multi_reduction <minsi>, %select_n3A_74, %reduce_min3A_75 [1] : vector<256x2048xi32> to vector<256xi32>
    %broadcast_in_dim3A_77 = vector.shape_cast %reduce_min3A_76 : vector<256xi32> to vector<256x1xi32>
    %add3A_78 = vector.broadcast %mul3A_23 : i32 to vector<256x1xi32>
    %add3A_79 = arith.addi %broadcast_in_dim3A_77, %add3A_78 : vector<256x1xi32>
    %add3A_80 = arith.addi %add3A_79, %mul3A_44 : vector<256x1xi32>
    %squeeze3A_81 = vector.shape_cast %add3A_80 : vector<256x1xi32> to vector<256xi32>
    %swap3A_82 = arith.constant 1 : index
    %swap3A_83 = arith.constant 0 : index
    %swap3A_84 = vector.load %arg4[%swap3A_82, %swap3A_83] : memref<16x256xi32, #tpu.memory_space<vmem>>, vector<1x256xi32>
    %swap3A_85 = vector.shape_cast %swap3A_84 : vector<1x256xi32> to vector<256xi32>
    %swap3A_86 = vector.shape_cast %squeeze3A_81 : vector<256xi32> to vector<1x256xi32>
    tpu.vector_store %arg4[%swap3A_82, %swap3A_83], %swap3A_86 {strides = array<i32>} : memref<16x256xi32, #tpu.memory_space<vmem>>, vector<1x256xi32>,
    %eq3A_87 = vector.broadcast %broadcast_in_dim3A_77 : vector<256x1xi32> to vector<256x2048xi32>
    %eq3A_88 = arith.cmpi eq, %iota3A, %eq3A_87 : vector<256x2048xi32>
    %jit3A_89 = arith.constant 0x7F800000 : f32
    %broadcast_in_dim3A_90 = vector.broadcast %jit3A_89 : f32 to vector<256x2048xf32>
    %select_n3A_91 = arith.select %eq3A_88, %broadcast_in_dim3A_90, %select_n3A_66 : vector<256x2048xi1>, vector<256x2048xf32>
    %reduce_min3A_92 = arith.constant dense<0x7F800000> : vector<256xf32>
    %reduce_min3A_93 = vector.multi_reduction <minimumf>, %select_n3A_91, %reduce_min3A_92 [1] : vector<256x2048xf32> to vector<256xf32>
    %broadcast_in_dim3A_94 = vector.shape_cast %reduce_min3A_93 : vector<256xf32> to vector<256x1xf32>
    %eq3A_95 = vector.broadcast %broadcast_in_dim3A_94 : vector<256x1xf32> to vector<256x2048xf32>
    %eq3A_96 = arith.cmpf oeq, %select_n3A_91, %eq3A_95 : vector<256x2048xf32>
    %jit3A_97 = arith.constant 2048 : i32
    %broadcast_in_dim3A_98 = vector.broadcast %jit3A_97 : i32 to vector<256x2048xi32>
    %select_n3A_99 = arith.select %eq3A_96, %iota3A, %broadcast_in_dim3A_98 : vector<256x2048xi1>, vector<256x2048xi32>
    %reduce_min3A_100 = arith.constant dense<2147483647> : vector<256xi32>
    %reduce_min3A_101 = vector.multi_reduction <minsi>, %select_n3A_99, %reduce_min3A_100 [1] : vector<256x2048xi32> to vector<256xi32>
    %broadcast_in_dim3A_102 = vector.shape_cast %reduce_min3A_101 : vector<256xi32> to vector<256x1xi32>
    %add3A_103 = vector.broadcast %mul3A_23 : i32 to vector<256x1xi32>
    %add3A_104 = arith.addi %broadcast_in_dim3A_102, %add3A_103 : vector<256x1xi32>
    %add3A_105 = arith.addi %add3A_104, %mul3A_44 : vector<256x1xi32>
    %squeeze3A_106 = vector.shape_cast %add3A_105 : vector<256x1xi32> to vector<256xi32>
    %swap3A_107 = arith.constant 2 : index
    %swap3A_108 = arith.constant 0 : index
    %swap3A_109 = vector.load %arg4[%swap3A_107, %swap3A_108] : memref<16x256xi32, #tpu.memory_space<vmem>>, vector<1x256xi32>
    %swap3A_110 = vector.shape_cast %swap3A_109 : vector<1x256xi32> to vector<256xi32>
    %swap3A_111 = vector.shape_cast %squeeze3A_106 : vector<256xi32> to vector<1x256xi32>
    tpu.vector_store %arg4[%swap3A_107, %swap3A_108], %swap3A_111 {strides = array<i32>} : memref<16x256xi32, #tpu.memory_space<vmem>>, vector<1x256xi32>,
    %eq3A_112 = vector.broadcast %broadcast_in_dim3A_102 : vector<256x1xi32> to vector<256x2048xi32>
    %eq3A_113 = arith.cmpi eq, %iota3A, %eq3A_112 : vector<256x2048xi32>
    %jit3A_114 = arith.constant 0x7F800000 : f32
    %broadcast_in_dim3A_115 = vector.broadcast %jit3A_114 : f32 to vector<256x2048xf32>
    %select_n3A_116 = arith.select %eq3A_113, %broadcast_in_dim3A_115, %select_n3A_91 : vector<256x2048xi1>, vector<256x2048xf32>
    %reduce_min3A_117 = arith.constant dense<0x7F800000> : vector<256xf32>
    %reduce_min3A_118 = vector.multi_reduction <minimumf>, %select_n3A_116, %reduce_min3A_117 [1] : vector<256x2048xf32> to vector<256xf32>
    %broadcast_in_dim3A_119 = vector.shape_cast %reduce_min3A_118 : vector<256xf32> to vector<256x1xf32>
    %eq3A_120 = vector.broadcast %broadcast_in_dim3A_119 : vector<256x1xf32> to vector<256x2048xf32>
    %eq3A_121 = arith.cmpf oeq, %select_n3A_116, %eq3A_120 : vector<256x2048xf32>
    %jit3A_122 = arith.constant 2048 : i32
    %broadcast_in_dim3A_123 = vector.broadcast %jit3A_122 : i32 to vector<256x2048xi32>
    %select_n3A_124 = arith.select %eq3A_121, %iota3A, %broadcast_in_dim3A_123 : vector<256x2048xi1>, vector<256x2048xi32>
    %reduce_min3A_125 = arith.constant dense<2147483647> : vector<256xi32>
    %reduce_min3A_126 = vector.multi_reduction <minsi>, %select_n3A_124, %reduce_min3A_125 [1] : vector<256x2048xi32> to vector<256xi32>
    %broadcast_in_dim3A_127 = vector.shape_cast %reduce_min3A_126 : vector<256xi32> to vector<256x1xi32>
    %add3A_128 = vector.broadcast %mul3A_23 : i32 to vector<256x1xi32>
    %add3A_129 = arith.addi %broadcast_in_dim3A_127, %add3A_128 : vector<256x1xi32>
    %add3A_130 = arith.addi %add3A_129, %mul3A_44 : vector<256x1xi32>
    %squeeze3A_131 = vector.shape_cast %add3A_130 : vector<256x1xi32> to vector<256xi32>
    %swap3A_132 = arith.constant 3 : index
    %swap3A_133 = arith.constant 0 : index
    %swap3A_134 = vector.load %arg4[%swap3A_132, %swap3A_133] : memref<16x256xi32, #tpu.memory_space<vmem>>, vector<1x256xi32>
    %swap3A_135 = vector.shape_cast %swap3A_134 : vector<1x256xi32> to vector<256xi32>
    %swap3A_136 = vector.shape_cast %squeeze3A_131 : vector<256xi32> to vector<1x256xi32>
    tpu.vector_store %arg4[%swap3A_132, %swap3A_133], %swap3A_136 {strides = array<i32>} : memref<16x256xi32, #tpu.memory_space<vmem>>, vector<1x256xi32>,
    %eq3A_137 = vector.broadcast %broadcast_in_dim3A_127 : vector<256x1xi32> to vector<256x2048xi32>
    %eq3A_138 = arith.cmpi eq, %iota3A, %eq3A_137 : vector<256x2048xi32>
    %jit3A_139 = arith.constant 0x7F800000 : f32
    %broadcast_in_dim3A_140 = vector.broadcast %jit3A_139 : f32 to vector<256x2048xf32>
    %select_n3A_141 = arith.select %eq3A_138, %broadcast_in_dim3A_140, %select_n3A_116 : vector<256x2048xi1>, vector<256x2048xf32>
    %reduce_min3A_142 = arith.constant dense<0x7F800000> : vector<256xf32>
    %reduce_min3A_143 = vector.multi_reduction <minimumf>, %select_n3A_141, %reduce_min3A_142 [1] : vector<256x2048xf32> to vector<256xf32>
    %broadcast_in_dim3A_144 = vector.shape_cast %reduce_min3A_143 : vector<256xf32> to vector<256x1xf32>
    %eq3A_145 = vector.broadcast %broadcast_in_dim3A_144 : vector<256x1xf32> to vector<256x2048xf32>
    %eq3A_146 = arith.cmpf oeq, %select_n3A_141, %eq3A_145 : vector<256x2048xf32>
    %jit3A_147 = arith.constant 2048 : i32
    %broadcast_in_dim3A_148 = vector.broadcast %jit3A_147 : i32 to vector<256x2048xi32>
    %select_n3A_149 = arith.select %eq3A_146, %iota3A, %broadcast_in_dim3A_148 : vector<256x2048xi1>, vector<256x2048xi32>
    %reduce_min3A_150 = arith.constant dense<2147483647> : vector<256xi32>
    %reduce_min3A_151 = vector.multi_reduction <minsi>, %select_n3A_149, %reduce_min3A_150 [1] : vector<256x2048xi32> to vector<256xi32>
    %broadcast_in_dim3A_152 = vector.shape_cast %reduce_min3A_151 : vector<256xi32> to vector<256x1xi32>
    %add3A_153 = vector.broadcast %mul3A_23 : i32 to vector<256x1xi32>
    %add3A_154 = arith.addi %broadcast_in_dim3A_152, %add3A_153 : vector<256x1xi32>
    %add3A_155 = arith.addi %add3A_154, %mul3A_44 : vector<256x1xi32>
    %squeeze3A_156 = vector.shape_cast %add3A_155 : vector<256x1xi32> to vector<256xi32>
    %swap3A_157 = arith.constant 4 : index
    %swap3A_158 = arith.constant 0 : index
    %swap3A_159 = vector.load %arg4[%swap3A_157, %swap3A_158] : memref<16x256xi32, #tpu.memory_space<vmem>>, vector<1x256xi32>
    %swap3A_160 = vector.shape_cast %swap3A_159 : vector<1x256xi32> to vector<256xi32>
    %swap3A_161 = vector.shape_cast %squeeze3A_156 : vector<256xi32> to vector<1x256xi32>
    tpu.vector_store %arg4[%swap3A_157, %swap3A_158], %swap3A_161 {strides = array<i32>} : memref<16x256xi32, #tpu.memory_space<vmem>>, vector<1x256xi32>,
    %eq3A_162 = vector.broadcast %broadcast_in_dim3A_152 : vector<256x1xi32> to vector<256x2048xi32>
    %eq3A_163 = arith.cmpi eq, %iota3A, %eq3A_162 : vector<256x2048xi32>
    %jit3A_164 = arith.constant 0x7F800000 : f32
    %broadcast_in_dim3A_165 = vector.broadcast %jit3A_164 : f32 to vector<256x2048xf32>
    %select_n3A_166 = arith.select %eq3A_163, %broadcast_in_dim3A_165, %select_n3A_141 : vector<256x2048xi1>, vector<256x2048xf32>
    %reduce_min3A_167 = arith.constant dense<0x7F800000> : vector<256xf32>
    %reduce_min3A_168 = vector.multi_reduction <minimumf>, %select_n3A_166, %reduce_min3A_167 [1] : vector<256x2048xf32> to vector<256xf32>
    %broadcast_in_dim3A_169 = vector.shape_cast %reduce_min3A_168 : vector<256xf32> to vector<256x1xf32>
    %eq3A_170 = vector.broadcast %broadcast_in_dim3A_169 : vector<256x1xf32> to vector<256x2048xf32>
    %eq3A_171 = arith.cmpf oeq, %select_n3A_166, %eq3A_170 : vector<256x2048xf32>
    %jit3A_172 = arith.constant 2048 : i32
    %broadcast_in_dim3A_173 = vector.broadcast %jit3A_172 : i32 to vector<256x2048xi32>
    %select_n3A_174 = arith.select %eq3A_171, %iota3A, %broadcast_in_dim3A_173 : vector<256x2048xi1>, vector<256x2048xi32>
    %reduce_min3A_175 = arith.constant dense<2147483647> : vector<256xi32>
    %reduce_min3A_176 = vector.multi_reduction <minsi>, %select_n3A_174, %reduce_min3A_175 [1] : vector<256x2048xi32> to vector<256xi32>
    %broadcast_in_dim3A_177 = vector.shape_cast %reduce_min3A_176 : vector<256xi32> to vector<256x1xi32>
    %add3A_178 = vector.broadcast %mul3A_23 : i32 to vector<256x1xi32>
    %add3A_179 = arith.addi %broadcast_in_dim3A_177, %add3A_178 : vector<256x1xi32>
    %add3A_180 = arith.addi %add3A_179, %mul3A_44 : vector<256x1xi32>
    %squeeze3A_181 = vector.shape_cast %add3A_180 : vector<256x1xi32> to vector<256xi32>
    %swap3A_182 = arith.constant 5 : index
    %swap3A_183 = arith.constant 0 : index
    %swap3A_184 = vector.load %arg4[%swap3A_182, %swap3A_183] : memref<16x256xi32, #tpu.memory_space<vmem>>, vector<1x256xi32>
    %swap3A_185 = vector.shape_cast %swap3A_184 : vector<1x256xi32> to vector<256xi32>
    %swap3A_186 = vector.shape_cast %squeeze3A_181 : vector<256xi32> to vector<1x256xi32>
    tpu.vector_store %arg4[%swap3A_182, %swap3A_183], %swap3A_186 {strides = array<i32>} : memref<16x256xi32, #tpu.memory_space<vmem>>, vector<1x256xi32>,
    %eq3A_187 = vector.broadcast %broadcast_in_dim3A_177 : vector<256x1xi32> to vector<256x2048xi32>
    %eq3A_188 = arith.cmpi eq, %iota3A, %eq3A_187 : vector<256x2048xi32>
    %jit3A_189 = arith.constant 0x7F800000 : f32
    %broadcast_in_dim3A_190 = vector.broadcast %jit3A_189 : f32 to vector<256x2048xf32>
    %select_n3A_191 = arith.select %eq3A_188, %broadcast_in_dim3A_190, %select_n3A_166 : vector<256x2048xi1>, vector<256x2048xf32>
    %reduce_min3A_192 = arith.constant dense<0x7F800000> : vector<256xf32>
    %reduce_min3A_193 = vector.multi_reduction <minimumf>, %select_n3A_191, %reduce_min3A_192 [1] : vector<256x2048xf32> to vector<256xf32>
    %broadcast_in_dim3A_194 = vector.shape_cast %reduce_min3A_193 : vector<256xf32> to vector<256x1xf32>
    %eq3A_195 = vector.broadcast %broadcast_in_dim3A_194 : vector<256x1xf32> to vector<256x2048xf32>
    %eq3A_196 = arith.cmpf oeq, %select_n3A_191, %eq3A_195 : vector<256x2048xf32>
    %jit3A_197 = arith.constant 2048 : i32
    %broadcast_in_dim3A_198 = vector.broadcast %jit3A_197 : i32 to vector<256x2048xi32>
    %select_n3A_199 = arith.select %eq3A_196, %iota3A, %broadcast_in_dim3A_198 : vector<256x2048xi1>, vector<256x2048xi32>
    %reduce_min3A_200 = arith.constant dense<2147483647> : vector<256xi32>
    %reduce_min3A_201 = vector.multi_reduction <minsi>, %select_n3A_199, %reduce_min3A_200 [1] : vector<256x2048xi32> to vector<256xi32>
    %broadcast_in_dim3A_202 = vector.shape_cast %reduce_min3A_201 : vector<256xi32> to vector<256x1xi32>
    %add3A_203 = vector.broadcast %mul3A_23 : i32 to vector<256x1xi32>
    %add3A_204 = arith.addi %broadcast_in_dim3A_202, %add3A_203 : vector<256x1xi32>
    %add3A_205 = arith.addi %add3A_204, %mul3A_44 : vector<256x1xi32>
    %squeeze3A_206 = vector.shape_cast %add3A_205 : vector<256x1xi32> to vector<256xi32>
    %swap3A_207 = arith.constant 6 : index
    %swap3A_208 = arith.constant 0 : index
    %swap3A_209 = vector.load %arg4[%swap3A_207, %swap3A_208] : memref<16x256xi32, #tpu.memory_space<vmem>>, vector<1x256xi32>
    %swap3A_210 = vector.shape_cast %swap3A_209 : vector<1x256xi32> to vector<256xi32>
    %swap3A_211 = vector.shape_cast %squeeze3A_206 : vector<256xi32> to vector<1x256xi32>
    tpu.vector_store %arg4[%swap3A_207, %swap3A_208], %swap3A_211 {strides = array<i32>} : memref<16x256xi32, #tpu.memory_space<vmem>>, vector<1x256xi32>,
    %eq3A_212 = vector.broadcast %broadcast_in_dim3A_202 : vector<256x1xi32> to vector<256x2048xi32>
    %eq3A_213 = arith.cmpi eq, %iota3A, %eq3A_212 : vector<256x2048xi32>
    %jit3A_214 = arith.constant 0x7F800000 : f32
    %broadcast_in_dim3A_215 = vector.broadcast %jit3A_214 : f32 to vector<256x2048xf32>
    %select_n3A_216 = arith.select %eq3A_213, %broadcast_in_dim3A_215, %select_n3A_191 : vector<256x2048xi1>, vector<256x2048xf32>
    %reduce_min3A_217 = arith.constant dense<0x7F800000> : vector<256xf32>
    %reduce_min3A_218 = vector.multi_reduction <minimumf>, %select_n3A_216, %reduce_min3A_217 [1] : vector<256x2048xf32> to vector<256xf32>
    %broadcast_in_dim3A_219 = vector.shape_cast %reduce_min3A_218 : vector<256xf32> to vector<256x1xf32>
    %eq3A_220 = vector.broadcast %broadcast_in_dim3A_219 : vector<256x1xf32> to vector<256x2048xf32>
    %eq3A_221 = arith.cmpf oeq, %select_n3A_216, %eq3A_220 : vector<256x2048xf32>
    %jit3A_222 = arith.constant 2048 : i32
    %broadcast_in_dim3A_223 = vector.broadcast %jit3A_222 : i32 to vector<256x2048xi32>
    %select_n3A_224 = arith.select %eq3A_221, %iota3A, %broadcast_in_dim3A_223 : vector<256x2048xi1>, vector<256x2048xi32>
    %reduce_min3A_225 = arith.constant dense<2147483647> : vector<256xi32>
    %reduce_min3A_226 = vector.multi_reduction <minsi>, %select_n3A_224, %reduce_min3A_225 [1] : vector<256x2048xi32> to vector<256xi32>
    %broadcast_in_dim3A_227 = vector.shape_cast %reduce_min3A_226 : vector<256xi32> to vector<256x1xi32>
    %add3A_228 = vector.broadcast %mul3A_23 : i32 to vector<256x1xi32>
    %add3A_229 = arith.addi %broadcast_in_dim3A_227, %add3A_228 : vector<256x1xi32>
    %add3A_230 = arith.addi %add3A_229, %mul3A_44 : vector<256x1xi32>
    %squeeze3A_231 = vector.shape_cast %add3A_230 : vector<256x1xi32> to vector<256xi32>
    %swap3A_232 = arith.constant 7 : index
    %swap3A_233 = arith.constant 0 : index
    %swap3A_234 = vector.load %arg4[%swap3A_232, %swap3A_233] : memref<16x256xi32, #tpu.memory_space<vmem>>, vector<1x256xi32>
    %swap3A_235 = vector.shape_cast %swap3A_234 : vector<1x256xi32> to vector<256xi32>
    %swap3A_236 = vector.shape_cast %squeeze3A_231 : vector<256xi32> to vector<1x256xi32>
    tpu.vector_store %arg4[%swap3A_232, %swap3A_233], %swap3A_236 {strides = array<i32>} : memref<16x256xi32, #tpu.memory_space<vmem>>, vector<1x256xi32>,
    %eq3A_237 = vector.broadcast %broadcast_in_dim3A_227 : vector<256x1xi32> to vector<256x2048xi32>
    %eq3A_238 = arith.cmpi eq, %iota3A, %eq3A_237 : vector<256x2048xi32>
    %jit3A_239 = arith.constant 0x7F800000 : f32
    %broadcast_in_dim3A_240 = vector.broadcast %jit3A_239 : f32 to vector<256x2048xf32>
    %select_n3A_241 = arith.select %eq3A_238, %broadcast_in_dim3A_240, %select_n3A_216 : vector<256x2048xi1>, vector<256x2048xf32>
    %reduce_min3A_242 = arith.constant dense<0x7F800000> : vector<256xf32>
    %reduce_min3A_243 = vector.multi_reduction <minimumf>, %select_n3A_241, %reduce_min3A_242 [1] : vector<256x2048xf32> to vector<256xf32>
    %broadcast_in_dim3A_244 = vector.shape_cast %reduce_min3A_243 : vector<256xf32> to vector<256x1xf32>
    %eq3A_245 = vector.broadcast %broadcast_in_dim3A_244 : vector<256x1xf32> to vector<256x2048xf32>
    %eq3A_246 = arith.cmpf oeq, %select_n3A_241, %eq3A_245 : vector<256x2048xf32>
    %jit3A_247 = arith.constant 2048 : i32
    %broadcast_in_dim3A_248 = vector.broadcast %jit3A_247 : i32 to vector<256x2048xi32>
    %select_n3A_249 = arith.select %eq3A_246, %iota3A, %broadcast_in_dim3A_248 : vector<256x2048xi1>, vector<256x2048xi32>
    %reduce_min3A_250 = arith.constant dense<2147483647> : vector<256xi32>
    %reduce_min3A_251 = vector.multi_reduction <minsi>, %select_n3A_249, %reduce_min3A_250 [1] : vector<256x2048xi32> to vector<256xi32>
    %broadcast_in_dim3A_252 = vector.shape_cast %reduce_min3A_251 : vector<256xi32> to vector<256x1xi32>
    %add3A_253 = vector.broadcast %mul3A_23 : i32 to vector<256x1xi32>
    %add3A_254 = arith.addi %broadcast_in_dim3A_252, %add3A_253 : vector<256x1xi32>
    %add3A_255 = arith.addi %add3A_254, %mul3A_44 : vector<256x1xi32>
    %squeeze3A_256 = vector.shape_cast %add3A_255 : vector<256x1xi32> to vector<256xi32>
    %swap3A_257 = arith.constant 8 : index
    %swap3A_258 = arith.constant 0 : index
    %swap3A_259 = vector.load %arg4[%swap3A_257, %swap3A_258] : memref<16x256xi32, #tpu.memory_space<vmem>>, vector<1x256xi32>
    %swap3A_260 = vector.shape_cast %swap3A_259 : vector<1x256xi32> to vector<256xi32>
    %swap3A_261 = vector.shape_cast %squeeze3A_256 : vector<256xi32> to vector<1x256xi32>
    tpu.vector_store %arg4[%swap3A_257, %swap3A_258], %swap3A_261 {strides = array<i32>} : memref<16x256xi32, #tpu.memory_space<vmem>>, vector<1x256xi32>,
    %eq3A_262 = vector.broadcast %broadcast_in_dim3A_252 : vector<256x1xi32> to vector<256x2048xi32>
    %eq3A_263 = arith.cmpi eq, %iota3A, %eq3A_262 : vector<256x2048xi32>
    %jit3A_264 = arith.constant 0x7F800000 : f32
    %broadcast_in_dim3A_265 = vector.broadcast %jit3A_264 : f32 to vector<256x2048xf32>
    %select_n3A_266 = arith.select %eq3A_263, %broadcast_in_dim3A_265, %select_n3A_241 : vector<256x2048xi1>, vector<256x2048xf32>
    %reduce_min3A_267 = arith.constant dense<0x7F800000> : vector<256xf32>
    %reduce_min3A_268 = vector.multi_reduction <minimumf>, %select_n3A_266, %reduce_min3A_267 [1] : vector<256x2048xf32> to vector<256xf32>
    %broadcast_in_dim3A_269 = vector.shape_cast %reduce_min3A_268 : vector<256xf32> to vector<256x1xf32>
    %eq3A_270 = vector.broadcast %broadcast_in_dim3A_269 : vector<256x1xf32> to vector<256x2048xf32>
    %eq3A_271 = arith.cmpf oeq, %select_n3A_266, %eq3A_270 : vector<256x2048xf32>
    %jit3A_272 = arith.constant 2048 : i32
    %broadcast_in_dim3A_273 = vector.broadcast %jit3A_272 : i32 to vector<256x2048xi32>
    %select_n3A_274 = arith.select %eq3A_271, %iota3A, %broadcast_in_dim3A_273 : vector<256x2048xi1>, vector<256x2048xi32>
    %reduce_min3A_275 = arith.constant dense<2147483647> : vector<256xi32>
    %reduce_min3A_276 = vector.multi_reduction <minsi>, %select_n3A_274, %reduce_min3A_275 [1] : vector<256x2048xi32> to vector<256xi32>
    %broadcast_in_dim3A_277 = vector.shape_cast %reduce_min3A_276 : vector<256xi32> to vector<256x1xi32>
    %add3A_278 = vector.broadcast %mul3A_23 : i32 to vector<256x1xi32>
    %add3A_279 = arith.addi %broadcast_in_dim3A_277, %add3A_278 : vector<256x1xi32>
    %add3A_280 = arith.addi %add3A_279, %mul3A_44 : vector<256x1xi32>
    %squeeze3A_281 = vector.shape_cast %add3A_280 : vector<256x1xi32> to vector<256xi32>
    %swap3A_282 = arith.constant 9 : index
    %swap3A_283 = arith.constant 0 : index
    %swap3A_284 = vector.load %arg4[%swap3A_282, %swap3A_283] : memref<16x256xi32, #tpu.memory_space<vmem>>, vector<1x256xi32>
    %swap3A_285 = vector.shape_cast %swap3A_284 : vector<1x256xi32> to vector<256xi32>
    %swap3A_286 = vector.shape_cast %squeeze3A_281 : vector<256xi32> to vector<1x256xi32>
    tpu.vector_store %arg4[%swap3A_282, %swap3A_283], %swap3A_286 {strides = array<i32>} : memref<16x256xi32, #tpu.memory_space<vmem>>, vector<1x256xi32>,
    %eq3A_287 = vector.broadcast %broadcast_in_dim3A_277 : vector<256x1xi32> to vector<256x2048xi32>
    %eq3A_288 = arith.cmpi eq, %iota3A, %eq3A_287 : vector<256x2048xi32>
    %jit3A_289 = arith.constant 0x7F800000 : f32
    %broadcast_in_dim3A_290 = vector.broadcast %jit3A_289 : f32 to vector<256x2048xf32>
    %select_n3A_291 = arith.select %eq3A_288, %broadcast_in_dim3A_290, %select_n3A_266 : vector<256x2048xi1>, vector<256x2048xf32>
    %reduce_min3A_292 = arith.constant dense<0x7F800000> : vector<256xf32>
    %reduce_min3A_293 = vector.multi_reduction <minimumf>, %select_n3A_291, %reduce_min3A_292 [1] : vector<256x2048xf32> to vector<256xf32>
    %broadcast_in_dim3A_294 = vector.shape_cast %reduce_min3A_293 : vector<256xf32> to vector<256x1xf32>
    %eq3A_295 = vector.broadcast %broadcast_in_dim3A_294 : vector<256x1xf32> to vector<256x2048xf32>
    %eq3A_296 = arith.cmpf oeq, %select_n3A_291, %eq3A_295 : vector<256x2048xf32>
    %jit3A_297 = arith.constant 2048 : i32
    %broadcast_in_dim3A_298 = vector.broadcast %jit3A_297 : i32 to vector<256x2048xi32>
    %select_n3A_299 = arith.select %eq3A_296, %iota3A, %broadcast_in_dim3A_298 : vector<256x2048xi1>, vector<256x2048xi32>
    %reduce_min3A_300 = arith.constant dense<2147483647> : vector<256xi32>
    %reduce_min3A_301 = vector.multi_reduction <minsi>, %select_n3A_299, %reduce_min3A_300 [1] : vector<256x2048xi32> to vector<256xi32>
    %broadcast_in_dim3A_302 = vector.shape_cast %reduce_min3A_301 : vector<256xi32> to vector<256x1xi32>
    %add3A_303 = vector.broadcast %mul3A_23 : i32 to vector<256x1xi32>
    %add3A_304 = arith.addi %broadcast_in_dim3A_302, %add3A_303 : vector<256x1xi32>
    %add3A_305 = arith.addi %add3A_304, %mul3A_44 : vector<256x1xi32>
    %squeeze3A_306 = vector.shape_cast %add3A_305 : vector<256x1xi32> to vector<256xi32>
    %swap3A_307 = arith.constant 10 : index
    %swap3A_308 = arith.constant 0 : index
    %swap3A_309 = vector.load %arg4[%swap3A_307, %swap3A_308] : memref<16x256xi32, #tpu.memory_space<vmem>>, vector<1x256xi32>
    %swap3A_310 = vector.shape_cast %swap3A_309 : vector<1x256xi32> to vector<256xi32>
    %swap3A_311 = vector.shape_cast %squeeze3A_306 : vector<256xi32> to vector<1x256xi32>
    tpu.vector_store %arg4[%swap3A_307, %swap3A_308], %swap3A_311 {strides = array<i32>} : memref<16x256xi32, #tpu.memory_space<vmem>>, vector<1x256xi32>,
    %eq3A_312 = vector.broadcast %broadcast_in_dim3A_302 : vector<256x1xi32> to vector<256x2048xi32>
    %eq3A_313 = arith.cmpi eq, %iota3A, %eq3A_312 : vector<256x2048xi32>
    %jit3A_314 = arith.constant 0x7F800000 : f32
    %broadcast_in_dim3A_315 = vector.broadcast %jit3A_314 : f32 to vector<256x2048xf32>
    %select_n3A_316 = arith.select %eq3A_313, %broadcast_in_dim3A_315, %select_n3A_291 : vector<256x2048xi1>, vector<256x2048xf32>
    %reduce_min3A_317 = arith.constant dense<0x7F800000> : vector<256xf32>
    %reduce_min3A_318 = vector.multi_reduction <minimumf>, %select_n3A_316, %reduce_min3A_317 [1] : vector<256x2048xf32> to vector<256xf32>
    %broadcast_in_dim3A_319 = vector.shape_cast %reduce_min3A_318 : vector<256xf32> to vector<256x1xf32>
    %eq3A_320 = vector.broadcast %broadcast_in_dim3A_319 : vector<256x1xf32> to vector<256x2048xf32>
    %eq3A_321 = arith.cmpf oeq, %select_n3A_316, %eq3A_320 : vector<256x2048xf32>
    %jit3A_322 = arith.constant 2048 : i32
    %broadcast_in_dim3A_323 = vector.broadcast %jit3A_322 : i32 to vector<256x2048xi32>
    %select_n3A_324 = arith.select %eq3A_321, %iota3A, %broadcast_in_dim3A_323 : vector<256x2048xi1>, vector<256x2048xi32>
    %reduce_min3A_325 = arith.constant dense<2147483647> : vector<256xi32>
    %reduce_min3A_326 = vector.multi_reduction <minsi>, %select_n3A_324, %reduce_min3A_325 [1] : vector<256x2048xi32> to vector<256xi32>
    %broadcast_in_dim3A_327 = vector.shape_cast %reduce_min3A_326 : vector<256xi32> to vector<256x1xi32>
    %add3A_328 = vector.broadcast %mul3A_23 : i32 to vector<256x1xi32>
    %add3A_329 = arith.addi %broadcast_in_dim3A_327, %add3A_328 : vector<256x1xi32>
    %add3A_330 = arith.addi %add3A_329, %mul3A_44 : vector<256x1xi32>
    %squeeze3A_331 = vector.shape_cast %add3A_330 : vector<256x1xi32> to vector<256xi32>
    %swap3A_332 = arith.constant 11 : index
    %swap3A_333 = arith.constant 0 : index
    %swap3A_334 = vector.load %arg4[%swap3A_332, %swap3A_333] : memref<16x256xi32, #tpu.memory_space<vmem>>, vector<1x256xi32>
    %swap3A_335 = vector.shape_cast %swap3A_334 : vector<1x256xi32> to vector<256xi32>
    %swap3A_336 = vector.shape_cast %squeeze3A_331 : vector<256xi32> to vector<1x256xi32>
    tpu.vector_store %arg4[%swap3A_332, %swap3A_333], %swap3A_336 {strides = array<i32>} : memref<16x256xi32, #tpu.memory_space<vmem>>, vector<1x256xi32>,
    %eq3A_337 = vector.broadcast %broadcast_in_dim3A_327 : vector<256x1xi32> to vector<256x2048xi32>
    %eq3A_338 = arith.cmpi eq, %iota3A, %eq3A_337 : vector<256x2048xi32>
    %jit3A_339 = arith.constant 0x7F800000 : f32
    %broadcast_in_dim3A_340 = vector.broadcast %jit3A_339 : f32 to vector<256x2048xf32>
    %select_n3A_341 = arith.select %eq3A_338, %broadcast_in_dim3A_340, %select_n3A_316 : vector<256x2048xi1>, vector<256x2048xf32>
    %reduce_min3A_342 = arith.constant dense<0x7F800000> : vector<256xf32>
    %reduce_min3A_343 = vector.multi_reduction <minimumf>, %select_n3A_341, %reduce_min3A_342 [1] : vector<256x2048xf32> to vector<256xf32>
    %broadcast_in_dim3A_344 = vector.shape_cast %reduce_min3A_343 : vector<256xf32> to vector<256x1xf32>
    %eq3A_345 = vector.broadcast %broadcast_in_dim3A_344 : vector<256x1xf32> to vector<256x2048xf32>
    %eq3A_346 = arith.cmpf oeq, %select_n3A_341, %eq3A_345 : vector<256x2048xf32>
    %jit3A_347 = arith.constant 2048 : i32
    %broadcast_in_dim3A_348 = vector.broadcast %jit3A_347 : i32 to vector<256x2048xi32>
    %select_n3A_349 = arith.select %eq3A_346, %iota3A, %broadcast_in_dim3A_348 : vector<256x2048xi1>, vector<256x2048xi32>
    %reduce_min3A_350 = arith.constant dense<2147483647> : vector<256xi32>
    %reduce_min3A_351 = vector.multi_reduction <minsi>, %select_n3A_349, %reduce_min3A_350 [1] : vector<256x2048xi32> to vector<256xi32>
    %broadcast_in_dim3A_352 = vector.shape_cast %reduce_min3A_351 : vector<256xi32> to vector<256x1xi32>
    %add3A_353 = vector.broadcast %mul3A_23 : i32 to vector<256x1xi32>
    %add3A_354 = arith.addi %broadcast_in_dim3A_352, %add3A_353 : vector<256x1xi32>
    %add3A_355 = arith.addi %add3A_354, %mul3A_44 : vector<256x1xi32>
    %squeeze3A_356 = vector.shape_cast %add3A_355 : vector<256x1xi32> to vector<256xi32>
    %swap3A_357 = arith.constant 12 : index
    %swap3A_358 = arith.constant 0 : index
    %swap3A_359 = vector.load %arg4[%swap3A_357, %swap3A_358] : memref<16x256xi32, #tpu.memory_space<vmem>>, vector<1x256xi32>
    %swap3A_360 = vector.shape_cast %swap3A_359 : vector<1x256xi32> to vector<256xi32>
    %swap3A_361 = vector.shape_cast %squeeze3A_356 : vector<256xi32> to vector<1x256xi32>
    tpu.vector_store %arg4[%swap3A_357, %swap3A_358], %swap3A_361 {strides = array<i32>} : memref<16x256xi32, #tpu.memory_space<vmem>>, vector<1x256xi32>,
    %eq3A_362 = vector.broadcast %broadcast_in_dim3A_352 : vector<256x1xi32> to vector<256x2048xi32>
    %eq3A_363 = arith.cmpi eq, %iota3A, %eq3A_362 : vector<256x2048xi32>
    %jit3A_364 = arith.constant 0x7F800000 : f32
    %broadcast_in_dim3A_365 = vector.broadcast %jit3A_364 : f32 to vector<256x2048xf32>
    %select_n3A_366 = arith.select %eq3A_363, %broadcast_in_dim3A_365, %select_n3A_341 : vector<256x2048xi1>, vector<256x2048xf32>
    %reduce_min3A_367 = arith.constant dense<0x7F800000> : vector<256xf32>
    %reduce_min3A_368 = vector.multi_reduction <minimumf>, %select_n3A_366, %reduce_min3A_367 [1] : vector<256x2048xf32> to vector<256xf32>
    %broadcast_in_dim3A_369 = vector.shape_cast %reduce_min3A_368 : vector<256xf32> to vector<256x1xf32>
    %eq3A_370 = vector.broadcast %broadcast_in_dim3A_369 : vector<256x1xf32> to vector<256x2048xf32>
    %eq3A_371 = arith.cmpf oeq, %select_n3A_366, %eq3A_370 : vector<256x2048xf32>
    %jit3A_372 = arith.constant 2048 : i32
    %broadcast_in_dim3A_373 = vector.broadcast %jit3A_372 : i32 to vector<256x2048xi32>
    %select_n3A_374 = arith.select %eq3A_371, %iota3A, %broadcast_in_dim3A_373 : vector<256x2048xi1>, vector<256x2048xi32>
    %reduce_min3A_375 = arith.constant dense<2147483647> : vector<256xi32>
    %reduce_min3A_376 = vector.multi_reduction <minsi>, %select_n3A_374, %reduce_min3A_375 [1] : vector<256x2048xi32> to vector<256xi32>
    %broadcast_in_dim3A_377 = vector.shape_cast %reduce_min3A_376 : vector<256xi32> to vector<256x1xi32>
    %add3A_378 = vector.broadcast %mul3A_23 : i32 to vector<256x1xi32>
    %add3A_379 = arith.addi %broadcast_in_dim3A_377, %add3A_378 : vector<256x1xi32>
    %add3A_380 = arith.addi %add3A_379, %mul3A_44 : vector<256x1xi32>
    %squeeze3A_381 = vector.shape_cast %add3A_380 : vector<256x1xi32> to vector<256xi32>
    %swap3A_382 = arith.constant 13 : index
    %swap3A_383 = arith.constant 0 : index
    %swap3A_384 = vector.load %arg4[%swap3A_382, %swap3A_383] : memref<16x256xi32, #tpu.memory_space<vmem>>, vector<1x256xi32>
    %swap3A_385 = vector.shape_cast %swap3A_384 : vector<1x256xi32> to vector<256xi32>
    %swap3A_386 = vector.shape_cast %squeeze3A_381 : vector<256xi32> to vector<1x256xi32>
    tpu.vector_store %arg4[%swap3A_382, %swap3A_383], %swap3A_386 {strides = array<i32>} : memref<16x256xi32, #tpu.memory_space<vmem>>, vector<1x256xi32>,
    %eq3A_387 = vector.broadcast %broadcast_in_dim3A_377 : vector<256x1xi32> to vector<256x2048xi32>
    %eq3A_388 = arith.cmpi eq, %iota3A, %eq3A_387 : vector<256x2048xi32>
    %jit3A_389 = arith.constant 0x7F800000 : f32
    %broadcast_in_dim3A_390 = vector.broadcast %jit3A_389 : f32 to vector<256x2048xf32>
    %select_n3A_391 = arith.select %eq3A_388, %broadcast_in_dim3A_390, %select_n3A_366 : vector<256x2048xi1>, vector<256x2048xf32>
    %reduce_min3A_392 = arith.constant dense<0x7F800000> : vector<256xf32>
    %reduce_min3A_393 = vector.multi_reduction <minimumf>, %select_n3A_391, %reduce_min3A_392 [1] : vector<256x2048xf32> to vector<256xf32>
    %broadcast_in_dim3A_394 = vector.shape_cast %reduce_min3A_393 : vector<256xf32> to vector<256x1xf32>
    %eq3A_395 = vector.broadcast %broadcast_in_dim3A_394 : vector<256x1xf32> to vector<256x2048xf32>
    %eq3A_396 = arith.cmpf oeq, %select_n3A_391, %eq3A_395 : vector<256x2048xf32>
    %jit3A_397 = arith.constant 2048 : i32
    %broadcast_in_dim3A_398 = vector.broadcast %jit3A_397 : i32 to vector<256x2048xi32>
    %select_n3A_399 = arith.select %eq3A_396, %iota3A, %broadcast_in_dim3A_398 : vector<256x2048xi1>, vector<256x2048xi32>
    %reduce_min3A_400 = arith.constant dense<2147483647> : vector<256xi32>
    %reduce_min3A_401 = vector.multi_reduction <minsi>, %select_n3A_399, %reduce_min3A_400 [1] : vector<256x2048xi32> to vector<256xi32>
    %broadcast_in_dim3A_402 = vector.shape_cast %reduce_min3A_401 : vector<256xi32> to vector<256x1xi32>
    %add3A_403 = vector.broadcast %mul3A_23 : i32 to vector<256x1xi32>
    %add3A_404 = arith.addi %broadcast_in_dim3A_402, %add3A_403 : vector<256x1xi32>
    %add3A_405 = arith.addi %add3A_404, %mul3A_44 : vector<256x1xi32>
    %squeeze3A_406 = vector.shape_cast %add3A_405 : vector<256x1xi32> to vector<256xi32>
    %swap3A_407 = arith.constant 14 : index
    %swap3A_408 = arith.constant 0 : index
    %swap3A_409 = vector.load %arg4[%swap3A_407, %swap3A_408] : memref<16x256xi32, #tpu.memory_space<vmem>>, vector<1x256xi32>
    %swap3A_410 = vector.shape_cast %swap3A_409 : vector<1x256xi32> to vector<256xi32>
    %swap3A_411 = vector.shape_cast %squeeze3A_406 : vector<256xi32> to vector<1x256xi32>
    tpu.vector_store %arg4[%swap3A_407, %swap3A_408], %swap3A_411 {strides = array<i32>} : memref<16x256xi32, #tpu.memory_space<vmem>>, vector<1x256xi32>,
    %eq3A_412 = vector.broadcast %broadcast_in_dim3A_402 : vector<256x1xi32> to vector<256x2048xi32>
    %eq3A_413 = arith.cmpi eq, %iota3A, %eq3A_412 : vector<256x2048xi32>
    %jit3A_414 = arith.constant 0x7F800000 : f32
    %broadcast_in_dim3A_415 = vector.broadcast %jit3A_414 : f32 to vector<256x2048xf32>
    %select_n3A_416 = arith.select %eq3A_413, %broadcast_in_dim3A_415, %select_n3A_391 : vector<256x2048xi1>, vector<256x2048xf32>
    %reduce_min3A_417 = arith.constant dense<0x7F800000> : vector<256xf32>
    %reduce_min3A_418 = vector.multi_reduction <minimumf>, %select_n3A_416, %reduce_min3A_417 [1] : vector<256x2048xf32> to vector<256xf32>
    %broadcast_in_dim3A_419 = vector.shape_cast %reduce_min3A_418 : vector<256xf32> to vector<256x1xf32>
    %eq3A_420 = vector.broadcast %broadcast_in_dim3A_419 : vector<256x1xf32> to vector<256x2048xf32>
    %eq3A_421 = arith.cmpf oeq, %select_n3A_416, %eq3A_420 : vector<256x2048xf32>
    %jit3A_422 = arith.constant 2048 : i32
    %broadcast_in_dim3A_423 = vector.broadcast %jit3A_422 : i32 to vector<256x2048xi32>
    %select_n3A_424 = arith.select %eq3A_421, %iota3A, %broadcast_in_dim3A_423 : vector<256x2048xi1>, vector<256x2048xi32>
    %reduce_min3A_425 = arith.constant dense<2147483647> : vector<256xi32>
    %reduce_min3A_426 = vector.multi_reduction <minsi>, %select_n3A_424, %reduce_min3A_425 [1] : vector<256x2048xi32> to vector<256xi32>
    %broadcast_in_dim3A_427 = vector.shape_cast %reduce_min3A_426 : vector<256xi32> to vector<256x1xi32>
    %add3A_428 = vector.broadcast %mul3A_23 : i32 to vector<256x1xi32>
    %add3A_429 = arith.addi %broadcast_in_dim3A_427, %add3A_428 : vector<256x1xi32>
    %add3A_430 = arith.addi %add3A_429, %mul3A_44 : vector<256x1xi32>
    %squeeze3A_431 = vector.shape_cast %add3A_430 : vector<256x1xi32> to vector<256xi32>
    %swap3A_432 = arith.constant 15 : index
    %swap3A_433 = arith.constant 0 : index
    %swap3A_434 = vector.load %arg4[%swap3A_432, %swap3A_433] : memref<16x256xi32, #tpu.memory_space<vmem>>, vector<1x256xi32>
    %swap3A_435 = vector.shape_cast %swap3A_434 : vector<1x256xi32> to vector<256xi32>
    %swap3A_436 = vector.shape_cast %squeeze3A_431 : vector<256xi32> to vector<1x256xi32>
    tpu.vector_store %arg4[%swap3A_432, %swap3A_433], %swap3A_436 {strides = array<i32>} : memref<16x256xi32, #tpu.memory_space<vmem>>, vector<1x256xi32>,
    return
  }
  func.func @transform_0(%arg0: i32, %arg1: i32) -> (i32, i32, i32) {
    %c0_i32 = arith.constant 0 : i32
    %c0_i32_0 = arith.constant 0 : i32
    %c0_i32_1 = arith.constant 0 : i32
    return %arg0, %c0_i32, %c0_i32_0 : i32, i32, i32
  }
  func.func @transform_1(%arg0: i32, %arg1: i32) -> (i32, i32, i32) {
    %c0_i32 = arith.constant 0 : i32
    %c0_i32_0 = arith.constant 0 : i32
    return %arg0, %arg1, %c0_i32 : i32, i32, i32
  }
  func.func @transform_2(%arg0: i32, %arg1: i32) -> (i32, i32) {
    %mul3A = arith.constant 8 : i32
    %mul3A_0 = arith.muli %arg0, %mul3A : i32
    %add3A = arith.addi %mul3A_0, %arg1 : i32
    %c0_i32 = arith.constant 0 : i32
    %c0_i32_1 = arith.constant 0 : i32
    return %c0_i32, %add3A : i32, i32
  }
}

module attributes {stable_mosaic.version = 14 : i64} {
  func.func @_knn_kernel(%arg0: i32, %arg1: i32, %arg2: memref<1x2048x2xf32, #tpu.memory_space<vmem>>, %arg3: memref<1x256x2xf32, #tpu.memory_space<vmem>>, %arg4: memref<16x256xi32, #tpu.memory_space<vmem>>) attributes {dimension_semantics = [#tpu.dimension_semantics<arbitrary>, #tpu.dimension_semantics<arbitrary>], iteration_bounds = array<i64: 8, 8>, scalar_prefetch = 0 : i64, scratch_operands = 0 : i64, tpu.core_type = #tpu.core_type<tc>, window_params = [{transform_indices = @transform_0, window_bounds = array<i64: 1, 2048, 2>}, {transform_indices = @transform_1, window_bounds = array<i64: 1, 256, 2>}, {transform_indices = @transform_2, window_bounds = array<i64: 16, 256>}]} {
    %get3A = arith.constant 0 : index
    %get3A_0 = arith.constant 0 : index
    %get3A_1 = arith.constant 0 : index
    %get3A_2 = vector.load %arg2[%get3A, %get3A_0, %get3A_1] : memref<1x2048x2xf32, #tpu.memory_space<vmem>>, vector<1x2048x2xf32>
    %get3A_3 = vector.shape_cast %get3A_2 : vector<1x2048x2xf32> to vector<2048x2xf32>
    %get3A_4 = arith.constant 0 : index
    %get3A_5 = arith.constant 0 : index
    %get3A_6 = arith.constant 0 : index
    %get3A_7 = vector.load %arg3[%get3A_4, %get3A_5, %get3A_6] : memref<1x256x2xf32, #tpu.memory_space<vmem>>, vector<1x256x2xf32>
    %get3A_8 = vector.shape_cast %get3A_7 : vector<1x256x2xf32> to vector<256x2xf32>
    %broadcast_in_dim3A = arith.constant 1.000000e+00 : f32
    %broadcast_in_dim3A_9 = vector.broadcast %broadcast_in_dim3A : f32 to vector<1x2xf32>
    %mul3A = arith.mulf %get3A_3, %get3A_3 : vector<2048x2xf32>
    %dot_general3A = arith.constant dense<0.000000e+00> : vector<1x2048xf32>
    %dot_general3A_10 = tpu.matmul %broadcast_in_dim3A_9, %mul3A, %dot_general3A {dimension_numbers = #tpu.dot_dimension_numbers<[1], [1], [0], [0], [0, 0, 1, 0], [], []>, transpose_lhs_hint = false} : vector<1x2xf32>, vector<2048x2xf32>, vector<1x2048xf32> -> vector<1x2048xf32>
    %dot_general3A_11 = arith.constant dense<0.000000e+00> : vector<256x2048xf32>
    %dot_general3A_12 = tpu.matmul %get3A_8, %get3A_3, %dot_general3A_11 {dimension_numbers = #tpu.dot_dimension_numbers<[1], [1], [0], [0], [0, 0, 1, 0], [], []>, transpose_lhs_hint = false} : vector<256x2xf32>, vector<2048x2xf32>, vector<256x2048xf32> -> vector<256x2048xf32>
    %mul3A_13 = arith.constant 2.000000e+00 : f32
    %mul3A_14 = vector.broadcast %mul3A_13 : f32 to vector<256x2048xf32>
    %mul3A_15 = arith.mulf %mul3A_14, %dot_general3A_12 : vector<256x2048xf32>
    %sub3A = vector.broadcast %dot_general3A_10 : vector<1x2048xf32> to vector<256x2048xf32>
    %sub3A_16 = arith.subf %sub3A, %mul3A_15 : vector<256x2048xf32>
    %iota3A = tpu.iota {dimensions = array<i32: 1>} : vector<256x2048xi32>
    %iota3A_17 = tpu.iota {dimensions = array<i32: 0>} : vector<256x2048xi32>
    %mul3A_18 = arith.constant 256 : i32
    %mul3A_19 = arith.muli %arg1, %mul3A_18 : i32
    %add3A = vector.broadcast %mul3A_19 : i32 to vector<256x2048xi32>
    %add3A_20 = arith.addi %iota3A_17, %add3A : vector<256x2048xi32>
    %eq3A = arith.cmpi eq, %iota3A, %add3A_20 : vector<256x2048xi32>
    %jit3A = arith.constant 0x7F800000 : f32
    %broadcast_in_dim3A_21 = vector.broadcast %jit3A : f32 to vector<256x2048xf32>
    %select_n3A = arith.select %eq3A, %broadcast_in_dim3A_21, %sub3A_16 : vector<256x2048xi1>, vector<256x2048xf32>
    %mul3A_22 = arith.constant 2048 : i32
    %mul3A_23 = arith.muli %arg0, %mul3A_22 : i32
    %slice3A = vector.extract_strided_slice %add3A_20 {offsets = [0, 0], sizes = [256, 1], strides = [1, 1]} : vector<256x2048xi32> to vector<256x1xi32>
    %jit3A_24 = arith.constant 64 : i32
    %eq3A_25 = arith.constant 0 : i32
    %eq3A_26 = arith.cmpi eq, %jit3A_24, %eq3A_25 : i32
    %jit3A_27 = arith.constant 1 : i32
    %select_n3A_28 = arith.select %eq3A_26, %jit3A_27, %jit3A_24 : i32
    %rem3A = vector.broadcast %select_n3A_28 : i32 to vector<256x1xi32>
    %rem3A_29 = arith.remsi %slice3A, %rem3A : vector<256x1xi32>
    %ne3A = arith.constant 0 : i32
    %ne3A_30 = vector.broadcast %ne3A : i32 to vector<256x1xi32>
    %ne3A_31 = arith.cmpi ne, %rem3A_29, %ne3A_30 : vector<256x1xi32>
    %lt3A = arith.constant 0 : i32
    %lt3A_32 = vector.broadcast %lt3A : i32 to vector<256x1xi32>
    %lt3A_33 = arith.cmpi slt, %rem3A_29, %lt3A_32 : vector<256x1xi32>
    %lt3A_34 = arith.constant 0 : i32
    %lt3A_35 = arith.cmpi slt, %select_n3A_28, %lt3A_34 : i32
    %ne3A_36 = vector.broadcast %lt3A_35 : i1 to vector<256x1xi1>
    %ne3A_37 = vector.broadcast %ne3A_36 : vector<256x1xi1> to vector<256x1xi1>
    %ne3A_38 = arith.xori %lt3A_33, %ne3A_37 : vector<256x1xi1>
    %and3A = arith.andi %ne3A_38, %ne3A_31 : vector<256x1xi1>
    %add3A_39 = vector.broadcast %select_n3A_28 : i32 to vector<256x1xi32>
    %add3A_40 = arith.addi %rem3A_29, %add3A_39 : vector<256x1xi32>
    %select_n3A_41 = arith.select %and3A, %add3A_40, %rem3A_29 : vector<256x1xi1>, vector<256x1xi32>
    %mul3A_42 = arith.constant 0 : i32
    %mul3A_43 = vector.broadcast %mul3A_42 : i32 to vector<256x1xi32>
    %mul3A_44 = arith.muli %select_n3A_41, %mul3A_43 : vector<256x1xi32>
    %reduce_min3A = arith.constant dense<0x7F800000> : vector<256xf32>
    %reduce_min3A_45 = vector.multi_reduction <minimumf>, %select_n3A, %reduce_min3A [1] : vector<256x2048xf32> to vector<256xf32>
    %broadcast_in_dim3A_46 = vector.shape_cast %reduce_min3A_45 : vector<256xf32> to vector<256x1xf32>
    %eq3A_47 = vector.broadcast %broadcast_in_dim3A_46 : vector<256x1xf32> to vector<256x2048xf32>
    %eq3A_48 = arith.cmpf oeq, %select_n3A, %eq3A_47 : vector<256x2048xf32>
    %jit3A_49 = arith.constant 2048 : i32
    %broadcast_in_dim3A_50 = vector.broadcast %jit3A_49 : i32 to vector<256x2048xi32>
    %select_n3A_51 = arith.select %eq3A_48, %iota3A, %broadcast_in_dim3A_50 : vector<256x2048xi1>, vector<256x2048xi32>
    %reduce_min3A_52 = arith.constant dense<2147483647> : vector<256xi32>
    %reduce_min3A_53 = vector.multi_reduction <minsi>, %select_n3A_51, %reduce_min3A_52 [1] : vector<256x2048xi32> to vector<256xi32>
    %broadcast_in_dim3A_54 = vector.shape_cast %reduce_min3A_53 : vector<256xi32> to vector<256x1xi32>
    %add3A_55 = vector.broadcast %mul3A_23 : i32 to vector<256x1xi32>
    %add3A_56 = arith.addi %broadcast_in_dim3A_54, %add3A_55 : vector<256x1xi32>
    %add3A_57 = arith.addi %add3A_56, %mul3A_44 : vector<256x1xi32>
    %squeeze3A = vector.shape_cast %add3A_57 : vector<256x1xi32> to vector<256xi32>
    %swap3A = arith.constant 0 : index
    %swap3A_58 = arith.constant 0 : index
    %swap3A_59 = vector.load %arg4[%swap3A, %swap3A_58] : memref<16x256xi32, #tpu.memory_space<vmem>>, vector<1x256xi32>
    %swap3A_60 = vector.shape_cast %swap3A_59 : vector<1x256xi32> to vector<256xi32>
    %swap3A_61 = vector.shape_cast %squeeze3A : vector<256xi32> to vector<1x256xi32>
    tpu.vector_store %arg4[%swap3A, %swap3A_58], %swap3A_61 {strides = array<i32>} : memref<16x256xi32, #tpu.memory_space<vmem>>, vector<1x256xi32>,
    %eq3A_62 = vector.broadcast %broadcast_in_dim3A_54 : vector<256x1xi32> to vector<256x2048xi32>
    %eq3A_63 = arith.cmpi eq, %iota3A, %eq3A_62 : vector<256x2048xi32>
    %jit3A_64 = arith.constant 0x7F800000 : f32
    %broadcast_in_dim3A_65 = vector.broadcast %jit3A_64 : f32 to vector<256x2048xf32>
    %select_n3A_66 = arith.select %eq3A_63, %broadcast_in_dim3A_65, %select_n3A : vector<256x2048xi1>, vector<256x2048xf32>
    %reduce_min3A_67 = arith.constant dense<0x7F800000> : vector<256xf32>
    %reduce_min3A_68 = vector.multi_reduction <minimumf>, %select_n3A_66, %reduce_min3A_67 [1] : vector<256x2048xf32> to vector<256xf32>
    %broadcast_in_dim3A_69 = vector.shape_cast %reduce_min3A_68 : vector<256xf32> to vector<256x1xf32>
    %eq3A_70 = vector.broadcast %broadcast_in_dim3A_69 : vector<256x1xf32> to vector<256x2048xf32>
    %eq3A_71 = arith.cmpf oeq, %select_n3A_66, %eq3A_70 : vector<256x2048xf32>
    %jit3A_72 = arith.constant 2048 : i32
    %broadcast_in_dim3A_73 = vector.broadcast %jit3A_72 : i32 to vector<256x2048xi32>
    %select_n3A_74 = arith.select %eq3A_71, %iota3A, %broadcast_in_dim3A_73 : vector<256x2048xi1>, vector<256x2048xi32>
    %reduce_min3A_75 = arith.constant dense<2147483647> : vector<256xi32>
    %reduce_min3A_76 = vector.multi_reduction <minsi>, %select_n3A_74, %reduce_min3A_75 [1] : vector<256x2048xi32> to vector<256xi32>
    %broadcast_in_dim3A_77 = vector.shape_cast %reduce_min3A_76 : vector<256xi32> to vector<256x1xi32>
    %add3A_78 = vector.broadcast %mul3A_23 : i32 to vector<256x1xi32>
    %add3A_79 = arith.addi %broadcast_in_dim3A_77, %add3A_78 : vector<256x1xi32>
    %add3A_80 = arith.addi %add3A_79, %mul3A_44 : vector<256x1xi32>
    %squeeze3A_81 = vector.shape_cast %add3A_80 : vector<256x1xi32> to vector<256xi32>
    %swap3A_82 = arith.constant 1 : index
    %swap3A_83 = arith.constant 0 : index
    %swap3A_84 = vector.load %arg4[%swap3A_82, %swap3A_83] : memref<16x256xi32, #tpu.memory_space<vmem>>, vector<1x256xi32>
    %swap3A_85 = vector.shape_cast %swap3A_84 : vector<1x256xi32> to vector<256xi32>
    %swap3A_86 = vector.shape_cast %squeeze3A_81 : vector<256xi32> to vector<1x256xi32>
    tpu.vector_store %arg4[%swap3A_82, %swap3A_83], %swap3A_86 {strides = array<i32>} : memref<16x256xi32, #tpu.memory_space<vmem>>, vector<1x256xi32>,
    %eq3A_87 = vector.broadcast %broadcast_in_dim3A_77 : vector<256x1xi32> to vector<256x2048xi32>
    %eq3A_88 = arith.cmpi eq, %iota3A, %eq3A_87 : vector<256x2048xi32>
    %jit3A_89 = arith.constant 0x7F800000 : f32
    %broadcast_in_dim3A_90 = vector.broadcast %jit3A_89 : f32 to vector<256x2048xf32>
    %select_n3A_91 = arith.select %eq3A_88, %broadcast_in_dim3A_90, %select_n3A_66 : vector<256x2048xi1>, vector<256x2048xf32>
    %reduce_min3A_92 = arith.constant dense<0x7F800000> : vector<256xf32>
    %reduce_min3A_93 = vector.multi_reduction <minimumf>, %select_n3A_91, %reduce_min3A_92 [1] : vector<256x2048xf32> to vector<256xf32>
    %broadcast_in_dim3A_94 = vector.shape_cast %reduce_min3A_93 : vector<256xf32> to vector<256x1xf32>
    %eq3A_95 = vector.broadcast %broadcast_in_dim3A_94 : vector<256x1xf32> to vector<256x2048xf32>
    %eq3A_96 = arith.cmpf oeq, %select_n3A_91, %eq3A_95 : vector<256x2048xf32>
    %jit3A_97 = arith.constant 2048 : i32
    %broadcast_in_dim3A_98 = vector.broadcast %jit3A_97 : i32 to vector<256x2048xi32>
    %select_n3A_99 = arith.select %eq3A_96, %iota3A, %broadcast_in_dim3A_98 : vector<256x2048xi1>, vector<256x2048xi32>
    %reduce_min3A_100 = arith.constant dense<2147483647> : vector<256xi32>
    %reduce_min3A_101 = vector.multi_reduction <minsi>, %select_n3A_99, %reduce_min3A_100 [1] : vector<256x2048xi32> to vector<256xi32>
    %broadcast_in_dim3A_102 = vector.shape_cast %reduce_min3A_101 : vector<256xi32> to vector<256x1xi32>
    %add3A_103 = vector.broadcast %mul3A_23 : i32 to vector<256x1xi32>
    %add3A_104 = arith.addi %broadcast_in_dim3A_102, %add3A_103 : vector<256x1xi32>
    %add3A_105 = arith.addi %add3A_104, %mul3A_44 : vector<256x1xi32>
    %squeeze3A_106 = vector.shape_cast %add3A_105 : vector<256x1xi32> to vector<256xi32>
    %swap3A_107 = arith.constant 2 : index
    %swap3A_108 = arith.constant 0 : index
    %swap3A_109 = vector.load %arg4[%swap3A_107, %swap3A_108] : memref<16x256xi32, #tpu.memory_space<vmem>>, vector<1x256xi32>
    %swap3A_110 = vector.shape_cast %swap3A_109 : vector<1x256xi32> to vector<256xi32>
    %swap3A_111 = vector.shape_cast %squeeze3A_106 : vector<256xi32> to vector<1x256xi32>
    tpu.vector_store %arg4[%swap3A_107, %swap3A_108], %swap3A_111 {strides = array<i32>} : memref<16x256xi32, #tpu.memory_space<vmem>>, vector<1x256xi32>,
    %eq3A_112 = vector.broadcast %broadcast_in_dim3A_102 : vector<256x1xi32> to vector<256x2048xi32>
    %eq3A_113 = arith.cmpi eq, %iota3A, %eq3A_112 : vector<256x2048xi32>
    %jit3A_114 = arith.constant 0x7F800000 : f32
    %broadcast_in_dim3A_115 = vector.broadcast %jit3A_114 : f32 to vector<256x2048xf32>
    %select_n3A_116 = arith.select %eq3A_113, %broadcast_in_dim3A_115, %select_n3A_91 : vector<256x2048xi1>, vector<256x2048xf32>
    %reduce_min3A_117 = arith.constant dense<0x7F800000> : vector<256xf32>
    %reduce_min3A_118 = vector.multi_reduction <minimumf>, %select_n3A_116, %reduce_min3A_117 [1] : vector<256x2048xf32> to vector<256xf32>
    %broadcast_in_dim3A_119 = vector.shape_cast %reduce_min3A_118 : vector<256xf32> to vector<256x1xf32>
    %eq3A_120 = vector.broadcast %broadcast_in_dim3A_119 : vector<256x1xf32> to vector<256x2048xf32>
    %eq3A_121 = arith.cmpf oeq, %select_n3A_116, %eq3A_120 : vector<256x2048xf32>
    %jit3A_122 = arith.constant 2048 : i32
    %broadcast_in_dim3A_123 = vector.broadcast %jit3A_122 : i32 to vector<256x2048xi32>
    %select_n3A_124 = arith.select %eq3A_121, %iota3A, %broadcast_in_dim3A_123 : vector<256x2048xi1>, vector<256x2048xi32>
    %reduce_min3A_125 = arith.constant dense<2147483647> : vector<256xi32>
    %reduce_min3A_126 = vector.multi_reduction <minsi>, %select_n3A_124, %reduce_min3A_125 [1] : vector<256x2048xi32> to vector<256xi32>
    %broadcast_in_dim3A_127 = vector.shape_cast %reduce_min3A_126 : vector<256xi32> to vector<256x1xi32>
    %add3A_128 = vector.broadcast %mul3A_23 : i32 to vector<256x1xi32>
    %add3A_129 = arith.addi %broadcast_in_dim3A_127, %add3A_128 : vector<256x1xi32>
    %add3A_130 = arith.addi %add3A_129, %mul3A_44 : vector<256x1xi32>
    %squeeze3A_131 = vector.shape_cast %add3A_130 : vector<256x1xi32> to vector<256xi32>
    %swap3A_132 = arith.constant 3 : index
    %swap3A_133 = arith.constant 0 : index
    %swap3A_134 = vector.load %arg4[%swap3A_132, %swap3A_133] : memref<16x256xi32, #tpu.memory_space<vmem>>, vector<1x256xi32>
    %swap3A_135 = vector.shape_cast %swap3A_134 : vector<1x256xi32> to vector<256xi32>
    %swap3A_136 = vector.shape_cast %squeeze3A_131 : vector<256xi32> to vector<1x256xi32>
    tpu.vector_store %arg4[%swap3A_132, %swap3A_133], %swap3A_136 {strides = array<i32>} : memref<16x256xi32, #tpu.memory_space<vmem>>, vector<1x256xi32>,
    %eq3A_137 = vector.broadcast %broadcast_in_dim3A_127 : vector<256x1xi32> to vector<256x2048xi32>
    %eq3A_138 = arith.cmpi eq, %iota3A, %eq3A_137 : vector<256x2048xi32>
    %jit3A_139 = arith.constant 0x7F800000 : f32
    %broadcast_in_dim3A_140 = vector.broadcast %jit3A_139 : f32 to vector<256x2048xf32>
    %select_n3A_141 = arith.select %eq3A_138, %broadcast_in_dim3A_140, %select_n3A_116 : vector<256x2048xi1>, vector<256x2048xf32>
    %reduce_min3A_142 = arith.constant dense<0x7F800000> : vector<256xf32>
    %reduce_min3A_143 = vector.multi_reduction <minimumf>, %select_n3A_141, %reduce_min3A_142 [1] : vector<256x2048xf32> to vector<256xf32>
    %broadcast_in_dim3A_144 = vector.shape_cast %reduce_min3A_143 : vector<256xf32> to vector<256x1xf32>
    %eq3A_145 = vector.broadcast %broadcast_in_dim3A_144 : vector<256x1xf32> to vector<256x2048xf32>
    %eq3A_146 = arith.cmpf oeq, %select_n3A_141, %eq3A_145 : vector<256x2048xf32>
    %jit3A_147 = arith.constant 2048 : i32
    %broadcast_in_dim3A_148 = vector.broadcast %jit3A_147 : i32 to vector<256x2048xi32>
    %select_n3A_149 = arith.select %eq3A_146, %iota3A, %broadcast_in_dim3A_148 : vector<256x2048xi1>, vector<256x2048xi32>
    %reduce_min3A_150 = arith.constant dense<2147483647> : vector<256xi32>
    %reduce_min3A_151 = vector.multi_reduction <minsi>, %select_n3A_149, %reduce_min3A_150 [1] : vector<256x2048xi32> to vector<256xi32>
    %broadcast_in_dim3A_152 = vector.shape_cast %reduce_min3A_151 : vector<256xi32> to vector<256x1xi32>
    %add3A_153 = vector.broadcast %mul3A_23 : i32 to vector<256x1xi32>
    %add3A_154 = arith.addi %broadcast_in_dim3A_152, %add3A_153 : vector<256x1xi32>
    %add3A_155 = arith.addi %add3A_154, %mul3A_44 : vector<256x1xi32>
    %squeeze3A_156 = vector.shape_cast %add3A_155 : vector<256x1xi32> to vector<256xi32>
    %swap3A_157 = arith.constant 4 : index
    %swap3A_158 = arith.constant 0 : index
    %swap3A_159 = vector.load %arg4[%swap3A_157, %swap3A_158] : memref<16x256xi32, #tpu.memory_space<vmem>>, vector<1x256xi32>
    %swap3A_160 = vector.shape_cast %swap3A_159 : vector<1x256xi32> to vector<256xi32>
    %swap3A_161 = vector.shape_cast %squeeze3A_156 : vector<256xi32> to vector<1x256xi32>
    tpu.vector_store %arg4[%swap3A_157, %swap3A_158], %swap3A_161 {strides = array<i32>} : memref<16x256xi32, #tpu.memory_space<vmem>>, vector<1x256xi32>,
    %eq3A_162 = vector.broadcast %broadcast_in_dim3A_152 : vector<256x1xi32> to vector<256x2048xi32>
    %eq3A_163 = arith.cmpi eq, %iota3A, %eq3A_162 : vector<256x2048xi32>
    %jit3A_164 = arith.constant 0x7F800000 : f32
    %broadcast_in_dim3A_165 = vector.broadcast %jit3A_164 : f32 to vector<256x2048xf32>
    %select_n3A_166 = arith.select %eq3A_163, %broadcast_in_dim3A_165, %select_n3A_141 : vector<256x2048xi1>, vector<256x2048xf32>
    %reduce_min3A_167 = arith.constant dense<0x7F800000> : vector<256xf32>
    %reduce_min3A_168 = vector.multi_reduction <minimumf>, %select_n3A_166, %reduce_min3A_167 [1] : vector<256x2048xf32> to vector<256xf32>
    %broadcast_in_dim3A_169 = vector.shape_cast %reduce_min3A_168 : vector<256xf32> to vector<256x1xf32>
    %eq3A_170 = vector.broadcast %broadcast_in_dim3A_169 : vector<256x1xf32> to vector<256x2048xf32>
    %eq3A_171 = arith.cmpf oeq, %select_n3A_166, %eq3A_170 : vector<256x2048xf32>
    %jit3A_172 = arith.constant 2048 : i32
    %broadcast_in_dim3A_173 = vector.broadcast %jit3A_172 : i32 to vector<256x2048xi32>
    %select_n3A_174 = arith.select %eq3A_171, %iota3A, %broadcast_in_dim3A_173 : vector<256x2048xi1>, vector<256x2048xi32>
    %reduce_min3A_175 = arith.constant dense<2147483647> : vector<256xi32>
    %reduce_min3A_176 = vector.multi_reduction <minsi>, %select_n3A_174, %reduce_min3A_175 [1] : vector<256x2048xi32> to vector<256xi32>
    %broadcast_in_dim3A_177 = vector.shape_cast %reduce_min3A_176 : vector<256xi32> to vector<256x1xi32>
    %add3A_178 = vector.broadcast %mul3A_23 : i32 to vector<256x1xi32>
    %add3A_179 = arith.addi %broadcast_in_dim3A_177, %add3A_178 : vector<256x1xi32>
    %add3A_180 = arith.addi %add3A_179, %mul3A_44 : vector<256x1xi32>
    %squeeze3A_181 = vector.shape_cast %add3A_180 : vector<256x1xi32> to vector<256xi32>
    %swap3A_182 = arith.constant 5 : index
    %swap3A_183 = arith.constant 0 : index
    %swap3A_184 = vector.load %arg4[%swap3A_182, %swap3A_183] : memref<16x256xi32, #tpu.memory_space<vmem>>, vector<1x256xi32>
    %swap3A_185 = vector.shape_cast %swap3A_184 : vector<1x256xi32> to vector<256xi32>
    %swap3A_186 = vector.shape_cast %squeeze3A_181 : vector<256xi32> to vector<1x256xi32>
    tpu.vector_store %arg4[%swap3A_182, %swap3A_183], %swap3A_186 {strides = array<i32>} : memref<16x256xi32, #tpu.memory_space<vmem>>, vector<1x256xi32>,
    %eq3A_187 = vector.broadcast %broadcast_in_dim3A_177 : vector<256x1xi32> to vector<256x2048xi32>
    %eq3A_188 = arith.cmpi eq, %iota3A, %eq3A_187 : vector<256x2048xi32>
    %jit3A_189 = arith.constant 0x7F800000 : f32
    %broadcast_in_dim3A_190 = vector.broadcast %jit3A_189 : f32 to vector<256x2048xf32>
    %select_n3A_191 = arith.select %eq3A_188, %broadcast_in_dim3A_190, %select_n3A_166 : vector<256x2048xi1>, vector<256x2048xf32>
    %reduce_min3A_192 = arith.constant dense<0x7F800000> : vector<256xf32>
    %reduce_min3A_193 = vector.multi_reduction <minimumf>, %select_n3A_191, %reduce_min3A_192 [1] : vector<256x2048xf32> to vector<256xf32>
    %broadcast_in_dim3A_194 = vector.shape_cast %reduce_min3A_193 : vector<256xf32> to vector<256x1xf32>
    %eq3A_195 = vector.broadcast %broadcast_in_dim3A_194 : vector<256x1xf32> to vector<256x2048xf32>
    %eq3A_196 = arith.cmpf oeq, %select_n3A_191, %eq3A_195 : vector<256x2048xf32>
    %jit3A_197 = arith.constant 2048 : i32
    %broadcast_in_dim3A_198 = vector.broadcast %jit3A_197 : i32 to vector<256x2048xi32>
    %select_n3A_199 = arith.select %eq3A_196, %iota3A, %broadcast_in_dim3A_198 : vector<256x2048xi1>, vector<256x2048xi32>
    %reduce_min3A_200 = arith.constant dense<2147483647> : vector<256xi32>
    %reduce_min3A_201 = vector.multi_reduction <minsi>, %select_n3A_199, %reduce_min3A_200 [1] : vector<256x2048xi32> to vector<256xi32>
    %broadcast_in_dim3A_202 = vector.shape_cast %reduce_min3A_201 : vector<256xi32> to vector<256x1xi32>
    %add3A_203 = vector.broadcast %mul3A_23 : i32 to vector<256x1xi32>
    %add3A_204 = arith.addi %broadcast_in_dim3A_202, %add3A_203 : vector<256x1xi32>
    %add3A_205 = arith.addi %add3A_204, %mul3A_44 : vector<256x1xi32>
    %squeeze3A_206 = vector.shape_cast %add3A_205 : vector<256x1xi32> to vector<256xi32>
    %swap3A_207 = arith.constant 6 : index
    %swap3A_208 = arith.constant 0 : index
    %swap3A_209 = vector.load %arg4[%swap3A_207, %swap3A_208] : memref<16x256xi32, #tpu.memory_space<vmem>>, vector<1x256xi32>
    %swap3A_210 = vector.shape_cast %swap3A_209 : vector<1x256xi32> to vector<256xi32>
    %swap3A_211 = vector.shape_cast %squeeze3A_206 : vector<256xi32> to vector<1x256xi32>
    tpu.vector_store %arg4[%swap3A_207, %swap3A_208], %swap3A_211 {strides = array<i32>} : memref<16x256xi32, #tpu.memory_space<vmem>>, vector<1x256xi32>,
    %eq3A_212 = vector.broadcast %broadcast_in_dim3A_202 : vector<256x1xi32> to vector<256x2048xi32>
    %eq3A_213 = arith.cmpi eq, %iota3A, %eq3A_212 : vector<256x2048xi32>
    %jit3A_214 = arith.constant 0x7F800000 : f32
    %broadcast_in_dim3A_215 = vector.broadcast %jit3A_214 : f32 to vector<256x2048xf32>
    %select_n3A_216 = arith.select %eq3A_213, %broadcast_in_dim3A_215, %select_n3A_191 : vector<256x2048xi1>, vector<256x2048xf32>
    %reduce_min3A_217 = arith.constant dense<0x7F800000> : vector<256xf32>
    %reduce_min3A_218 = vector.multi_reduction <minimumf>, %select_n3A_216, %reduce_min3A_217 [1] : vector<256x2048xf32> to vector<256xf32>
    %broadcast_in_dim3A_219 = vector.shape_cast %reduce_min3A_218 : vector<256xf32> to vector<256x1xf32>
    %eq3A_220 = vector.broadcast %broadcast_in_dim3A_219 : vector<256x1xf32> to vector<256x2048xf32>
    %eq3A_221 = arith.cmpf oeq, %select_n3A_216, %eq3A_220 : vector<256x2048xf32>
    %jit3A_222 = arith.constant 2048 : i32
    %broadcast_in_dim3A_223 = vector.broadcast %jit3A_222 : i32 to vector<256x2048xi32>
    %select_n3A_224 = arith.select %eq3A_221, %iota3A, %broadcast_in_dim3A_223 : vector<256x2048xi1>, vector<256x2048xi32>
    %reduce_min3A_225 = arith.constant dense<2147483647> : vector<256xi32>
    %reduce_min3A_226 = vector.multi_reduction <minsi>, %select_n3A_224, %reduce_min3A_225 [1] : vector<256x2048xi32> to vector<256xi32>
    %broadcast_in_dim3A_227 = vector.shape_cast %reduce_min3A_226 : vector<256xi32> to vector<256x1xi32>
    %add3A_228 = vector.broadcast %mul3A_23 : i32 to vector<256x1xi32>
    %add3A_229 = arith.addi %broadcast_in_dim3A_227, %add3A_228 : vector<256x1xi32>
    %add3A_230 = arith.addi %add3A_229, %mul3A_44 : vector<256x1xi32>
    %squeeze3A_231 = vector.shape_cast %add3A_230 : vector<256x1xi32> to vector<256xi32>
    %swap3A_232 = arith.constant 7 : index
    %swap3A_233 = arith.constant 0 : index
    %swap3A_234 = vector.load %arg4[%swap3A_232, %swap3A_233] : memref<16x256xi32, #tpu.memory_space<vmem>>, vector<1x256xi32>
    %swap3A_235 = vector.shape_cast %swap3A_234 : vector<1x256xi32> to vector<256xi32>
    %swap3A_236 = vector.shape_cast %squeeze3A_231 : vector<256xi32> to vector<1x256xi32>
    tpu.vector_store %arg4[%swap3A_232, %swap3A_233], %swap3A_236 {strides = array<i32>} : memref<16x256xi32, #tpu.memory_space<vmem>>, vector<1x256xi32>,
    %eq3A_237 = vector.broadcast %broadcast_in_dim3A_227 : vector<256x1xi32> to vector<256x2048xi32>
    %eq3A_238 = arith.cmpi eq, %iota3A, %eq3A_237 : vector<256x2048xi32>
    %jit3A_239 = arith.constant 0x7F800000 : f32
    %broadcast_in_dim3A_240 = vector.broadcast %jit3A_239 : f32 to vector<256x2048xf32>
    %select_n3A_241 = arith.select %eq3A_238, %broadcast_in_dim3A_240, %select_n3A_216 : vector<256x2048xi1>, vector<256x2048xf32>
    %reduce_min3A_242 = arith.constant dense<0x7F800000> : vector<256xf32>
    %reduce_min3A_243 = vector.multi_reduction <minimumf>, %select_n3A_241, %reduce_min3A_242 [1] : vector<256x2048xf32> to vector<256xf32>
    %broadcast_in_dim3A_244 = vector.shape_cast %reduce_min3A_243 : vector<256xf32> to vector<256x1xf32>
    %eq3A_245 = vector.broadcast %broadcast_in_dim3A_244 : vector<256x1xf32> to vector<256x2048xf32>
    %eq3A_246 = arith.cmpf oeq, %select_n3A_241, %eq3A_245 : vector<256x2048xf32>
    %jit3A_247 = arith.constant 2048 : i32
    %broadcast_in_dim3A_248 = vector.broadcast %jit3A_247 : i32 to vector<256x2048xi32>
    %select_n3A_249 = arith.select %eq3A_246, %iota3A, %broadcast_in_dim3A_248 : vector<256x2048xi1>, vector<256x2048xi32>
    %reduce_min3A_250 = arith.constant dense<2147483647> : vector<256xi32>
    %reduce_min3A_251 = vector.multi_reduction <minsi>, %select_n3A_249, %reduce_min3A_250 [1] : vector<256x2048xi32> to vector<256xi32>
    %broadcast_in_dim3A_252 = vector.shape_cast %reduce_min3A_251 : vector<256xi32> to vector<256x1xi32>
    %add3A_253 = vector.broadcast %mul3A_23 : i32 to vector<256x1xi32>
    %add3A_254 = arith.addi %broadcast_in_dim3A_252, %add3A_253 : vector<256x1xi32>
    %add3A_255 = arith.addi %add3A_254, %mul3A_44 : vector<256x1xi32>
    %squeeze3A_256 = vector.shape_cast %add3A_255 : vector<256x1xi32> to vector<256xi32>
    %swap3A_257 = arith.constant 8 : index
    %swap3A_258 = arith.constant 0 : index
    %swap3A_259 = vector.load %arg4[%swap3A_257, %swap3A_258] : memref<16x256xi32, #tpu.memory_space<vmem>>, vector<1x256xi32>
    %swap3A_260 = vector.shape_cast %swap3A_259 : vector<1x256xi32> to vector<256xi32>
    %swap3A_261 = vector.shape_cast %squeeze3A_256 : vector<256xi32> to vector<1x256xi32>
    tpu.vector_store %arg4[%swap3A_257, %swap3A_258], %swap3A_261 {strides = array<i32>} : memref<16x256xi32, #tpu.memory_space<vmem>>, vector<1x256xi32>,
    %eq3A_262 = vector.broadcast %broadcast_in_dim3A_252 : vector<256x1xi32> to vector<256x2048xi32>
    %eq3A_263 = arith.cmpi eq, %iota3A, %eq3A_262 : vector<256x2048xi32>
    %jit3A_264 = arith.constant 0x7F800000 : f32
    %broadcast_in_dim3A_265 = vector.broadcast %jit3A_264 : f32 to vector<256x2048xf32>
    %select_n3A_266 = arith.select %eq3A_263, %broadcast_in_dim3A_265, %select_n3A_241 : vector<256x2048xi1>, vector<256x2048xf32>
    %reduce_min3A_267 = arith.constant dense<0x7F800000> : vector<256xf32>
    %reduce_min3A_268 = vector.multi_reduction <minimumf>, %select_n3A_266, %reduce_min3A_267 [1] : vector<256x2048xf32> to vector<256xf32>
    %broadcast_in_dim3A_269 = vector.shape_cast %reduce_min3A_268 : vector<256xf32> to vector<256x1xf32>
    %eq3A_270 = vector.broadcast %broadcast_in_dim3A_269 : vector<256x1xf32> to vector<256x2048xf32>
    %eq3A_271 = arith.cmpf oeq, %select_n3A_266, %eq3A_270 : vector<256x2048xf32>
    %jit3A_272 = arith.constant 2048 : i32
    %broadcast_in_dim3A_273 = vector.broadcast %jit3A_272 : i32 to vector<256x2048xi32>
    %select_n3A_274 = arith.select %eq3A_271, %iota3A, %broadcast_in_dim3A_273 : vector<256x2048xi1>, vector<256x2048xi32>
    %reduce_min3A_275 = arith.constant dense<2147483647> : vector<256xi32>
    %reduce_min3A_276 = vector.multi_reduction <minsi>, %select_n3A_274, %reduce_min3A_275 [1] : vector<256x2048xi32> to vector<256xi32>
    %broadcast_in_dim3A_277 = vector.shape_cast %reduce_min3A_276 : vector<256xi32> to vector<256x1xi32>
    %add3A_278 = vector.broadcast %mul3A_23 : i32 to vector<256x1xi32>
    %add3A_279 = arith.addi %broadcast_in_dim3A_277, %add3A_278 : vector<256x1xi32>
    %add3A_280 = arith.addi %add3A_279, %mul3A_44 : vector<256x1xi32>
    %squeeze3A_281 = vector.shape_cast %add3A_280 : vector<256x1xi32> to vector<256xi32>
    %swap3A_282 = arith.constant 9 : index
    %swap3A_283 = arith.constant 0 : index
    %swap3A_284 = vector.load %arg4[%swap3A_282, %swap3A_283] : memref<16x256xi32, #tpu.memory_space<vmem>>, vector<1x256xi32>
    %swap3A_285 = vector.shape_cast %swap3A_284 : vector<1x256xi32> to vector<256xi32>
    %swap3A_286 = vector.shape_cast %squeeze3A_281 : vector<256xi32> to vector<1x256xi32>
    tpu.vector_store %arg4[%swap3A_282, %swap3A_283], %swap3A_286 {strides = array<i32>} : memref<16x256xi32, #tpu.memory_space<vmem>>, vector<1x256xi32>,
    %eq3A_287 = vector.broadcast %broadcast_in_dim3A_277 : vector<256x1xi32> to vector<256x2048xi32>
    %eq3A_288 = arith.cmpi eq, %iota3A, %eq3A_287 : vector<256x2048xi32>
    %jit3A_289 = arith.constant 0x7F800000 : f32
    %broadcast_in_dim3A_290 = vector.broadcast %jit3A_289 : f32 to vector<256x2048xf32>
    %select_n3A_291 = arith.select %eq3A_288, %broadcast_in_dim3A_290, %select_n3A_266 : vector<256x2048xi1>, vector<256x2048xf32>
    %reduce_min3A_292 = arith.constant dense<0x7F800000> : vector<256xf32>
    %reduce_min3A_293 = vector.multi_reduction <minimumf>, %select_n3A_291, %reduce_min3A_292 [1] : vector<256x2048xf32> to vector<256xf32>
    %broadcast_in_dim3A_294 = vector.shape_cast %reduce_min3A_293 : vector<256xf32> to vector<256x1xf32>
    %eq3A_295 = vector.broadcast %broadcast_in_dim3A_294 : vector<256x1xf32> to vector<256x2048xf32>
    %eq3A_296 = arith.cmpf oeq, %select_n3A_291, %eq3A_295 : vector<256x2048xf32>
    %jit3A_297 = arith.constant 2048 : i32
    %broadcast_in_dim3A_298 = vector.broadcast %jit3A_297 : i32 to vector<256x2048xi32>
    %select_n3A_299 = arith.select %eq3A_296, %iota3A, %broadcast_in_dim3A_298 : vector<256x2048xi1>, vector<256x2048xi32>
    %reduce_min3A_300 = arith.constant dense<2147483647> : vector<256xi32>
    %reduce_min3A_301 = vector.multi_reduction <minsi>, %select_n3A_299, %reduce_min3A_300 [1] : vector<256x2048xi32> to vector<256xi32>
    %broadcast_in_dim3A_302 = vector.shape_cast %reduce_min3A_301 : vector<256xi32> to vector<256x1xi32>
    %add3A_303 = vector.broadcast %mul3A_23 : i32 to vector<256x1xi32>
    %add3A_304 = arith.addi %broadcast_in_dim3A_302, %add3A_303 : vector<256x1xi32>
    %add3A_305 = arith.addi %add3A_304, %mul3A_44 : vector<256x1xi32>
    %squeeze3A_306 = vector.shape_cast %add3A_305 : vector<256x1xi32> to vector<256xi32>
    %swap3A_307 = arith.constant 10 : index
    %swap3A_308 = arith.constant 0 : index
    %swap3A_309 = vector.load %arg4[%swap3A_307, %swap3A_308] : memref<16x256xi32, #tpu.memory_space<vmem>>, vector<1x256xi32>
    %swap3A_310 = vector.shape_cast %swap3A_309 : vector<1x256xi32> to vector<256xi32>
    %swap3A_311 = vector.shape_cast %squeeze3A_306 : vector<256xi32> to vector<1x256xi32>
    tpu.vector_store %arg4[%swap3A_307, %swap3A_308], %swap3A_311 {strides = array<i32>} : memref<16x256xi32, #tpu.memory_space<vmem>>, vector<1x256xi32>,
    %eq3A_312 = vector.broadcast %broadcast_in_dim3A_302 : vector<256x1xi32> to vector<256x2048xi32>
    %eq3A_313 = arith.cmpi eq, %iota3A, %eq3A_312 : vector<256x2048xi32>
    %jit3A_314 = arith.constant 0x7F800000 : f32
    %broadcast_in_dim3A_315 = vector.broadcast %jit3A_314 : f32 to vector<256x2048xf32>
    %select_n3A_316 = arith.select %eq3A_313, %broadcast_in_dim3A_315, %select_n3A_291 : vector<256x2048xi1>, vector<256x2048xf32>
    %reduce_min3A_317 = arith.constant dense<0x7F800000> : vector<256xf32>
    %reduce_min3A_318 = vector.multi_reduction <minimumf>, %select_n3A_316, %reduce_min3A_317 [1] : vector<256x2048xf32> to vector<256xf32>
    %broadcast_in_dim3A_319 = vector.shape_cast %reduce_min3A_318 : vector<256xf32> to vector<256x1xf32>
    %eq3A_320 = vector.broadcast %broadcast_in_dim3A_319 : vector<256x1xf32> to vector<256x2048xf32>
    %eq3A_321 = arith.cmpf oeq, %select_n3A_316, %eq3A_320 : vector<256x2048xf32>
    %jit3A_322 = arith.constant 2048 : i32
    %broadcast_in_dim3A_323 = vector.broadcast %jit3A_322 : i32 to vector<256x2048xi32>
    %select_n3A_324 = arith.select %eq3A_321, %iota3A, %broadcast_in_dim3A_323 : vector<256x2048xi1>, vector<256x2048xi32>
    %reduce_min3A_325 = arith.constant dense<2147483647> : vector<256xi32>
    %reduce_min3A_326 = vector.multi_reduction <minsi>, %select_n3A_324, %reduce_min3A_325 [1] : vector<256x2048xi32> to vector<256xi32>
    %broadcast_in_dim3A_327 = vector.shape_cast %reduce_min3A_326 : vector<256xi32> to vector<256x1xi32>
    %add3A_328 = vector.broadcast %mul3A_23 : i32 to vector<256x1xi32>
    %add3A_329 = arith.addi %broadcast_in_dim3A_327, %add3A_328 : vector<256x1xi32>
    %add3A_330 = arith.addi %add3A_329, %mul3A_44 : vector<256x1xi32>
    %squeeze3A_331 = vector.shape_cast %add3A_330 : vector<256x1xi32> to vector<256xi32>
    %swap3A_332 = arith.constant 11 : index
    %swap3A_333 = arith.constant 0 : index
    %swap3A_334 = vector.load %arg4[%swap3A_332, %swap3A_333] : memref<16x256xi32, #tpu.memory_space<vmem>>, vector<1x256xi32>
    %swap3A_335 = vector.shape_cast %swap3A_334 : vector<1x256xi32> to vector<256xi32>
    %swap3A_336 = vector.shape_cast %squeeze3A_331 : vector<256xi32> to vector<1x256xi32>
    tpu.vector_store %arg4[%swap3A_332, %swap3A_333], %swap3A_336 {strides = array<i32>} : memref<16x256xi32, #tpu.memory_space<vmem>>, vector<1x256xi32>,
    %eq3A_337 = vector.broadcast %broadcast_in_dim3A_327 : vector<256x1xi32> to vector<256x2048xi32>
    %eq3A_338 = arith.cmpi eq, %iota3A, %eq3A_337 : vector<256x2048xi32>
    %jit3A_339 = arith.constant 0x7F800000 : f32
    %broadcast_in_dim3A_340 = vector.broadcast %jit3A_339 : f32 to vector<256x2048xf32>
    %select_n3A_341 = arith.select %eq3A_338, %broadcast_in_dim3A_340, %select_n3A_316 : vector<256x2048xi1>, vector<256x2048xf32>
    %reduce_min3A_342 = arith.constant dense<0x7F800000> : vector<256xf32>
    %reduce_min3A_343 = vector.multi_reduction <minimumf>, %select_n3A_341, %reduce_min3A_342 [1] : vector<256x2048xf32> to vector<256xf32>
    %broadcast_in_dim3A_344 = vector.shape_cast %reduce_min3A_343 : vector<256xf32> to vector<256x1xf32>
    %eq3A_345 = vector.broadcast %broadcast_in_dim3A_344 : vector<256x1xf32> to vector<256x2048xf32>
    %eq3A_346 = arith.cmpf oeq, %select_n3A_341, %eq3A_345 : vector<256x2048xf32>
    %jit3A_347 = arith.constant 2048 : i32
    %broadcast_in_dim3A_348 = vector.broadcast %jit3A_347 : i32 to vector<256x2048xi32>
    %select_n3A_349 = arith.select %eq3A_346, %iota3A, %broadcast_in_dim3A_348 : vector<256x2048xi1>, vector<256x2048xi32>
    %reduce_min3A_350 = arith.constant dense<2147483647> : vector<256xi32>
    %reduce_min3A_351 = vector.multi_reduction <minsi>, %select_n3A_349, %reduce_min3A_350 [1] : vector<256x2048xi32> to vector<256xi32>
    %broadcast_in_dim3A_352 = vector.shape_cast %reduce_min3A_351 : vector<256xi32> to vector<256x1xi32>
    %add3A_353 = vector.broadcast %mul3A_23 : i32 to vector<256x1xi32>
    %add3A_354 = arith.addi %broadcast_in_dim3A_352, %add3A_353 : vector<256x1xi32>
    %add3A_355 = arith.addi %add3A_354, %mul3A_44 : vector<256x1xi32>
    %squeeze3A_356 = vector.shape_cast %add3A_355 : vector<256x1xi32> to vector<256xi32>
    %swap3A_357 = arith.constant 12 : index
    %swap3A_358 = arith.constant 0 : index
    %swap3A_359 = vector.load %arg4[%swap3A_357, %swap3A_358] : memref<16x256xi32, #tpu.memory_space<vmem>>, vector<1x256xi32>
    %swap3A_360 = vector.shape_cast %swap3A_359 : vector<1x256xi32> to vector<256xi32>
    %swap3A_361 = vector.shape_cast %squeeze3A_356 : vector<256xi32> to vector<1x256xi32>
    tpu.vector_store %arg4[%swap3A_357, %swap3A_358], %swap3A_361 {strides = array<i32>} : memref<16x256xi32, #tpu.memory_space<vmem>>, vector<1x256xi32>,
    %eq3A_362 = vector.broadcast %broadcast_in_dim3A_352 : vector<256x1xi32> to vector<256x2048xi32>
    %eq3A_363 = arith.cmpi eq, %iota3A, %eq3A_362 : vector<256x2048xi32>
    %jit3A_364 = arith.constant 0x7F800000 : f32
    %broadcast_in_dim3A_365 = vector.broadcast %jit3A_364 : f32 to vector<256x2048xf32>
    %select_n3A_366 = arith.select %eq3A_363, %broadcast_in_dim3A_365, %select_n3A_341 : vector<256x2048xi1>, vector<256x2048xf32>
    %reduce_min3A_367 = arith.constant dense<0x7F800000> : vector<256xf32>
    %reduce_min3A_368 = vector.multi_reduction <minimumf>, %select_n3A_366, %reduce_min3A_367 [1] : vector<256x2048xf32> to vector<256xf32>
    %broadcast_in_dim3A_369 = vector.shape_cast %reduce_min3A_368 : vector<256xf32> to vector<256x1xf32>
    %eq3A_370 = vector.broadcast %broadcast_in_dim3A_369 : vector<256x1xf32> to vector<256x2048xf32>
    %eq3A_371 = arith.cmpf oeq, %select_n3A_366, %eq3A_370 : vector<256x2048xf32>
    %jit3A_372 = arith.constant 2048 : i32
    %broadcast_in_dim3A_373 = vector.broadcast %jit3A_372 : i32 to vector<256x2048xi32>
    %select_n3A_374 = arith.select %eq3A_371, %iota3A, %broadcast_in_dim3A_373 : vector<256x2048xi1>, vector<256x2048xi32>
    %reduce_min3A_375 = arith.constant dense<2147483647> : vector<256xi32>
    %reduce_min3A_376 = vector.multi_reduction <minsi>, %select_n3A_374, %reduce_min3A_375 [1] : vector<256x2048xi32> to vector<256xi32>
    %broadcast_in_dim3A_377 = vector.shape_cast %reduce_min3A_376 : vector<256xi32> to vector<256x1xi32>
    %add3A_378 = vector.broadcast %mul3A_23 : i32 to vector<256x1xi32>
    %add3A_379 = arith.addi %broadcast_in_dim3A_377, %add3A_378 : vector<256x1xi32>
    %add3A_380 = arith.addi %add3A_379, %mul3A_44 : vector<256x1xi32>
    %squeeze3A_381 = vector.shape_cast %add3A_380 : vector<256x1xi32> to vector<256xi32>
    %swap3A_382 = arith.constant 13 : index
    %swap3A_383 = arith.constant 0 : index
    %swap3A_384 = vector.load %arg4[%swap3A_382, %swap3A_383] : memref<16x256xi32, #tpu.memory_space<vmem>>, vector<1x256xi32>
    %swap3A_385 = vector.shape_cast %swap3A_384 : vector<1x256xi32> to vector<256xi32>
    %swap3A_386 = vector.shape_cast %squeeze3A_381 : vector<256xi32> to vector<1x256xi32>
    tpu.vector_store %arg4[%swap3A_382, %swap3A_383], %swap3A_386 {strides = array<i32>} : memref<16x256xi32, #tpu.memory_space<vmem>>, vector<1x256xi32>,
    %eq3A_387 = vector.broadcast %broadcast_in_dim3A_377 : vector<256x1xi32> to vector<256x2048xi32>
    %eq3A_388 = arith.cmpi eq, %iota3A, %eq3A_387 : vector<256x2048xi32>
    %jit3A_389 = arith.constant 0x7F800000 : f32
    %broadcast_in_dim3A_390 = vector.broadcast %jit3A_389 : f32 to vector<256x2048xf32>
    %select_n3A_391 = arith.select %eq3A_388, %broadcast_in_dim3A_390, %select_n3A_366 : vector<256x2048xi1>, vector<256x2048xf32>
    %reduce_min3A_392 = arith.constant dense<0x7F800000> : vector<256xf32>
    %reduce_min3A_393 = vector.multi_reduction <minimumf>, %select_n3A_391, %reduce_min3A_392 [1] : vector<256x2048xf32> to vector<256xf32>
    %broadcast_in_dim3A_394 = vector.shape_cast %reduce_min3A_393 : vector<256xf32> to vector<256x1xf32>
    %eq3A_395 = vector.broadcast %broadcast_in_dim3A_394 : vector<256x1xf32> to vector<256x2048xf32>
    %eq3A_396 = arith.cmpf oeq, %select_n3A_391, %eq3A_395 : vector<256x2048xf32>
    %jit3A_397 = arith.constant 2048 : i32
    %broadcast_in_dim3A_398 = vector.broadcast %jit3A_397 : i32 to vector<256x2048xi32>
    %select_n3A_399 = arith.select %eq3A_396, %iota3A, %broadcast_in_dim3A_398 : vector<256x2048xi1>, vector<256x2048xi32>
    %reduce_min3A_400 = arith.constant dense<2147483647> : vector<256xi32>
    %reduce_min3A_401 = vector.multi_reduction <minsi>, %select_n3A_399, %reduce_min3A_400 [1] : vector<256x2048xi32> to vector<256xi32>
    %broadcast_in_dim3A_402 = vector.shape_cast %reduce_min3A_401 : vector<256xi32> to vector<256x1xi32>
    %add3A_403 = vector.broadcast %mul3A_23 : i32 to vector<256x1xi32>
    %add3A_404 = arith.addi %broadcast_in_dim3A_402, %add3A_403 : vector<256x1xi32>
    %add3A_405 = arith.addi %add3A_404, %mul3A_44 : vector<256x1xi32>
    %squeeze3A_406 = vector.shape_cast %add3A_405 : vector<256x1xi32> to vector<256xi32>
    %swap3A_407 = arith.constant 14 : index
    %swap3A_408 = arith.constant 0 : index
    %swap3A_409 = vector.load %arg4[%swap3A_407, %swap3A_408] : memref<16x256xi32, #tpu.memory_space<vmem>>, vector<1x256xi32>
    %swap3A_410 = vector.shape_cast %swap3A_409 : vector<1x256xi32> to vector<256xi32>
    %swap3A_411 = vector.shape_cast %squeeze3A_406 : vector<256xi32> to vector<1x256xi32>
    tpu.vector_store %arg4[%swap3A_407, %swap3A_408], %swap3A_411 {strides = array<i32>} : memref<16x256xi32, #tpu.memory_space<vmem>>, vector<1x256xi32>,
    %eq3A_412 = vector.broadcast %broadcast_in_dim3A_402 : vector<256x1xi32> to vector<256x2048xi32>
    %eq3A_413 = arith.cmpi eq, %iota3A, %eq3A_412 : vector<256x2048xi32>
    %jit3A_414 = arith.constant 0x7F800000 : f32
    %broadcast_in_dim3A_415 = vector.broadcast %jit3A_414 : f32 to vector<256x2048xf32>
    %select_n3A_416 = arith.select %eq3A_413, %broadcast_in_dim3A_415, %select_n3A_391 : vector<256x2048xi1>, vector<256x2048xf32>
    %reduce_min3A_417 = arith.constant dense<0x7F800000> : vector<256xf32>
    %reduce_min3A_418 = vector.multi_reduction <minimumf>, %select_n3A_416, %reduce_min3A_417 [1] : vector<256x2048xf32> to vector<256xf32>
    %broadcast_in_dim3A_419 = vector.shape_cast %reduce_min3A_418 : vector<256xf32> to vector<256x1xf32>
    %eq3A_420 = vector.broadcast %broadcast_in_dim3A_419 : vector<256x1xf32> to vector<256x2048xf32>
    %eq3A_421 = arith.cmpf oeq, %select_n3A_416, %eq3A_420 : vector<256x2048xf32>
    %jit3A_422 = arith.constant 2048 : i32
    %broadcast_in_dim3A_423 = vector.broadcast %jit3A_422 : i32 to vector<256x2048xi32>
    %select_n3A_424 = arith.select %eq3A_421, %iota3A, %broadcast_in_dim3A_423 : vector<256x2048xi1>, vector<256x2048xi32>
    %reduce_min3A_425 = arith.constant dense<2147483647> : vector<256xi32>
    %reduce_min3A_426 = vector.multi_reduction <minsi>, %select_n3A_424, %reduce_min3A_425 [1] : vector<256x2048xi32> to vector<256xi32>
    %broadcast_in_dim3A_427 = vector.shape_cast %reduce_min3A_426 : vector<256xi32> to vector<256x1xi32>
    %add3A_428 = vector.broadcast %mul3A_23 : i32 to vector<256x1xi32>
    %add3A_429 = arith.addi %broadcast_in_dim3A_427, %add3A_428 : vector<256x1xi32>
    %add3A_430 = arith.addi %add3A_429, %mul3A_44 : vector<256x1xi32>
    %squeeze3A_431 = vector.shape_cast %add3A_430 : vector<256x1xi32> to vector<256xi32>
    %swap3A_432 = arith.constant 15 : index
    %swap3A_433 = arith.constant 0 : index
    %swap3A_434 = vector.load %arg4[%swap3A_432, %swap3A_433] : memref<16x256xi32, #tpu.memory_space<vmem>>, vector<1x256xi32>
    %swap3A_435 = vector.shape_cast %swap3A_434 : vector<1x256xi32> to vector<256xi32>
    %swap3A_436 = vector.shape_cast %squeeze3A_431 : vector<256xi32> to vector<1x256xi32>
    tpu.vector_store %arg4[%swap3A_432, %swap3A_433], %swap3A_436 {strides = array<i32>} : memref<16x256xi32, #tpu.memory_space<vmem>>, vector<1x256xi32>,
    return
  }
  func.func @transform_0(%arg0: i32, %arg1: i32) -> (i32, i32, i32) {
    %c0_i32 = arith.constant 0 : i32
    %c0_i32_0 = arith.constant 0 : i32
    %c0_i32_1 = arith.constant 0 : i32
    return %arg0, %c0_i32, %c0_i32_0 : i32, i32, i32
  }
  func.func @transform_1(%arg0: i32, %arg1: i32) -> (i32, i32, i32) {
    %c0_i32 = arith.constant 0 : i32
    %c0_i32_0 = arith.constant 0 : i32
    return %arg0, %arg1, %c0_i32 : i32, i32, i32
  }
  func.func @transform_2(%arg0: i32, %arg1: i32) -> (i32, i32) {
    %mul3A = arith.constant 8 : i32
    %mul3A_0 = arith.muli %arg0, %mul3A : i32
    %add3A = arith.addi %mul3A_0, %arg1 : i32
    %c0_i32 = arith.constant 0 : i32
    %c0_i32_1 = arith.constant 0 : i32
    return %c0_i32, %add3A : i32, i32
  }
}

module attributes {stable_mosaic.version = 14 : i64} {
  func.func @_dir_kernel(%arg0: i32, %arg1: memref<16x256xf32, #tpu.memory_space<vmem>>, %arg2: memref<16x256xf32, #tpu.memory_space<vmem>>, %arg3: memref<1x256xf32, #tpu.memory_space<vmem>>, %arg4: memref<1x256xf32, #tpu.memory_space<vmem>>, %arg5: memref<16x256xi32, #tpu.memory_space<vmem>>, %arg6: memref<8x256xi32, #tpu.memory_space<vmem>>) attributes {dimension_semantics = [#tpu.dimension_semantics<arbitrary>], iteration_bounds = array<i64: 64>, scalar_prefetch = 0 : i64, scratch_operands = 0 : i64, tpu.core_type = #tpu.core_type<tc>, window_params = [{transform_indices = @transform_0, window_bounds = array<i64: 16, 256>}, {transform_indices = @transform_1, window_bounds = array<i64: 16, 256>}, {transform_indices = @transform_2, window_bounds = array<i64: 1, 256>}, {transform_indices = @transform_3, window_bounds = array<i64: 1, 256>}, {transform_indices = @transform_4, window_bounds = array<i64: 16, 256>}, {transform_indices = @transform_5, window_bounds = array<i64: 8, 256>}]} {
    %get3A = arith.constant 0 : index
    %get3A_0 = arith.constant 0 : index
    %get3A_1 = vector.load %arg1[%get3A, %get3A_0] : memref<16x256xf32, #tpu.memory_space<vmem>>, vector<16x256xf32>
    %get3A_2 = arith.constant 0 : index
    %get3A_3 = arith.constant 0 : index
    %get3A_4 = vector.load %arg3[%get3A_2, %get3A_3] : memref<1x256xf32, #tpu.memory_space<vmem>>, vector<1x256xf32>
    %sub3A = vector.broadcast %get3A_4 : vector<1x256xf32> to vector<16x256xf32>
    %sub3A_5 = arith.subf %get3A_1, %sub3A : vector<16x256xf32>
    %get3A_6 = arith.constant 0 : index
    %get3A_7 = arith.constant 0 : index
    %get3A_8 = vector.load %arg2[%get3A_6, %get3A_7] : memref<16x256xf32, #tpu.memory_space<vmem>>, vector<16x256xf32>
    %get3A_9 = arith.constant 0 : index
    %get3A_10 = arith.constant 0 : index
    %get3A_11 = vector.load %arg4[%get3A_9, %get3A_10] : memref<1x256xf32, #tpu.memory_space<vmem>>, vector<1x256xf32>
    %sub3A_12 = vector.broadcast %get3A_11 : vector<1x256xf32> to vector<16x256xf32>
    %sub3A_13 = arith.subf %get3A_8, %sub3A_12 : vector<16x256xf32>
    %mul3A = arith.mulf %sub3A_5, %sub3A_5 : vector<16x256xf32>
    %reduce_sum3A = arith.constant dense<0.000000e+00> : vector<256xf32>
    %reduce_sum3A_14 = vector.multi_reduction <add>, %mul3A, %reduce_sum3A [0] : vector<16x256xf32> to vector<256xf32>
    %broadcast_in_dim3A = vector.shape_cast %reduce_sum3A_14 : vector<256xf32> to vector<1x256xf32>
    %mul3A_15 = arith.mulf %sub3A_13, %sub3A_13 : vector<16x256xf32>
    %reduce_sum3A_16 = arith.constant dense<0.000000e+00> : vector<256xf32>
    %reduce_sum3A_17 = vector.multi_reduction <add>, %mul3A_15, %reduce_sum3A_16 [0] : vector<16x256xf32> to vector<256xf32>
    %broadcast_in_dim3A_18 = vector.shape_cast %reduce_sum3A_17 : vector<256xf32> to vector<1x256xf32>
    %mul3A_19 = arith.mulf %sub3A_5, %sub3A_13 : vector<16x256xf32>
    %reduce_sum3A_20 = arith.constant dense<0.000000e+00> : vector<256xf32>
    %reduce_sum3A_21 = vector.multi_reduction <add>, %mul3A_19, %reduce_sum3A_20 [0] : vector<16x256xf32> to vector<256xf32>
    %broadcast_in_dim3A_22 = vector.shape_cast %reduce_sum3A_21 : vector<256xf32> to vector<1x256xf32>
    %sub3A_23 = arith.subf %broadcast_in_dim3A, %broadcast_in_dim3A_18 : vector<1x256xf32>
    %mul3A_24 = arith.constant 2.000000e+00 : f32
    %mul3A_25 = vector.broadcast %mul3A_24 : f32 to vector<1x256xf32>
    %mul3A_26 = arith.mulf %mul3A_25, %broadcast_in_dim3A_22 : vector<1x256xf32>
    %mul3A_27 = arith.mulf %sub3A_23, %sub3A_23 : vector<1x256xf32>
    %mul3A_28 = arith.mulf %mul3A_26, %mul3A_26 : vector<1x256xf32>
    %add3A = arith.addf %mul3A_27, %mul3A_28 : vector<1x256xf32>
    %sqrt3A = math.sqrt %add3A : vector<1x256xf32>
    %gt3A = arith.constant 0.000000e+00 : f32
    %gt3A_29 = vector.broadcast %gt3A : f32 to vector<1x256xf32>
    %gt3A_30 = arith.cmpf ogt, %sqrt3A, %gt3A_29 : vector<1x256xf32>
    %max3A = arith.constant 1.000000e-30 : f32
    %max3A_31 = vector.broadcast %max3A : f32 to vector<1x256xf32>
    %max3A_32 = arith.maximumf %sqrt3A, %max3A_31 : vector<1x256xf32>
    %div3A = arith.divf %sub3A_23, %max3A_32 : vector<1x256xf32>
    %jit3A = arith.constant 1.000000e+00 : f32
    %broadcast_in_dim3A_33 = vector.broadcast %jit3A : f32 to vector<1x256xf32>
    %select_n3A = arith.select %gt3A_30, %div3A, %broadcast_in_dim3A_33 : vector<1x256xi1>, vector<1x256xf32>
    %add3A_34 = arith.constant 1.000000e+00 : f32
    %add3A_35 = vector.broadcast %add3A_34 : f32 to vector<1x256xf32>
    %add3A_36 = arith.addf %add3A_35, %select_n3A : vector<1x256xf32>
    %mul3A_37 = arith.constant 5.000000e-01 : f32
    %mul3A_38 = vector.broadcast %mul3A_37 : f32 to vector<1x256xf32>
    %mul3A_39 = arith.mulf %add3A_36, %mul3A_38 : vector<1x256xf32>
    %max3A_40 = arith.constant 0.000000e+00 : f32
    %max3A_41 = vector.broadcast %max3A_40 : f32 to vector<1x256xf32>
    %max3A_42 = arith.maximumf %mul3A_39, %max3A_41 : vector<1x256xf32>
    %sqrt3A_43 = math.sqrt %max3A_42 : vector<1x256xf32>
    %ge3A = arith.constant 0.000000e+00 : f32
    %ge3A_44 = vector.broadcast %ge3A : f32 to vector<1x256xf32>
    %ge3A_45 = arith.cmpf oge, %mul3A_26, %ge3A_44 : vector<1x256xf32>
    %jit3A_46 = arith.constant 1.000000e+00 : f32
    %jit3A_47 = arith.constant -1.000000e+00 : f32
    %broadcast_in_dim3A_48 = vector.broadcast %jit3A_46 : f32 to vector<1x256xf32>
    %broadcast_in_dim3A_49 = vector.broadcast %jit3A_47 : f32 to vector<1x256xf32>
    %select_n3A_50 = arith.select %ge3A_45, %broadcast_in_dim3A_48, %broadcast_in_dim3A_49 : vector<1x256xi1>, vector<1x256xf32>
    %sub3A_51 = arith.constant 1.000000e+00 : f32
    %sub3A_52 = vector.broadcast %sub3A_51 : f32 to vector<1x256xf32>
    %sub3A_53 = arith.subf %sub3A_52, %select_n3A : vector<1x256xf32>
    %mul3A_54 = arith.constant 5.000000e-01 : f32
    %mul3A_55 = vector.broadcast %mul3A_54 : f32 to vector<1x256xf32>
    %mul3A_56 = arith.mulf %sub3A_53, %mul3A_55 : vector<1x256xf32>
    %max3A_57 = arith.constant 0.000000e+00 : f32
    %max3A_58 = vector.broadcast %max3A_57 : f32 to vector<1x256xf32>
    %max3A_59 = arith.maximumf %mul3A_56, %max3A_58 : vector<1x256xf32>
    %sqrt3A_60 = math.sqrt %max3A_59 : vector<1x256xf32>
    %mul3A_61 = arith.mulf %select_n3A_50, %sqrt3A_60 : vector<1x256xf32>
    %mul3A_62 = vector.broadcast %sqrt3A_43 : vector<1x256xf32> to vector<16x256xf32>
    %mul3A_63 = arith.mulf %sub3A_5, %mul3A_62 : vector<16x256xf32>
    %mul3A_64 = vector.broadcast %mul3A_61 : vector<1x256xf32> to vector<16x256xf32>
    %mul3A_65 = arith.mulf %sub3A_13, %mul3A_64 : vector<16x256xf32>
    %add3A_66 = arith.addf %mul3A_63, %mul3A_65 : vector<16x256xf32>
    %mul3A_67 = vector.broadcast %sqrt3A_43 : vector<1x256xf32> to vector<16x256xf32>
    %mul3A_68 = arith.mulf %sub3A_13, %mul3A_67 : vector<16x256xf32>
    %mul3A_69 = vector.broadcast %mul3A_61 : vector<1x256xf32> to vector<16x256xf32>
    %mul3A_70 = arith.mulf %sub3A_5, %mul3A_69 : vector<16x256xf32>
    %sub3A_71 = arith.subf %mul3A_68, %mul3A_70 : vector<16x256xf32>
    %get3A_72 = arith.constant 0 : index
    %get3A_73 = arith.constant 0 : index
    %get3A_74 = vector.load %arg5[%get3A_72, %get3A_73] : memref<16x256xi32, #tpu.memory_space<vmem>>, vector<16x256xi32>
    %iota3A = tpu.iota {dimensions = array<i32: 0>} : vector<16x256xi32>
    %neg3A = arith.constant 0.000000e+00 : f32
    %neg3A_75 = vector.broadcast %neg3A : f32 to vector<16x256xf32>
    %neg3A_76 = arith.subf %neg3A_75, %add3A_66 : vector<16x256xf32>
    %neg3A_77 = arith.constant 0.000000e+00 : f32
    %neg3A_78 = vector.broadcast %neg3A_77 : f32 to vector<16x256xf32>
    %neg3A_79 = arith.subf %neg3A_78, %sub3A_71 : vector<16x256xf32>
    %reduce_max3A = arith.constant dense<0xFF800000> : vector<256xf32>
    %reduce_max3A_80 = vector.multi_reduction <maximumf>, %add3A_66, %reduce_max3A [0] : vector<16x256xf32> to vector<256xf32>
    %broadcast_in_dim3A_81 = vector.shape_cast %reduce_max3A_80 : vector<256xf32> to vector<1x256xf32>
    %eq3A = vector.broadcast %broadcast_in_dim3A_81 : vector<1x256xf32> to vector<16x256xf32>
    %eq3A_82 = arith.cmpf oeq, %add3A_66, %eq3A : vector<16x256xf32>
    %jit3A_83 = arith.constant 16 : i32
    %broadcast_in_dim3A_84 = vector.broadcast %jit3A_83 : i32 to vector<16x256xi32>
    %select_n3A_85 = arith.select %eq3A_82, %iota3A, %broadcast_in_dim3A_84 : vector<16x256xi1>, vector<16x256xi32>
    %reduce_min3A = arith.constant dense<2147483647> : vector<256xi32>
    %reduce_min3A_86 = vector.multi_reduction <minsi>, %select_n3A_85, %reduce_min3A [0] : vector<16x256xi32> to vector<256xi32>
    %broadcast_in_dim3A_87 = vector.shape_cast %reduce_min3A_86 : vector<256xi32> to vector<1x256xi32>
    %eq3A_88 = vector.broadcast %broadcast_in_dim3A_87 : vector<1x256xi32> to vector<16x256xi32>
    %eq3A_89 = arith.cmpi eq, %iota3A, %eq3A_88 : vector<16x256xi32>
    %jit3A_90 = arith.constant 0 : i32
    %broadcast_in_dim3A_91 = vector.broadcast %jit3A_90 : i32 to vector<16x256xi32>
    %select_n3A_92 = arith.select %eq3A_89, %get3A_74, %broadcast_in_dim3A_91 : vector<16x256xi1>, vector<16x256xi32>
    %reduce_sum3A_93 = arith.constant dense<0> : vector<256xi32>
    %reduce_sum3A_94 = vector.multi_reduction <add>, %select_n3A_92, %reduce_sum3A_93 [0] : vector<16x256xi32> to vector<256xi32>
    %swap3A = arith.constant 0 : index
    %swap3A_95 = arith.constant 0 : index
    %swap3A_96 = vector.load %arg6[%swap3A, %swap3A_95] : memref<8x256xi32, #tpu.memory_space<vmem>>, vector<1x256xi32>
    %swap3A_97 = vector.shape_cast %swap3A_96 : vector<1x256xi32> to vector<256xi32>
    %swap3A_98 = vector.shape_cast %reduce_sum3A_94 : vector<256xi32> to vector<1x256xi32>
    tpu.vector_store %arg6[%swap3A, %swap3A_95], %swap3A_98 {strides = array<i32>} : memref<8x256xi32, #tpu.memory_space<vmem>>, vector<1x256xi32>,
    %jit3A_99 = arith.constant 0xFF800000 : f32
    %broadcast_in_dim3A_100 = vector.broadcast %jit3A_99 : f32 to vector<16x256xf32>
    %select_n3A_101 = arith.select %eq3A_89, %broadcast_in_dim3A_100, %add3A_66 : vector<16x256xi1>, vector<16x256xf32>
    %reduce_max3A_102 = arith.constant dense<0xFF800000> : vector<256xf32>
    %reduce_max3A_103 = vector.multi_reduction <maximumf>, %select_n3A_101, %reduce_max3A_102 [0] : vector<16x256xf32> to vector<256xf32>
    %broadcast_in_dim3A_104 = vector.shape_cast %reduce_max3A_103 : vector<256xf32> to vector<1x256xf32>
    %eq3A_105 = vector.broadcast %broadcast_in_dim3A_104 : vector<1x256xf32> to vector<16x256xf32>
    %eq3A_106 = arith.cmpf oeq, %select_n3A_101, %eq3A_105 : vector<16x256xf32>
    %jit3A_107 = arith.constant 16 : i32
    %broadcast_in_dim3A_108 = vector.broadcast %jit3A_107 : i32 to vector<16x256xi32>
    %select_n3A_109 = arith.select %eq3A_106, %iota3A, %broadcast_in_dim3A_108 : vector<16x256xi1>, vector<16x256xi32>
    %reduce_min3A_110 = arith.constant dense<2147483647> : vector<256xi32>
    %reduce_min3A_111 = vector.multi_reduction <minsi>, %select_n3A_109, %reduce_min3A_110 [0] : vector<16x256xi32> to vector<256xi32>
    %broadcast_in_dim3A_112 = vector.shape_cast %reduce_min3A_111 : vector<256xi32> to vector<1x256xi32>
    %eq3A_113 = vector.broadcast %broadcast_in_dim3A_112 : vector<1x256xi32> to vector<16x256xi32>
    %eq3A_114 = arith.cmpi eq, %iota3A, %eq3A_113 : vector<16x256xi32>
    %jit3A_115 = arith.constant 0 : i32
    %broadcast_in_dim3A_116 = vector.broadcast %jit3A_115 : i32 to vector<16x256xi32>
    %select_n3A_117 = arith.select %eq3A_114, %get3A_74, %broadcast_in_dim3A_116 : vector<16x256xi1>, vector<16x256xi32>
    %reduce_sum3A_118 = arith.constant dense<0> : vector<256xi32>
    %reduce_sum3A_119 = vector.multi_reduction <add>, %select_n3A_117, %reduce_sum3A_118 [0] : vector<16x256xi32> to vector<256xi32>
    %swap3A_120 = arith.constant 1 : index
    %swap3A_121 = arith.constant 0 : index
    %swap3A_122 = vector.load %arg6[%swap3A_120, %swap3A_121] : memref<8x256xi32, #tpu.memory_space<vmem>>, vector<1x256xi32>
    %swap3A_123 = vector.shape_cast %swap3A_122 : vector<1x256xi32> to vector<256xi32>
    %swap3A_124 = vector.shape_cast %reduce_sum3A_119 : vector<256xi32> to vector<1x256xi32>
    tpu.vector_store %arg6[%swap3A_120, %swap3A_121], %swap3A_124 {strides = array<i32>} : memref<8x256xi32, #tpu.memory_space<vmem>>, vector<1x256xi32>,
    %reduce_max3A_125 = arith.constant dense<0xFF800000> : vector<256xf32>
    %reduce_max3A_126 = vector.multi_reduction <maximumf>, %neg3A_76, %reduce_max3A_125 [0] : vector<16x256xf32> to vector<256xf32>
    %broadcast_in_dim3A_127 = vector.shape_cast %reduce_max3A_126 : vector<256xf32> to vector<1x256xf32>
    %eq3A_128 = vector.broadcast %broadcast_in_dim3A_127 : vector<1x256xf32> to vector<16x256xf32>
    %eq3A_129 = arith.cmpf oeq, %neg3A_76, %eq3A_128 : vector<16x256xf32>
    %jit3A_130 = arith.constant 16 : i32
    %broadcast_in_dim3A_131 = vector.broadcast %jit3A_130 : i32 to vector<16x256xi32>
    %select_n3A_132 = arith.select %eq3A_129, %iota3A, %broadcast_in_dim3A_131 : vector<16x256xi1>, vector<16x256xi32>
    %reduce_min3A_133 = arith.constant dense<2147483647> : vector<256xi32>
    %reduce_min3A_134 = vector.multi_reduction <minsi>, %select_n3A_132, %reduce_min3A_133 [0] : vector<16x256xi32> to vector<256xi32>
    %broadcast_in_dim3A_135 = vector.shape_cast %reduce_min3A_134 : vector<256xi32> to vector<1x256xi32>
    %eq3A_136 = vector.broadcast %broadcast_in_dim3A_135 : vector<1x256xi32> to vector<16x256xi32>
    %eq3A_137 = arith.cmpi eq, %iota3A, %eq3A_136 : vector<16x256xi32>
    %jit3A_138 = arith.constant 0 : i32
    %broadcast_in_dim3A_139 = vector.broadcast %jit3A_138 : i32 to vector<16x256xi32>
    %select_n3A_140 = arith.select %eq3A_137, %get3A_74, %broadcast_in_dim3A_139 : vector<16x256xi1>, vector<16x256xi32>
    %reduce_sum3A_141 = arith.constant dense<0> : vector<256xi32>
    %reduce_sum3A_142 = vector.multi_reduction <add>, %select_n3A_140, %reduce_sum3A_141 [0] : vector<16x256xi32> to vector<256xi32>
    %swap3A_143 = arith.constant 2 : index
    %swap3A_144 = arith.constant 0 : index
    %swap3A_145 = vector.load %arg6[%swap3A_143, %swap3A_144] : memref<8x256xi32, #tpu.memory_space<vmem>>, vector<1x256xi32>
    %swap3A_146 = vector.shape_cast %swap3A_145 : vector<1x256xi32> to vector<256xi32>
    %swap3A_147 = vector.shape_cast %reduce_sum3A_142 : vector<256xi32> to vector<1x256xi32>
    tpu.vector_store %arg6[%swap3A_143, %swap3A_144], %swap3A_147 {strides = array<i32>} : memref<8x256xi32, #tpu.memory_space<vmem>>, vector<1x256xi32>,
    %jit3A_148 = arith.constant 0xFF800000 : f32
    %broadcast_in_dim3A_149 = vector.broadcast %jit3A_148 : f32 to vector<16x256xf32>
    %select_n3A_150 = arith.select %eq3A_137, %broadcast_in_dim3A_149, %neg3A_76 : vector<16x256xi1>, vector<16x256xf32>
    %reduce_max3A_151 = arith.constant dense<0xFF800000> : vector<256xf32>
    %reduce_max3A_152 = vector.multi_reduction <maximumf>, %select_n3A_150, %reduce_max3A_151 [0] : vector<16x256xf32> to vector<256xf32>
    %broadcast_in_dim3A_153 = vector.shape_cast %reduce_max3A_152 : vector<256xf32> to vector<1x256xf32>
    %eq3A_154 = vector.broadcast %broadcast_in_dim3A_153 : vector<1x256xf32> to vector<16x256xf32>
    %eq3A_155 = arith.cmpf oeq, %select_n3A_150, %eq3A_154 : vector<16x256xf32>
    %jit3A_156 = arith.constant 16 : i32
    %broadcast_in_dim3A_157 = vector.broadcast %jit3A_156 : i32 to vector<16x256xi32>
    %select_n3A_158 = arith.select %eq3A_155, %iota3A, %broadcast_in_dim3A_157 : vector<16x256xi1>, vector<16x256xi32>
    %reduce_min3A_159 = arith.constant dense<2147483647> : vector<256xi32>
    %reduce_min3A_160 = vector.multi_reduction <minsi>, %select_n3A_158, %reduce_min3A_159 [0] : vector<16x256xi32> to vector<256xi32>
    %broadcast_in_dim3A_161 = vector.shape_cast %reduce_min3A_160 : vector<256xi32> to vector<1x256xi32>
    %eq3A_162 = vector.broadcast %broadcast_in_dim3A_161 : vector<1x256xi32> to vector<16x256xi32>
    %eq3A_163 = arith.cmpi eq, %iota3A, %eq3A_162 : vector<16x256xi32>
    %jit3A_164 = arith.constant 0 : i32
    %broadcast_in_dim3A_165 = vector.broadcast %jit3A_164 : i32 to vector<16x256xi32>
    %select_n3A_166 = arith.select %eq3A_163, %get3A_74, %broadcast_in_dim3A_165 : vector<16x256xi1>, vector<16x256xi32>
    %reduce_sum3A_167 = arith.constant dense<0> : vector<256xi32>
    %reduce_sum3A_168 = vector.multi_reduction <add>, %select_n3A_166, %reduce_sum3A_167 [0] : vector<16x256xi32> to vector<256xi32>
    %swap3A_169 = arith.constant 3 : index
    %swap3A_170 = arith.constant 0 : index
    %swap3A_171 = vector.load %arg6[%swap3A_169, %swap3A_170] : memref<8x256xi32, #tpu.memory_space<vmem>>, vector<1x256xi32>
    %swap3A_172 = vector.shape_cast %swap3A_171 : vector<1x256xi32> to vector<256xi32>
    %swap3A_173 = vector.shape_cast %reduce_sum3A_168 : vector<256xi32> to vector<1x256xi32>
    tpu.vector_store %arg6[%swap3A_169, %swap3A_170], %swap3A_173 {strides = array<i32>} : memref<8x256xi32, #tpu.memory_space<vmem>>, vector<1x256xi32>,
    %reduce_max3A_174 = arith.constant dense<0xFF800000> : vector<256xf32>
    %reduce_max3A_175 = vector.multi_reduction <maximumf>, %sub3A_71, %reduce_max3A_174 [0] : vector<16x256xf32> to vector<256xf32>
    %broadcast_in_dim3A_176 = vector.shape_cast %reduce_max3A_175 : vector<256xf32> to vector<1x256xf32>
    %eq3A_177 = vector.broadcast %broadcast_in_dim3A_176 : vector<1x256xf32> to vector<16x256xf32>
    %eq3A_178 = arith.cmpf oeq, %sub3A_71, %eq3A_177 : vector<16x256xf32>
    %jit3A_179 = arith.constant 16 : i32
    %broadcast_in_dim3A_180 = vector.broadcast %jit3A_179 : i32 to vector<16x256xi32>
    %select_n3A_181 = arith.select %eq3A_178, %iota3A, %broadcast_in_dim3A_180 : vector<16x256xi1>, vector<16x256xi32>
    %reduce_min3A_182 = arith.constant dense<2147483647> : vector<256xi32>
    %reduce_min3A_183 = vector.multi_reduction <minsi>, %select_n3A_181, %reduce_min3A_182 [0] : vector<16x256xi32> to vector<256xi32>
    %broadcast_in_dim3A_184 = vector.shape_cast %reduce_min3A_183 : vector<256xi32> to vector<1x256xi32>
    %eq3A_185 = vector.broadcast %broadcast_in_dim3A_184 : vector<1x256xi32> to vector<16x256xi32>
    %eq3A_186 = arith.cmpi eq, %iota3A, %eq3A_185 : vector<16x256xi32>
    %jit3A_187 = arith.constant 0 : i32
    %broadcast_in_dim3A_188 = vector.broadcast %jit3A_187 : i32 to vector<16x256xi32>
    %select_n3A_189 = arith.select %eq3A_186, %get3A_74, %broadcast_in_dim3A_188 : vector<16x256xi1>, vector<16x256xi32>
    %reduce_sum3A_190 = arith.constant dense<0> : vector<256xi32>
    %reduce_sum3A_191 = vector.multi_reduction <add>, %select_n3A_189, %reduce_sum3A_190 [0] : vector<16x256xi32> to vector<256xi32>
    %swap3A_192 = arith.constant 4 : index
    %swap3A_193 = arith.constant 0 : index
    %swap3A_194 = vector.load %arg6[%swap3A_192, %swap3A_193] : memref<8x256xi32, #tpu.memory_space<vmem>>, vector<1x256xi32>
    %swap3A_195 = vector.shape_cast %swap3A_194 : vector<1x256xi32> to vector<256xi32>
    %swap3A_196 = vector.shape_cast %reduce_sum3A_191 : vector<256xi32> to vector<1x256xi32>
    tpu.vector_store %arg6[%swap3A_192, %swap3A_193], %swap3A_196 {strides = array<i32>} : memref<8x256xi32, #tpu.memory_space<vmem>>, vector<1x256xi32>,
    %jit3A_197 = arith.constant 0xFF800000 : f32
    %broadcast_in_dim3A_198 = vector.broadcast %jit3A_197 : f32 to vector<16x256xf32>
    %select_n3A_199 = arith.select %eq3A_186, %broadcast_in_dim3A_198, %sub3A_71 : vector<16x256xi1>, vector<16x256xf32>
    %reduce_max3A_200 = arith.constant dense<0xFF800000> : vector<256xf32>
    %reduce_max3A_201 = vector.multi_reduction <maximumf>, %select_n3A_199, %reduce_max3A_200 [0] : vector<16x256xf32> to vector<256xf32>
    %broadcast_in_dim3A_202 = vector.shape_cast %reduce_max3A_201 : vector<256xf32> to vector<1x256xf32>
    %eq3A_203 = vector.broadcast %broadcast_in_dim3A_202 : vector<1x256xf32> to vector<16x256xf32>
    %eq3A_204 = arith.cmpf oeq, %select_n3A_199, %eq3A_203 : vector<16x256xf32>
    %jit3A_205 = arith.constant 16 : i32
    %broadcast_in_dim3A_206 = vector.broadcast %jit3A_205 : i32 to vector<16x256xi32>
    %select_n3A_207 = arith.select %eq3A_204, %iota3A, %broadcast_in_dim3A_206 : vector<16x256xi1>, vector<16x256xi32>
    %reduce_min3A_208 = arith.constant dense<2147483647> : vector<256xi32>
    %reduce_min3A_209 = vector.multi_reduction <minsi>, %select_n3A_207, %reduce_min3A_208 [0] : vector<16x256xi32> to vector<256xi32>
    %broadcast_in_dim3A_210 = vector.shape_cast %reduce_min3A_209 : vector<256xi32> to vector<1x256xi32>
    %eq3A_211 = vector.broadcast %broadcast_in_dim3A_210 : vector<1x256xi32> to vector<16x256xi32>
    %eq3A_212 = arith.cmpi eq, %iota3A, %eq3A_211 : vector<16x256xi32>
    %jit3A_213 = arith.constant 0 : i32
    %broadcast_in_dim3A_214 = vector.broadcast %jit3A_213 : i32 to vector<16x256xi32>
    %select_n3A_215 = arith.select %eq3A_212, %get3A_74, %broadcast_in_dim3A_214 : vector<16x256xi1>, vector<16x256xi32>
    %reduce_sum3A_216 = arith.constant dense<0> : vector<256xi32>
    %reduce_sum3A_217 = vector.multi_reduction <add>, %select_n3A_215, %reduce_sum3A_216 [0] : vector<16x256xi32> to vector<256xi32>
    %swap3A_218 = arith.constant 5 : index
    %swap3A_219 = arith.constant 0 : index
    %swap3A_220 = vector.load %arg6[%swap3A_218, %swap3A_219] : memref<8x256xi32, #tpu.memory_space<vmem>>, vector<1x256xi32>
    %swap3A_221 = vector.shape_cast %swap3A_220 : vector<1x256xi32> to vector<256xi32>
    %swap3A_222 = vector.shape_cast %reduce_sum3A_217 : vector<256xi32> to vector<1x256xi32>
    tpu.vector_store %arg6[%swap3A_218, %swap3A_219], %swap3A_222 {strides = array<i32>} : memref<8x256xi32, #tpu.memory_space<vmem>>, vector<1x256xi32>,
    %reduce_max3A_223 = arith.constant dense<0xFF800000> : vector<256xf32>
    %reduce_max3A_224 = vector.multi_reduction <maximumf>, %neg3A_79, %reduce_max3A_223 [0] : vector<16x256xf32> to vector<256xf32>
    %broadcast_in_dim3A_225 = vector.shape_cast %reduce_max3A_224 : vector<256xf32> to vector<1x256xf32>
    %eq3A_226 = vector.broadcast %broadcast_in_dim3A_225 : vector<1x256xf32> to vector<16x256xf32>
    %eq3A_227 = arith.cmpf oeq, %neg3A_79, %eq3A_226 : vector<16x256xf32>
    %jit3A_228 = arith.constant 16 : i32
    %broadcast_in_dim3A_229 = vector.broadcast %jit3A_228 : i32 to vector<16x256xi32>
    %select_n3A_230 = arith.select %eq3A_227, %iota3A, %broadcast_in_dim3A_229 : vector<16x256xi1>, vector<16x256xi32>
    %reduce_min3A_231 = arith.constant dense<2147483647> : vector<256xi32>
    %reduce_min3A_232 = vector.multi_reduction <minsi>, %select_n3A_230, %reduce_min3A_231 [0] : vector<16x256xi32> to vector<256xi32>
    %broadcast_in_dim3A_233 = vector.shape_cast %reduce_min3A_232 : vector<256xi32> to vector<1x256xi32>
    %eq3A_234 = vector.broadcast %broadcast_in_dim3A_233 : vector<1x256xi32> to vector<16x256xi32>
    %eq3A_235 = arith.cmpi eq, %iota3A, %eq3A_234 : vector<16x256xi32>
    %jit3A_236 = arith.constant 0 : i32
    %broadcast_in_dim3A_237 = vector.broadcast %jit3A_236 : i32 to vector<16x256xi32>
    %select_n3A_238 = arith.select %eq3A_235, %get3A_74, %broadcast_in_dim3A_237 : vector<16x256xi1>, vector<16x256xi32>
    %reduce_sum3A_239 = arith.constant dense<0> : vector<256xi32>
    %reduce_sum3A_240 = vector.multi_reduction <add>, %select_n3A_238, %reduce_sum3A_239 [0] : vector<16x256xi32> to vector<256xi32>
    %swap3A_241 = arith.constant 6 : index
    %swap3A_242 = arith.constant 0 : index
    %swap3A_243 = vector.load %arg6[%swap3A_241, %swap3A_242] : memref<8x256xi32, #tpu.memory_space<vmem>>, vector<1x256xi32>
    %swap3A_244 = vector.shape_cast %swap3A_243 : vector<1x256xi32> to vector<256xi32>
    %swap3A_245 = vector.shape_cast %reduce_sum3A_240 : vector<256xi32> to vector<1x256xi32>
    tpu.vector_store %arg6[%swap3A_241, %swap3A_242], %swap3A_245 {strides = array<i32>} : memref<8x256xi32, #tpu.memory_space<vmem>>, vector<1x256xi32>,
    %jit3A_246 = arith.constant 0xFF800000 : f32
    %broadcast_in_dim3A_247 = vector.broadcast %jit3A_246 : f32 to vector<16x256xf32>
    %select_n3A_248 = arith.select %eq3A_235, %broadcast_in_dim3A_247, %neg3A_79 : vector<16x256xi1>, vector<16x256xf32>
    %reduce_max3A_249 = arith.constant dense<0xFF800000> : vector<256xf32>
    %reduce_max3A_250 = vector.multi_reduction <maximumf>, %select_n3A_248, %reduce_max3A_249 [0] : vector<16x256xf32> to vector<256xf32>
    %broadcast_in_dim3A_251 = vector.shape_cast %reduce_max3A_250 : vector<256xf32> to vector<1x256xf32>
    %eq3A_252 = vector.broadcast %broadcast_in_dim3A_251 : vector<1x256xf32> to vector<16x256xf32>
    %eq3A_253 = arith.cmpf oeq, %select_n3A_248, %eq3A_252 : vector<16x256xf32>
    %jit3A_254 = arith.constant 16 : i32
    %broadcast_in_dim3A_255 = vector.broadcast %jit3A_254 : i32 to vector<16x256xi32>
    %select_n3A_256 = arith.select %eq3A_253, %iota3A, %broadcast_in_dim3A_255 : vector<16x256xi1>, vector<16x256xi32>
    %reduce_min3A_257 = arith.constant dense<2147483647> : vector<256xi32>
    %reduce_min3A_258 = vector.multi_reduction <minsi>, %select_n3A_256, %reduce_min3A_257 [0] : vector<16x256xi32> to vector<256xi32>
    %broadcast_in_dim3A_259 = vector.shape_cast %reduce_min3A_258 : vector<256xi32> to vector<1x256xi32>
    %eq3A_260 = vector.broadcast %broadcast_in_dim3A_259 : vector<1x256xi32> to vector<16x256xi32>
    %eq3A_261 = arith.cmpi eq, %iota3A, %eq3A_260 : vector<16x256xi32>
    %jit3A_262 = arith.constant 0 : i32
    %broadcast_in_dim3A_263 = vector.broadcast %jit3A_262 : i32 to vector<16x256xi32>
    %select_n3A_264 = arith.select %eq3A_261, %get3A_74, %broadcast_in_dim3A_263 : vector<16x256xi1>, vector<16x256xi32>
    %reduce_sum3A_265 = arith.constant dense<0> : vector<256xi32>
    %reduce_sum3A_266 = vector.multi_reduction <add>, %select_n3A_264, %reduce_sum3A_265 [0] : vector<16x256xi32> to vector<256xi32>
    %swap3A_267 = arith.constant 7 : index
    %swap3A_268 = arith.constant 0 : index
    %swap3A_269 = vector.load %arg6[%swap3A_267, %swap3A_268] : memref<8x256xi32, #tpu.memory_space<vmem>>, vector<1x256xi32>
    %swap3A_270 = vector.shape_cast %swap3A_269 : vector<1x256xi32> to vector<256xi32>
    %swap3A_271 = vector.shape_cast %reduce_sum3A_266 : vector<256xi32> to vector<1x256xi32>
    tpu.vector_store %arg6[%swap3A_267, %swap3A_268], %swap3A_271 {strides = array<i32>} : memref<8x256xi32, #tpu.memory_space<vmem>>, vector<1x256xi32>,
    return
  }
  func.func @transform_0(%arg0: i32) -> (i32, i32) {
    %c0_i32 = arith.constant 0 : i32
    %c0_i32_0 = arith.constant 0 : i32
    return %c0_i32, %arg0 : i32, i32
  }
  func.func @transform_1(%arg0: i32) -> (i32, i32) {
    %c0_i32 = arith.constant 0 : i32
    %c0_i32_0 = arith.constant 0 : i32
    return %c0_i32, %arg0 : i32, i32
  }
  func.func @transform_2(%arg0: i32) -> (i32, i32) {
    %c0_i32 = arith.constant 0 : i32
    %c0_i32_0 = arith.constant 0 : i32
    return %c0_i32, %arg0 : i32, i32
  }
  func.func @transform_3(%arg0: i32) -> (i32, i32) {
    %c0_i32 = arith.constant 0 : i32
    %c0_i32_0 = arith.constant 0 : i32
    return %c0_i32, %arg0 : i32, i32
  }
  func.func @transform_4(%arg0: i32) -> (i32, i32) {
    %c0_i32 = arith.constant 0 : i32
    %c0_i32_0 = arith.constant 0 : i32
    return %c0_i32, %arg0 : i32, i32
  }
  func.func @transform_5(%arg0: i32) -> (i32, i32) {
    %c0_i32 = arith.constant 0 : i32
    %c0_i32_0 = arith.constant 0 : i32
    return %c0_i32, %arg0 : i32, i32
  }
}

module attributes {stable_mosaic.version = 14 : i64} {
  func.func @_ec_kernel(%arg0: i32, %arg1: i32, %arg2: memref<1x256x128xf32, #tpu.memory_space<vmem>>, %arg3: memref<256x128xf32, #tpu.memory_space<vmem>>, %arg4: memref<128x128xf32, #tpu.memory_space<vmem>>, %arg5: memref<1x128xf32, #tpu.memory_space<vmem>>, %arg6: memref<1x128xf32, #tpu.memory_space<vmem>>, %arg7: memref<1x128xf32, #tpu.memory_space<vmem>>, %arg8: memref<128x32xf32, #tpu.memory_space<vmem>>, %arg9: memref<32x128xf32, #tpu.memory_space<vmem>>, %arg10: memref<256x256xf32, #tpu.memory_space<vmem>>, %arg11: memref<1x256xf32, #tpu.memory_space<vmem>>, %arg12: memref<256x128xf32, #tpu.memory_space<vmem>>, %arg13: memref<256x128xf32, #tpu.memory_space<vmem>>, %arg14: memref<256x128xf32, #tpu.memory_space<vmem>>, %arg15: memref<256x256xf32, #tpu.memory_space<vmem>>) attributes {dimension_semantics = [#tpu.dimension_semantics<arbitrary>, #tpu.dimension_semantics<arbitrary>], iteration_bounds = array<i64: 64, 16>, scalar_prefetch = 0 : i64, scratch_operands = 0 : i64, tpu.core_type = #tpu.core_type<tc>, window_params = [{transform_indices = @transform_0, window_bounds = array<i64: 1, 256, 128>}, {transform_indices = @transform_1, window_bounds = array<i64: 256, 128>}, {pipeline_mode = #tpu.pipeline_mode<synchronous>, transform_indices = @transform_2, window_bounds = array<i64: 128, 128>}, {pipeline_mode = #tpu.pipeline_mode<synchronous>, transform_indices = @transform_3, window_bounds = array<i64: 1, 128>}, {pipeline_mode = #tpu.pipeline_mode<synchronous>, transform_indices = @transform_4, window_bounds = array<i64: 1, 128>}, {pipeline_mode = #tpu.pipeline_mode<synchronous>, transform_indices = @transform_5, window_bounds = array<i64: 1, 128>}, {pipeline_mode = #tpu.pipeline_mode<synchronous>, transform_indices = @transform_6, window_bounds = array<i64: 128, 32>}, {pipeline_mode = #tpu.pipeline_mode<synchronous>, transform_indices = @transform_7, window_bounds = array<i64: 32, 128>}, {pipeline_mode = #tpu.pipeline_mode<synchronous>, transform_indices = @transform_8, window_bounds = array<i64: 256, 256>}, {pipeline_mode = #tpu.pipeline_mode<synchronous>, transform_indices = @transform_9, window_bounds = array<i64: 1, 256>}, {transform_indices = @transform_10, window_bounds = array<i64: 256, 128>}, {transform_indices = @transform_11, window_bounds = array<i64: 256, 128>}, {transform_indices = @transform_12, window_bounds = array<i64: 256, 128>}, {transform_indices = @transform_13, window_bounds = array<i64: 256, 256>}]} {
    %get3A = arith.constant 0 : index
    %get3A_0 = arith.constant 0 : index
    %get3A_1 = vector.load %arg8[%get3A, %get3A_0] : memref<128x32xf32, #tpu.memory_space<vmem>>, vector<128x32xf32>
    %get3A_2 = arith.constant 0 : index
    %get3A_3 = arith.constant 0 : index
    %get3A_4 = vector.load %arg9[%get3A_2, %get3A_3] : memref<32x128xf32, #tpu.memory_space<vmem>>, vector<32x128xf32>
    %get3A_5 = arith.constant 0 : index
    %get3A_6 = arith.constant 0 : index
    %get3A_7 = arith.constant 0 : index
    %get3A_8 = vector.load %arg2[%get3A_5, %get3A_6, %get3A_7] : memref<1x256x128xf32, #tpu.memory_space<vmem>>, vector<1x256x128xf32>
    %get3A_9 = vector.shape_cast %get3A_8 : vector<1x256x128xf32> to vector<256x128xf32>
    %get3A_10 = arith.constant 0 : index
    %get3A_11 = arith.constant 0 : index
    %get3A_12 = vector.load %arg3[%get3A_10, %get3A_11] : memref<256x128xf32, #tpu.memory_space<vmem>>, vector<256x128xf32>
    %add3A = arith.addf %get3A_9, %get3A_12 : vector<256x128xf32>
    %dot_general3A = arith.constant dense<0.000000e+00> : vector<256x32xf32>
    %dot_general3A_13 = tpu.matmul %add3A, %get3A_1, %dot_general3A {dimension_numbers = #tpu.dot_dimension_numbers<[1], [0], [0], [1], [0, 0, 1, 1], [], []>, transpose_lhs_hint = false} : vector<256x128xf32>, vector<128x32xf32>, vector<256x32xf32> -> vector<256x32xf32>
    %add3A_14 = arith.constant 0.000000e+00 : f32
    %add3A_15 = vector.broadcast %add3A_14 : f32 to vector<256x32xf32>
    %add3A_16 = arith.addf %add3A_15, %dot_general3A_13 : vector<256x32xf32>
    %mul3A = arith.mulf %add3A, %add3A : vector<256x128xf32>
    %dot_general3A_17 = arith.constant dense<0.000000e+00> : vector<256x32xf32>
    %dot_general3A_18 = tpu.matmul %mul3A, %get3A_1, %dot_general3A_17 {dimension_numbers = #tpu.dot_dimension_numbers<[1], [0], [0], [1], [0, 0, 1, 1], [], []>, transpose_lhs_hint = false} : vector<256x128xf32>, vector<128x32xf32>, vector<256x32xf32> -> vector<256x32xf32>
    %add3A_19 = arith.constant 0.000000e+00 : f32
    %add3A_20 = vector.broadcast %add3A_19 : f32 to vector<256x32xf32>
    %add3A_21 = arith.addf %add3A_20, %dot_general3A_18 : vector<256x32xf32>
    %mul3A_22 = arith.constant 2.500000e-01 : f32
    %mul3A_23 = vector.broadcast %mul3A_22 : f32 to vector<256x32xf32>
    %mul3A_24 = arith.mulf %add3A_16, %mul3A_23 : vector<256x32xf32>
    %mul3A_25 = arith.constant 2.500000e-01 : f32
    %mul3A_26 = vector.broadcast %mul3A_25 : f32 to vector<256x32xf32>
    %mul3A_27 = arith.mulf %add3A_21, %mul3A_26 : vector<256x32xf32>
    %mul3A_28 = arith.mulf %mul3A_24, %mul3A_24 : vector<256x32xf32>
    %sub3A = arith.subf %mul3A_27, %mul3A_28 : vector<256x32xf32>
    %add3A_29 = arith.constant 9.99999974E-6 : f32
    %add3A_30 = vector.broadcast %add3A_29 : f32 to vector<256x32xf32>
    %add3A_31 = arith.addf %sub3A, %add3A_30 : vector<256x32xf32>
    %rsqrt3A = math.rsqrt %add3A_31 : vector<256x32xf32>
    %get3A_32 = arith.constant 0 : index
    %get3A_33 = arith.constant 0 : index
    %get3A_34 = vector.load %arg5[%get3A_32, %get3A_33] : memref<1x128xf32, #tpu.memory_space<vmem>>, vector<1x128xf32>
    %dot_general3A_35 = arith.constant dense<0.000000e+00> : vector<256x128xf32>
    %dot_general3A_36 = tpu.matmul %mul3A_24, %get3A_4, %dot_general3A_35 {dimension_numbers = #tpu.dot_dimension_numbers<[1], [0], [0], [1], [0, 0, 1, 1], [], []>, transpose_lhs_hint = false} : vector<256x32xf32>, vector<32x128xf32>, vector<256x128xf32> -> vector<256x128xf32>
    %dot_general3A_37 = arith.constant dense<0.000000e+00> : vector<256x128xf32>
    %dot_general3A_38 = tpu.matmul %rsqrt3A, %get3A_4, %dot_general3A_37 {dimension_numbers = #tpu.dot_dimension_numbers<[1], [0], [0], [1], [0, 0, 1, 1], [], []>, transpose_lhs_hint = false} : vector<256x32xf32>, vector<32x128xf32>, vector<256x128xf32> -> vector<256x128xf32>
    %sub3A_39 = arith.subf %add3A, %dot_general3A_36 : vector<256x128xf32>
    %mul3A_40 = arith.mulf %sub3A_39, %dot_general3A_38 : vector<256x128xf32>
    %get3A_41 = arith.constant 0 : index
    %get3A_42 = arith.constant 0 : index
    %get3A_43 = vector.load %arg6[%get3A_41, %get3A_42] : memref<1x128xf32, #tpu.memory_space<vmem>>, vector<1x128xf32>
    %mul3A_44 = vector.broadcast %get3A_43 : vector<1x128xf32> to vector<256x128xf32>
    %mul3A_45 = arith.mulf %mul3A_40, %mul3A_44 : vector<256x128xf32>
    %get3A_46 = arith.constant 0 : index
    %get3A_47 = arith.constant 0 : index
    %get3A_48 = vector.load %arg7[%get3A_46, %get3A_47] : memref<1x128xf32, #tpu.memory_space<vmem>>, vector<1x128xf32>
    %add3A_49 = vector.broadcast %get3A_48 : vector<1x128xf32> to vector<256x128xf32>
    %add3A_50 = arith.addf %mul3A_45, %add3A_49 : vector<256x128xf32>
    %max3A = arith.constant 0.000000e+00 : f32
    %max3A_51 = vector.broadcast %max3A : f32 to vector<256x128xf32>
    %max3A_52 = arith.maximumf %add3A_50, %max3A_51 : vector<256x128xf32>
    %get3A_53 = arith.constant 0 : index
    %get3A_54 = arith.constant 0 : index
    %get3A_55 = vector.load %arg4[%get3A_53, %get3A_54] : memref<128x128xf32, #tpu.memory_space<vmem>>, vector<128x128xf32>
    %dot_general3A_56 = arith.constant dense<0.000000e+00> : vector<256x128xf32>
    %dot_general3A_57 = tpu.matmul %max3A_52, %get3A_55, %dot_general3A_56 {dimension_numbers = #tpu.dot_dimension_numbers<[1], [0], [0], [1], [0, 0, 1, 1], [], []>, transpose_lhs_hint = false} : vector<256x128xf32>, vector<128x128xf32>, vector<256x128xf32> -> vector<256x128xf32>
    %add3A_58 = vector.broadcast %get3A_34 : vector<1x128xf32> to vector<256x128xf32>
    %add3A_59 = arith.addf %add3A_58, %dot_general3A_57 : vector<256x128xf32>
    %eq3A = arith.constant 0 : i32
    %eq3A_60 = arith.cmpi eq, %arg1, %eq3A : i32
    %convert_element_type3A = arith.extui %eq3A_60 : i1 to i32
    %cond3A = arith.constant 0 : i32
    %cond3A_61 = arith.cmpi ne, %convert_element_type3A, %cond3A : i32
    scf.if %cond3A_61 {
      %swap3A = arith.constant 0 : index
      %swap3A_71 = arith.constant 0 : index
      %swap3A_72 = vector.load %arg12[%swap3A, %swap3A_71] : memref<256x128xf32, #tpu.memory_space<vmem>>, vector<256x128xf32>
      tpu.vector_store %arg12[%swap3A, %swap3A_71], %add3A_59 {strides = array<i32>} : memref<256x128xf32, #tpu.memory_space<vmem>>, vector<256x128xf32>,
    } else {
    }
    %gt3A = arith.constant 0 : i32
    %gt3A_62 = arith.cmpi sgt, %arg1, %gt3A : i32
    %convert_element_type3A_63 = arith.extui %gt3A_62 : i1 to i32
    %cond3A_64 = arith.constant 0 : i32
    %cond3A_65 = arith.cmpi ne, %convert_element_type3A_63, %cond3A_64 : i32
    scf.if %cond3A_65 {
      %get3A_71 = arith.constant 0 : index
      %get3A_72 = arith.constant 0 : index
      %get3A_73 = vector.load %arg12[%get3A_71, %get3A_72] : memref<256x128xf32, #tpu.memory_space<vmem>>, vector<256x128xf32>
      %max3A_74 = arith.maximumf %get3A_73, %add3A_59 : vector<256x128xf32>
      %swap3A = arith.constant 0 : index
      %swap3A_75 = arith.constant 0 : index
      %swap3A_76 = vector.load %arg12[%swap3A, %swap3A_75] : memref<256x128xf32, #tpu.memory_space<vmem>>, vector<256x128xf32>
      tpu.vector_store %arg12[%swap3A, %swap3A_75], %max3A_74 {strides = array<i32>} : memref<256x128xf32, #tpu.memory_space<vmem>>, vector<256x128xf32>,
    } else {
    }
    %eq3A_66 = arith.constant 15 : i32
    %eq3A_67 = arith.cmpi eq, %arg1, %eq3A_66 : i32
    %convert_element_type3A_68 = arith.extui %eq3A_67 : i1 to i32
    %cond3A_69 = arith.constant 0 : i32
    %cond3A_70 = arith.cmpi ne, %convert_element_type3A_68, %cond3A_69 : i32
    scf.if %cond3A_70 {
      %get3A_71 = arith.constant 0 : index
      %get3A_72 = arith.constant 0 : index
      %get3A_73 = vector.load %arg12[%get3A_71, %get3A_72] : memref<256x128xf32, #tpu.memory_space<vmem>>, vector<256x128xf32>
      %get3A_74 = arith.constant 0 : index
      %get3A_75 = arith.constant 0 : index
      %get3A_76 = vector.load %arg10[%get3A_74, %get3A_75] : memref<256x256xf32, #tpu.memory_space<vmem>>, vector<128x256xf32>
      %get3A_77 = arith.constant 128 : index
      %get3A_78 = arith.constant 0 : index
      %get3A_79 = vector.load %arg10[%get3A_77, %get3A_78] : memref<256x256xf32, #tpu.memory_space<vmem>>, vector<128x256xf32>
      %dot_general3A_80 = arith.constant dense<0.000000e+00> : vector<256x256xf32>
      %dot_general3A_81 = tpu.matmul %get3A_73, %get3A_76, %dot_general3A_80 {dimension_numbers = #tpu.dot_dimension_numbers<[1], [0], [0], [1], [0, 0, 1, 1], [], []>, transpose_lhs_hint = false} : vector<256x128xf32>, vector<128x256xf32>, vector<256x256xf32> -> vector<256x256xf32>
      %slice3A = vector.extract_strided_slice %dot_general3A_81 {offsets = [0, 0], sizes = [256, 128], strides = [1, 1]} : vector<256x256xf32> to vector<256x128xf32>
      %swap3A = arith.constant 0 : index
      %swap3A_82 = arith.constant 0 : index
      %swap3A_83 = vector.load %arg13[%swap3A, %swap3A_82] : memref<256x128xf32, #tpu.memory_space<vmem>>, vector<256x128xf32>
      tpu.vector_store %arg13[%swap3A, %swap3A_82], %slice3A {strides = array<i32>} : memref<256x128xf32, #tpu.memory_space<vmem>>, vector<256x128xf32>,
      %slice3A_84 = vector.extract_strided_slice %dot_general3A_81 {offsets = [0, 128], sizes = [256, 128], strides = [1, 1]} : vector<256x256xf32> to vector<256x128xf32>
      %swap3A_85 = arith.constant 0 : index
      %swap3A_86 = arith.constant 0 : index
      %swap3A_87 = vector.load %arg14[%swap3A_85, %swap3A_86] : memref<256x128xf32, #tpu.memory_space<vmem>>, vector<256x128xf32>
      tpu.vector_store %arg14[%swap3A_85, %swap3A_86], %slice3A_84 {strides = array<i32>} : memref<256x128xf32, #tpu.memory_space<vmem>>, vector<256x128xf32>,
      %sub3A_88 = arith.subf %get3A_79, %get3A_76 : vector<128x256xf32>
      %dot_general3A_89 = arith.constant dense<0.000000e+00> : vector<256x256xf32>
      %dot_general3A_90 = tpu.matmul %get3A_73, %sub3A_88, %dot_general3A_89 {dimension_numbers = #tpu.dot_dimension_numbers<[1], [0], [0], [1], [0, 0, 1, 1], [], []>, transpose_lhs_hint = false} : vector<256x128xf32>, vector<128x256xf32>, vector<256x256xf32> -> vector<256x256xf32>
      %get3A_91 = arith.constant 0 : index
      %get3A_92 = arith.constant 0 : index
      %get3A_93 = vector.load %arg11[%get3A_91, %get3A_92] : memref<1x256xf32, #tpu.memory_space<vmem>>, vector<1x256xf32>
      %add3A_94 = vector.broadcast %get3A_93 : vector<1x256xf32> to vector<256x256xf32>
      %add3A_95 = arith.addf %dot_general3A_90, %add3A_94 : vector<256x256xf32>
      %swap3A_96 = arith.constant 0 : index
      %swap3A_97 = arith.constant 0 : index
      %swap3A_98 = vector.load %arg15[%swap3A_96, %swap3A_97] : memref<256x256xf32, #tpu.memory_space<vmem>>, vector<256x256xf32>
      tpu.vector_store %arg15[%swap3A_96, %swap3A_97], %add3A_95 {strides = array<i32>} : memref<256x256xf32, #tpu.memory_space<vmem>>, vector<256x256xf32>,
    } else {
    }
    return
  }
  func.func @transform_0(%arg0: i32, %arg1: i32) -> (i32, i32, i32) {
    %c0_i32 = arith.constant 0 : i32
    %c0_i32_0 = arith.constant 0 : i32
    return %arg1, %arg0, %c0_i32 : i32, i32, i32
  }
  func.func @transform_1(%arg0: i32, %arg1: i32) -> (i32, i32) {
    %c0_i32 = arith.constant 0 : i32
    %c0_i32_0 = arith.constant 0 : i32
    return %arg0, %c0_i32 : i32, i32
  }
  func.func @transform_2(%arg0: i32, %arg1: i32) -> (i32, i32) {
    %c0_i32 = arith.constant 0 : i32
    %c0_i32_0 = arith.constant 0 : i32
    %c0_i32_1 = arith.constant 0 : i32
    return %c0_i32, %c0_i32_0 : i32, i32
  }
  func.func @transform_3(%arg0: i32, %arg1: i32) -> (i32, i32) {
    %c0_i32 = arith.constant 0 : i32
    %c0_i32_0 = arith.constant 0 : i32
    %c0_i32_1 = arith.constant 0 : i32
    return %c0_i32, %c0_i32_0 : i32, i32
  }
  func.func @transform_4(%arg0: i32, %arg1: i32) -> (i32, i32) {
    %c0_i32 = arith.constant 0 : i32
    %c0_i32_0 = arith.constant 0 : i32
    %c0_i32_1 = arith.constant 0 : i32
    return %c0_i32, %c0_i32_0 : i32, i32
  }
  func.func @transform_5(%arg0: i32, %arg1: i32) -> (i32, i32) {
    %c0_i32 = arith.constant 0 : i32
    %c0_i32_0 = arith.constant 0 : i32
    %c0_i32_1 = arith.constant 0 : i32
    return %c0_i32, %c0_i32_0 : i32, i32
  }
  func.func @transform_6(%arg0: i32, %arg1: i32) -> (i32, i32) {
    %c0_i32 = arith.constant 0 : i32
    %c0_i32_0 = arith.constant 0 : i32
    %c0_i32_1 = arith.constant 0 : i32
    return %c0_i32, %c0_i32_0 : i32, i32
  }
  func.func @transform_7(%arg0: i32, %arg1: i32) -> (i32, i32) {
    %c0_i32 = arith.constant 0 : i32
    %c0_i32_0 = arith.constant 0 : i32
    %c0_i32_1 = arith.constant 0 : i32
    return %c0_i32, %c0_i32_0 : i32, i32
  }
  func.func @transform_8(%arg0: i32, %arg1: i32) -> (i32, i32) {
    %c0_i32 = arith.constant 0 : i32
    %c0_i32_0 = arith.constant 0 : i32
    %c0_i32_1 = arith.constant 0 : i32
    return %c0_i32, %c0_i32_0 : i32, i32
  }
  func.func @transform_9(%arg0: i32, %arg1: i32) -> (i32, i32) {
    %c0_i32 = arith.constant 0 : i32
    %c0_i32_0 = arith.constant 0 : i32
    %c0_i32_1 = arith.constant 0 : i32
    return %c0_i32, %c0_i32_0 : i32, i32
  }
  func.func @transform_10(%arg0: i32, %arg1: i32) -> (i32, i32) {
    %c0_i32 = arith.constant 0 : i32
    %c0_i32_0 = arith.constant 0 : i32
    return %arg0, %c0_i32 : i32, i32
  }
  func.func @transform_11(%arg0: i32, %arg1: i32) -> (i32, i32) {
    %c0_i32 = arith.constant 0 : i32
    %c0_i32_0 = arith.constant 0 : i32
    return %arg0, %c0_i32 : i32, i32
  }
  func.func @transform_12(%arg0: i32, %arg1: i32) -> (i32, i32) {
    %c0_i32 = arith.constant 0 : i32
    %c0_i32_0 = arith.constant 0 : i32
    return %arg0, %c0_i32 : i32, i32
  }
  func.func @transform_13(%arg0: i32, %arg1: i32) -> (i32, i32) {
    %c0_i32 = arith.constant 0 : i32
    %c0_i32_0 = arith.constant 0 : i32
    return %arg0, %c0_i32 : i32, i32
  }
}

module attributes {stable_mosaic.version = 14 : i64} {
  func.func @_ec_kernel(%arg0: i32, %arg1: i32, %arg2: memref<1x256x128xf32, #tpu.memory_space<vmem>>, %arg3: memref<1x256x128xf32, #tpu.memory_space<vmem>>, %arg4: memref<256x256xf32, #tpu.memory_space<vmem>>, %arg5: memref<256x256xf32, #tpu.memory_space<vmem>>, %arg6: memref<1x256xf32, #tpu.memory_space<vmem>>, %arg7: memref<1x256xf32, #tpu.memory_space<vmem>>, %arg8: memref<1x256xf32, #tpu.memory_space<vmem>>, %arg9: memref<256x32xf32, #tpu.memory_space<vmem>>, %arg10: memref<32x256xf32, #tpu.memory_space<vmem>>, %arg11: memref<512x256xf32, #tpu.memory_space<vmem>>, %arg12: memref<1x256xf32, #tpu.memory_space<vmem>>, %arg13: memref<256x256xf32, #tpu.memory_space<vmem>>, %arg14: memref<256x128xf32, #tpu.memory_space<vmem>>, %arg15: memref<256x128xf32, #tpu.memory_space<vmem>>, %arg16: memref<256x256xf32, #tpu.memory_space<vmem>>) attributes {dimension_semantics = [#tpu.dimension_semantics<arbitrary>, #tpu.dimension_semantics<arbitrary>], iteration_bounds = array<i64: 64, 8>, scalar_prefetch = 0 : i64, scratch_operands = 0 : i64, tpu.core_type = #tpu.core_type<tc>, window_params = [{transform_indices = @transform_0, window_bounds = array<i64: 1, 256, 128>}, {transform_indices = @transform_1, window_bounds = array<i64: 1, 256, 128>}, {transform_indices = @transform_2, window_bounds = array<i64: 256, 256>}, {pipeline_mode = #tpu.pipeline_mode<synchronous>, transform_indices = @transform_3, window_bounds = array<i64: 256, 256>}, {pipeline_mode = #tpu.pipeline_mode<synchronous>, transform_indices = @transform_4, window_bounds = array<i64: 1, 256>}, {pipeline_mode = #tpu.pipeline_mode<synchronous>, transform_indices = @transform_5, window_bounds = array<i64: 1, 256>}, {pipeline_mode = #tpu.pipeline_mode<synchronous>, transform_indices = @transform_6, window_bounds = array<i64: 1, 256>}, {pipeline_mode = #tpu.pipeline_mode<synchronous>, transform_indices = @transform_7, window_bounds = array<i64: 256, 32>}, {pipeline_mode = #tpu.pipeline_mode<synchronous>, transform_indices = @transform_8, window_bounds = array<i64: 32, 256>}, {pipeline_mode = #tpu.pipeline_mode<synchronous>, transform_indices = @transform_9, window_bounds = array<i64: 512, 256>}, {pipeline_mode = #tpu.pipeline_mode<synchronous>, transform_indices = @transform_10, window_bounds = array<i64: 1, 256>}, {transform_indices = @transform_11, window_bounds = array<i64: 256, 256>}, {transform_indices = @transform_12, window_bounds = array<i64: 256, 128>}, {transform_indices = @transform_13, window_bounds = array<i64: 256, 128>}, {transform_indices = @transform_14, window_bounds = array<i64: 256, 256>}]} {
    %get3A = arith.constant 0 : index
    %get3A_0 = arith.constant 0 : index
    %get3A_1 = vector.load %arg9[%get3A, %get3A_0] : memref<256x32xf32, #tpu.memory_space<vmem>>, vector<256x32xf32>
    %get3A_2 = arith.constant 0 : index
    %get3A_3 = arith.constant 0 : index
    %get3A_4 = vector.load %arg10[%get3A_2, %get3A_3] : memref<32x256xf32, #tpu.memory_space<vmem>>, vector<32x256xf32>
    %get3A_5 = arith.constant 0 : index
    %get3A_6 = arith.constant 0 : index
    %get3A_7 = arith.constant 0 : index
    %get3A_8 = vector.load %arg2[%get3A_5, %get3A_6, %get3A_7] : memref<1x256x128xf32, #tpu.memory_space<vmem>>, vector<1x256x128xf32>
    %get3A_9 = vector.shape_cast %get3A_8 : vector<1x256x128xf32> to vector<256x128xf32>
    %get3A_10 = arith.constant 0 : index
    %get3A_11 = arith.constant 0 : index
    %get3A_12 = vector.load %arg4[%get3A_10, %get3A_11] : memref<256x256xf32, #tpu.memory_space<vmem>>, vector<256x128xf32>
    %add3A = arith.addf %get3A_9, %get3A_12 : vector<256x128xf32>
    %get3A_13 = arith.constant 0 : index
    %get3A_14 = arith.constant 0 : index
    %get3A_15 = arith.constant 0 : index
    %get3A_16 = vector.load %arg3[%get3A_13, %get3A_14, %get3A_15] : memref<1x256x128xf32, #tpu.memory_space<vmem>>, vector<1x256x128xf32>
    %get3A_17 = vector.shape_cast %get3A_16 : vector<1x256x128xf32> to vector<256x128xf32>
    %get3A_18 = arith.constant 0 : index
    %get3A_19 = arith.constant 128 : index
    %get3A_20 = vector.load %arg4[%get3A_18, %get3A_19] : memref<256x256xf32, #tpu.memory_space<vmem>>, vector<256x128xf32>
    %add3A_21 = arith.addf %get3A_17, %get3A_20 : vector<256x128xf32>
    %slice3A = vector.extract_strided_slice %get3A_1 {offsets = [0, 0], sizes = [128, 32], strides = [1, 1]} : vector<256x32xf32> to vector<128x32xf32>
    %dot_general3A = arith.constant dense<0.000000e+00> : vector<256x32xf32>
    %dot_general3A_22 = tpu.matmul %add3A, %slice3A, %dot_general3A {dimension_numbers = #tpu.dot_dimension_numbers<[1], [0], [0], [1], [0, 0, 1, 1], [], []>, transpose_lhs_hint = false} : vector<256x128xf32>, vector<128x32xf32>, vector<256x32xf32> -> vector<256x32xf32>
    %add3A_23 = arith.constant 0.000000e+00 : f32
    %add3A_24 = vector.broadcast %add3A_23 : f32 to vector<256x32xf32>
    %add3A_25 = arith.addf %add3A_24, %dot_general3A_22 : vector<256x32xf32>
    %slice3A_26 = vector.extract_strided_slice %get3A_1 {offsets = [128, 0], sizes = [128, 32], strides = [1, 1]} : vector<256x32xf32> to vector<128x32xf32>
    %dot_general3A_27 = arith.constant dense<0.000000e+00> : vector<256x32xf32>
    %dot_general3A_28 = tpu.matmul %add3A_21, %slice3A_26, %dot_general3A_27 {dimension_numbers = #tpu.dot_dimension_numbers<[1], [0], [0], [1], [0, 0, 1, 1], [], []>, transpose_lhs_hint = false} : vector<256x128xf32>, vector<128x32xf32>, vector<256x32xf32> -> vector<256x32xf32>
    %add3A_29 = arith.addf %add3A_25, %dot_general3A_28 : vector<256x32xf32>
    %mul3A = arith.mulf %add3A, %add3A : vector<256x128xf32>
    %slice3A_30 = vector.extract_strided_slice %get3A_1 {offsets = [0, 0], sizes = [128, 32], strides = [1, 1]} : vector<256x32xf32> to vector<128x32xf32>
    %dot_general3A_31 = arith.constant dense<0.000000e+00> : vector<256x32xf32>
    %dot_general3A_32 = tpu.matmul %mul3A, %slice3A_30, %dot_general3A_31 {dimension_numbers = #tpu.dot_dimension_numbers<[1], [0], [0], [1], [0, 0, 1, 1], [], []>, transpose_lhs_hint = false} : vector<256x128xf32>, vector<128x32xf32>, vector<256x32xf32> -> vector<256x32xf32>
    %add3A_33 = arith.constant 0.000000e+00 : f32
    %add3A_34 = vector.broadcast %add3A_33 : f32 to vector<256x32xf32>
    %add3A_35 = arith.addf %add3A_34, %dot_general3A_32 : vector<256x32xf32>
    %mul3A_36 = arith.mulf %add3A_21, %add3A_21 : vector<256x128xf32>
    %slice3A_37 = vector.extract_strided_slice %get3A_1 {offsets = [128, 0], sizes = [128, 32], strides = [1, 1]} : vector<256x32xf32> to vector<128x32xf32>
    %dot_general3A_38 = arith.constant dense<0.000000e+00> : vector<256x32xf32>
    %dot_general3A_39 = tpu.matmul %mul3A_36, %slice3A_37, %dot_general3A_38 {dimension_numbers = #tpu.dot_dimension_numbers<[1], [0], [0], [1], [0, 0, 1, 1], [], []>, transpose_lhs_hint = false} : vector<256x128xf32>, vector<128x32xf32>, vector<256x32xf32> -> vector<256x32xf32>
    %add3A_40 = arith.addf %add3A_35, %dot_general3A_39 : vector<256x32xf32>
    %mul3A_41 = arith.constant 1.250000e-01 : f32
    %mul3A_42 = vector.broadcast %mul3A_41 : f32 to vector<256x32xf32>
    %mul3A_43 = arith.mulf %add3A_29, %mul3A_42 : vector<256x32xf32>
    %mul3A_44 = arith.constant 1.250000e-01 : f32
    %mul3A_45 = vector.broadcast %mul3A_44 : f32 to vector<256x32xf32>
    %mul3A_46 = arith.mulf %add3A_40, %mul3A_45 : vector<256x32xf32>
    %mul3A_47 = arith.mulf %mul3A_43, %mul3A_43 : vector<256x32xf32>
    %sub3A = arith.subf %mul3A_46, %mul3A_47 : vector<256x32xf32>
    %add3A_48 = arith.constant 9.99999974E-6 : f32
    %add3A_49 = vector.broadcast %add3A_48 : f32 to vector<256x32xf32>
    %add3A_50 = arith.addf %sub3A, %add3A_49 : vector<256x32xf32>
    %rsqrt3A = math.rsqrt %add3A_50 : vector<256x32xf32>
    %get3A_51 = arith.constant 0 : index
    %get3A_52 = arith.constant 0 : index
    %get3A_53 = vector.load %arg6[%get3A_51, %get3A_52] : memref<1x256xf32, #tpu.memory_space<vmem>>, vector<1x256xf32>
    %slice3A_54 = vector.extract_strided_slice %get3A_4 {offsets = [0, 0], sizes = [32, 128], strides = [1, 1]} : vector<32x256xf32> to vector<32x128xf32>
    %dot_general3A_55 = arith.constant dense<0.000000e+00> : vector<256x128xf32>
    %dot_general3A_56 = tpu.matmul %mul3A_43, %slice3A_54, %dot_general3A_55 {dimension_numbers = #tpu.dot_dimension_numbers<[1], [0], [0], [1], [0, 0, 1, 1], [], []>, transpose_lhs_hint = false} : vector<256x32xf32>, vector<32x128xf32>, vector<256x128xf32> -> vector<256x128xf32>
    %slice3A_57 = vector.extract_strided_slice %get3A_4 {offsets = [0, 0], sizes = [32, 128], strides = [1, 1]} : vector<32x256xf32> to vector<32x128xf32>
    %dot_general3A_58 = arith.constant dense<0.000000e+00> : vector<256x128xf32>
    %dot_general3A_59 = tpu.matmul %rsqrt3A, %slice3A_57, %dot_general3A_58 {dimension_numbers = #tpu.dot_dimension_numbers<[1], [0], [0], [1], [0, 0, 1, 1], [], []>, transpose_lhs_hint = false} : vector<256x32xf32>, vector<32x128xf32>, vector<256x128xf32> -> vector<256x128xf32>
    %sub3A_60 = arith.subf %add3A, %dot_general3A_56 : vector<256x128xf32>
    %mul3A_61 = arith.mulf %sub3A_60, %dot_general3A_59 : vector<256x128xf32>
    %get3A_62 = arith.constant 0 : index
    %get3A_63 = arith.constant 0 : index
    %get3A_64 = vector.load %arg7[%get3A_62, %get3A_63] : memref<1x256xf32, #tpu.memory_space<vmem>>, vector<1x128xf32>
    %mul3A_65 = vector.broadcast %get3A_64 : vector<1x128xf32> to vector<256x128xf32>
    %mul3A_66 = arith.mulf %mul3A_61, %mul3A_65 : vector<256x128xf32>
    %get3A_67 = arith.constant 0 : index
    %get3A_68 = arith.constant 0 : index
    %get3A_69 = vector.load %arg8[%get3A_67, %get3A_68] : memref<1x256xf32, #tpu.memory_space<vmem>>, vector<1x128xf32>
    %add3A_70 = vector.broadcast %get3A_69 : vector<1x128xf32> to vector<256x128xf32>
    %add3A_71 = arith.addf %mul3A_66, %add3A_70 : vector<256x128xf32>
    %max3A = arith.constant 0.000000e+00 : f32
    %max3A_72 = vector.broadcast %max3A : f32 to vector<256x128xf32>
    %max3A_73 = arith.maximumf %add3A_71, %max3A_72 : vector<256x128xf32>
    %get3A_74 = arith.constant 0 : index
    %get3A_75 = arith.constant 0 : index
    %get3A_76 = vector.load %arg5[%get3A_74, %get3A_75] : memref<256x256xf32, #tpu.memory_space<vmem>>, vector<128x256xf32>
    %dot_general3A_77 = arith.constant dense<0.000000e+00> : vector<256x256xf32>
    %dot_general3A_78 = tpu.matmul %max3A_73, %get3A_76, %dot_general3A_77 {dimension_numbers = #tpu.dot_dimension_numbers<[1], [0], [0], [1], [0, 0, 1, 1], [], []>, transpose_lhs_hint = false} : vector<256x128xf32>, vector<128x256xf32>, vector<256x256xf32> -> vector<256x256xf32>
    %add3A_79 = vector.broadcast %get3A_53 : vector<1x256xf32> to vector<256x256xf32>
    %add3A_80 = arith.addf %add3A_79, %dot_general3A_78 : vector<256x256xf32>
    %slice3A_81 = vector.extract_strided_slice %get3A_4 {offsets = [0, 128], sizes = [32, 128], strides = [1, 1]} : vector<32x256xf32> to vector<32x128xf32>
    %dot_general3A_82 = arith.constant dense<0.000000e+00> : vector<256x128xf32>
    %dot_general3A_83 = tpu.matmul %mul3A_43, %slice3A_81, %dot_general3A_82 {dimension_numbers = #tpu.dot_dimension_numbers<[1], [0], [0], [1], [0, 0, 1, 1], [], []>, transpose_lhs_hint = false} : vector<256x32xf32>, vector<32x128xf32>, vector<256x128xf32> -> vector<256x128xf32>
    %slice3A_84 = vector.extract_strided_slice %get3A_4 {offsets = [0, 128], sizes = [32, 128], strides = [1, 1]} : vector<32x256xf32> to vector<32x128xf32>
    %dot_general3A_85 = arith.constant dense<0.000000e+00> : vector<256x128xf32>
    %dot_general3A_86 = tpu.matmul %rsqrt3A, %slice3A_84, %dot_general3A_85 {dimension_numbers = #tpu.dot_dimension_numbers<[1], [0], [0], [1], [0, 0, 1, 1], [], []>, transpose_lhs_hint = false} : vector<256x32xf32>, vector<32x128xf32>, vector<256x128xf32> -> vector<256x128xf32>
    %sub3A_87 = arith.subf %add3A_21, %dot_general3A_83 : vector<256x128xf32>
    %mul3A_88 = arith.mulf %sub3A_87, %dot_general3A_86 : vector<256x128xf32>
    %get3A_89 = arith.constant 0 : index
    %get3A_90 = arith.constant 128 : index
    %get3A_91 = vector.load %arg7[%get3A_89, %get3A_90] : memref<1x256xf32, #tpu.memory_space<vmem>>, vector<1x128xf32>
    %mul3A_92 = vector.broadcast %get3A_91 : vector<1x128xf32> to vector<256x128xf32>
    %mul3A_93 = arith.mulf %mul3A_88, %mul3A_92 : vector<256x128xf32>
    %get3A_94 = arith.constant 0 : index
    %get3A_95 = arith.constant 128 : index
    %get3A_96 = vector.load %arg8[%get3A_94, %get3A_95] : memref<1x256xf32, #tpu.memory_space<vmem>>, vector<1x128xf32>
    %add3A_97 = vector.broadcast %get3A_96 : vector<1x128xf32> to vector<256x128xf32>
    %add3A_98 = arith.addf %mul3A_93, %add3A_97 : vector<256x128xf32>
    %max3A_99 = arith.constant 0.000000e+00 : f32
    %max3A_100 = vector.broadcast %max3A_99 : f32 to vector<256x128xf32>
    %max3A_101 = arith.maximumf %add3A_98, %max3A_100 : vector<256x128xf32>
    %get3A_102 = arith.constant 128 : index
    %get3A_103 = arith.constant 0 : index
    %get3A_104 = vector.load %arg5[%get3A_102, %get3A_103] : memref<256x256xf32, #tpu.memory_space<vmem>>, vector<128x256xf32>
    %dot_general3A_105 = arith.constant dense<0.000000e+00> : vector<256x256xf32>
    %dot_general3A_106 = tpu.matmul %max3A_101, %get3A_104, %dot_general3A_105 {dimension_numbers = #tpu.dot_dimension_numbers<[1], [0], [0], [1], [0, 0, 1, 1], [], []>, transpose_lhs_hint = false} : vector<256x128xf32>, vector<128x256xf32>, vector<256x256xf32> -> vector<256x256xf32>
    %add3A_107 = arith.addf %add3A_80, %dot_general3A_106 : vector<256x256xf32>
    %eq3A = arith.constant 0 : i32
    %eq3A_108 = arith.cmpi eq, %arg1, %eq3A : i32
    %convert_element_type3A = arith.extui %eq3A_108 : i1 to i32
    %cond3A = arith.constant 0 : i32
    %cond3A_109 = arith.cmpi ne, %convert_element_type3A, %cond3A : i32
    scf.if %cond3A_109 {
      %swap3A = arith.constant 0 : index
      %swap3A_119 = arith.constant 0 : index
      %swap3A_120 = vector.load %arg13[%swap3A, %swap3A_119] : memref<256x256xf32, #tpu.memory_space<vmem>>, vector<256x256xf32>
      tpu.vector_store %arg13[%swap3A, %swap3A_119], %add3A_107 {strides = array<i32>} : memref<256x256xf32, #tpu.memory_space<vmem>>, vector<256x256xf32>,
    } else {
    }
    %gt3A = arith.constant 0 : i32
    %gt3A_110 = arith.cmpi sgt, %arg1, %gt3A : i32
    %convert_element_type3A_111 = arith.extui %gt3A_110 : i1 to i32
    %cond3A_112 = arith.constant 0 : i32
    %cond3A_113 = arith.cmpi ne, %convert_element_type3A_111, %cond3A_112 : i32
    scf.if %cond3A_113 {
      %get3A_119 = arith.constant 0 : index
      %get3A_120 = arith.constant 0 : index
      %get3A_121 = vector.load %arg13[%get3A_119, %get3A_120] : memref<256x256xf32, #tpu.memory_space<vmem>>, vector<256x256xf32>
      %max3A_122 = arith.maximumf %get3A_121, %add3A_107 : vector<256x256xf32>
      %swap3A = arith.constant 0 : index
      %swap3A_123 = arith.constant 0 : index
      %swap3A_124 = vector.load %arg13[%swap3A, %swap3A_123] : memref<256x256xf32, #tpu.memory_space<vmem>>, vector<256x256xf32>
      tpu.vector_store %arg13[%swap3A, %swap3A_123], %max3A_122 {strides = array<i32>} : memref<256x256xf32, #tpu.memory_space<vmem>>, vector<256x256xf32>,
    } else {
    }
    %eq3A_114 = arith.constant 7 : i32
    %eq3A_115 = arith.cmpi eq, %arg1, %eq3A_114 : i32
    %convert_element_type3A_116 = arith.extui %eq3A_115 : i1 to i32
    %cond3A_117 = arith.constant 0 : i32
    %cond3A_118 = arith.cmpi ne, %convert_element_type3A_116, %cond3A_117 : i32
    scf.if %cond3A_118 {
      %get3A_119 = arith.constant 0 : index
      %get3A_120 = arith.constant 0 : index
      %get3A_121 = vector.load %arg13[%get3A_119, %get3A_120] : memref<256x256xf32, #tpu.memory_space<vmem>>, vector<256x256xf32>
      %get3A_122 = arith.constant 0 : index
      %get3A_123 = arith.constant 0 : index
      %get3A_124 = vector.load %arg11[%get3A_122, %get3A_123] : memref<512x256xf32, #tpu.memory_space<vmem>>, vector<256x256xf32>
      %get3A_125 = arith.constant 256 : index
      %get3A_126 = arith.constant 0 : index
      %get3A_127 = vector.load %arg11[%get3A_125, %get3A_126] : memref<512x256xf32, #tpu.memory_space<vmem>>, vector<256x256xf32>
      %dot_general3A_128 = arith.constant dense<0.000000e+00> : vector<256x256xf32>
      %dot_general3A_129 = tpu.matmul %get3A_121, %get3A_124, %dot_general3A_128 {dimension_numbers = #tpu.dot_dimension_numbers<[1], [0], [0], [1], [0, 0, 1, 1], [], []>, transpose_lhs_hint = false} : vector<256x256xf32>, vector<256x256xf32>, vector<256x256xf32> -> vector<256x256xf32>
      %slice3A_130 = vector.extract_strided_slice %dot_general3A_129 {offsets = [0, 0], sizes = [256, 128], strides = [1, 1]} : vector<256x256xf32> to vector<256x128xf32>
      %swap3A = arith.constant 0 : index
      %swap3A_131 = arith.constant 0 : index
      %swap3A_132 = vector.load %arg14[%swap3A, %swap3A_131] : memref<256x128xf32, #tpu.memory_space<vmem>>, vector<256x128xf32>
      tpu.vector_store %arg14[%swap3A, %swap3A_131], %slice3A_130 {strides = array<i32>} : memref<256x128xf32, #tpu.memory_space<vmem>>, vector<256x128xf32>,
      %slice3A_133 = vector.extract_strided_slice %dot_general3A_129 {offsets = [0, 128], sizes = [256, 128], strides = [1, 1]} : vector<256x256xf32> to vector<256x128xf32>
      %swap3A_134 = arith.constant 0 : index
      %swap3A_135 = arith.constant 0 : index
      %swap3A_136 = vector.load %arg15[%swap3A_134, %swap3A_135] : memref<256x128xf32, #tpu.memory_space<vmem>>, vector<256x128xf32>
      tpu.vector_store %arg15[%swap3A_134, %swap3A_135], %slice3A_133 {strides = array<i32>} : memref<256x128xf32, #tpu.memory_space<vmem>>, vector<256x128xf32>,
      %sub3A_137 = arith.subf %get3A_127, %get3A_124 : vector<256x256xf32>
      %dot_general3A_138 = arith.constant dense<0.000000e+00> : vector<256x256xf32>
      %dot_general3A_139 = tpu.matmul %get3A_121, %sub3A_137, %dot_general3A_138 {dimension_numbers = #tpu.dot_dimension_numbers<[1], [0], [0], [1], [0, 0, 1, 1], [], []>, transpose_lhs_hint = false} : vector<256x256xf32>, vector<256x256xf32>, vector<256x256xf32> -> vector<256x256xf32>
      %get3A_140 = arith.constant 0 : index
      %get3A_141 = arith.constant 0 : index
      %get3A_142 = vector.load %arg12[%get3A_140, %get3A_141] : memref<1x256xf32, #tpu.memory_space<vmem>>, vector<1x256xf32>
      %add3A_143 = vector.broadcast %get3A_142 : vector<1x256xf32> to vector<256x256xf32>
      %add3A_144 = arith.addf %dot_general3A_139, %add3A_143 : vector<256x256xf32>
      %swap3A_145 = arith.constant 0 : index
      %swap3A_146 = arith.constant 0 : index
      %swap3A_147 = vector.load %arg16[%swap3A_145, %swap3A_146] : memref<256x256xf32, #tpu.memory_space<vmem>>, vector<256x256xf32>
      tpu.vector_store %arg16[%swap3A_145, %swap3A_146], %add3A_144 {strides = array<i32>} : memref<256x256xf32, #tpu.memory_space<vmem>>, vector<256x256xf32>,
    } else {
    }
    return
  }
  func.func @transform_0(%arg0: i32, %arg1: i32) -> (i32, i32, i32) {
    %c0_i32 = arith.constant 0 : i32
    %c0_i32_0 = arith.constant 0 : i32
    return %arg1, %arg0, %c0_i32 : i32, i32, i32
  }
  func.func @transform_1(%arg0: i32, %arg1: i32) -> (i32, i32, i32) {
    %c0_i32 = arith.constant 0 : i32
    %c0_i32_0 = arith.constant 0 : i32
    return %arg1, %arg0, %c0_i32 : i32, i32, i32
  }
  func.func @transform_2(%arg0: i32, %arg1: i32) -> (i32, i32) {
    %c0_i32 = arith.constant 0 : i32
    %c0_i32_0 = arith.constant 0 : i32
    return %arg0, %c0_i32 : i32, i32
  }
  func.func @transform_3(%arg0: i32, %arg1: i32) -> (i32, i32) {
    %c0_i32 = arith.constant 0 : i32
    %c0_i32_0 = arith.constant 0 : i32
    %c0_i32_1 = arith.constant 0 : i32
    return %c0_i32, %c0_i32_0 : i32, i32
  }
  func.func @transform_4(%arg0: i32, %arg1: i32) -> (i32, i32) {
    %c0_i32 = arith.constant 0 : i32
    %c0_i32_0 = arith.constant 0 : i32
    %c0_i32_1 = arith.constant 0 : i32
    return %c0_i32, %c0_i32_0 : i32, i32
  }
  func.func @transform_5(%arg0: i32, %arg1: i32) -> (i32, i32) {
    %c0_i32 = arith.constant 0 : i32
    %c0_i32_0 = arith.constant 0 : i32
    %c0_i32_1 = arith.constant 0 : i32
    return %c0_i32, %c0_i32_0 : i32, i32
  }
  func.func @transform_6(%arg0: i32, %arg1: i32) -> (i32, i32) {
    %c0_i32 = arith.constant 0 : i32
    %c0_i32_0 = arith.constant 0 : i32
    %c0_i32_1 = arith.constant 0 : i32
    return %c0_i32, %c0_i32_0 : i32, i32
  }
  func.func @transform_7(%arg0: i32, %arg1: i32) -> (i32, i32) {
    %c0_i32 = arith.constant 0 : i32
    %c0_i32_0 = arith.constant 0 : i32
    %c0_i32_1 = arith.constant 0 : i32
    return %c0_i32, %c0_i32_0 : i32, i32
  }
  func.func @transform_8(%arg0: i32, %arg1: i32) -> (i32, i32) {
    %c0_i32 = arith.constant 0 : i32
    %c0_i32_0 = arith.constant 0 : i32
    %c0_i32_1 = arith.constant 0 : i32
    return %c0_i32, %c0_i32_0 : i32, i32
  }
  func.func @transform_9(%arg0: i32, %arg1: i32) -> (i32, i32) {
    %c0_i32 = arith.constant 0 : i32
    %c0_i32_0 = arith.constant 0 : i32
    %c0_i32_1 = arith.constant 0 : i32
    return %c0_i32, %c0_i32_0 : i32, i32
  }
  func.func @transform_10(%arg0: i32, %arg1: i32) -> (i32, i32) {
    %c0_i32 = arith.constant 0 : i32
    %c0_i32_0 = arith.constant 0 : i32
    %c0_i32_1 = arith.constant 0 : i32
    return %c0_i32, %c0_i32_0 : i32, i32
  }
  func.func @transform_11(%arg0: i32, %arg1: i32) -> (i32, i32) {
    %c0_i32 = arith.constant 0 : i32
    %c0_i32_0 = arith.constant 0 : i32
    return %arg0, %c0_i32 : i32, i32
  }
  func.func @transform_12(%arg0: i32, %arg1: i32) -> (i32, i32) {
    %c0_i32 = arith.constant 0 : i32
    %c0_i32_0 = arith.constant 0 : i32
    return %arg0, %c0_i32 : i32, i32
  }
  func.func @transform_13(%arg0: i32, %arg1: i32) -> (i32, i32) {
    %c0_i32 = arith.constant 0 : i32
    %c0_i32_0 = arith.constant 0 : i32
    return %arg0, %c0_i32 : i32, i32
  }
  func.func @transform_14(%arg0: i32, %arg1: i32) -> (i32, i32) {
    %c0_i32 = arith.constant 0 : i32
    %c0_i32_0 = arith.constant 0 : i32
    return %arg0, %c0_i32 : i32, i32
  }
}

module attributes {stable_mosaic.version = 14 : i64} {
  func.func @_knn_kernel(%arg0: i32, %arg1: i32, %arg2: memref<1x2048x256xf32, #tpu.memory_space<vmem>>, %arg3: memref<1x256x256xf32, #tpu.memory_space<vmem>>, %arg4: memref<16x256xi32, #tpu.memory_space<vmem>>) attributes {dimension_semantics = [#tpu.dimension_semantics<arbitrary>, #tpu.dimension_semantics<arbitrary>], iteration_bounds = array<i64: 8, 8>, scalar_prefetch = 0 : i64, scratch_operands = 0 : i64, tpu.core_type = #tpu.core_type<tc>, window_params = [{transform_indices = @transform_0, window_bounds = array<i64: 1, 2048, 256>}, {transform_indices = @transform_1, window_bounds = array<i64: 1, 256, 256>}, {transform_indices = @transform_2, window_bounds = array<i64: 16, 256>}]} {
    %get3A = arith.constant 0 : index
    %get3A_0 = arith.constant 0 : index
    %get3A_1 = arith.constant 0 : index
    %get3A_2 = vector.load %arg2[%get3A, %get3A_0, %get3A_1] : memref<1x2048x256xf32, #tpu.memory_space<vmem>>, vector<1x2048x256xf32>
    %get3A_3 = vector.shape_cast %get3A_2 : vector<1x2048x256xf32> to vector<2048x256xf32>
    %get3A_4 = arith.constant 0 : index
    %get3A_5 = arith.constant 0 : index
    %get3A_6 = arith.constant 0 : index
    %get3A_7 = vector.load %arg3[%get3A_4, %get3A_5, %get3A_6] : memref<1x256x256xf32, #tpu.memory_space<vmem>>, vector<1x256x256xf32>
    %get3A_8 = vector.shape_cast %get3A_7 : vector<1x256x256xf32> to vector<256x256xf32>
    %broadcast_in_dim3A = arith.constant 1.000000e+00 : f32
    %broadcast_in_dim3A_9 = vector.broadcast %broadcast_in_dim3A : f32 to vector<1x256xf32>
    %mul3A = arith.mulf %get3A_3, %get3A_3 : vector<2048x256xf32>
    %dot_general3A = arith.constant dense<0.000000e+00> : vector<1x2048xf32>
    %dot_general3A_10 = tpu.matmul %broadcast_in_dim3A_9, %mul3A, %dot_general3A {dimension_numbers = #tpu.dot_dimension_numbers<[1], [1], [0], [0], [0, 0, 1, 0], [], []>, transpose_lhs_hint = false} : vector<1x256xf32>, vector<2048x256xf32>, vector<1x2048xf32> -> vector<1x2048xf32>
    %dot_general3A_11 = arith.constant dense<0.000000e+00> : vector<256x2048xf32>
    %dot_general3A_12 = tpu.matmul %get3A_8, %get3A_3, %dot_general3A_11 {dimension_numbers = #tpu.dot_dimension_numbers<[1], [1], [0], [0], [0, 0, 1, 0], [], []>, transpose_lhs_hint = false} : vector<256x256xf32>, vector<2048x256xf32>, vector<256x2048xf32> -> vector<256x2048xf32>
    %mul3A_13 = arith.constant 2.000000e+00 : f32
    %mul3A_14 = vector.broadcast %mul3A_13 : f32 to vector<256x2048xf32>
    %mul3A_15 = arith.mulf %mul3A_14, %dot_general3A_12 : vector<256x2048xf32>
    %sub3A = vector.broadcast %dot_general3A_10 : vector<1x2048xf32> to vector<256x2048xf32>
    %sub3A_16 = arith.subf %sub3A, %mul3A_15 : vector<256x2048xf32>
    %iota3A = tpu.iota {dimensions = array<i32: 1>} : vector<256x2048xi32>
    %iota3A_17 = tpu.iota {dimensions = array<i32: 0>} : vector<256x2048xi32>
    %mul3A_18 = arith.constant 256 : i32
    %mul3A_19 = arith.muli %arg1, %mul3A_18 : i32
    %add3A = vector.broadcast %mul3A_19 : i32 to vector<256x2048xi32>
    %add3A_20 = arith.addi %iota3A_17, %add3A : vector<256x2048xi32>
    %eq3A = arith.cmpi eq, %iota3A, %add3A_20 : vector<256x2048xi32>
    %jit3A = arith.constant 0x7F800000 : f32
    %broadcast_in_dim3A_21 = vector.broadcast %jit3A : f32 to vector<256x2048xf32>
    %select_n3A = arith.select %eq3A, %broadcast_in_dim3A_21, %sub3A_16 : vector<256x2048xi1>, vector<256x2048xf32>
    %mul3A_22 = arith.constant 2048 : i32
    %mul3A_23 = arith.muli %arg0, %mul3A_22 : i32
    %slice3A = vector.extract_strided_slice %add3A_20 {offsets = [0, 0], sizes = [256, 1], strides = [1, 1]} : vector<256x2048xi32> to vector<256x1xi32>
    %jit3A_24 = arith.constant 64 : i32
    %eq3A_25 = arith.constant 0 : i32
    %eq3A_26 = arith.cmpi eq, %jit3A_24, %eq3A_25 : i32
    %jit3A_27 = arith.constant 1 : i32
    %select_n3A_28 = arith.select %eq3A_26, %jit3A_27, %jit3A_24 : i32
    %rem3A = vector.broadcast %select_n3A_28 : i32 to vector<256x1xi32>
    %rem3A_29 = arith.remsi %slice3A, %rem3A : vector<256x1xi32>
    %ne3A = arith.constant 0 : i32
    %ne3A_30 = vector.broadcast %ne3A : i32 to vector<256x1xi32>
    %ne3A_31 = arith.cmpi ne, %rem3A_29, %ne3A_30 : vector<256x1xi32>
    %lt3A = arith.constant 0 : i32
    %lt3A_32 = vector.broadcast %lt3A : i32 to vector<256x1xi32>
    %lt3A_33 = arith.cmpi slt, %rem3A_29, %lt3A_32 : vector<256x1xi32>
    %lt3A_34 = arith.constant 0 : i32
    %lt3A_35 = arith.cmpi slt, %select_n3A_28, %lt3A_34 : i32
    %ne3A_36 = vector.broadcast %lt3A_35 : i1 to vector<256x1xi1>
    %ne3A_37 = vector.broadcast %ne3A_36 : vector<256x1xi1> to vector<256x1xi1>
    %ne3A_38 = arith.xori %lt3A_33, %ne3A_37 : vector<256x1xi1>
    %and3A = arith.andi %ne3A_38, %ne3A_31 : vector<256x1xi1>
    %add3A_39 = vector.broadcast %select_n3A_28 : i32 to vector<256x1xi32>
    %add3A_40 = arith.addi %rem3A_29, %add3A_39 : vector<256x1xi32>
    %select_n3A_41 = arith.select %and3A, %add3A_40, %rem3A_29 : vector<256x1xi1>, vector<256x1xi32>
    %mul3A_42 = arith.constant 16384 : i32
    %mul3A_43 = vector.broadcast %mul3A_42 : i32 to vector<256x1xi32>
    %mul3A_44 = arith.muli %select_n3A_41, %mul3A_43 : vector<256x1xi32>
    %reduce_min3A = arith.constant dense<0x7F800000> : vector<256xf32>
    %reduce_min3A_45 = vector.multi_reduction <minimumf>, %select_n3A, %reduce_min3A [1] : vector<256x2048xf32> to vector<256xf32>
    %broadcast_in_dim3A_46 = vector.shape_cast %reduce_min3A_45 : vector<256xf32> to vector<256x1xf32>
    %eq3A_47 = vector.broadcast %broadcast_in_dim3A_46 : vector<256x1xf32> to vector<256x2048xf32>
    %eq3A_48 = arith.cmpf oeq, %select_n3A, %eq3A_47 : vector<256x2048xf32>
    %jit3A_49 = arith.constant 2048 : i32
    %broadcast_in_dim3A_50 = vector.broadcast %jit3A_49 : i32 to vector<256x2048xi32>
    %select_n3A_51 = arith.select %eq3A_48, %iota3A, %broadcast_in_dim3A_50 : vector<256x2048xi1>, vector<256x2048xi32>
    %reduce_min3A_52 = arith.constant dense<2147483647> : vector<256xi32>
    %reduce_min3A_53 = vector.multi_reduction <minsi>, %select_n3A_51, %reduce_min3A_52 [1] : vector<256x2048xi32> to vector<256xi32>
    %broadcast_in_dim3A_54 = vector.shape_cast %reduce_min3A_53 : vector<256xi32> to vector<256x1xi32>
    %add3A_55 = vector.broadcast %mul3A_23 : i32 to vector<256x1xi32>
    %add3A_56 = arith.addi %broadcast_in_dim3A_54, %add3A_55 : vector<256x1xi32>
    %add3A_57 = arith.addi %add3A_56, %mul3A_44 : vector<256x1xi32>
    %squeeze3A = vector.shape_cast %add3A_57 : vector<256x1xi32> to vector<256xi32>
    %swap3A = arith.constant 0 : index
    %swap3A_58 = arith.constant 0 : index
    %swap3A_59 = vector.load %arg4[%swap3A, %swap3A_58] : memref<16x256xi32, #tpu.memory_space<vmem>>, vector<1x256xi32>
    %swap3A_60 = vector.shape_cast %swap3A_59 : vector<1x256xi32> to vector<256xi32>
    %swap3A_61 = vector.shape_cast %squeeze3A : vector<256xi32> to vector<1x256xi32>
    tpu.vector_store %arg4[%swap3A, %swap3A_58], %swap3A_61 {strides = array<i32>} : memref<16x256xi32, #tpu.memory_space<vmem>>, vector<1x256xi32>,
    %eq3A_62 = vector.broadcast %broadcast_in_dim3A_54 : vector<256x1xi32> to vector<256x2048xi32>
    %eq3A_63 = arith.cmpi eq, %iota3A, %eq3A_62 : vector<256x2048xi32>
    %jit3A_64 = arith.constant 0x7F800000 : f32
    %broadcast_in_dim3A_65 = vector.broadcast %jit3A_64 : f32 to vector<256x2048xf32>
    %select_n3A_66 = arith.select %eq3A_63, %broadcast_in_dim3A_65, %select_n3A : vector<256x2048xi1>, vector<256x2048xf32>
    %reduce_min3A_67 = arith.constant dense<0x7F800000> : vector<256xf32>
    %reduce_min3A_68 = vector.multi_reduction <minimumf>, %select_n3A_66, %reduce_min3A_67 [1] : vector<256x2048xf32> to vector<256xf32>
    %broadcast_in_dim3A_69 = vector.shape_cast %reduce_min3A_68 : vector<256xf32> to vector<256x1xf32>
    %eq3A_70 = vector.broadcast %broadcast_in_dim3A_69 : vector<256x1xf32> to vector<256x2048xf32>
    %eq3A_71 = arith.cmpf oeq, %select_n3A_66, %eq3A_70 : vector<256x2048xf32>
    %jit3A_72 = arith.constant 2048 : i32
    %broadcast_in_dim3A_73 = vector.broadcast %jit3A_72 : i32 to vector<256x2048xi32>
    %select_n3A_74 = arith.select %eq3A_71, %iota3A, %broadcast_in_dim3A_73 : vector<256x2048xi1>, vector<256x2048xi32>
    %reduce_min3A_75 = arith.constant dense<2147483647> : vector<256xi32>
    %reduce_min3A_76 = vector.multi_reduction <minsi>, %select_n3A_74, %reduce_min3A_75 [1] : vector<256x2048xi32> to vector<256xi32>
    %broadcast_in_dim3A_77 = vector.shape_cast %reduce_min3A_76 : vector<256xi32> to vector<256x1xi32>
    %add3A_78 = vector.broadcast %mul3A_23 : i32 to vector<256x1xi32>
    %add3A_79 = arith.addi %broadcast_in_dim3A_77, %add3A_78 : vector<256x1xi32>
    %add3A_80 = arith.addi %add3A_79, %mul3A_44 : vector<256x1xi32>
    %squeeze3A_81 = vector.shape_cast %add3A_80 : vector<256x1xi32> to vector<256xi32>
    %swap3A_82 = arith.constant 1 : index
    %swap3A_83 = arith.constant 0 : index
    %swap3A_84 = vector.load %arg4[%swap3A_82, %swap3A_83] : memref<16x256xi32, #tpu.memory_space<vmem>>, vector<1x256xi32>
    %swap3A_85 = vector.shape_cast %swap3A_84 : vector<1x256xi32> to vector<256xi32>
    %swap3A_86 = vector.shape_cast %squeeze3A_81 : vector<256xi32> to vector<1x256xi32>
    tpu.vector_store %arg4[%swap3A_82, %swap3A_83], %swap3A_86 {strides = array<i32>} : memref<16x256xi32, #tpu.memory_space<vmem>>, vector<1x256xi32>,
    %eq3A_87 = vector.broadcast %broadcast_in_dim3A_77 : vector<256x1xi32> to vector<256x2048xi32>
    %eq3A_88 = arith.cmpi eq, %iota3A, %eq3A_87 : vector<256x2048xi32>
    %jit3A_89 = arith.constant 0x7F800000 : f32
    %broadcast_in_dim3A_90 = vector.broadcast %jit3A_89 : f32 to vector<256x2048xf32>
    %select_n3A_91 = arith.select %eq3A_88, %broadcast_in_dim3A_90, %select_n3A_66 : vector<256x2048xi1>, vector<256x2048xf32>
    %reduce_min3A_92 = arith.constant dense<0x7F800000> : vector<256xf32>
    %reduce_min3A_93 = vector.multi_reduction <minimumf>, %select_n3A_91, %reduce_min3A_92 [1] : vector<256x2048xf32> to vector<256xf32>
    %broadcast_in_dim3A_94 = vector.shape_cast %reduce_min3A_93 : vector<256xf32> to vector<256x1xf32>
    %eq3A_95 = vector.broadcast %broadcast_in_dim3A_94 : vector<256x1xf32> to vector<256x2048xf32>
    %eq3A_96 = arith.cmpf oeq, %select_n3A_91, %eq3A_95 : vector<256x2048xf32>
    %jit3A_97 = arith.constant 2048 : i32
    %broadcast_in_dim3A_98 = vector.broadcast %jit3A_97 : i32 to vector<256x2048xi32>
    %select_n3A_99 = arith.select %eq3A_96, %iota3A, %broadcast_in_dim3A_98 : vector<256x2048xi1>, vector<256x2048xi32>
    %reduce_min3A_100 = arith.constant dense<2147483647> : vector<256xi32>
    %reduce_min3A_101 = vector.multi_reduction <minsi>, %select_n3A_99, %reduce_min3A_100 [1] : vector<256x2048xi32> to vector<256xi32>
    %broadcast_in_dim3A_102 = vector.shape_cast %reduce_min3A_101 : vector<256xi32> to vector<256x1xi32>
    %add3A_103 = vector.broadcast %mul3A_23 : i32 to vector<256x1xi32>
    %add3A_104 = arith.addi %broadcast_in_dim3A_102, %add3A_103 : vector<256x1xi32>
    %add3A_105 = arith.addi %add3A_104, %mul3A_44 : vector<256x1xi32>
    %squeeze3A_106 = vector.shape_cast %add3A_105 : vector<256x1xi32> to vector<256xi32>
    %swap3A_107 = arith.constant 2 : index
    %swap3A_108 = arith.constant 0 : index
    %swap3A_109 = vector.load %arg4[%swap3A_107, %swap3A_108] : memref<16x256xi32, #tpu.memory_space<vmem>>, vector<1x256xi32>
    %swap3A_110 = vector.shape_cast %swap3A_109 : vector<1x256xi32> to vector<256xi32>
    %swap3A_111 = vector.shape_cast %squeeze3A_106 : vector<256xi32> to vector<1x256xi32>
    tpu.vector_store %arg4[%swap3A_107, %swap3A_108], %swap3A_111 {strides = array<i32>} : memref<16x256xi32, #tpu.memory_space<vmem>>, vector<1x256xi32>,
    %eq3A_112 = vector.broadcast %broadcast_in_dim3A_102 : vector<256x1xi32> to vector<256x2048xi32>
    %eq3A_113 = arith.cmpi eq, %iota3A, %eq3A_112 : vector<256x2048xi32>
    %jit3A_114 = arith.constant 0x7F800000 : f32
    %broadcast_in_dim3A_115 = vector.broadcast %jit3A_114 : f32 to vector<256x2048xf32>
    %select_n3A_116 = arith.select %eq3A_113, %broadcast_in_dim3A_115, %select_n3A_91 : vector<256x2048xi1>, vector<256x2048xf32>
    %reduce_min3A_117 = arith.constant dense<0x7F800000> : vector<256xf32>
    %reduce_min3A_118 = vector.multi_reduction <minimumf>, %select_n3A_116, %reduce_min3A_117 [1] : vector<256x2048xf32> to vector<256xf32>
    %broadcast_in_dim3A_119 = vector.shape_cast %reduce_min3A_118 : vector<256xf32> to vector<256x1xf32>
    %eq3A_120 = vector.broadcast %broadcast_in_dim3A_119 : vector<256x1xf32> to vector<256x2048xf32>
    %eq3A_121 = arith.cmpf oeq, %select_n3A_116, %eq3A_120 : vector<256x2048xf32>
    %jit3A_122 = arith.constant 2048 : i32
    %broadcast_in_dim3A_123 = vector.broadcast %jit3A_122 : i32 to vector<256x2048xi32>
    %select_n3A_124 = arith.select %eq3A_121, %iota3A, %broadcast_in_dim3A_123 : vector<256x2048xi1>, vector<256x2048xi32>
    %reduce_min3A_125 = arith.constant dense<2147483647> : vector<256xi32>
    %reduce_min3A_126 = vector.multi_reduction <minsi>, %select_n3A_124, %reduce_min3A_125 [1] : vector<256x2048xi32> to vector<256xi32>
    %broadcast_in_dim3A_127 = vector.shape_cast %reduce_min3A_126 : vector<256xi32> to vector<256x1xi32>
    %add3A_128 = vector.broadcast %mul3A_23 : i32 to vector<256x1xi32>
    %add3A_129 = arith.addi %broadcast_in_dim3A_127, %add3A_128 : vector<256x1xi32>
    %add3A_130 = arith.addi %add3A_129, %mul3A_44 : vector<256x1xi32>
    %squeeze3A_131 = vector.shape_cast %add3A_130 : vector<256x1xi32> to vector<256xi32>
    %swap3A_132 = arith.constant 3 : index
    %swap3A_133 = arith.constant 0 : index
    %swap3A_134 = vector.load %arg4[%swap3A_132, %swap3A_133] : memref<16x256xi32, #tpu.memory_space<vmem>>, vector<1x256xi32>
    %swap3A_135 = vector.shape_cast %swap3A_134 : vector<1x256xi32> to vector<256xi32>
    %swap3A_136 = vector.shape_cast %squeeze3A_131 : vector<256xi32> to vector<1x256xi32>
    tpu.vector_store %arg4[%swap3A_132, %swap3A_133], %swap3A_136 {strides = array<i32>} : memref<16x256xi32, #tpu.memory_space<vmem>>, vector<1x256xi32>,
    %eq3A_137 = vector.broadcast %broadcast_in_dim3A_127 : vector<256x1xi32> to vector<256x2048xi32>
    %eq3A_138 = arith.cmpi eq, %iota3A, %eq3A_137 : vector<256x2048xi32>
    %jit3A_139 = arith.constant 0x7F800000 : f32
    %broadcast_in_dim3A_140 = vector.broadcast %jit3A_139 : f32 to vector<256x2048xf32>
    %select_n3A_141 = arith.select %eq3A_138, %broadcast_in_dim3A_140, %select_n3A_116 : vector<256x2048xi1>, vector<256x2048xf32>
    %reduce_min3A_142 = arith.constant dense<0x7F800000> : vector<256xf32>
    %reduce_min3A_143 = vector.multi_reduction <minimumf>, %select_n3A_141, %reduce_min3A_142 [1] : vector<256x2048xf32> to vector<256xf32>
    %broadcast_in_dim3A_144 = vector.shape_cast %reduce_min3A_143 : vector<256xf32> to vector<256x1xf32>
    %eq3A_145 = vector.broadcast %broadcast_in_dim3A_144 : vector<256x1xf32> to vector<256x2048xf32>
    %eq3A_146 = arith.cmpf oeq, %select_n3A_141, %eq3A_145 : vector<256x2048xf32>
    %jit3A_147 = arith.constant 2048 : i32
    %broadcast_in_dim3A_148 = vector.broadcast %jit3A_147 : i32 to vector<256x2048xi32>
    %select_n3A_149 = arith.select %eq3A_146, %iota3A, %broadcast_in_dim3A_148 : vector<256x2048xi1>, vector<256x2048xi32>
    %reduce_min3A_150 = arith.constant dense<2147483647> : vector<256xi32>
    %reduce_min3A_151 = vector.multi_reduction <minsi>, %select_n3A_149, %reduce_min3A_150 [1] : vector<256x2048xi32> to vector<256xi32>
    %broadcast_in_dim3A_152 = vector.shape_cast %reduce_min3A_151 : vector<256xi32> to vector<256x1xi32>
    %add3A_153 = vector.broadcast %mul3A_23 : i32 to vector<256x1xi32>
    %add3A_154 = arith.addi %broadcast_in_dim3A_152, %add3A_153 : vector<256x1xi32>
    %add3A_155 = arith.addi %add3A_154, %mul3A_44 : vector<256x1xi32>
    %squeeze3A_156 = vector.shape_cast %add3A_155 : vector<256x1xi32> to vector<256xi32>
    %swap3A_157 = arith.constant 4 : index
    %swap3A_158 = arith.constant 0 : index
    %swap3A_159 = vector.load %arg4[%swap3A_157, %swap3A_158] : memref<16x256xi32, #tpu.memory_space<vmem>>, vector<1x256xi32>
    %swap3A_160 = vector.shape_cast %swap3A_159 : vector<1x256xi32> to vector<256xi32>
    %swap3A_161 = vector.shape_cast %squeeze3A_156 : vector<256xi32> to vector<1x256xi32>
    tpu.vector_store %arg4[%swap3A_157, %swap3A_158], %swap3A_161 {strides = array<i32>} : memref<16x256xi32, #tpu.memory_space<vmem>>, vector<1x256xi32>,
    %eq3A_162 = vector.broadcast %broadcast_in_dim3A_152 : vector<256x1xi32> to vector<256x2048xi32>
    %eq3A_163 = arith.cmpi eq, %iota3A, %eq3A_162 : vector<256x2048xi32>
    %jit3A_164 = arith.constant 0x7F800000 : f32
    %broadcast_in_dim3A_165 = vector.broadcast %jit3A_164 : f32 to vector<256x2048xf32>
    %select_n3A_166 = arith.select %eq3A_163, %broadcast_in_dim3A_165, %select_n3A_141 : vector<256x2048xi1>, vector<256x2048xf32>
    %reduce_min3A_167 = arith.constant dense<0x7F800000> : vector<256xf32>
    %reduce_min3A_168 = vector.multi_reduction <minimumf>, %select_n3A_166, %reduce_min3A_167 [1] : vector<256x2048xf32> to vector<256xf32>
    %broadcast_in_dim3A_169 = vector.shape_cast %reduce_min3A_168 : vector<256xf32> to vector<256x1xf32>
    %eq3A_170 = vector.broadcast %broadcast_in_dim3A_169 : vector<256x1xf32> to vector<256x2048xf32>
    %eq3A_171 = arith.cmpf oeq, %select_n3A_166, %eq3A_170 : vector<256x2048xf32>
    %jit3A_172 = arith.constant 2048 : i32
    %broadcast_in_dim3A_173 = vector.broadcast %jit3A_172 : i32 to vector<256x2048xi32>
    %select_n3A_174 = arith.select %eq3A_171, %iota3A, %broadcast_in_dim3A_173 : vector<256x2048xi1>, vector<256x2048xi32>
    %reduce_min3A_175 = arith.constant dense<2147483647> : vector<256xi32>
    %reduce_min3A_176 = vector.multi_reduction <minsi>, %select_n3A_174, %reduce_min3A_175 [1] : vector<256x2048xi32> to vector<256xi32>
    %broadcast_in_dim3A_177 = vector.shape_cast %reduce_min3A_176 : vector<256xi32> to vector<256x1xi32>
    %add3A_178 = vector.broadcast %mul3A_23 : i32 to vector<256x1xi32>
    %add3A_179 = arith.addi %broadcast_in_dim3A_177, %add3A_178 : vector<256x1xi32>
    %add3A_180 = arith.addi %add3A_179, %mul3A_44 : vector<256x1xi32>
    %squeeze3A_181 = vector.shape_cast %add3A_180 : vector<256x1xi32> to vector<256xi32>
    %swap3A_182 = arith.constant 5 : index
    %swap3A_183 = arith.constant 0 : index
    %swap3A_184 = vector.load %arg4[%swap3A_182, %swap3A_183] : memref<16x256xi32, #tpu.memory_space<vmem>>, vector<1x256xi32>
    %swap3A_185 = vector.shape_cast %swap3A_184 : vector<1x256xi32> to vector<256xi32>
    %swap3A_186 = vector.shape_cast %squeeze3A_181 : vector<256xi32> to vector<1x256xi32>
    tpu.vector_store %arg4[%swap3A_182, %swap3A_183], %swap3A_186 {strides = array<i32>} : memref<16x256xi32, #tpu.memory_space<vmem>>, vector<1x256xi32>,
    %eq3A_187 = vector.broadcast %broadcast_in_dim3A_177 : vector<256x1xi32> to vector<256x2048xi32>
    %eq3A_188 = arith.cmpi eq, %iota3A, %eq3A_187 : vector<256x2048xi32>
    %jit3A_189 = arith.constant 0x7F800000 : f32
    %broadcast_in_dim3A_190 = vector.broadcast %jit3A_189 : f32 to vector<256x2048xf32>
    %select_n3A_191 = arith.select %eq3A_188, %broadcast_in_dim3A_190, %select_n3A_166 : vector<256x2048xi1>, vector<256x2048xf32>
    %reduce_min3A_192 = arith.constant dense<0x7F800000> : vector<256xf32>
    %reduce_min3A_193 = vector.multi_reduction <minimumf>, %select_n3A_191, %reduce_min3A_192 [1] : vector<256x2048xf32> to vector<256xf32>
    %broadcast_in_dim3A_194 = vector.shape_cast %reduce_min3A_193 : vector<256xf32> to vector<256x1xf32>
    %eq3A_195 = vector.broadcast %broadcast_in_dim3A_194 : vector<256x1xf32> to vector<256x2048xf32>
    %eq3A_196 = arith.cmpf oeq, %select_n3A_191, %eq3A_195 : vector<256x2048xf32>
    %jit3A_197 = arith.constant 2048 : i32
    %broadcast_in_dim3A_198 = vector.broadcast %jit3A_197 : i32 to vector<256x2048xi32>
    %select_n3A_199 = arith.select %eq3A_196, %iota3A, %broadcast_in_dim3A_198 : vector<256x2048xi1>, vector<256x2048xi32>
    %reduce_min3A_200 = arith.constant dense<2147483647> : vector<256xi32>
    %reduce_min3A_201 = vector.multi_reduction <minsi>, %select_n3A_199, %reduce_min3A_200 [1] : vector<256x2048xi32> to vector<256xi32>
    %broadcast_in_dim3A_202 = vector.shape_cast %reduce_min3A_201 : vector<256xi32> to vector<256x1xi32>
    %add3A_203 = vector.broadcast %mul3A_23 : i32 to vector<256x1xi32>
    %add3A_204 = arith.addi %broadcast_in_dim3A_202, %add3A_203 : vector<256x1xi32>
    %add3A_205 = arith.addi %add3A_204, %mul3A_44 : vector<256x1xi32>
    %squeeze3A_206 = vector.shape_cast %add3A_205 : vector<256x1xi32> to vector<256xi32>
    %swap3A_207 = arith.constant 6 : index
    %swap3A_208 = arith.constant 0 : index
    %swap3A_209 = vector.load %arg4[%swap3A_207, %swap3A_208] : memref<16x256xi32, #tpu.memory_space<vmem>>, vector<1x256xi32>
    %swap3A_210 = vector.shape_cast %swap3A_209 : vector<1x256xi32> to vector<256xi32>
    %swap3A_211 = vector.shape_cast %squeeze3A_206 : vector<256xi32> to vector<1x256xi32>
    tpu.vector_store %arg4[%swap3A_207, %swap3A_208], %swap3A_211 {strides = array<i32>} : memref<16x256xi32, #tpu.memory_space<vmem>>, vector<1x256xi32>,
    %eq3A_212 = vector.broadcast %broadcast_in_dim3A_202 : vector<256x1xi32> to vector<256x2048xi32>
    %eq3A_213 = arith.cmpi eq, %iota3A, %eq3A_212 : vector<256x2048xi32>
    %jit3A_214 = arith.constant 0x7F800000 : f32
    %broadcast_in_dim3A_215 = vector.broadcast %jit3A_214 : f32 to vector<256x2048xf32>
    %select_n3A_216 = arith.select %eq3A_213, %broadcast_in_dim3A_215, %select_n3A_191 : vector<256x2048xi1>, vector<256x2048xf32>
    %reduce_min3A_217 = arith.constant dense<0x7F800000> : vector<256xf32>
    %reduce_min3A_218 = vector.multi_reduction <minimumf>, %select_n3A_216, %reduce_min3A_217 [1] : vector<256x2048xf32> to vector<256xf32>
    %broadcast_in_dim3A_219 = vector.shape_cast %reduce_min3A_218 : vector<256xf32> to vector<256x1xf32>
    %eq3A_220 = vector.broadcast %broadcast_in_dim3A_219 : vector<256x1xf32> to vector<256x2048xf32>
    %eq3A_221 = arith.cmpf oeq, %select_n3A_216, %eq3A_220 : vector<256x2048xf32>
    %jit3A_222 = arith.constant 2048 : i32
    %broadcast_in_dim3A_223 = vector.broadcast %jit3A_222 : i32 to vector<256x2048xi32>
    %select_n3A_224 = arith.select %eq3A_221, %iota3A, %broadcast_in_dim3A_223 : vector<256x2048xi1>, vector<256x2048xi32>
    %reduce_min3A_225 = arith.constant dense<2147483647> : vector<256xi32>
    %reduce_min3A_226 = vector.multi_reduction <minsi>, %select_n3A_224, %reduce_min3A_225 [1] : vector<256x2048xi32> to vector<256xi32>
    %broadcast_in_dim3A_227 = vector.shape_cast %reduce_min3A_226 : vector<256xi32> to vector<256x1xi32>
    %add3A_228 = vector.broadcast %mul3A_23 : i32 to vector<256x1xi32>
    %add3A_229 = arith.addi %broadcast_in_dim3A_227, %add3A_228 : vector<256x1xi32>
    %add3A_230 = arith.addi %add3A_229, %mul3A_44 : vector<256x1xi32>
    %squeeze3A_231 = vector.shape_cast %add3A_230 : vector<256x1xi32> to vector<256xi32>
    %swap3A_232 = arith.constant 7 : index
    %swap3A_233 = arith.constant 0 : index
    %swap3A_234 = vector.load %arg4[%swap3A_232, %swap3A_233] : memref<16x256xi32, #tpu.memory_space<vmem>>, vector<1x256xi32>
    %swap3A_235 = vector.shape_cast %swap3A_234 : vector<1x256xi32> to vector<256xi32>
    %swap3A_236 = vector.shape_cast %squeeze3A_231 : vector<256xi32> to vector<1x256xi32>
    tpu.vector_store %arg4[%swap3A_232, %swap3A_233], %swap3A_236 {strides = array<i32>} : memref<16x256xi32, #tpu.memory_space<vmem>>, vector<1x256xi32>,
    %eq3A_237 = vector.broadcast %broadcast_in_dim3A_227 : vector<256x1xi32> to vector<256x2048xi32>
    %eq3A_238 = arith.cmpi eq, %iota3A, %eq3A_237 : vector<256x2048xi32>
    %jit3A_239 = arith.constant 0x7F800000 : f32
    %broadcast_in_dim3A_240 = vector.broadcast %jit3A_239 : f32 to vector<256x2048xf32>
    %select_n3A_241 = arith.select %eq3A_238, %broadcast_in_dim3A_240, %select_n3A_216 : vector<256x2048xi1>, vector<256x2048xf32>
    %reduce_min3A_242 = arith.constant dense<0x7F800000> : vector<256xf32>
    %reduce_min3A_243 = vector.multi_reduction <minimumf>, %select_n3A_241, %reduce_min3A_242 [1] : vector<256x2048xf32> to vector<256xf32>
    %broadcast_in_dim3A_244 = vector.shape_cast %reduce_min3A_243 : vector<256xf32> to vector<256x1xf32>
    %eq3A_245 = vector.broadcast %broadcast_in_dim3A_244 : vector<256x1xf32> to vector<256x2048xf32>
    %eq3A_246 = arith.cmpf oeq, %select_n3A_241, %eq3A_245 : vector<256x2048xf32>
    %jit3A_247 = arith.constant 2048 : i32
    %broadcast_in_dim3A_248 = vector.broadcast %jit3A_247 : i32 to vector<256x2048xi32>
    %select_n3A_249 = arith.select %eq3A_246, %iota3A, %broadcast_in_dim3A_248 : vector<256x2048xi1>, vector<256x2048xi32>
    %reduce_min3A_250 = arith.constant dense<2147483647> : vector<256xi32>
    %reduce_min3A_251 = vector.multi_reduction <minsi>, %select_n3A_249, %reduce_min3A_250 [1] : vector<256x2048xi32> to vector<256xi32>
    %broadcast_in_dim3A_252 = vector.shape_cast %reduce_min3A_251 : vector<256xi32> to vector<256x1xi32>
    %add3A_253 = vector.broadcast %mul3A_23 : i32 to vector<256x1xi32>
    %add3A_254 = arith.addi %broadcast_in_dim3A_252, %add3A_253 : vector<256x1xi32>
    %add3A_255 = arith.addi %add3A_254, %mul3A_44 : vector<256x1xi32>
    %squeeze3A_256 = vector.shape_cast %add3A_255 : vector<256x1xi32> to vector<256xi32>
    %swap3A_257 = arith.constant 8 : index
    %swap3A_258 = arith.constant 0 : index
    %swap3A_259 = vector.load %arg4[%swap3A_257, %swap3A_258] : memref<16x256xi32, #tpu.memory_space<vmem>>, vector<1x256xi32>
    %swap3A_260 = vector.shape_cast %swap3A_259 : vector<1x256xi32> to vector<256xi32>
    %swap3A_261 = vector.shape_cast %squeeze3A_256 : vector<256xi32> to vector<1x256xi32>
    tpu.vector_store %arg4[%swap3A_257, %swap3A_258], %swap3A_261 {strides = array<i32>} : memref<16x256xi32, #tpu.memory_space<vmem>>, vector<1x256xi32>,
    %eq3A_262 = vector.broadcast %broadcast_in_dim3A_252 : vector<256x1xi32> to vector<256x2048xi32>
    %eq3A_263 = arith.cmpi eq, %iota3A, %eq3A_262 : vector<256x2048xi32>
    %jit3A_264 = arith.constant 0x7F800000 : f32
    %broadcast_in_dim3A_265 = vector.broadcast %jit3A_264 : f32 to vector<256x2048xf32>
    %select_n3A_266 = arith.select %eq3A_263, %broadcast_in_dim3A_265, %select_n3A_241 : vector<256x2048xi1>, vector<256x2048xf32>
    %reduce_min3A_267 = arith.constant dense<0x7F800000> : vector<256xf32>
    %reduce_min3A_268 = vector.multi_reduction <minimumf>, %select_n3A_266, %reduce_min3A_267 [1] : vector<256x2048xf32> to vector<256xf32>
    %broadcast_in_dim3A_269 = vector.shape_cast %reduce_min3A_268 : vector<256xf32> to vector<256x1xf32>
    %eq3A_270 = vector.broadcast %broadcast_in_dim3A_269 : vector<256x1xf32> to vector<256x2048xf32>
    %eq3A_271 = arith.cmpf oeq, %select_n3A_266, %eq3A_270 : vector<256x2048xf32>
    %jit3A_272 = arith.constant 2048 : i32
    %broadcast_in_dim3A_273 = vector.broadcast %jit3A_272 : i32 to vector<256x2048xi32>
    %select_n3A_274 = arith.select %eq3A_271, %iota3A, %broadcast_in_dim3A_273 : vector<256x2048xi1>, vector<256x2048xi32>
    %reduce_min3A_275 = arith.constant dense<2147483647> : vector<256xi32>
    %reduce_min3A_276 = vector.multi_reduction <minsi>, %select_n3A_274, %reduce_min3A_275 [1] : vector<256x2048xi32> to vector<256xi32>
    %broadcast_in_dim3A_277 = vector.shape_cast %reduce_min3A_276 : vector<256xi32> to vector<256x1xi32>
    %add3A_278 = vector.broadcast %mul3A_23 : i32 to vector<256x1xi32>
    %add3A_279 = arith.addi %broadcast_in_dim3A_277, %add3A_278 : vector<256x1xi32>
    %add3A_280 = arith.addi %add3A_279, %mul3A_44 : vector<256x1xi32>
    %squeeze3A_281 = vector.shape_cast %add3A_280 : vector<256x1xi32> to vector<256xi32>
    %swap3A_282 = arith.constant 9 : index
    %swap3A_283 = arith.constant 0 : index
    %swap3A_284 = vector.load %arg4[%swap3A_282, %swap3A_283] : memref<16x256xi32, #tpu.memory_space<vmem>>, vector<1x256xi32>
    %swap3A_285 = vector.shape_cast %swap3A_284 : vector<1x256xi32> to vector<256xi32>
    %swap3A_286 = vector.shape_cast %squeeze3A_281 : vector<256xi32> to vector<1x256xi32>
    tpu.vector_store %arg4[%swap3A_282, %swap3A_283], %swap3A_286 {strides = array<i32>} : memref<16x256xi32, #tpu.memory_space<vmem>>, vector<1x256xi32>,
    %eq3A_287 = vector.broadcast %broadcast_in_dim3A_277 : vector<256x1xi32> to vector<256x2048xi32>
    %eq3A_288 = arith.cmpi eq, %iota3A, %eq3A_287 : vector<256x2048xi32>
    %jit3A_289 = arith.constant 0x7F800000 : f32
    %broadcast_in_dim3A_290 = vector.broadcast %jit3A_289 : f32 to vector<256x2048xf32>
    %select_n3A_291 = arith.select %eq3A_288, %broadcast_in_dim3A_290, %select_n3A_266 : vector<256x2048xi1>, vector<256x2048xf32>
    %reduce_min3A_292 = arith.constant dense<0x7F800000> : vector<256xf32>
    %reduce_min3A_293 = vector.multi_reduction <minimumf>, %select_n3A_291, %reduce_min3A_292 [1] : vector<256x2048xf32> to vector<256xf32>
    %broadcast_in_dim3A_294 = vector.shape_cast %reduce_min3A_293 : vector<256xf32> to vector<256x1xf32>
    %eq3A_295 = vector.broadcast %broadcast_in_dim3A_294 : vector<256x1xf32> to vector<256x2048xf32>
    %eq3A_296 = arith.cmpf oeq, %select_n3A_291, %eq3A_295 : vector<256x2048xf32>
    %jit3A_297 = arith.constant 2048 : i32
    %broadcast_in_dim3A_298 = vector.broadcast %jit3A_297 : i32 to vector<256x2048xi32>
    %select_n3A_299 = arith.select %eq3A_296, %iota3A, %broadcast_in_dim3A_298 : vector<256x2048xi1>, vector<256x2048xi32>
    %reduce_min3A_300 = arith.constant dense<2147483647> : vector<256xi32>
    %reduce_min3A_301 = vector.multi_reduction <minsi>, %select_n3A_299, %reduce_min3A_300 [1] : vector<256x2048xi32> to vector<256xi32>
    %broadcast_in_dim3A_302 = vector.shape_cast %reduce_min3A_301 : vector<256xi32> to vector<256x1xi32>
    %add3A_303 = vector.broadcast %mul3A_23 : i32 to vector<256x1xi32>
    %add3A_304 = arith.addi %broadcast_in_dim3A_302, %add3A_303 : vector<256x1xi32>
    %add3A_305 = arith.addi %add3A_304, %mul3A_44 : vector<256x1xi32>
    %squeeze3A_306 = vector.shape_cast %add3A_305 : vector<256x1xi32> to vector<256xi32>
    %swap3A_307 = arith.constant 10 : index
    %swap3A_308 = arith.constant 0 : index
    %swap3A_309 = vector.load %arg4[%swap3A_307, %swap3A_308] : memref<16x256xi32, #tpu.memory_space<vmem>>, vector<1x256xi32>
    %swap3A_310 = vector.shape_cast %swap3A_309 : vector<1x256xi32> to vector<256xi32>
    %swap3A_311 = vector.shape_cast %squeeze3A_306 : vector<256xi32> to vector<1x256xi32>
    tpu.vector_store %arg4[%swap3A_307, %swap3A_308], %swap3A_311 {strides = array<i32>} : memref<16x256xi32, #tpu.memory_space<vmem>>, vector<1x256xi32>,
    %eq3A_312 = vector.broadcast %broadcast_in_dim3A_302 : vector<256x1xi32> to vector<256x2048xi32>
    %eq3A_313 = arith.cmpi eq, %iota3A, %eq3A_312 : vector<256x2048xi32>
    %jit3A_314 = arith.constant 0x7F800000 : f32
    %broadcast_in_dim3A_315 = vector.broadcast %jit3A_314 : f32 to vector<256x2048xf32>
    %select_n3A_316 = arith.select %eq3A_313, %broadcast_in_dim3A_315, %select_n3A_291 : vector<256x2048xi1>, vector<256x2048xf32>
    %reduce_min3A_317 = arith.constant dense<0x7F800000> : vector<256xf32>
    %reduce_min3A_318 = vector.multi_reduction <minimumf>, %select_n3A_316, %reduce_min3A_317 [1] : vector<256x2048xf32> to vector<256xf32>
    %broadcast_in_dim3A_319 = vector.shape_cast %reduce_min3A_318 : vector<256xf32> to vector<256x1xf32>
    %eq3A_320 = vector.broadcast %broadcast_in_dim3A_319 : vector<256x1xf32> to vector<256x2048xf32>
    %eq3A_321 = arith.cmpf oeq, %select_n3A_316, %eq3A_320 : vector<256x2048xf32>
    %jit3A_322 = arith.constant 2048 : i32
    %broadcast_in_dim3A_323 = vector.broadcast %jit3A_322 : i32 to vector<256x2048xi32>
    %select_n3A_324 = arith.select %eq3A_321, %iota3A, %broadcast_in_dim3A_323 : vector<256x2048xi1>, vector<256x2048xi32>
    %reduce_min3A_325 = arith.constant dense<2147483647> : vector<256xi32>
    %reduce_min3A_326 = vector.multi_reduction <minsi>, %select_n3A_324, %reduce_min3A_325 [1] : vector<256x2048xi32> to vector<256xi32>
    %broadcast_in_dim3A_327 = vector.shape_cast %reduce_min3A_326 : vector<256xi32> to vector<256x1xi32>
    %add3A_328 = vector.broadcast %mul3A_23 : i32 to vector<256x1xi32>
    %add3A_329 = arith.addi %broadcast_in_dim3A_327, %add3A_328 : vector<256x1xi32>
    %add3A_330 = arith.addi %add3A_329, %mul3A_44 : vector<256x1xi32>
    %squeeze3A_331 = vector.shape_cast %add3A_330 : vector<256x1xi32> to vector<256xi32>
    %swap3A_332 = arith.constant 11 : index
    %swap3A_333 = arith.constant 0 : index
    %swap3A_334 = vector.load %arg4[%swap3A_332, %swap3A_333] : memref<16x256xi32, #tpu.memory_space<vmem>>, vector<1x256xi32>
    %swap3A_335 = vector.shape_cast %swap3A_334 : vector<1x256xi32> to vector<256xi32>
    %swap3A_336 = vector.shape_cast %squeeze3A_331 : vector<256xi32> to vector<1x256xi32>
    tpu.vector_store %arg4[%swap3A_332, %swap3A_333], %swap3A_336 {strides = array<i32>} : memref<16x256xi32, #tpu.memory_space<vmem>>, vector<1x256xi32>,
    %eq3A_337 = vector.broadcast %broadcast_in_dim3A_327 : vector<256x1xi32> to vector<256x2048xi32>
    %eq3A_338 = arith.cmpi eq, %iota3A, %eq3A_337 : vector<256x2048xi32>
    %jit3A_339 = arith.constant 0x7F800000 : f32
    %broadcast_in_dim3A_340 = vector.broadcast %jit3A_339 : f32 to vector<256x2048xf32>
    %select_n3A_341 = arith.select %eq3A_338, %broadcast_in_dim3A_340, %select_n3A_316 : vector<256x2048xi1>, vector<256x2048xf32>
    %reduce_min3A_342 = arith.constant dense<0x7F800000> : vector<256xf32>
    %reduce_min3A_343 = vector.multi_reduction <minimumf>, %select_n3A_341, %reduce_min3A_342 [1] : vector<256x2048xf32> to vector<256xf32>
    %broadcast_in_dim3A_344 = vector.shape_cast %reduce_min3A_343 : vector<256xf32> to vector<256x1xf32>
    %eq3A_345 = vector.broadcast %broadcast_in_dim3A_344 : vector<256x1xf32> to vector<256x2048xf32>
    %eq3A_346 = arith.cmpf oeq, %select_n3A_341, %eq3A_345 : vector<256x2048xf32>
    %jit3A_347 = arith.constant 2048 : i32
    %broadcast_in_dim3A_348 = vector.broadcast %jit3A_347 : i32 to vector<256x2048xi32>
    %select_n3A_349 = arith.select %eq3A_346, %iota3A, %broadcast_in_dim3A_348 : vector<256x2048xi1>, vector<256x2048xi32>
    %reduce_min3A_350 = arith.constant dense<2147483647> : vector<256xi32>
    %reduce_min3A_351 = vector.multi_reduction <minsi>, %select_n3A_349, %reduce_min3A_350 [1] : vector<256x2048xi32> to vector<256xi32>
    %broadcast_in_dim3A_352 = vector.shape_cast %reduce_min3A_351 : vector<256xi32> to vector<256x1xi32>
    %add3A_353 = vector.broadcast %mul3A_23 : i32 to vector<256x1xi32>
    %add3A_354 = arith.addi %broadcast_in_dim3A_352, %add3A_353 : vector<256x1xi32>
    %add3A_355 = arith.addi %add3A_354, %mul3A_44 : vector<256x1xi32>
    %squeeze3A_356 = vector.shape_cast %add3A_355 : vector<256x1xi32> to vector<256xi32>
    %swap3A_357 = arith.constant 12 : index
    %swap3A_358 = arith.constant 0 : index
    %swap3A_359 = vector.load %arg4[%swap3A_357, %swap3A_358] : memref<16x256xi32, #tpu.memory_space<vmem>>, vector<1x256xi32>
    %swap3A_360 = vector.shape_cast %swap3A_359 : vector<1x256xi32> to vector<256xi32>
    %swap3A_361 = vector.shape_cast %squeeze3A_356 : vector<256xi32> to vector<1x256xi32>
    tpu.vector_store %arg4[%swap3A_357, %swap3A_358], %swap3A_361 {strides = array<i32>} : memref<16x256xi32, #tpu.memory_space<vmem>>, vector<1x256xi32>,
    %eq3A_362 = vector.broadcast %broadcast_in_dim3A_352 : vector<256x1xi32> to vector<256x2048xi32>
    %eq3A_363 = arith.cmpi eq, %iota3A, %eq3A_362 : vector<256x2048xi32>
    %jit3A_364 = arith.constant 0x7F800000 : f32
    %broadcast_in_dim3A_365 = vector.broadcast %jit3A_364 : f32 to vector<256x2048xf32>
    %select_n3A_366 = arith.select %eq3A_363, %broadcast_in_dim3A_365, %select_n3A_341 : vector<256x2048xi1>, vector<256x2048xf32>
    %reduce_min3A_367 = arith.constant dense<0x7F800000> : vector<256xf32>
    %reduce_min3A_368 = vector.multi_reduction <minimumf>, %select_n3A_366, %reduce_min3A_367 [1] : vector<256x2048xf32> to vector<256xf32>
    %broadcast_in_dim3A_369 = vector.shape_cast %reduce_min3A_368 : vector<256xf32> to vector<256x1xf32>
    %eq3A_370 = vector.broadcast %broadcast_in_dim3A_369 : vector<256x1xf32> to vector<256x2048xf32>
    %eq3A_371 = arith.cmpf oeq, %select_n3A_366, %eq3A_370 : vector<256x2048xf32>
    %jit3A_372 = arith.constant 2048 : i32
    %broadcast_in_dim3A_373 = vector.broadcast %jit3A_372 : i32 to vector<256x2048xi32>
    %select_n3A_374 = arith.select %eq3A_371, %iota3A, %broadcast_in_dim3A_373 : vector<256x2048xi1>, vector<256x2048xi32>
    %reduce_min3A_375 = arith.constant dense<2147483647> : vector<256xi32>
    %reduce_min3A_376 = vector.multi_reduction <minsi>, %select_n3A_374, %reduce_min3A_375 [1] : vector<256x2048xi32> to vector<256xi32>
    %broadcast_in_dim3A_377 = vector.shape_cast %reduce_min3A_376 : vector<256xi32> to vector<256x1xi32>
    %add3A_378 = vector.broadcast %mul3A_23 : i32 to vector<256x1xi32>
    %add3A_379 = arith.addi %broadcast_in_dim3A_377, %add3A_378 : vector<256x1xi32>
    %add3A_380 = arith.addi %add3A_379, %mul3A_44 : vector<256x1xi32>
    %squeeze3A_381 = vector.shape_cast %add3A_380 : vector<256x1xi32> to vector<256xi32>
    %swap3A_382 = arith.constant 13 : index
    %swap3A_383 = arith.constant 0 : index
    %swap3A_384 = vector.load %arg4[%swap3A_382, %swap3A_383] : memref<16x256xi32, #tpu.memory_space<vmem>>, vector<1x256xi32>
    %swap3A_385 = vector.shape_cast %swap3A_384 : vector<1x256xi32> to vector<256xi32>
    %swap3A_386 = vector.shape_cast %squeeze3A_381 : vector<256xi32> to vector<1x256xi32>
    tpu.vector_store %arg4[%swap3A_382, %swap3A_383], %swap3A_386 {strides = array<i32>} : memref<16x256xi32, #tpu.memory_space<vmem>>, vector<1x256xi32>,
    %eq3A_387 = vector.broadcast %broadcast_in_dim3A_377 : vector<256x1xi32> to vector<256x2048xi32>
    %eq3A_388 = arith.cmpi eq, %iota3A, %eq3A_387 : vector<256x2048xi32>
    %jit3A_389 = arith.constant 0x7F800000 : f32
    %broadcast_in_dim3A_390 = vector.broadcast %jit3A_389 : f32 to vector<256x2048xf32>
    %select_n3A_391 = arith.select %eq3A_388, %broadcast_in_dim3A_390, %select_n3A_366 : vector<256x2048xi1>, vector<256x2048xf32>
    %reduce_min3A_392 = arith.constant dense<0x7F800000> : vector<256xf32>
    %reduce_min3A_393 = vector.multi_reduction <minimumf>, %select_n3A_391, %reduce_min3A_392 [1] : vector<256x2048xf32> to vector<256xf32>
    %broadcast_in_dim3A_394 = vector.shape_cast %reduce_min3A_393 : vector<256xf32> to vector<256x1xf32>
    %eq3A_395 = vector.broadcast %broadcast_in_dim3A_394 : vector<256x1xf32> to vector<256x2048xf32>
    %eq3A_396 = arith.cmpf oeq, %select_n3A_391, %eq3A_395 : vector<256x2048xf32>
    %jit3A_397 = arith.constant 2048 : i32
    %broadcast_in_dim3A_398 = vector.broadcast %jit3A_397 : i32 to vector<256x2048xi32>
    %select_n3A_399 = arith.select %eq3A_396, %iota3A, %broadcast_in_dim3A_398 : vector<256x2048xi1>, vector<256x2048xi32>
    %reduce_min3A_400 = arith.constant dense<2147483647> : vector<256xi32>
    %reduce_min3A_401 = vector.multi_reduction <minsi>, %select_n3A_399, %reduce_min3A_400 [1] : vector<256x2048xi32> to vector<256xi32>
    %broadcast_in_dim3A_402 = vector.shape_cast %reduce_min3A_401 : vector<256xi32> to vector<256x1xi32>
    %add3A_403 = vector.broadcast %mul3A_23 : i32 to vector<256x1xi32>
    %add3A_404 = arith.addi %broadcast_in_dim3A_402, %add3A_403 : vector<256x1xi32>
    %add3A_405 = arith.addi %add3A_404, %mul3A_44 : vector<256x1xi32>
    %squeeze3A_406 = vector.shape_cast %add3A_405 : vector<256x1xi32> to vector<256xi32>
    %swap3A_407 = arith.constant 14 : index
    %swap3A_408 = arith.constant 0 : index
    %swap3A_409 = vector.load %arg4[%swap3A_407, %swap3A_408] : memref<16x256xi32, #tpu.memory_space<vmem>>, vector<1x256xi32>
    %swap3A_410 = vector.shape_cast %swap3A_409 : vector<1x256xi32> to vector<256xi32>
    %swap3A_411 = vector.shape_cast %squeeze3A_406 : vector<256xi32> to vector<1x256xi32>
    tpu.vector_store %arg4[%swap3A_407, %swap3A_408], %swap3A_411 {strides = array<i32>} : memref<16x256xi32, #tpu.memory_space<vmem>>, vector<1x256xi32>,
    %eq3A_412 = vector.broadcast %broadcast_in_dim3A_402 : vector<256x1xi32> to vector<256x2048xi32>
    %eq3A_413 = arith.cmpi eq, %iota3A, %eq3A_412 : vector<256x2048xi32>
    %jit3A_414 = arith.constant 0x7F800000 : f32
    %broadcast_in_dim3A_415 = vector.broadcast %jit3A_414 : f32 to vector<256x2048xf32>
    %select_n3A_416 = arith.select %eq3A_413, %broadcast_in_dim3A_415, %select_n3A_391 : vector<256x2048xi1>, vector<256x2048xf32>
    %reduce_min3A_417 = arith.constant dense<0x7F800000> : vector<256xf32>
    %reduce_min3A_418 = vector.multi_reduction <minimumf>, %select_n3A_416, %reduce_min3A_417 [1] : vector<256x2048xf32> to vector<256xf32>
    %broadcast_in_dim3A_419 = vector.shape_cast %reduce_min3A_418 : vector<256xf32> to vector<256x1xf32>
    %eq3A_420 = vector.broadcast %broadcast_in_dim3A_419 : vector<256x1xf32> to vector<256x2048xf32>
    %eq3A_421 = arith.cmpf oeq, %select_n3A_416, %eq3A_420 : vector<256x2048xf32>
    %jit3A_422 = arith.constant 2048 : i32
    %broadcast_in_dim3A_423 = vector.broadcast %jit3A_422 : i32 to vector<256x2048xi32>
    %select_n3A_424 = arith.select %eq3A_421, %iota3A, %broadcast_in_dim3A_423 : vector<256x2048xi1>, vector<256x2048xi32>
    %reduce_min3A_425 = arith.constant dense<2147483647> : vector<256xi32>
    %reduce_min3A_426 = vector.multi_reduction <minsi>, %select_n3A_424, %reduce_min3A_425 [1] : vector<256x2048xi32> to vector<256xi32>
    %broadcast_in_dim3A_427 = vector.shape_cast %reduce_min3A_426 : vector<256xi32> to vector<256x1xi32>
    %add3A_428 = vector.broadcast %mul3A_23 : i32 to vector<256x1xi32>
    %add3A_429 = arith.addi %broadcast_in_dim3A_427, %add3A_428 : vector<256x1xi32>
    %add3A_430 = arith.addi %add3A_429, %mul3A_44 : vector<256x1xi32>
    %squeeze3A_431 = vector.shape_cast %add3A_430 : vector<256x1xi32> to vector<256xi32>
    %swap3A_432 = arith.constant 15 : index
    %swap3A_433 = arith.constant 0 : index
    %swap3A_434 = vector.load %arg4[%swap3A_432, %swap3A_433] : memref<16x256xi32, #tpu.memory_space<vmem>>, vector<1x256xi32>
    %swap3A_435 = vector.shape_cast %swap3A_434 : vector<1x256xi32> to vector<256xi32>
    %swap3A_436 = vector.shape_cast %squeeze3A_431 : vector<256xi32> to vector<1x256xi32>
    tpu.vector_store %arg4[%swap3A_432, %swap3A_433], %swap3A_436 {strides = array<i32>} : memref<16x256xi32, #tpu.memory_space<vmem>>, vector<1x256xi32>,
    return
  }
  func.func @transform_0(%arg0: i32, %arg1: i32) -> (i32, i32, i32) {
    %c0_i32 = arith.constant 0 : i32
    %c0_i32_0 = arith.constant 0 : i32
    %c0_i32_1 = arith.constant 0 : i32
    return %arg0, %c0_i32, %c0_i32_0 : i32, i32, i32
  }
  func.func @transform_1(%arg0: i32, %arg1: i32) -> (i32, i32, i32) {
    %c0_i32 = arith.constant 0 : i32
    %c0_i32_0 = arith.constant 0 : i32
    return %arg0, %arg1, %c0_i32 : i32, i32, i32
  }
  func.func @transform_2(%arg0: i32, %arg1: i32) -> (i32, i32) {
    %mul3A = arith.constant 8 : i32
    %mul3A_0 = arith.muli %arg0, %mul3A : i32
    %add3A = arith.addi %mul3A_0, %arg1 : i32
    %c0_i32 = arith.constant 0 : i32
    %c0_i32_1 = arith.constant 0 : i32
    return %c0_i32, %add3A : i32, i32
  }
}

module attributes {stable_mosaic.version = 14 : i64} {
  func.func @_ec_kernel(%arg0: i32, %arg1: i32, %arg2: memref<1x256x128xf32, #tpu.memory_space<vmem>>, %arg3: memref<1x256x128xf32, #tpu.memory_space<vmem>>, %arg4: memref<256x256xf32, #tpu.memory_space<vmem>>, %arg5: memref<256x256xf32, #tpu.memory_space<vmem>>, %arg6: memref<1x256xf32, #tpu.memory_space<vmem>>, %arg7: memref<1x256xf32, #tpu.memory_space<vmem>>, %arg8: memref<1x256xf32, #tpu.memory_space<vmem>>, %arg9: memref<256x32xf32, #tpu.memory_space<vmem>>, %arg10: memref<32x256xf32, #tpu.memory_space<vmem>>, %arg11: memref<256x256xf32, #tpu.memory_space<vmem>>) attributes {dimension_semantics = [#tpu.dimension_semantics<arbitrary>, #tpu.dimension_semantics<arbitrary>], iteration_bounds = array<i64: 64, 16>, scalar_prefetch = 0 : i64, scratch_operands = 0 : i64, tpu.core_type = #tpu.core_type<tc>, window_params = [{transform_indices = @transform_0, window_bounds = array<i64: 1, 256, 128>}, {transform_indices = @transform_1, window_bounds = array<i64: 1, 256, 128>}, {transform_indices = @transform_2, window_bounds = array<i64: 256, 256>}, {pipeline_mode = #tpu.pipeline_mode<synchronous>, transform_indices = @transform_3, window_bounds = array<i64: 256, 256>}, {pipeline_mode = #tpu.pipeline_mode<synchronous>, transform_indices = @transform_4, window_bounds = array<i64: 1, 256>}, {pipeline_mode = #tpu.pipeline_mode<synchronous>, transform_indices = @transform_5, window_bounds = array<i64: 1, 256>}, {pipeline_mode = #tpu.pipeline_mode<synchronous>, transform_indices = @transform_6, window_bounds = array<i64: 1, 256>}, {pipeline_mode = #tpu.pipeline_mode<synchronous>, transform_indices = @transform_7, window_bounds = array<i64: 256, 32>}, {pipeline_mode = #tpu.pipeline_mode<synchronous>, transform_indices = @transform_8, window_bounds = array<i64: 32, 256>}, {transform_indices = @transform_9, window_bounds = array<i64: 256, 256>}]} {
    %get3A = arith.constant 0 : index
    %get3A_0 = arith.constant 0 : index
    %get3A_1 = vector.load %arg9[%get3A, %get3A_0] : memref<256x32xf32, #tpu.memory_space<vmem>>, vector<256x32xf32>
    %get3A_2 = arith.constant 0 : index
    %get3A_3 = arith.constant 0 : index
    %get3A_4 = vector.load %arg10[%get3A_2, %get3A_3] : memref<32x256xf32, #tpu.memory_space<vmem>>, vector<32x256xf32>
    %get3A_5 = arith.constant 0 : index
    %get3A_6 = arith.constant 0 : index
    %get3A_7 = arith.constant 0 : index
    %get3A_8 = vector.load %arg2[%get3A_5, %get3A_6, %get3A_7] : memref<1x256x128xf32, #tpu.memory_space<vmem>>, vector<1x256x128xf32>
    %get3A_9 = vector.shape_cast %get3A_8 : vector<1x256x128xf32> to vector<256x128xf32>
    %get3A_10 = arith.constant 0 : index
    %get3A_11 = arith.constant 0 : index
    %get3A_12 = vector.load %arg4[%get3A_10, %get3A_11] : memref<256x256xf32, #tpu.memory_space<vmem>>, vector<256x128xf32>
    %add3A = arith.addf %get3A_9, %get3A_12 : vector<256x128xf32>
    %get3A_13 = arith.constant 0 : index
    %get3A_14 = arith.constant 0 : index
    %get3A_15 = arith.constant 0 : index
    %get3A_16 = vector.load %arg3[%get3A_13, %get3A_14, %get3A_15] : memref<1x256x128xf32, #tpu.memory_space<vmem>>, vector<1x256x128xf32>
    %get3A_17 = vector.shape_cast %get3A_16 : vector<1x256x128xf32> to vector<256x128xf32>
    %get3A_18 = arith.constant 0 : index
    %get3A_19 = arith.constant 128 : index
    %get3A_20 = vector.load %arg4[%get3A_18, %get3A_19] : memref<256x256xf32, #tpu.memory_space<vmem>>, vector<256x128xf32>
    %add3A_21 = arith.addf %get3A_17, %get3A_20 : vector<256x128xf32>
    %slice3A = vector.extract_strided_slice %get3A_1 {offsets = [0, 0], sizes = [128, 32], strides = [1, 1]} : vector<256x32xf32> to vector<128x32xf32>
    %dot_general3A = arith.constant dense<0.000000e+00> : vector<256x32xf32>
    %dot_general3A_22 = tpu.matmul %add3A, %slice3A, %dot_general3A {dimension_numbers = #tpu.dot_dimension_numbers<[1], [0], [0], [1], [0, 0, 1, 1], [], []>, transpose_lhs_hint = false} : vector<256x128xf32>, vector<128x32xf32>, vector<256x32xf32> -> vector<256x32xf32>
    %add3A_23 = arith.constant 0.000000e+00 : f32
    %add3A_24 = vector.broadcast %add3A_23 : f32 to vector<256x32xf32>
    %add3A_25 = arith.addf %add3A_24, %dot_general3A_22 : vector<256x32xf32>
    %slice3A_26 = vector.extract_strided_slice %get3A_1 {offsets = [128, 0], sizes = [128, 32], strides = [1, 1]} : vector<256x32xf32> to vector<128x32xf32>
    %dot_general3A_27 = arith.constant dense<0.000000e+00> : vector<256x32xf32>
    %dot_general3A_28 = tpu.matmul %add3A_21, %slice3A_26, %dot_general3A_27 {dimension_numbers = #tpu.dot_dimension_numbers<[1], [0], [0], [1], [0, 0, 1, 1], [], []>, transpose_lhs_hint = false} : vector<256x128xf32>, vector<128x32xf32>, vector<256x32xf32> -> vector<256x32xf32>
    %add3A_29 = arith.addf %add3A_25, %dot_general3A_28 : vector<256x32xf32>
    %mul3A = arith.mulf %add3A, %add3A : vector<256x128xf32>
    %slice3A_30 = vector.extract_strided_slice %get3A_1 {offsets = [0, 0], sizes = [128, 32], strides = [1, 1]} : vector<256x32xf32> to vector<128x32xf32>
    %dot_general3A_31 = arith.constant dense<0.000000e+00> : vector<256x32xf32>
    %dot_general3A_32 = tpu.matmul %mul3A, %slice3A_30, %dot_general3A_31 {dimension_numbers = #tpu.dot_dimension_numbers<[1], [0], [0], [1], [0, 0, 1, 1], [], []>, transpose_lhs_hint = false} : vector<256x128xf32>, vector<128x32xf32>, vector<256x32xf32> -> vector<256x32xf32>
    %add3A_33 = arith.constant 0.000000e+00 : f32
    %add3A_34 = vector.broadcast %add3A_33 : f32 to vector<256x32xf32>
    %add3A_35 = arith.addf %add3A_34, %dot_general3A_32 : vector<256x32xf32>
    %mul3A_36 = arith.mulf %add3A_21, %add3A_21 : vector<256x128xf32>
    %slice3A_37 = vector.extract_strided_slice %get3A_1 {offsets = [128, 0], sizes = [128, 32], strides = [1, 1]} : vector<256x32xf32> to vector<128x32xf32>
    %dot_general3A_38 = arith.constant dense<0.000000e+00> : vector<256x32xf32>
    %dot_general3A_39 = tpu.matmul %mul3A_36, %slice3A_37, %dot_general3A_38 {dimension_numbers = #tpu.dot_dimension_numbers<[1], [0], [0], [1], [0, 0, 1, 1], [], []>, transpose_lhs_hint = false} : vector<256x128xf32>, vector<128x32xf32>, vector<256x32xf32> -> vector<256x32xf32>
    %add3A_40 = arith.addf %add3A_35, %dot_general3A_39 : vector<256x32xf32>
    %mul3A_41 = arith.constant 1.250000e-01 : f32
    %mul3A_42 = vector.broadcast %mul3A_41 : f32 to vector<256x32xf32>
    %mul3A_43 = arith.mulf %add3A_29, %mul3A_42 : vector<256x32xf32>
    %mul3A_44 = arith.constant 1.250000e-01 : f32
    %mul3A_45 = vector.broadcast %mul3A_44 : f32 to vector<256x32xf32>
    %mul3A_46 = arith.mulf %add3A_40, %mul3A_45 : vector<256x32xf32>
    %mul3A_47 = arith.mulf %mul3A_43, %mul3A_43 : vector<256x32xf32>
    %sub3A = arith.subf %mul3A_46, %mul3A_47 : vector<256x32xf32>
    %add3A_48 = arith.constant 9.99999974E-6 : f32
    %add3A_49 = vector.broadcast %add3A_48 : f32 to vector<256x32xf32>
    %add3A_50 = arith.addf %sub3A, %add3A_49 : vector<256x32xf32>
    %rsqrt3A = math.rsqrt %add3A_50 : vector<256x32xf32>
    %get3A_51 = arith.constant 0 : index
    %get3A_52 = arith.constant 0 : index
    %get3A_53 = vector.load %arg6[%get3A_51, %get3A_52] : memref<1x256xf32, #tpu.memory_space<vmem>>, vector<1x256xf32>
    %slice3A_54 = vector.extract_strided_slice %get3A_4 {offsets = [0, 0], sizes = [32, 128], strides = [1, 1]} : vector<32x256xf32> to vector<32x128xf32>
    %dot_general3A_55 = arith.constant dense<0.000000e+00> : vector<256x128xf32>
    %dot_general3A_56 = tpu.matmul %mul3A_43, %slice3A_54, %dot_general3A_55 {dimension_numbers = #tpu.dot_dimension_numbers<[1], [0], [0], [1], [0, 0, 1, 1], [], []>, transpose_lhs_hint = false} : vector<256x32xf32>, vector<32x128xf32>, vector<256x128xf32> -> vector<256x128xf32>
    %slice3A_57 = vector.extract_strided_slice %get3A_4 {offsets = [0, 0], sizes = [32, 128], strides = [1, 1]} : vector<32x256xf32> to vector<32x128xf32>
    %dot_general3A_58 = arith.constant dense<0.000000e+00> : vector<256x128xf32>
    %dot_general3A_59 = tpu.matmul %rsqrt3A, %slice3A_57, %dot_general3A_58 {dimension_numbers = #tpu.dot_dimension_numbers<[1], [0], [0], [1], [0, 0, 1, 1], [], []>, transpose_lhs_hint = false} : vector<256x32xf32>, vector<32x128xf32>, vector<256x128xf32> -> vector<256x128xf32>
    %sub3A_60 = arith.subf %add3A, %dot_general3A_56 : vector<256x128xf32>
    %mul3A_61 = arith.mulf %sub3A_60, %dot_general3A_59 : vector<256x128xf32>
    %get3A_62 = arith.constant 0 : index
    %get3A_63 = arith.constant 0 : index
    %get3A_64 = vector.load %arg7[%get3A_62, %get3A_63] : memref<1x256xf32, #tpu.memory_space<vmem>>, vector<1x128xf32>
    %mul3A_65 = vector.broadcast %get3A_64 : vector<1x128xf32> to vector<256x128xf32>
    %mul3A_66 = arith.mulf %mul3A_61, %mul3A_65 : vector<256x128xf32>
    %get3A_67 = arith.constant 0 : index
    %get3A_68 = arith.constant 0 : index
    %get3A_69 = vector.load %arg8[%get3A_67, %get3A_68] : memref<1x256xf32, #tpu.memory_space<vmem>>, vector<1x128xf32>
    %add3A_70 = vector.broadcast %get3A_69 : vector<1x128xf32> to vector<256x128xf32>
    %add3A_71 = arith.addf %mul3A_66, %add3A_70 : vector<256x128xf32>
    %max3A = arith.constant 0.000000e+00 : f32
    %max3A_72 = vector.broadcast %max3A : f32 to vector<256x128xf32>
    %max3A_73 = arith.maximumf %add3A_71, %max3A_72 : vector<256x128xf32>
    %get3A_74 = arith.constant 0 : index
    %get3A_75 = arith.constant 0 : index
    %get3A_76 = vector.load %arg5[%get3A_74, %get3A_75] : memref<256x256xf32, #tpu.memory_space<vmem>>, vector<128x256xf32>
    %dot_general3A_77 = arith.constant dense<0.000000e+00> : vector<256x256xf32>
    %dot_general3A_78 = tpu.matmul %max3A_73, %get3A_76, %dot_general3A_77 {dimension_numbers = #tpu.dot_dimension_numbers<[1], [0], [0], [1], [0, 0, 1, 1], [], []>, transpose_lhs_hint = false} : vector<256x128xf32>, vector<128x256xf32>, vector<256x256xf32> -> vector<256x256xf32>
    %add3A_79 = vector.broadcast %get3A_53 : vector<1x256xf32> to vector<256x256xf32>
    %add3A_80 = arith.addf %add3A_79, %dot_general3A_78 : vector<256x256xf32>
    %slice3A_81 = vector.extract_strided_slice %get3A_4 {offsets = [0, 128], sizes = [32, 128], strides = [1, 1]} : vector<32x256xf32> to vector<32x128xf32>
    %dot_general3A_82 = arith.constant dense<0.000000e+00> : vector<256x128xf32>
    %dot_general3A_83 = tpu.matmul %mul3A_43, %slice3A_81, %dot_general3A_82 {dimension_numbers = #tpu.dot_dimension_numbers<[1], [0], [0], [1], [0, 0, 1, 1], [], []>, transpose_lhs_hint = false} : vector<256x32xf32>, vector<32x128xf32>, vector<256x128xf32> -> vector<256x128xf32>
    %slice3A_84 = vector.extract_strided_slice %get3A_4 {offsets = [0, 128], sizes = [32, 128], strides = [1, 1]} : vector<32x256xf32> to vector<32x128xf32>
    %dot_general3A_85 = arith.constant dense<0.000000e+00> : vector<256x128xf32>
    %dot_general3A_86 = tpu.matmul %rsqrt3A, %slice3A_84, %dot_general3A_85 {dimension_numbers = #tpu.dot_dimension_numbers<[1], [0], [0], [1], [0, 0, 1, 1], [], []>, transpose_lhs_hint = false} : vector<256x32xf32>, vector<32x128xf32>, vector<256x128xf32> -> vector<256x128xf32>
    %sub3A_87 = arith.subf %add3A_21, %dot_general3A_83 : vector<256x128xf32>
    %mul3A_88 = arith.mulf %sub3A_87, %dot_general3A_86 : vector<256x128xf32>
    %get3A_89 = arith.constant 0 : index
    %get3A_90 = arith.constant 128 : index
    %get3A_91 = vector.load %arg7[%get3A_89, %get3A_90] : memref<1x256xf32, #tpu.memory_space<vmem>>, vector<1x128xf32>
    %mul3A_92 = vector.broadcast %get3A_91 : vector<1x128xf32> to vector<256x128xf32>
    %mul3A_93 = arith.mulf %mul3A_88, %mul3A_92 : vector<256x128xf32>
    %get3A_94 = arith.constant 0 : index
    %get3A_95 = arith.constant 128 : index
    %get3A_96 = vector.load %arg8[%get3A_94, %get3A_95] : memref<1x256xf32, #tpu.memory_space<vmem>>, vector<1x128xf32>
    %add3A_97 = vector.broadcast %get3A_96 : vector<1x128xf32> to vector<256x128xf32>
    %add3A_98 = arith.addf %mul3A_93, %add3A_97 : vector<256x128xf32>
    %max3A_99 = arith.constant 0.000000e+00 : f32
    %max3A_100 = vector.broadcast %max3A_99 : f32 to vector<256x128xf32>
    %max3A_101 = arith.maximumf %add3A_98, %max3A_100 : vector<256x128xf32>
    %get3A_102 = arith.constant 128 : index
    %get3A_103 = arith.constant 0 : index
    %get3A_104 = vector.load %arg5[%get3A_102, %get3A_103] : memref<256x256xf32, #tpu.memory_space<vmem>>, vector<128x256xf32>
    %dot_general3A_105 = arith.constant dense<0.000000e+00> : vector<256x256xf32>
    %dot_general3A_106 = tpu.matmul %max3A_101, %get3A_104, %dot_general3A_105 {dimension_numbers = #tpu.dot_dimension_numbers<[1], [0], [0], [1], [0, 0, 1, 1], [], []>, transpose_lhs_hint = false} : vector<256x128xf32>, vector<128x256xf32>, vector<256x256xf32> -> vector<256x256xf32>
    %add3A_107 = arith.addf %add3A_80, %dot_general3A_106 : vector<256x256xf32>
    %eq3A = arith.constant 0 : i32
    %eq3A_108 = arith.cmpi eq, %arg1, %eq3A : i32
    %convert_element_type3A = arith.extui %eq3A_108 : i1 to i32
    %cond3A = arith.constant 0 : i32
    %cond3A_109 = arith.cmpi ne, %convert_element_type3A, %cond3A : i32
    scf.if %cond3A_109 {
      %swap3A = arith.constant 0 : index
      %swap3A_114 = arith.constant 0 : index
      %swap3A_115 = vector.load %arg11[%swap3A, %swap3A_114] : memref<256x256xf32, #tpu.memory_space<vmem>>, vector<256x256xf32>
      tpu.vector_store %arg11[%swap3A, %swap3A_114], %add3A_107 {strides = array<i32>} : memref<256x256xf32, #tpu.memory_space<vmem>>, vector<256x256xf32>,
    } else {
    }
    %gt3A = arith.constant 0 : i32
    %gt3A_110 = arith.cmpi sgt, %arg1, %gt3A : i32
    %convert_element_type3A_111 = arith.extui %gt3A_110 : i1 to i32
    %cond3A_112 = arith.constant 0 : i32
    %cond3A_113 = arith.cmpi ne, %convert_element_type3A_111, %cond3A_112 : i32
    scf.if %cond3A_113 {
      %get3A_114 = arith.constant 0 : index
      %get3A_115 = arith.constant 0 : index
      %get3A_116 = vector.load %arg11[%get3A_114, %get3A_115] : memref<256x256xf32, #tpu.memory_space<vmem>>, vector<256x256xf32>
      %max3A_117 = arith.maximumf %get3A_116, %add3A_107 : vector<256x256xf32>
      %swap3A = arith.constant 0 : index
      %swap3A_118 = arith.constant 0 : index
      %swap3A_119 = vector.load %arg11[%swap3A, %swap3A_118] : memref<256x256xf32, #tpu.memory_space<vmem>>, vector<256x256xf32>
      tpu.vector_store %arg11[%swap3A, %swap3A_118], %max3A_117 {strides = array<i32>} : memref<256x256xf32, #tpu.memory_space<vmem>>, vector<256x256xf32>,
    } else {
    }
    return
  }
  func.func @transform_0(%arg0: i32, %arg1: i32) -> (i32, i32, i32) {
    %c0_i32 = arith.constant 0 : i32
    %c0_i32_0 = arith.constant 0 : i32
    return %arg1, %arg0, %c0_i32 : i32, i32, i32
  }
  func.func @transform_1(%arg0: i32, %arg1: i32) -> (i32, i32, i32) {
    %c0_i32 = arith.constant 0 : i32
    %c0_i32_0 = arith.constant 0 : i32
    return %arg1, %arg0, %c0_i32 : i32, i32, i32
  }
  func.func @transform_2(%arg0: i32, %arg1: i32) -> (i32, i32) {
    %c0_i32 = arith.constant 0 : i32
    %c0_i32_0 = arith.constant 0 : i32
    return %arg0, %c0_i32 : i32, i32
  }
  func.func @transform_3(%arg0: i32, %arg1: i32) -> (i32, i32) {
    %c0_i32 = arith.constant 0 : i32
    %c0_i32_0 = arith.constant 0 : i32
    %c0_i32_1 = arith.constant 0 : i32
    return %c0_i32, %c0_i32_0 : i32, i32
  }
  func.func @transform_4(%arg0: i32, %arg1: i32) -> (i32, i32) {
    %c0_i32 = arith.constant 0 : i32
    %c0_i32_0 = arith.constant 0 : i32
    %c0_i32_1 = arith.constant 0 : i32
    return %c0_i32, %c0_i32_0 : i32, i32
  }
  func.func @transform_5(%arg0: i32, %arg1: i32) -> (i32, i32) {
    %c0_i32 = arith.constant 0 : i32
    %c0_i32_0 = arith.constant 0 : i32
    %c0_i32_1 = arith.constant 0 : i32
    return %c0_i32, %c0_i32_0 : i32, i32
  }
  func.func @transform_6(%arg0: i32, %arg1: i32) -> (i32, i32) {
    %c0_i32 = arith.constant 0 : i32
    %c0_i32_0 = arith.constant 0 : i32
    %c0_i32_1 = arith.constant 0 : i32
    return %c0_i32, %c0_i32_0 : i32, i32
  }
  func.func @transform_7(%arg0: i32, %arg1: i32) -> (i32, i32) {
    %c0_i32 = arith.constant 0 : i32
    %c0_i32_0 = arith.constant 0 : i32
    %c0_i32_1 = arith.constant 0 : i32
    return %c0_i32, %c0_i32_0 : i32, i32
  }
  func.func @transform_8(%arg0: i32, %arg1: i32) -> (i32, i32) {
    %c0_i32 = arith.constant 0 : i32
    %c0_i32_0 = arith.constant 0 : i32
    %c0_i32_1 = arith.constant 0 : i32
    return %c0_i32, %c0_i32_0 : i32, i32
  }
  func.func @transform_9(%arg0: i32, %arg1: i32) -> (i32, i32) {
    %c0_i32 = arith.constant 0 : i32
    %c0_i32_0 = arith.constant 0 : i32
    return %arg0, %c0_i32 : i32, i32
  }
}

module attributes {stable_mosaic.version = 14 : i64} {
  func.func @_global_kernel(%arg0: i32, %arg1: memref<1x2048x256xf32, #tpu.memory_space<vmem>>, %arg2: memref<256x256xf32, #tpu.memory_space<vmem>>, %arg3: memref<1x256xf32, #tpu.memory_space<vmem>>, %arg4: memref<256x512xf32, #tpu.memory_space<vmem>>, %arg5: memref<1x1x512xf32, #tpu.memory_space<vmem>>) attributes {dimension_semantics = [#tpu.dimension_semantics<arbitrary>], iteration_bounds = array<i64: 8>, scalar_prefetch = 0 : i64, scratch_operands = 0 : i64, tpu.core_type = #tpu.core_type<tc>, window_params = [{transform_indices = @transform_0, window_bounds = array<i64: 1, 2048, 256>}, {pipeline_mode = #tpu.pipeline_mode<synchronous>, transform_indices = @transform_1, window_bounds = array<i64: 256, 256>}, {pipeline_mode = #tpu.pipeline_mode<synchronous>, transform_indices = @transform_2, window_bounds = array<i64: 1, 256>}, {pipeline_mode = #tpu.pipeline_mode<synchronous>, transform_indices = @transform_3, window_bounds = array<i64: 256, 512>}, {transform_indices = @transform_4, window_bounds = array<i64: 1, 1, 512>}]} {
    %get3A = arith.constant 0 : index
    %get3A_0 = arith.constant 0 : index
    %get3A_1 = arith.constant 0 : index
    %get3A_2 = vector.load %arg1[%get3A, %get3A_0, %get3A_1] : memref<1x2048x256xf32, #tpu.memory_space<vmem>>, vector<1x2048x256xf32>
    %get3A_3 = vector.shape_cast %get3A_2 : vector<1x2048x256xf32> to vector<2048x256xf32>
    %reduce_max3A = arith.constant dense<0xFF800000> : vector<256xf32>
    %reduce_max3A_4 = vector.multi_reduction <maximumf>, %get3A_3, %reduce_max3A [0] : vector<2048x256xf32> to vector<256xf32>
    %broadcast_in_dim3A = vector.shape_cast %reduce_max3A_4 : vector<256xf32> to vector<1x256xf32>
    %get3A_5 = arith.constant 0 : index
    %get3A_6 = arith.constant 0 : index
    %get3A_7 = vector.load %arg2[%get3A_5, %get3A_6] : memref<256x256xf32, #tpu.memory_space<vmem>>, vector<256x256xf32>
    %dot_general3A = arith.constant dense<0.000000e+00> : vector<1x256xf32>
    %dot_general3A_8 = tpu.matmul %broadcast_in_dim3A, %get3A_7, %dot_general3A {dimension_numbers = #tpu.dot_dimension_numbers<[1], [0], [0], [1], [0, 0, 1, 1], [], []>, transpose_lhs_hint = false} : vector<1x256xf32>, vector<256x256xf32>, vector<1x256xf32> -> vector<1x256xf32>
    %get3A_9 = arith.constant 0 : index
    %get3A_10 = arith.constant 0 : index
    %get3A_11 = vector.load %arg3[%get3A_9, %get3A_10] : memref<1x256xf32, #tpu.memory_space<vmem>>, vector<1x256xf32>
    %add3A = arith.addf %dot_general3A_8, %get3A_11 : vector<1x256xf32>
    %max3A = arith.constant 0.000000e+00 : f32
    %max3A_12 = vector.broadcast %max3A : f32 to vector<1x256xf32>
    %max3A_13 = arith.maximumf %add3A, %max3A_12 : vector<1x256xf32>
    %get3A_14 = arith.constant 0 : index
    %get3A_15 = arith.constant 0 : index
    %get3A_16 = vector.load %arg4[%get3A_14, %get3A_15] : memref<256x512xf32, #tpu.memory_space<vmem>>, vector<256x512xf32>
    %dot_general3A_17 = arith.constant dense<0.000000e+00> : vector<1x512xf32>
    %dot_general3A_18 = tpu.matmul %max3A_13, %get3A_16, %dot_general3A_17 {dimension_numbers = #tpu.dot_dimension_numbers<[1], [0], [0], [1], [0, 0, 1, 1], [], []>, transpose_lhs_hint = false} : vector<1x256xf32>, vector<256x512xf32>, vector<1x512xf32> -> vector<1x512xf32>
    %swap3A = arith.constant 0 : index
    %swap3A_19 = arith.constant 0 : index
    %swap3A_20 = arith.constant 0 : index
    %swap3A_21 = vector.load %arg5[%swap3A, %swap3A_19, %swap3A_20] : memref<1x1x512xf32, #tpu.memory_space<vmem>>, vector<1x1x512xf32>
    %swap3A_22 = vector.shape_cast %swap3A_21 : vector<1x1x512xf32> to vector<1x512xf32>
    %swap3A_23 = vector.shape_cast %dot_general3A_18 : vector<1x512xf32> to vector<1x1x512xf32>
    tpu.vector_store %arg5[%swap3A, %swap3A_19, %swap3A_20], %swap3A_23 {strides = array<i32>} : memref<1x1x512xf32, #tpu.memory_space<vmem>>, vector<1x1x512xf32>,
    return
  }
  func.func @transform_0(%arg0: i32) -> (i32, i32, i32) {
    %c0_i32 = arith.constant 0 : i32
    %c0_i32_0 = arith.constant 0 : i32
    %c0_i32_1 = arith.constant 0 : i32
    return %arg0, %c0_i32, %c0_i32_0 : i32, i32, i32
  }
  func.func @transform_1(%arg0: i32) -> (i32, i32) {
    %c0_i32 = arith.constant 0 : i32
    %c0_i32_0 = arith.constant 0 : i32
    %c0_i32_1 = arith.constant 0 : i32
    return %c0_i32, %c0_i32_0 : i32, i32
  }
  func.func @transform_2(%arg0: i32) -> (i32, i32) {
    %c0_i32 = arith.constant 0 : i32
    %c0_i32_0 = arith.constant 0 : i32
    %c0_i32_1 = arith.constant 0 : i32
    return %c0_i32, %c0_i32_0 : i32, i32
  }
  func.func @transform_3(%arg0: i32) -> (i32, i32) {
    %c0_i32 = arith.constant 0 : i32
    %c0_i32_0 = arith.constant 0 : i32
    %c0_i32_1 = arith.constant 0 : i32
    return %c0_i32, %c0_i32_0 : i32, i32
  }
  func.func @transform_4(%arg0: i32) -> (i32, i32, i32) {
    %c0_i32 = arith.constant 0 : i32
    %c0_i32_0 = arith.constant 0 : i32
    %c0_i32_1 = arith.constant 0 : i32
    return %arg0, %c0_i32, %c0_i32_0 : i32, i32, i32
  }
}

module attributes {stable_mosaic.version = 14 : i64} {
  func.func @_head_kernel(%arg0: i32, %arg1: memref<256x64xf32, #tpu.memory_space<vmem>>, %arg2: memref<256x128xf32, #tpu.memory_space<vmem>>, %arg3: memref<256x256xf32, #tpu.memory_space<vmem>>, %arg4: memref<256x256xf32, #tpu.memory_space<vmem>>, %arg5: memref<1x1x512xf32, #tpu.memory_space<vmem>>, %arg6: memref<64x512xf32, #tpu.memory_space<vmem>>, %arg7: memref<128x512xf32, #tpu.memory_space<vmem>>, %arg8: memref<256x512xf32, #tpu.memory_space<vmem>>, %arg9: memref<256x512xf32, #tpu.memory_space<vmem>>, %arg10: memref<1x512xf32, #tpu.memory_space<vmem>>, %arg11: memref<1x512xf32, #tpu.memory_space<vmem>>, %arg12: memref<1x512xf32, #tpu.memory_space<vmem>>, %arg13: memref<512x32xf32, #tpu.memory_space<vmem>>, %arg14: memref<32x512xf32, #tpu.memory_space<vmem>>, %arg15: memref<512x256xf32, #tpu.memory_space<vmem>>, %arg16: memref<1x256xf32, #tpu.memory_space<vmem>>, %arg17: memref<1x256xf32, #tpu.memory_space<vmem>>, %arg18: memref<1x256xf32, #tpu.memory_space<vmem>>, %arg19: memref<256x32xf32, #tpu.memory_space<vmem>>, %arg20: memref<32x256xf32, #tpu.memory_space<vmem>>, %arg21: memref<256x128xf32, #tpu.memory_space<vmem>>, %arg22: memref<1x128xf32, #tpu.memory_space<vmem>>, %arg23: memref<1x128xf32, #tpu.memory_space<vmem>>, %arg24: memref<1x128xf32, #tpu.memory_space<vmem>>, %arg25: memref<128x32xf32, #tpu.memory_space<vmem>>, %arg26: memref<32x128xf32, #tpu.memory_space<vmem>>, %arg27: memref<128x3xf32, #tpu.memory_space<vmem>>, %arg28: memref<1x3xf32, #tpu.memory_space<vmem>>, %arg29: memref<256x3xf32, #tpu.memory_space<vmem>>) attributes {dimension_semantics = [#tpu.dimension_semantics<arbitrary>], iteration_bounds = array<i64: 64>, scalar_prefetch = 0 : i64, scratch_operands = 0 : i64, tpu.core_type = #tpu.core_type<tc>, window_params = [{transform_indices = @transform_0, window_bounds = array<i64: 256, 64>}, {transform_indices = @transform_1, window_bounds = array<i64: 256, 128>}, {transform_indices = @transform_2, window_bounds = array<i64: 256, 256>}, {transform_indices = @transform_3, window_bounds = array<i64: 256, 256>}, {transform_indices = @transform_4, window_bounds = array<i64: 1, 1, 512>}, {pipeline_mode = #tpu.pipeline_mode<synchronous>, transform_indices = @transform_5, window_bounds = array<i64: 64, 512>}, {pipeline_mode = #tpu.pipeline_mode<synchronous>, transform_indices = @transform_6, window_bounds = array<i64: 128, 512>}, {pipeline_mode = #tpu.pipeline_mode<synchronous>, transform_indices = @transform_7, window_bounds = array<i64: 256, 512>}, {pipeline_mode = #tpu.pipeline_mode<synchronous>, transform_indices = @transform_8, window_bounds = array<i64: 256, 512>}, {pipeline_mode = #tpu.pipeline_mode<synchronous>, transform_indices = @transform_9, window_bounds = array<i64: 1, 512>}, {pipeline_mode = #tpu.pipeline_mode<synchronous>, transform_indices = @transform_10, window_bounds = array<i64: 1, 512>}, {pipeline_mode = #tpu.pipeline_mode<synchronous>, transform_indices = @transform_11, window_bounds = array<i64: 1, 512>}, {pipeline_mode = #tpu.pipeline_mode<synchronous>, transform_indices = @transform_12, window_bounds = array<i64: 512, 32>}, {pipeline_mode = #tpu.pipeline_mode<synchronous>, transform_indices = @transform_13, window_bounds = array<i64: 32, 512>}, {pipeline_mode = #tpu.pipeline_mode<synchronous>, transform_indices = @transform_14, window_bounds = array<i64: 512, 256>}, {pipeline_mode = #tpu.pipeline_mode<synchronous>, transform_indices = @transform_15, window_bounds = array<i64: 1, 256>}, {pipeline_mode = #tpu.pipeline_mode<synchronous>, transform_indices = @transform_16, window_bounds = array<i64: 1, 256>}, {pipeline_mode = #tpu.pipeline_mode<synchronous>, transform_indices = @transform_17, window_bounds = array<i64: 1, 256>}, {pipeline_mode = #tpu.pipeline_mode<synchronous>, transform_indices = @transform_18, window_bounds = array<i64: 256, 32>}, {pipeline_mode = #tpu.pipeline_mode<synchronous>, transform_indices = @transform_19, window_bounds = array<i64: 32, 256>}, {pipeline_mode = #tpu.pipeline_mode<synchronous>, transform_indices = @transform_20, window_bounds = array<i64: 256, 128>}, {pipeline_mode = #tpu.pipeline_mode<synchronous>, transform_indices = @transform_21, window_bounds = array<i64: 1, 128>}, {pipeline_mode = #tpu.pipeline_mode<synchronous>, transform_indices = @transform_22, window_bounds = array<i64: 1, 128>}, {pipeline_mode = #tpu.pipeline_mode<synchronous>, transform_indices = @transform_23, window_bounds = array<i64: 1, 128>}, {pipeline_mode = #tpu.pipeline_mode<synchronous>, transform_indices = @transform_24, window_bounds = array<i64: 128, 32>}, {pipeline_mode = #tpu.pipeline_mode<synchronous>, transform_indices = @transform_25, window_bounds = array<i64: 32, 128>}, {pipeline_mode = #tpu.pipeline_mode<synchronous>, transform_indices = @transform_26, window_bounds = array<i64: 128, 3>}, {pipeline_mode = #tpu.pipeline_mode<synchronous>, transform_indices = @transform_27, window_bounds = array<i64: 1, 3>}, {transform_indices = @transform_28, window_bounds = array<i64: 256, 3>}]} {
    %get3A = arith.constant 0 : index
    %get3A_0 = arith.constant 0 : index
    %get3A_1 = vector.load %arg1[%get3A, %get3A_0] : memref<256x64xf32, #tpu.memory_space<vmem>>, vector<256x64xf32>
    %get3A_2 = arith.constant 0 : index
    %get3A_3 = arith.constant 0 : index
    %get3A_4 = vector.load %arg6[%get3A_2, %get3A_3] : memref<64x512xf32, #tpu.memory_space<vmem>>, vector<64x512xf32>
    %dot_general3A = arith.constant dense<0.000000e+00> : vector<256x512xf32>
    %dot_general3A_5 = tpu.matmul %get3A_1, %get3A_4, %dot_general3A {dimension_numbers = #tpu.dot_dimension_numbers<[1], [0], [0], [1], [0, 0, 1, 1], [], []>, transpose_lhs_hint = false} : vector<256x64xf32>, vector<64x512xf32>, vector<256x512xf32> -> vector<256x512xf32>
    %get3A_6 = arith.constant 0 : index
    %get3A_7 = arith.constant 0 : index
    %get3A_8 = vector.load %arg2[%get3A_6, %get3A_7] : memref<256x128xf32, #tpu.memory_space<vmem>>, vector<256x128xf32>
    %get3A_9 = arith.constant 0 : index
    %get3A_10 = arith.constant 0 : index
    %get3A_11 = vector.load %arg7[%get3A_9, %get3A_10] : memref<128x512xf32, #tpu.memory_space<vmem>>, vector<128x512xf32>
    %dot_general3A_12 = arith.constant dense<0.000000e+00> : vector<256x512xf32>
    %dot_general3A_13 = tpu.matmul %get3A_8, %get3A_11, %dot_general3A_12 {dimension_numbers = #tpu.dot_dimension_numbers<[1], [0], [0], [1], [0, 0, 1, 1], [], []>, transpose_lhs_hint = false} : vector<256x128xf32>, vector<128x512xf32>, vector<256x512xf32> -> vector<256x512xf32>
    %add3A = arith.addf %dot_general3A_5, %dot_general3A_13 : vector<256x512xf32>
    %get3A_14 = arith.constant 0 : index
    %get3A_15 = arith.constant 0 : index
    %get3A_16 = vector.load %arg3[%get3A_14, %get3A_15] : memref<256x256xf32, #tpu.memory_space<vmem>>, vector<256x256xf32>
    %get3A_17 = arith.constant 0 : index
    %get3A_18 = arith.constant 0 : index
    %get3A_19 = vector.load %arg8[%get3A_17, %get3A_18] : memref<256x512xf32, #tpu.memory_space<vmem>>, vector<256x512xf32>
    %dot_general3A_20 = arith.constant dense<0.000000e+00> : vector<256x512xf32>
    %dot_general3A_21 = tpu.matmul %get3A_16, %get3A_19, %dot_general3A_20 {dimension_numbers = #tpu.dot_dimension_numbers<[1], [0], [0], [1], [0, 0, 1, 1], [], []>, transpose_lhs_hint = false} : vector<256x256xf32>, vector<256x512xf32>, vector<256x512xf32> -> vector<256x512xf32>
    %add3A_22 = arith.addf %add3A, %dot_general3A_21 : vector<256x512xf32>
    %get3A_23 = arith.constant 0 : index
    %get3A_24 = arith.constant 0 : index
    %get3A_25 = vector.load %arg4[%get3A_23, %get3A_24] : memref<256x256xf32, #tpu.memory_space<vmem>>, vector<256x256xf32>
    %get3A_26 = arith.constant 0 : index
    %get3A_27 = arith.constant 0 : index
    %get3A_28 = vector.load %arg9[%get3A_26, %get3A_27] : memref<256x512xf32, #tpu.memory_space<vmem>>, vector<256x512xf32>
    %dot_general3A_29 = arith.constant dense<0.000000e+00> : vector<256x512xf32>
    %dot_general3A_30 = tpu.matmul %get3A_25, %get3A_28, %dot_general3A_29 {dimension_numbers = #tpu.dot_dimension_numbers<[1], [0], [0], [1], [0, 0, 1, 1], [], []>, transpose_lhs_hint = false} : vector<256x256xf32>, vector<256x512xf32>, vector<256x512xf32> -> vector<256x512xf32>
    %add3A_31 = arith.addf %add3A_22, %dot_general3A_30 : vector<256x512xf32>
    %get3A_32 = arith.constant 0 : index
    %get3A_33 = arith.constant 0 : index
    %get3A_34 = arith.constant 0 : index
    %get3A_35 = vector.load %arg5[%get3A_32, %get3A_33, %get3A_34] : memref<1x1x512xf32, #tpu.memory_space<vmem>>, vector<1x1x512xf32>
    %get3A_36 = vector.shape_cast %get3A_35 : vector<1x1x512xf32> to vector<1x512xf32>
    %add3A_37 = vector.broadcast %get3A_36 : vector<1x512xf32> to vector<256x512xf32>
    %add3A_38 = arith.addf %add3A_31, %add3A_37 : vector<256x512xf32>
    %get3A_39 = arith.constant 0 : index
    %get3A_40 = arith.constant 0 : index
    %get3A_41 = vector.load %arg10[%get3A_39, %get3A_40] : memref<1x512xf32, #tpu.memory_space<vmem>>, vector<1x512xf32>
    %add3A_42 = vector.broadcast %get3A_41 : vector<1x512xf32> to vector<256x512xf32>
    %add3A_43 = arith.addf %add3A_38, %add3A_42 : vector<256x512xf32>
    %get3A_44 = arith.constant 0 : index
    %get3A_45 = arith.constant 0 : index
    %get3A_46 = vector.load %arg13[%get3A_44, %get3A_45] : memref<512x32xf32, #tpu.memory_space<vmem>>, vector<512x32xf32>
    %get3A_47 = arith.constant 0 : index
    %get3A_48 = arith.constant 0 : index
    %get3A_49 = vector.load %arg14[%get3A_47, %get3A_48] : memref<32x512xf32, #tpu.memory_space<vmem>>, vector<32x512xf32>
    %get3A_50 = arith.constant 0 : index
    %get3A_51 = arith.constant 0 : index
    %get3A_52 = vector.load %arg11[%get3A_50, %get3A_51] : memref<1x512xf32, #tpu.memory_space<vmem>>, vector<1x512xf32>
    %get3A_53 = arith.constant 0 : index
    %get3A_54 = arith.constant 0 : index
    %get3A_55 = vector.load %arg12[%get3A_53, %get3A_54] : memref<1x512xf32, #tpu.memory_space<vmem>>, vector<1x512xf32>
    %dot_general3A_56 = arith.constant dense<0.000000e+00> : vector<256x32xf32>
    %dot_general3A_57 = tpu.matmul %add3A_43, %get3A_46, %dot_general3A_56 {dimension_numbers = #tpu.dot_dimension_numbers<[1], [0], [0], [1], [0, 0, 1, 1], [], []>, transpose_lhs_hint = false} : vector<256x512xf32>, vector<512x32xf32>, vector<256x32xf32> -> vector<256x32xf32>
    %mul3A = arith.mulf %add3A_43, %add3A_43 : vector<256x512xf32>
    %dot_general3A_58 = arith.constant dense<0.000000e+00> : vector<256x32xf32>
    %dot_general3A_59 = tpu.matmul %mul3A, %get3A_46, %dot_general3A_58 {dimension_numbers = #tpu.dot_dimension_numbers<[1], [0], [0], [1], [0, 0, 1, 1], [], []>, transpose_lhs_hint = false} : vector<256x512xf32>, vector<512x32xf32>, vector<256x32xf32> -> vector<256x32xf32>
    %mul3A_60 = arith.constant 6.250000e-02 : f32
    %mul3A_61 = vector.broadcast %mul3A_60 : f32 to vector<256x32xf32>
    %mul3A_62 = arith.mulf %dot_general3A_57, %mul3A_61 : vector<256x32xf32>
    %mul3A_63 = arith.constant 6.250000e-02 : f32
    %mul3A_64 = vector.broadcast %mul3A_63 : f32 to vector<256x32xf32>
    %mul3A_65 = arith.mulf %dot_general3A_59, %mul3A_64 : vector<256x32xf32>
    %mul3A_66 = arith.mulf %mul3A_62, %mul3A_62 : vector<256x32xf32>
    %sub3A = arith.subf %mul3A_65, %mul3A_66 : vector<256x32xf32>
    %add3A_67 = arith.constant 9.99999974E-6 : f32
    %add3A_68 = vector.broadcast %add3A_67 : f32 to vector<256x32xf32>
    %add3A_69 = arith.addf %sub3A, %add3A_68 : vector<256x32xf32>
    %rsqrt3A = math.rsqrt %add3A_69 : vector<256x32xf32>
    %dot_general3A_70 = arith.constant dense<0.000000e+00> : vector<256x512xf32>
    %dot_general3A_71 = tpu.matmul %mul3A_62, %get3A_49, %dot_general3A_70 {dimension_numbers = #tpu.dot_dimension_numbers<[1], [0], [0], [1], [0, 0, 1, 1], [], []>, transpose_lhs_hint = false} : vector<256x32xf32>, vector<32x512xf32>, vector<256x512xf32> -> vector<256x512xf32>
    %dot_general3A_72 = arith.constant dense<0.000000e+00> : vector<256x512xf32>
    %dot_general3A_73 = tpu.matmul %rsqrt3A, %get3A_49, %dot_general3A_72 {dimension_numbers = #tpu.dot_dimension_numbers<[1], [0], [0], [1], [0, 0, 1, 1], [], []>, transpose_lhs_hint = false} : vector<256x32xf32>, vector<32x512xf32>, vector<256x512xf32> -> vector<256x512xf32>
    %sub3A_74 = arith.subf %add3A_43, %dot_general3A_71 : vector<256x512xf32>
    %mul3A_75 = arith.mulf %sub3A_74, %dot_general3A_73 : vector<256x512xf32>
    %mul3A_76 = vector.broadcast %get3A_52 : vector<1x512xf32> to vector<256x512xf32>
    %mul3A_77 = arith.mulf %mul3A_75, %mul3A_76 : vector<256x512xf32>
    %add3A_78 = vector.broadcast %get3A_55 : vector<1x512xf32> to vector<256x512xf32>
    %add3A_79 = arith.addf %mul3A_77, %add3A_78 : vector<256x512xf32>
    %max3A = arith.constant 0.000000e+00 : f32
    %max3A_80 = vector.broadcast %max3A : f32 to vector<256x512xf32>
    %max3A_81 = arith.maximumf %add3A_79, %max3A_80 : vector<256x512xf32>
    %get3A_82 = arith.constant 0 : index
    %get3A_83 = arith.constant 0 : index
    %get3A_84 = vector.load %arg15[%get3A_82, %get3A_83] : memref<512x256xf32, #tpu.memory_space<vmem>>, vector<512x256xf32>
    %dot_general3A_85 = arith.constant dense<0.000000e+00> : vector<256x256xf32>
    %dot_general3A_86 = tpu.matmul %max3A_81, %get3A_84, %dot_general3A_85 {dimension_numbers = #tpu.dot_dimension_numbers<[1], [0], [0], [1], [0, 0, 1, 1], [], []>, transpose_lhs_hint = false} : vector<256x512xf32>, vector<512x256xf32>, vector<256x256xf32> -> vector<256x256xf32>
    %get3A_87 = arith.constant 0 : index
    %get3A_88 = arith.constant 0 : index
    %get3A_89 = vector.load %arg16[%get3A_87, %get3A_88] : memref<1x256xf32, #tpu.memory_space<vmem>>, vector<1x256xf32>
    %add3A_90 = vector.broadcast %get3A_89 : vector<1x256xf32> to vector<256x256xf32>
    %add3A_91 = arith.addf %dot_general3A_86, %add3A_90 : vector<256x256xf32>
    %get3A_92 = arith.constant 0 : index
    %get3A_93 = arith.constant 0 : index
    %get3A_94 = vector.load %arg19[%get3A_92, %get3A_93] : memref<256x32xf32, #tpu.memory_space<vmem>>, vector<256x32xf32>
    %get3A_95 = arith.constant 0 : index
    %get3A_96 = arith.constant 0 : index
    %get3A_97 = vector.load %arg20[%get3A_95, %get3A_96] : memref<32x256xf32, #tpu.memory_space<vmem>>, vector<32x256xf32>
    %get3A_98 = arith.constant 0 : index
    %get3A_99 = arith.constant 0 : index
    %get3A_100 = vector.load %arg17[%get3A_98, %get3A_99] : memref<1x256xf32, #tpu.memory_space<vmem>>, vector<1x256xf32>
    %get3A_101 = arith.constant 0 : index
    %get3A_102 = arith.constant 0 : index
    %get3A_103 = vector.load %arg18[%get3A_101, %get3A_102] : memref<1x256xf32, #tpu.memory_space<vmem>>, vector<1x256xf32>
    %dot_general3A_104 = arith.constant dense<0.000000e+00> : vector<256x32xf32>
    %dot_general3A_105 = tpu.matmul %add3A_91, %get3A_94, %dot_general3A_104 {dimension_numbers = #tpu.dot_dimension_numbers<[1], [0], [0], [1], [0, 0, 1, 1], [], []>, transpose_lhs_hint = false} : vector<256x256xf32>, vector<256x32xf32>, vector<256x32xf32> -> vector<256x32xf32>
    %mul3A_106 = arith.mulf %add3A_91, %add3A_91 : vector<256x256xf32>
    %dot_general3A_107 = arith.constant dense<0.000000e+00> : vector<256x32xf32>
    %dot_general3A_108 = tpu.matmul %mul3A_106, %get3A_94, %dot_general3A_107 {dimension_numbers = #tpu.dot_dimension_numbers<[1], [0], [0], [1], [0, 0, 1, 1], [], []>, transpose_lhs_hint = false} : vector<256x256xf32>, vector<256x32xf32>, vector<256x32xf32> -> vector<256x32xf32>
    %mul3A_109 = arith.constant 1.250000e-01 : f32
    %mul3A_110 = vector.broadcast %mul3A_109 : f32 to vector<256x32xf32>
    %mul3A_111 = arith.mulf %dot_general3A_105, %mul3A_110 : vector<256x32xf32>
    %mul3A_112 = arith.constant 1.250000e-01 : f32
    %mul3A_113 = vector.broadcast %mul3A_112 : f32 to vector<256x32xf32>
    %mul3A_114 = arith.mulf %dot_general3A_108, %mul3A_113 : vector<256x32xf32>
    %mul3A_115 = arith.mulf %mul3A_111, %mul3A_111 : vector<256x32xf32>
    %sub3A_116 = arith.subf %mul3A_114, %mul3A_115 : vector<256x32xf32>
    %add3A_117 = arith.constant 9.99999974E-6 : f32
    %add3A_118 = vector.broadcast %add3A_117 : f32 to vector<256x32xf32>
    %add3A_119 = arith.addf %sub3A_116, %add3A_118 : vector<256x32xf32>
    %rsqrt3A_120 = math.rsqrt %add3A_119 : vector<256x32xf32>
    %dot_general3A_121 = arith.constant dense<0.000000e+00> : vector<256x256xf32>
    %dot_general3A_122 = tpu.matmul %mul3A_111, %get3A_97, %dot_general3A_121 {dimension_numbers = #tpu.dot_dimension_numbers<[1], [0], [0], [1], [0, 0, 1, 1], [], []>, transpose_lhs_hint = false} : vector<256x32xf32>, vector<32x256xf32>, vector<256x256xf32> -> vector<256x256xf32>
    %dot_general3A_123 = arith.constant dense<0.000000e+00> : vector<256x256xf32>
    %dot_general3A_124 = tpu.matmul %rsqrt3A_120, %get3A_97, %dot_general3A_123 {dimension_numbers = #tpu.dot_dimension_numbers<[1], [0], [0], [1], [0, 0, 1, 1], [], []>, transpose_lhs_hint = false} : vector<256x32xf32>, vector<32x256xf32>, vector<256x256xf32> -> vector<256x256xf32>
    %sub3A_125 = arith.subf %add3A_91, %dot_general3A_122 : vector<256x256xf32>
    %mul3A_126 = arith.mulf %sub3A_125, %dot_general3A_124 : vector<256x256xf32>
    %mul3A_127 = vector.broadcast %get3A_100 : vector<1x256xf32> to vector<256x256xf32>
    %mul3A_128 = arith.mulf %mul3A_126, %mul3A_127 : vector<256x256xf32>
    %add3A_129 = vector.broadcast %get3A_103 : vector<1x256xf32> to vector<256x256xf32>
    %add3A_130 = arith.addf %mul3A_128, %add3A_129 : vector<256x256xf32>
    %max3A_131 = arith.constant 0.000000e+00 : f32
    %max3A_132 = vector.broadcast %max3A_131 : f32 to vector<256x256xf32>
    %max3A_133 = arith.maximumf %add3A_130, %max3A_132 : vector<256x256xf32>
    %get3A_134 = arith.constant 0 : index
    %get3A_135 = arith.constant 0 : index
    %get3A_136 = vector.load %arg21[%get3A_134, %get3A_135] : memref<256x128xf32, #tpu.memory_space<vmem>>, vector<256x128xf32>
    %dot_general3A_137 = arith.constant dense<0.000000e+00> : vector<256x128xf32>
    %dot_general3A_138 = tpu.matmul %max3A_133, %get3A_136, %dot_general3A_137 {dimension_numbers = #tpu.dot_dimension_numbers<[1], [0], [0], [1], [0, 0, 1, 1], [], []>, transpose_lhs_hint = false} : vector<256x256xf32>, vector<256x128xf32>, vector<256x128xf32> -> vector<256x128xf32>
    %get3A_139 = arith.constant 0 : index
    %get3A_140 = arith.constant 0 : index
    %get3A_141 = vector.load %arg22[%get3A_139, %get3A_140] : memref<1x128xf32, #tpu.memory_space<vmem>>, vector<1x128xf32>
    %add3A_142 = vector.broadcast %get3A_141 : vector<1x128xf32> to vector<256x128xf32>
    %add3A_143 = arith.addf %dot_general3A_138, %add3A_142 : vector<256x128xf32>
    %get3A_144 = arith.constant 0 : index
    %get3A_145 = arith.constant 0 : index
    %get3A_146 = vector.load %arg25[%get3A_144, %get3A_145] : memref<128x32xf32, #tpu.memory_space<vmem>>, vector<128x32xf32>
    %get3A_147 = arith.constant 0 : index
    %get3A_148 = arith.constant 0 : index
    %get3A_149 = vector.load %arg26[%get3A_147, %get3A_148] : memref<32x128xf32, #tpu.memory_space<vmem>>, vector<32x128xf32>
    %get3A_150 = arith.constant 0 : index
    %get3A_151 = arith.constant 0 : index
    %get3A_152 = vector.load %arg23[%get3A_150, %get3A_151] : memref<1x128xf32, #tpu.memory_space<vmem>>, vector<1x128xf32>
    %get3A_153 = arith.constant 0 : index
    %get3A_154 = arith.constant 0 : index
    %get3A_155 = vector.load %arg24[%get3A_153, %get3A_154] : memref<1x128xf32, #tpu.memory_space<vmem>>, vector<1x128xf32>
    %dot_general3A_156 = arith.constant dense<0.000000e+00> : vector<256x32xf32>
    %dot_general3A_157 = tpu.matmul %add3A_143, %get3A_146, %dot_general3A_156 {dimension_numbers = #tpu.dot_dimension_numbers<[1], [0], [0], [1], [0, 0, 1, 1], [], []>, transpose_lhs_hint = false} : vector<256x128xf32>, vector<128x32xf32>, vector<256x32xf32> -> vector<256x32xf32>
    %mul3A_158 = arith.mulf %add3A_143, %add3A_143 : vector<256x128xf32>
    %dot_general3A_159 = arith.constant dense<0.000000e+00> : vector<256x32xf32>
    %dot_general3A_160 = tpu.matmul %mul3A_158, %get3A_146, %dot_general3A_159 {dimension_numbers = #tpu.dot_dimension_numbers<[1], [0], [0], [1], [0, 0, 1, 1], [], []>, transpose_lhs_hint = false} : vector<256x128xf32>, vector<128x32xf32>, vector<256x32xf32> -> vector<256x32xf32>
    %mul3A_161 = arith.constant 2.500000e-01 : f32
    %mul3A_162 = vector.broadcast %mul3A_161 : f32 to vector<256x32xf32>
    %mul3A_163 = arith.mulf %dot_general3A_157, %mul3A_162 : vector<256x32xf32>
    %mul3A_164 = arith.constant 2.500000e-01 : f32
    %mul3A_165 = vector.broadcast %mul3A_164 : f32 to vector<256x32xf32>
    %mul3A_166 = arith.mulf %dot_general3A_160, %mul3A_165 : vector<256x32xf32>
    %mul3A_167 = arith.mulf %mul3A_163, %mul3A_163 : vector<256x32xf32>
    %sub3A_168 = arith.subf %mul3A_166, %mul3A_167 : vector<256x32xf32>
    %add3A_169 = arith.constant 9.99999974E-6 : f32
    %add3A_170 = vector.broadcast %add3A_169 : f32 to vector<256x32xf32>
    %add3A_171 = arith.addf %sub3A_168, %add3A_170 : vector<256x32xf32>
    %rsqrt3A_172 = math.rsqrt %add3A_171 : vector<256x32xf32>
    %dot_general3A_173 = arith.constant dense<0.000000e+00> : vector<256x128xf32>
    %dot_general3A_174 = tpu.matmul %mul3A_163, %get3A_149, %dot_general3A_173 {dimension_numbers = #tpu.dot_dimension_numbers<[1], [0], [0], [1], [0, 0, 1, 1], [], []>, transpose_lhs_hint = false} : vector<256x32xf32>, vector<32x128xf32>, vector<256x128xf32> -> vector<256x128xf32>
    %dot_general3A_175 = arith.constant dense<0.000000e+00> : vector<256x128xf32>
    %dot_general3A_176 = tpu.matmul %rsqrt3A_172, %get3A_149, %dot_general3A_175 {dimension_numbers = #tpu.dot_dimension_numbers<[1], [0], [0], [1], [0, 0, 1, 1], [], []>, transpose_lhs_hint = false} : vector<256x32xf32>, vector<32x128xf32>, vector<256x128xf32> -> vector<256x128xf32>
    %sub3A_177 = arith.subf %add3A_143, %dot_general3A_174 : vector<256x128xf32>
    %mul3A_178 = arith.mulf %sub3A_177, %dot_general3A_176 : vector<256x128xf32>
    %mul3A_179 = vector.broadcast %get3A_152 : vector<1x128xf32> to vector<256x128xf32>
    %mul3A_180 = arith.mulf %mul3A_178, %mul3A_179 : vector<256x128xf32>
    %add3A_181 = vector.broadcast %get3A_155 : vector<1x128xf32> to vector<256x128xf32>
    %add3A_182 = arith.addf %mul3A_180, %add3A_181 : vector<256x128xf32>
    %max3A_183 = arith.constant 0.000000e+00 : f32
    %max3A_184 = vector.broadcast %max3A_183 : f32 to vector<256x128xf32>
    %max3A_185 = arith.maximumf %add3A_182, %max3A_184 : vector<256x128xf32>
    %get3A_186 = arith.constant 0 : index
    %get3A_187 = arith.constant 0 : index
    %get3A_188 = vector.load %arg27[%get3A_186, %get3A_187] : memref<128x3xf32, #tpu.memory_space<vmem>>, vector<128x3xf32>
    %dot_general3A_189 = arith.constant dense<0.000000e+00> : vector<256x3xf32>
    %dot_general3A_190 = tpu.matmul %max3A_185, %get3A_188, %dot_general3A_189 {dimension_numbers = #tpu.dot_dimension_numbers<[1], [0], [0], [1], [0, 0, 1, 1], [], []>, transpose_lhs_hint = false} : vector<256x128xf32>, vector<128x3xf32>, vector<256x3xf32> -> vector<256x3xf32>
    %get3A_191 = arith.constant 0 : index
    %get3A_192 = arith.constant 0 : index
    %get3A_193 = vector.load %arg28[%get3A_191, %get3A_192] : memref<1x3xf32, #tpu.memory_space<vmem>>, vector<1x3xf32>
    %add3A_194 = vector.broadcast %get3A_193 : vector<1x3xf32> to vector<256x3xf32>
    %add3A_195 = arith.addf %dot_general3A_190, %add3A_194 : vector<256x3xf32>
    %swap3A = arith.constant 0 : index
    %swap3A_196 = arith.constant 0 : index
    %swap3A_197 = vector.load %arg29[%swap3A, %swap3A_196] : memref<256x3xf32, #tpu.memory_space<vmem>>, vector<256x3xf32>
    tpu.vector_store %arg29[%swap3A, %swap3A_196], %add3A_195 {strides = array<i32>} : memref<256x3xf32, #tpu.memory_space<vmem>>, vector<256x3xf32>,
    return
  }
  func.func @transform_0(%arg0: i32) -> (i32, i32) {
    %c0_i32 = arith.constant 0 : i32
    %c0_i32_0 = arith.constant 0 : i32
    return %arg0, %c0_i32 : i32, i32
  }
  func.func @transform_1(%arg0: i32) -> (i32, i32) {
    %c0_i32 = arith.constant 0 : i32
    %c0_i32_0 = arith.constant 0 : i32
    return %arg0, %c0_i32 : i32, i32
  }
  func.func @transform_2(%arg0: i32) -> (i32, i32) {
    %c0_i32 = arith.constant 0 : i32
    %c0_i32_0 = arith.constant 0 : i32
    return %arg0, %c0_i32 : i32, i32
  }
  func.func @transform_3(%arg0: i32) -> (i32, i32) {
    %c0_i32 = arith.constant 0 : i32
    %c0_i32_0 = arith.constant 0 : i32
    return %arg0, %c0_i32 : i32, i32
  }
  func.func @transform_4(%arg0: i32) -> (i32, i32, i32) {
    %jit3A = arith.constant 8 : i32
    %div3A = arith.divsi %arg0, %jit3A : i32
    %sign3A = arith.constant 0 : i32
    %sign3A_0 = arith.cmpi sgt, %arg0, %sign3A : i32
    %sign3A_1 = arith.extui %sign3A_0 : i1 to i32
    %sign3A_2 = arith.constant 0 : i32
    %sign3A_3 = arith.cmpi slt, %arg0, %sign3A_2 : i32
    %sign3A_4 = arith.extui %sign3A_3 : i1 to i32
    %sign3A_5 = arith.subi %sign3A_1, %sign3A_4 : i32
    %sign3A_6 = arith.constant 0 : i32
    %sign3A_7 = arith.cmpi sgt, %jit3A, %sign3A_6 : i32
    %sign3A_8 = arith.extui %sign3A_7 : i1 to i32
    %sign3A_9 = arith.constant 0 : i32
    %sign3A_10 = arith.cmpi slt, %jit3A, %sign3A_9 : i32
    %sign3A_11 = arith.extui %sign3A_10 : i1 to i32
    %sign3A_12 = arith.subi %sign3A_8, %sign3A_11 : i32
    %ne3A = arith.cmpi ne, %sign3A_5, %sign3A_12 : i32
    %rem3A = arith.remsi %arg0, %jit3A : i32
    %ne3A_13 = arith.constant 0 : i32
    %ne3A_14 = arith.cmpi ne, %rem3A, %ne3A_13 : i32
    %and3A = arith.andi %ne3A, %ne3A_14 : i1
    %sub3A = arith.constant 1 : i32
    %sub3A_15 = arith.subi %div3A, %sub3A : i32
    %select_n3A = arith.select %and3A, %sub3A_15, %div3A : i32
    %c0_i32 = arith.constant 0 : i32
    %c0_i32_16 = arith.constant 0 : i32
    %c0_i32_17 = arith.constant 0 : i32
    return %select_n3A, %c0_i32, %c0_i32_16 : i32, i32, i32
  }
  func.func @transform_5(%arg0: i32) -> (i32, i32) {
    %c0_i32 = arith.constant 0 : i32
    %c0_i32_0 = arith.constant 0 : i32
    %c0_i32_1 = arith.constant 0 : i32
    return %c0_i32, %c0_i32_0 : i32, i32
  }
  func.func @transform_6(%arg0: i32) -> (i32, i32) {
    %c0_i32 = arith.constant 0 : i32
    %c0_i32_0 = arith.constant 0 : i32
    %c0_i32_1 = arith.constant 0 : i32
    return %c0_i32, %c0_i32_0 : i32, i32
  }
  func.func @transform_7(%arg0: i32) -> (i32, i32) {
    %c0_i32 = arith.constant 0 : i32
    %c0_i32_0 = arith.constant 0 : i32
    %c0_i32_1 = arith.constant 0 : i32
    return %c0_i32, %c0_i32_0 : i32, i32
  }
  func.func @transform_8(%arg0: i32) -> (i32, i32) {
    %c0_i32 = arith.constant 0 : i32
    %c0_i32_0 = arith.constant 0 : i32
    %c0_i32_1 = arith.constant 0 : i32
    return %c0_i32, %c0_i32_0 : i32, i32
  }
  func.func @transform_9(%arg0: i32) -> (i32, i32) {
    %c0_i32 = arith.constant 0 : i32
    %c0_i32_0 = arith.constant 0 : i32
    %c0_i32_1 = arith.constant 0 : i32
    return %c0_i32, %c0_i32_0 : i32, i32
  }
  func.func @transform_10(%arg0: i32) -> (i32, i32) {
    %c0_i32 = arith.constant 0 : i32
    %c0_i32_0 = arith.constant 0 : i32
    %c0_i32_1 = arith.constant 0 : i32
    return %c0_i32, %c0_i32_0 : i32, i32
  }
  func.func @transform_11(%arg0: i32) -> (i32, i32) {
    %c0_i32 = arith.constant 0 : i32
    %c0_i32_0 = arith.constant 0 : i32
    %c0_i32_1 = arith.constant 0 : i32
    return %c0_i32, %c0_i32_0 : i32, i32
  }
  func.func @transform_12(%arg0: i32) -> (i32, i32) {
    %c0_i32 = arith.constant 0 : i32
    %c0_i32_0 = arith.constant 0 : i32
    %c0_i32_1 = arith.constant 0 : i32
    return %c0_i32, %c0_i32_0 : i32, i32
  }
  func.func @transform_13(%arg0: i32) -> (i32, i32) {
    %c0_i32 = arith.constant 0 : i32
    %c0_i32_0 = arith.constant 0 : i32
    %c0_i32_1 = arith.constant 0 : i32
    return %c0_i32, %c0_i32_0 : i32, i32
  }
  func.func @transform_14(%arg0: i32) -> (i32, i32) {
    %c0_i32 = arith.constant 0 : i32
    %c0_i32_0 = arith.constant 0 : i32
    %c0_i32_1 = arith.constant 0 : i32
    return %c0_i32, %c0_i32_0 : i32, i32
  }
  func.func @transform_15(%arg0: i32) -> (i32, i32) {
    %c0_i32 = arith.constant 0 : i32
    %c0_i32_0 = arith.constant 0 : i32
    %c0_i32_1 = arith.constant 0 : i32
    return %c0_i32, %c0_i32_0 : i32, i32
  }
  func.func @transform_16(%arg0: i32) -> (i32, i32) {
    %c0_i32 = arith.constant 0 : i32
    %c0_i32_0 = arith.constant 0 : i32
    %c0_i32_1 = arith.constant 0 : i32
    return %c0_i32, %c0_i32_0 : i32, i32
  }
  func.func @transform_17(%arg0: i32) -> (i32, i32) {
    %c0_i32 = arith.constant 0 : i32
    %c0_i32_0 = arith.constant 0 : i32
    %c0_i32_1 = arith.constant 0 : i32
    return %c0_i32, %c0_i32_0 : i32, i32
  }
  func.func @transform_18(%arg0: i32) -> (i32, i32) {
    %c0_i32 = arith.constant 0 : i32
    %c0_i32_0 = arith.constant 0 : i32
    %c0_i32_1 = arith.constant 0 : i32
    return %c0_i32, %c0_i32_0 : i32, i32
  }
  func.func @transform_19(%arg0: i32) -> (i32, i32) {
    %c0_i32 = arith.constant 0 : i32
    %c0_i32_0 = arith.constant 0 : i32
    %c0_i32_1 = arith.constant 0 : i32
    return %c0_i32, %c0_i32_0 : i32, i32
  }
  func.func @transform_20(%arg0: i32) -> (i32, i32) {
    %c0_i32 = arith.constant 0 : i32
    %c0_i32_0 = arith.constant 0 : i32
    %c0_i32_1 = arith.constant 0 : i32
    return %c0_i32, %c0_i32_0 : i32, i32
  }
  func.func @transform_21(%arg0: i32) -> (i32, i32) {
    %c0_i32 = arith.constant 0 : i32
    %c0_i32_0 = arith.constant 0 : i32
    %c0_i32_1 = arith.constant 0 : i32
    return %c0_i32, %c0_i32_0 : i32, i32
  }
  func.func @transform_22(%arg0: i32) -> (i32, i32) {
    %c0_i32 = arith.constant 0 : i32
    %c0_i32_0 = arith.constant 0 : i32
    %c0_i32_1 = arith.constant 0 : i32
    return %c0_i32, %c0_i32_0 : i32, i32
  }
  func.func @transform_23(%arg0: i32) -> (i32, i32) {
    %c0_i32 = arith.constant 0 : i32
    %c0_i32_0 = arith.constant 0 : i32
    %c0_i32_1 = arith.constant 0 : i32
    return %c0_i32, %c0_i32_0 : i32, i32
  }
  func.func @transform_24(%arg0: i32) -> (i32, i32) {
    %c0_i32 = arith.constant 0 : i32
    %c0_i32_0 = arith.constant 0 : i32
    %c0_i32_1 = arith.constant 0 : i32
    return %c0_i32, %c0_i32_0 : i32, i32
  }
  func.func @transform_25(%arg0: i32) -> (i32, i32) {
    %c0_i32 = arith.constant 0 : i32
    %c0_i32_0 = arith.constant 0 : i32
    %c0_i32_1 = arith.constant 0 : i32
    return %c0_i32, %c0_i32_0 : i32, i32
  }
  func.func @transform_26(%arg0: i32) -> (i32, i32) {
    %c0_i32 = arith.constant 0 : i32
    %c0_i32_0 = arith.constant 0 : i32
    %c0_i32_1 = arith.constant 0 : i32
    return %c0_i32, %c0_i32_0 : i32, i32
  }
  func.func @transform_27(%arg0: i32) -> (i32, i32) {
    %c0_i32 = arith.constant 0 : i32
    %c0_i32_0 = arith.constant 0 : i32
    %c0_i32_1 = arith.constant 0 : i32
    return %c0_i32, %c0_i32_0 : i32, i32
  }
  func.func @transform_28(%arg0: i32) -> (i32, i32) {
    %c0_i32 = arith.constant 0 : i32
    %c0_i32_0 = arith.constant 0 : i32
    return %arg0, %c0_i32 : i32, i32
  }
}

</mosaic_0001>

<sc_bundles>
// kernel: kernel.19.cloned.1.call-start
scs
__scs_entry_jumppad:
0x0: {  	(pc) =	sbr.rel $0x88, $3  }
0x1: {  	(tag) =	ssettag $0x0;
	lr =	simm.s32 $0x1  }
0x2: {  	[smem:$0x3F78] =	sst lr;
	_ =	strace $0xD0000000  }
0x3: {  	_ = 	snop  }
0x4: {  	_ = 	snop  }
0x5: {  	_ = 	snop  }
0x6: {  	_ = 	snop  }
0x7: {  	_ = 	snop  }
__scs_overlays_trampoline_lowered:
0x8: {  	[smem:$0x3F87] =	sst s0  }
0x9: {  	[smem:$0x3F88] =	sst s1  }
0xa: {  	[smem:$0x3F89] =	sst s2  }
0xb: {  	[smem:$0x3F8A] =	sst s3  }
0xc: {  	[smem:$0x3F8B] =	sst s4  }
0xd: {  	[smem:$0x3F8C] =	sst s5  }
0xe: {  	[smem:$0x3F8D] =	sst s6  }
0xf: {  	[smem:$0x3F8E] =	sst s7  }
0x10: {  	[smem:$0x3F8F] =	sst s8  }
0x11: {  	[smem:$0x3F90] =	sst s9;
	s0 =	simm.s32 @!p0 $0x0  }
0x12: {  	s1 =	sld [smem:$0x3F76];
	s0 =	simm.s32 @p0 $0x1  }
0x13: {  	[smem:$0x3F91] =	sst s0;
	s0 =	simm.s32 @!p1 $0x0  }
0x14: {  	s2 =	sld [smem:$0x3F75];
	s0 =	simm.s32 @p1 $0x1  }
0x15: {  	[smem:$0x3F92] =	sst s0;
	s0 =	simm.s32 @!p2 $0x0  }
0x16: {  	s3 =	sld [smem:$0x3FDB];
	s0 =	simm.s32 @p2 $0x1  }
0x17: {  	s4 =	simm.s32 $0x1BF5;
	[smem:$0x3F94] =	sst s0  }
0x18: {  	s0 =	sld [smem:$0x3F77];
	_ =	swait.ge [sflag:s4], $0x0  }
0x19: {  	s7 =	sld [smem:$0x3F78]  }
0x1a: {  	s8 =	sadd.s32 $0xFFFFE003, lr  }
0x1b: {  	s9 =	sadd.s32 $0xFFFFFEF7, lr;
	s5 =	simm.s32 $0xFFFFFFFF;
	p2 =	slt.u32 s8, $0xFFFFF086  }
0x1c: {  	p1 =	slt.u32 s9, $0xF7A;
	s5 =	simm.s32 @!p2 $0x0  }
0x1d: {  	s5 =	simm.s32 @p1 $0x1;
	p0 =	seq.s32 s7, s2  }
0x1e: {  	s7 =	smul.u32 @!p0 $0xF7A, s2;
	p2 =	seq.s32 @!p0 s5, $0x0  }
0x1f: {  	s9 =	smul.u32 $0xF7A, s1;
	s8 =	simm.s32 @!p0 $0x1BF5;
	p2 =	por !p2, p0  }
0x20: {  	[sflag:s8] =	ssyncset.s32 @!p0 $0xFFFFF086;
	s6 =	sadd.s32 @!p0 s3, s7;
	s7 =	simm.s32 @!p0 $0x108  }
0x21: {  	s3 =	sadd.s32 s3, s9;
	s6 =	sadd.s32 @!p0 $0x88, s6;
	s7 =	simm.s32 @p2 $0x1082  }
0x22: {  	[simem:s7], [sflag:s8] =	dma.local @!p0 [hbm:s6], $0xF7A  }
0x23: {  	s9 =	sor.u32 $0xD0000000, s2;
	s6 =	simm.s32 $0x108;
	_ =	swait.ge @!p0 [sflag:s8], $0x0  }
0x24: {  	s3 =	sadd.s32 $0x88, s3;
	s6 =	simm.s32 @!p1 $0x1082;
	[sflag:s4] =	ssyncset.s32 $0xFFFFF086  }
0x25: {  	[simem:s6], [sflag:s4] =	dma.local [hbm:s3], $0xF7A  }
0x26: {  	[smem:$0x3F78] =	sst s1;
	(tag) =	ssettag s2;
	_ =	strace s9  }
0x27: {  	s1 =	sld [smem:$0x3F88]  }
0x28: {  	s2 =	sld [smem:$0x3F89]  }
0x29: {  	s4 =	sld [smem:$0x3F8B]  }
0x2a: {  	p0 =	seq.s32 s5, $0x0;
	s5 =	sld [smem:$0x3F8C]  }
0x2b: {  	s6 =	sld [smem:$0x3F8D]  }
0x2c: {  	s7 =	sld [smem:$0x3F8E]  }
0x2d: {  	s3 =	simm.s32 $0x108;
	s8 =	sld [smem:$0x3F8F]  }
0x2e: {  	s3 =	simm.s32 @!p0 $0x1082;
	s9 =	sld [smem:$0x3F90]  }
0x2f: {  	lr =	sadd.s32 s0, s3;
	s0 =	sld [smem:$0x3F87]  }
0x30: {  	s3 =	sld [smem:$0x3F8A]  }
0x31: {  	[smem:$0x3F93] =	sst s10  }
0x32: {  	s10 =	sld [smem:$0x3F91];
	_ =	sdelay $0x3  }
0x33: {  	p0 =	seq.s32 s10, $0x1;
	s10 =	sld [smem:$0x3F93];
	_ =	sdelay $0x3  }
0x34: {  	[smem:$0x3F93] =	sst s10  }
0x35: {  	s10 =	sld [smem:$0x3F92];
	_ =	sdelay $0x3  }
0x36: {  	p1 =	seq.s32 s10, $0x1;
	s10 =	sld [smem:$0x3F93];
	_ =	sdelay $0x3  }
0x37: {  	[smem:$0x3F93] =	sst s10  }
0x38: {  	s10 =	sld [smem:$0x3F94]  }
0x39: {  	_ = 	snop;
	(pc) =	sbr.ind lr, $3  }
0x3a: {  	_ = 	snop  }
0x3b: {  	_ = 	snop  }
0x3c: {  	p2 =	seq.s32 s10, $0x1;
	s10 =	sld [smem:$0x3F93]  }
0x3d: {  	_ =	shalt  }
0x3e: {  	_ =	shalt  }
0x3f: {  	_ =	shalt  }
0x40: {  	_ =	shalt  }
0x41: {  	_ =	shalt  }
0x42: {  	_ =	shalt  }
0x43: {  	_ =	shalt  }
0x44: {  	_ =	shalt  }
0x45: {  	_ =	shalt  }
0x46: {  	_ =	shalt  }
0x47: {  	_ =	shalt  }
0x48: {  	_ =	shalt  }
0x49: {  	_ =	shalt  }
0x4a: {  	_ =	shalt  }
0x4b: {  	_ =	shalt  }
0x4c: {  	_ =	shalt  }
0x4d: {  	_ =	shalt  }
0x4e: {  	_ =	shalt  }
0x4f: {  	_ =	shalt  }
0x50: {  	_ =	shalt  }
0x51: {  	_ =	shalt  }
0x52: {  	_ =	shalt  }
0x53: {  	_ =	shalt  }
0x54: {  	_ =	shalt  }
0x55: {  	_ =	shalt  }
0x56: {  	_ =	shalt  }
0x57: {  	_ =	shalt  }
0x58: {  	_ =	shalt  }
0x59: {  	_ =	shalt  }
0x5a: {  	_ =	shalt  }
0x5b: {  	_ =	shalt  }
0x5c: {  	_ =	shalt  }
0x5d: {  	_ =	shalt  }
0x5e: {  	_ =	shalt  }
0x5f: {  	_ =	shalt  }
0x60: {  	_ =	shalt  }
0x61: {  	_ =	shalt  }
0x62: {  	_ =	shalt  }
0x63: {  	_ =	shalt  }
0x64: {  	_ =	shalt  }
0x65: {  	_ =	shalt  }
0x66: {  	_ =	shalt  }
0x67: {  	_ =	shalt  }
0x68: {  	_ =	shalt  }
0x69: {  	_ =	shalt  }
0x6a: {  	_ =	shalt  }
0x6b: {  	_ =	shalt  }
0x6c: {  	_ =	shalt  }
0x6d: {  	_ =	shalt  }
0x6e: {  	_ =	shalt  }
0x6f: {  	_ =	shalt  }
0x70: {  	_ =	shalt  }
0x71: {  	_ =	shalt  }
0x72: {  	_ =	shalt  }
0x73: {  	_ =	shalt  }
0x74: {  	_ =	shalt  }
0x75: {  	_ =	shalt  }
0x76: {  	_ =	shalt  }
0x77: {  	_ =	shalt  }
0x78: {  	_ =	shalt  }
0x79: {  	_ =	shalt  }
0x7a: {  	_ =	shalt  }
0x7b: {  	_ =	shalt  }
0x7c: {  	_ =	shalt  }
0x7d: {  	_ =	shalt  }
0x7e: {  	_ =	shalt  }
0x7f: {  	_ =	shalt  }
0x80: {  	_ =	shalt  }
0x81: {  	_ =	shalt  }
0x82: {  	_ =	shalt  }
0x83: {  	_ =	shalt  }
0x84: {  	_ =	shalt  }
0x85: {  	_ =	shalt  }
0x86: {  	_ =	shalt  }
0x87: {  	_ =	shalt  }
.Lfunc_end0:
.L_simem_size_0:
called_computation_lowered:
.L_overlay_start_0:
0x88: {  	s2 =	sld [smem:$0x3FD9]  }
0x89: {  	s3 =	sld [smem:$0x3FFE];
	_ =	sdelay $0x1  }
0x8a: {  	s1 =	srdreg.scid  }
0x8b: {  	s0 =	sand.u32 $0x1, s1  }
0x8c: {  	s16 =	sshll.u32 s0, $0xA;
	s2 =	sadd.s32 s3, s2  }
0x8d: {  	s2 =	sadd.s32 s2, s16  }
0x8e: {  	[smem:$0x3F9F] =	sst s2  }
0x8f: {  	_ = 	snop  }
0x90: {  	(tm) =	ssettm $0x1  }
0x91: {  	s17 =	sld [smem:$0x3FFB];
	_ =	sdelay $0x3  }
0x92: {  	_ =	strace s17  }
0x93: {  	s2 =	sld [smem:$0x3FFC];
	_ =	sdelay $0x3  }
0x94: {  	_ =	strace s2  }
0x95: {  	s2 =	sld [smem:$0x3FFD];
	_ =	sdelay $0x3  }
0x96: {  	_ =	strace s2  }
0x97: {  	_ =	strace $0x8FFFFFFF  }
0x98: {  	s18 =	sld [smem:$0x3FDB];
	_ =	sdelay $0x1  }
0x99: {  	s19 =	simm.s32 $_scs_section_size  }
0x9a: {  	s4 =	simm.s32 $_size__tile_overlayer_lowered;
	s5 =	simm.s32 $_tile_overlayer_lowered  }
0x9b: {  	s22 =	simm.s32 $0x1BFF;
	s21 =	sshll.u32 s5, $0x1;
	s2 =	sadd.s32 s19, s18  }
0x9c: {  	s6 =	simm.s32 $0x0;
	s20 =	sshll.u32 s4, $0x1;
	s4 =	sadd.s32 s21, s2  }
0x9d: {  	[timem:s6], [sflag:s22] =	dma.local [hbm:s4], s20  }
0x9e: {  	_ =	swait.ge [sflag:s22], s20  }
0x9f: {  	s3 =	ssub.s32 $0x0, s20;
	[sflag:s22] =	ssyncset.done $0x0  }
0xa0: {  	[sflag:s22] =	ssyncadd.s32 s3;
	_ =	sdelay $0x1  }
0xa1: {  	s23 =	simm.s32 $0x1B8B  }
0xa2: {  	_ =	swait.ge [sflag:s23], $0x1  }
0xa3: {  	[sflag:s23] =	ssyncset.done $0x0  }
0xa4: {  	s25 =	simm.s32 $0x1B8E;
	s24 =	sld [smem:$0x3FFE];
	[sflag:s23] =	ssyncadd.s32 $0xFFFFFFFF  }
0xa5: {  	s26 =	simm.s32 $execute0_lowered;
	[smem:$0x3FD2] =	sst s25  }
0xa6: {  	s4 =	sshll.u32 s26, $0x1;
	_ =	strace $0x80000046;
	[dreg:$0x1] =	wrdreg $0xFFFFFFFF  }
0xa7: {  	s28 =	simm.s32 $_size_execute0_lowered;
	s2 =	sadd.s32 s2, s4;
	[dreg:$0x0] =	wrdreg $0x0  }
0xa8: {  	s4 =	sshll.u32 s28, $0x1;
	[dreg:$0x2] =	wrdreg s2  }
0xa9: {  	[dreg:$0x3] =	wrdreg s4  }
0xaa: {  	[dreg:$0x4] =	wrdreg $0xC0  }
0xab: {  	_ =	task [dreg:s6], $0x5FFFF  }
0xac: {  	[dreg:$0x1] =	wrdreg $0xFFFFFFFF  }
0xad: {  	[dreg:$0x0] =	wrdreg $0x60  }
0xae: {  	[dreg:$0x2] =	wrdreg s24  }
0xaf: {  	[dreg:$0x3] =	wrdreg $0x9  }
0xb0: {  	_ =	task.clear_ibuf [dreg:s6], $0x4FFFF;
	_ =	strace $0x90000046  }
0xb1: {  	s29 =	simm.s32 $0x9;
	_ =	strace $0x80000048  }
0xb2: {  	_ =	swait.ge [sflag:s29], $0x1  }
0xb3: {  	[sflag:s29] =	ssyncadd.s32 $0xFFFFFFFF  }
0xb4: {  	_ =	strace $0x90000048  }
0xb5: {  	_ =	sfence  }
0xb6: {  	s30 =	sld [smem:$0x0];
	_ =	sdelay $0x2  }
0xb7: {  	s31 =	sshll.u32 s1, $0xD;
	s1 =	sshrl.u32 s1, $0x2  }
0xb8: {  	s3 =	sand.u32 $0x4000, s31;
	s1 =	sadd.s32 s1, s30  }
0xb9: {  	s0 =	sor.u32 s3, s0;
	s1 =	sshll.u32 s1, $0x11  }
0xba: {  	s0 =	sor.u32 s1, s0  }
0xbb: {  	s0 =	sadd.s32 $0x8F2B, s0  }
0xbc: {  	[sflag:s0] =	ssyncadd.remote.s32 $0x1  }
0xbd: {  	_ =	sfence.sel $0xFFFF  }
0xbe: {  	[dreg:$0x0] =	wrdreg $0xFFFFFFFF;
	(pc) =	sbr.abs _section_cstart, $3  }
0xbf: {  	[dreg:$0x1] =	wrdreg $0xFFFFFFFF  }
0xc0: {  	_ =	task.clear_ibuf [dreg:s6], $0x2FFFF;
	_ =	strace $0x9FFFFFFF  }
0xc1: {  	(tm) =	ssettm $0x7FFFFFFF  }
tec
execute0_lowered:
.L_overlay_start_1:
0x0: {  	(tag) =	ssettag $0x1  }
0x1: {  	s4 =	rddreg [dreg:$0x0];
	s2 =	srdreg.scid  }
0x2: {  	s0 =	rddreg [dreg:$0x1];
	s1 =	stileid.u32  }
0x3: {  	s9 =	simm.s32 $0x2000;
	s10 =	simm.s32 $0x6000;
	s11 =	simm.s32 $0x1  }
0x4: {  	s12 =	simm.s32 $0x2;
	s13 =	simm.s32 $0x0;
	s5 =	sand.u32 $0x1, s2  }
0x5: {  	s2 =	simm.s32 $0x0;
	s3 =	sshll.u32 s1, $0xE;
	s7 =	sshll.u32 s1, $0x12  }
0x6: {  	s6 =	sshll.u32 s5, $0xD;
	[smem:$0x7FF] =	sst s2;
	s8 =	ssub.s32 $0x2, s5  }
0x7: {  	s7 =	sadd.s32 s7, s4;
	s5 =	sshll.u32 s5, $0x11;
	s6 =	sor.u32 s6, s3  }
0x8: {  	_ =	strace $0x80000047;
	s3 =	sadd.s32 $0x5B600, s4;
	s30 =	sshrl.u32 s8, $0x1  }
0x9: {  	s31 =	sadd.s32 s5, s7;
	s6 =	sshrl.u32 s6, $0x3;
	s8 =	ssub.s32 s8, s30  }
0xa: {  	s7 =	simm.s32 $0x3;
	s6 =	sadd.s32 s6, s4;
	s5 =	smax.u32 s8, $0x1  }
0xb: {  	s8 =	simm.s32 $0x80;
	s4 =	sadd.s32 $0x53600, s6;
	s6 =	sadd.s32 $0xDB600, s31  }
.LBB2_1:
0xc: {  	[tilespmem:s2], [sflag:$0x3] =	stream.linear.gather [hbm4b:s4+s2], $0x2000, $0x38;
	[tilespmem:$0xA000] =	vst v63  }
0xd: {  	_ =	swait.ge [sflag:s7], $0x2000  }
0xe: {  	[sflag:s7] =	ssyncset.done $0x0  }
0xf: {  	s14 =	simm.s32 $0x0;
	[sflag:s7] =	ssyncadd.s32 $0xFFFFE000  }
0x10: {  	[tilespmem:s9], [sflag:$0x1] =	stream.indirect.gather [hbm4b:s3+s8], $0x80, s14, s8, $0xb8;
	[tilespmem:$0xA000] =	vst v63  }
0x11: {  	s30 =	simm.s32 $0x80  }
0x12: {  	[tilespmem:s10], [sflag:$0x2] =	stream.indirect.gather [hbm4b:s3+s8], $0x80, s30, s8, $0xb8;
	[tilespmem:$0xA000] =	vst v63  }
0x13: {  	_ =	swait.ge [sflag:s11], $0x4000  }
0x14: {  	[sflag:s11] =	ssyncset.done $0x0  }
0x15: {  	[sflag:s11] =	ssyncadd.s32 $0xFFFFC000  }
0x16: {  	[hbm4b:s6+s2] =	stream.linear.scatter [tilespmem:s9], [sflag:$0x3], $0x4000, $0x38;
	[tilespmem:$0xA000] =	vst v63  }
0x17: {  	_ =	swait.ge [sflag:s7], $0x4000  }
0x18: {  	[sflag:s7] =	ssyncset.done $0x0  }
0x19: {  	[sflag:s7] =	ssyncadd.s32 $0xFFFFC000  }
0x1a: {  	_ =	swait.ge [sflag:s12], $0x4000  }
0x1b: {  	[sflag:s12] =	ssyncset.done $0x0  }
0x1c: {  	s31 =	sadd.s32 $0x800, s6;
	[sflag:s12] =	ssyncadd.s32 $0xFFFFC000  }
0x1d: {  	[hbm4b:s31+s2] =	stream.linear.scatter [tilespmem:s10], [sflag:$0x3], $0x4000, $0x38;
	[tilespmem:$0xA000] =	vst v63  }
0x1e: {  	s15 =	simm.s32 $0x400;
	_ =	swait.ge [sflag:s7], $0x4000  }
0x1f: {  	s16 =	simm.s32 $0x800;
	s14 =	sadd.s32 $0x1000, s6;
	[sflag:s7] =	ssyncset.done $0x0  }
.LBB2_2:
0x20: {  	s17 =	sshra.s32 s15, $0x2  }
0x21: {  	[sflag:s7] =	ssyncadd.s32 $0xFFFFC000;
	s15 =	smov.u32 s16;
	s18 =	sadd.s32 $0x400, s16  }
0x22: {  	[tilespmem:s9], [sflag:$0x1] =	stream.indirect.gather [hbm4b:s3+s8], $0x80, s17, s8, $0xb8;
	[tilespmem:$0xA000] =	vst v63  }
0x23: {  	p0 =	sne.s32 s16, $0x7C00;
	s16 =	sadd.s32 $0x80, s17  }
0x24: {  	[tilespmem:s10], [sflag:$0x2] =	stream.indirect.gather [hbm4b:s3+s8], $0x80, s16, s8, $0xb8;
	[tilespmem:$0xA000] =	vst v63  }
0x25: {  	_ =	swait.ge [sflag:s11], $0x4000  }
0x26: {  	[sflag:s11] =	ssyncset.done $0x0  }
0x27: {  	[sflag:s11] =	ssyncadd.s32 $0xFFFFC000  }
0x28: {  	[hbm4b:s14+s2] =	stream.linear.scatter [tilespmem:s9], [sflag:$0x3], $0x4000, $0x38;
	[tilespmem:$0xA000] =	vst v63  }
0x29: {  	_ =	swait.ge [sflag:s7], $0x4000  }
0x2a: {  	[sflag:s7] =	ssyncset.done $0x0  }
0x2b: {  	[sflag:s7] =	ssyncadd.s32 $0xFFFFC000  }
0x2c: {  	_ =	swait.ge [sflag:s12], $0x4000  }
.Ltmp0:
0x2d: {  	[sflag:s12] =	ssyncset.done $0x0;
	(pc) =	sbr.rel @p0 .LBB2_2-.Ltmp0, $4  }
0x2e: {  	s16 =	sadd.s32 $0x800, s14;
	[sflag:s12] =	ssyncadd.s32 $0xFFFFC000  }
0x2f: {  	[hbm4b:s16+s2] =	stream.linear.scatter [tilespmem:s10], [sflag:$0x3], $0x4000, $0x38;
	[tilespmem:$0xA000] =	vst v63  }
0x30: {  	_ =	swait.ge [sflag:s7], $0x4000  }
0x31: {  	s14 =	sadd.s32 $0x1000, s14;
	s16 =	smov.u32 s18;
	[sflag:s7] =	ssyncset.done $0x0  }
0x32: {  	s15 =	sshra.s32 s15, $0x2;
	[sflag:s7] =	ssyncadd.s32 $0xFFFFC000  }
0x33: {  	[tilespmem:s9], [sflag:$0x1] =	stream.indirect.gather [hbm4b:s3+s8], $0x80, s15, s8, $0xb8;
	[tilespmem:$0xA000] =	vst v63  }
0x34: {  	s15 =	sadd.s32 $0x80, s15  }
0x35: {  	[tilespmem:s10], [sflag:$0x2] =	stream.indirect.gather [hbm4b:s3+s8], $0x80, s15, s8, $0xb8;
	[tilespmem:$0xA000] =	vst v63  }
0x36: {  	_ =	swait.ge [sflag:s11], $0x4000  }
0x37: {  	[sflag:s11] =	ssyncset.done $0x0  }
0x38: {  	[sflag:s11] =	ssyncadd.s32 $0xFFFFC000  }
0x39: {  	[hbm4b:s14+s2] =	stream.linear.scatter [tilespmem:s9], [sflag:$0x3], $0x4000, $0x38;
	[tilespmem:$0xA000] =	vst v63  }
0x3a: {  	_ =	swait.ge [sflag:s7], $0x4000  }
0x3b: {  	[sflag:s7] =	ssyncset.done $0x0  }
0x3c: {  	[sflag:s7] =	ssyncadd.s32 $0xFFFFC000  }
0x3d: {  	s13 =	sadd.s32 $0x1, s13;
	_ =	swait.ge [sflag:s12], $0x4000  }
0x3e: {  	p0 =	sne.s32 s13, s5;
	[sflag:s12] =	ssyncset.done $0x0  }
.Ltmp1:
0x3f: {  	s31 =	sadd.s32 $0x800, s14;
	[sflag:s12] =	ssyncadd.s32 $0xFFFFC000;
	(pc) =	sbr.rel @p0 .LBB2_1-.Ltmp1, $4  }
0x40: {  	[hbm4b:s31+s2] =	stream.linear.scatter [tilespmem:s10], [sflag:$0x3], $0x4000, $0x38;
	[tilespmem:$0xA000] =	vst v63  }
0x41: {  	_ =	swait.ge [sflag:s7], $0x4000  }
0x42: {  	[sflag:s7] =	ssyncset.done $0x0  }
0x43: {  	[sflag:s7] =	ssyncadd.s32 $0xFFFFC000  }
0x44: {  	_ =	sfence.sel $0x180000  }
0x45: {  	[bflag:$0x0] =	sbarrier.arrive $0xFFFF  }
0x46: {  	p0 =	sne.s32 s1, $0x0;
	_ =	strace $0x90000047  }
0x47: {  	s0 =	sadd.s32 @!p0 $0x100000, s0;
	[bflag:$0x2] =	sbarrier.arrive $0xFFFF  }
0x48: {  	[sflag:s0] =	ssyncadd.tile.s32 @!p0 $0x1;
	_ =	shalt  }
.Lfunc_end2:
_tile_overlayer_lowered:
.L_overlay_start_2:
0x49: {  	(tag) =	ssettag $0x2  }
0x4a: {  	s0 =	rddreg [dreg:$0x0];
	s2 =	stileid.u32  }
0x4b: {  	s1 =	rddreg [dreg:$0x1];
	p0 =	sne.s32 s2, $0x0  }
0x4c: {  	s3 =	rddreg [dreg:$0x2];
	[bflag:$0x3] =	sbarrier.arrive $0xFFFF;
	s2 =	simm.s32 @!p0 $0x1C03  }
0x4d: {  	[timem:s3], [sflag:s2] =	dma.local @!p0 [hbm:s0], s1  }
0x4e: {  	s0 =	simm.s32 @!p0 $0x3  }
0x4f: {  	_ =	swait.ge @!p0 [sflag:s0], s1  }
0x50: {  	s1 =	ssub.s32 @!p0 $0x0, s1;
	[sflag:s0] =	ssyncset.done @!p0 $0x0  }
0x51: {  	[sflag:s0] =	ssyncadd.s32 @!p0 s1  }
0x52: {  	[bflag:$0x3] =	sbarrier.arrive $0xFFFF  }
0x53: {  	_ =	shalt  }

// kernel: kernel.22.cloned.1.call-start
scs
__scs_entry_jumppad:
0x0: {  	(pc) =	sbr.rel $0x88, $3  }
0x1: {  	(tag) =	ssettag $0x0;
	lr =	simm.s32 $0x1  }
0x2: {  	[smem:$0x3F78] =	sst lr;
	_ =	strace $0xD0000000  }
0x3: {  	_ = 	snop  }
0x4: {  	_ = 	snop  }
0x5: {  	_ = 	snop  }
0x6: {  	_ = 	snop  }
0x7: {  	_ = 	snop  }
__scs_overlays_trampoline_lowered:
0x8: {  	[smem:$0x3F87] =	sst s0  }
0x9: {  	[smem:$0x3F88] =	sst s1  }
0xa: {  	[smem:$0x3F89] =	sst s2  }
0xb: {  	[smem:$0x3F8A] =	sst s3  }
0xc: {  	[smem:$0x3F8B] =	sst s4  }
0xd: {  	[smem:$0x3F8C] =	sst s5  }
0xe: {  	[smem:$0x3F8D] =	sst s6  }
0xf: {  	[smem:$0x3F8E] =	sst s7  }
0x10: {  	[smem:$0x3F8F] =	sst s8  }
0x11: {  	[smem:$0x3F90] =	sst s9;
	s0 =	simm.s32 @!p0 $0x0  }
0x12: {  	s1 =	sld [smem:$0x3F76];
	s0 =	simm.s32 @p0 $0x1  }
0x13: {  	[smem:$0x3F91] =	sst s0;
	s0 =	simm.s32 @!p1 $0x0  }
0x14: {  	s2 =	sld [smem:$0x3F75];
	s0 =	simm.s32 @p1 $0x1  }
0x15: {  	[smem:$0x3F92] =	sst s0;
	s0 =	simm.s32 @!p2 $0x0  }
0x16: {  	s3 =	sld [smem:$0x3FDB];
	s0 =	simm.s32 @p2 $0x1  }
0x17: {  	s4 =	simm.s32 $0x1BF5;
	[smem:$0x3F94] =	sst s0  }
0x18: {  	s0 =	sld [smem:$0x3F77];
	_ =	swait.ge [sflag:s4], $0x0  }
0x19: {  	s7 =	sld [smem:$0x3F78]  }
0x1a: {  	s8 =	sadd.s32 $0xFFFFE003, lr  }
0x1b: {  	s9 =	sadd.s32 $0xFFFFFEF7, lr;
	s5 =	simm.s32 $0xFFFFFFFF;
	p2 =	slt.u32 s8, $0xFFFFF086  }
0x1c: {  	p1 =	slt.u32 s9, $0xF7A;
	s5 =	simm.s32 @!p2 $0x0  }
0x1d: {  	s5 =	simm.s32 @p1 $0x1;
	p0 =	seq.s32 s7, s2  }
0x1e: {  	s7 =	smul.u32 @!p0 $0xF7A, s2;
	p2 =	seq.s32 @!p0 s5, $0x0  }
0x1f: {  	s9 =	smul.u32 $0xF7A, s1;
	s8 =	simm.s32 @!p0 $0x1BF5;
	p2 =	por !p2, p0  }
0x20: {  	[sflag:s8] =	ssyncset.s32 @!p0 $0xFFFFF086;
	s6 =	sadd.s32 @!p0 s3, s7;
	s7 =	simm.s32 @!p0 $0x108  }
0x21: {  	s3 =	sadd.s32 s3, s9;
	s6 =	sadd.s32 @!p0 $0x88, s6;
	s7 =	simm.s32 @p2 $0x1082  }
0x22: {  	[simem:s7], [sflag:s8] =	dma.local @!p0 [hbm:s6], $0xF7A  }
0x23: {  	s9 =	sor.u32 $0xD0000000, s2;
	s6 =	simm.s32 $0x108;
	_ =	swait.ge @!p0 [sflag:s8], $0x0  }
0x24: {  	s3 =	sadd.s32 $0x88, s3;
	s6 =	simm.s32 @!p1 $0x1082;
	[sflag:s4] =	ssyncset.s32 $0xFFFFF086  }
0x25: {  	[simem:s6], [sflag:s4] =	dma.local [hbm:s3], $0xF7A  }
0x26: {  	[smem:$0x3F78] =	sst s1;
	(tag) =	ssettag s2;
	_ =	strace s9  }
0x27: {  	s1 =	sld [smem:$0x3F88]  }
0x28: {  	s2 =	sld [smem:$0x3F89]  }
0x29: {  	s4 =	sld [smem:$0x3F8B]  }
0x2a: {  	p0 =	seq.s32 s5, $0x0;
	s5 =	sld [smem:$0x3F8C]  }
0x2b: {  	s6 =	sld [smem:$0x3F8D]  }
0x2c: {  	s7 =	sld [smem:$0x3F8E]  }
0x2d: {  	s3 =	simm.s32 $0x108;
	s8 =	sld [smem:$0x3F8F]  }
0x2e: {  	s3 =	simm.s32 @!p0 $0x1082;
	s9 =	sld [smem:$0x3F90]  }
0x2f: {  	lr =	sadd.s32 s0, s3;
	s0 =	sld [smem:$0x3F87]  }
0x30: {  	s3 =	sld [smem:$0x3F8A]  }
0x31: {  	[smem:$0x3F93] =	sst s10  }
0x32: {  	s10 =	sld [smem:$0x3F91];
	_ =	sdelay $0x3  }
0x33: {  	p0 =	seq.s32 s10, $0x1;
	s10 =	sld [smem:$0x3F93];
	_ =	sdelay $0x3  }
0x34: {  	[smem:$0x3F93] =	sst s10  }
0x35: {  	s10 =	sld [smem:$0x3F92];
	_ =	sdelay $0x3  }
0x36: {  	p1 =	seq.s32 s10, $0x1;
	s10 =	sld [smem:$0x3F93];
	_ =	sdelay $0x3  }
0x37: {  	[smem:$0x3F93] =	sst s10  }
0x38: {  	s10 =	sld [smem:$0x3F94]  }
0x39: {  	_ = 	snop;
	(pc) =	sbr.ind lr, $3  }
0x3a: {  	_ = 	snop  }
0x3b: {  	_ = 	snop  }
0x3c: {  	p2 =	seq.s32 s10, $0x1;
	s10 =	sld [smem:$0x3F93]  }
0x3d: {  	_ =	shalt  }
0x3e: {  	_ =	shalt  }
0x3f: {  	_ =	shalt  }
0x40: {  	_ =	shalt  }
0x41: {  	_ =	shalt  }
0x42: {  	_ =	shalt  }
0x43: {  	_ =	shalt  }
0x44: {  	_ =	shalt  }
0x45: {  	_ =	shalt  }
0x46: {  	_ =	shalt  }
0x47: {  	_ =	shalt  }
0x48: {  	_ =	shalt  }
0x49: {  	_ =	shalt  }
0x4a: {  	_ =	shalt  }
0x4b: {  	_ =	shalt  }
0x4c: {  	_ =	shalt  }
0x4d: {  	_ =	shalt  }
0x4e: {  	_ =	shalt  }
0x4f: {  	_ =	shalt  }
0x50: {  	_ =	shalt  }
0x51: {  	_ =	shalt  }
0x52: {  	_ =	shalt  }
0x53: {  	_ =	shalt  }
0x54: {  	_ =	shalt  }
0x55: {  	_ =	shalt  }
0x56: {  	_ =	shalt  }
0x57: {  	_ =	shalt  }
0x58: {  	_ =	shalt  }
0x59: {  	_ =	shalt  }
0x5a: {  	_ =	shalt  }
0x5b: {  	_ =	shalt  }
0x5c: {  	_ =	shalt  }
0x5d: {  	_ =	shalt  }
0x5e: {  	_ =	shalt  }
0x5f: {  	_ =	shalt  }
0x60: {  	_ =	shalt  }
0x61: {  	_ =	shalt  }
0x62: {  	_ =	shalt  }
0x63: {  	_ =	shalt  }
0x64: {  	_ =	shalt  }
0x65: {  	_ =	shalt  }
0x66: {  	_ =	shalt  }
0x67: {  	_ =	shalt  }
0x68: {  	_ =	shalt  }
0x69: {  	_ =	shalt  }
0x6a: {  	_ =	shalt  }
0x6b: {  	_ =	shalt  }
0x6c: {  	_ =	shalt  }
0x6d: {  	_ =	shalt  }
0x6e: {  	_ =	shalt  }
0x6f: {  	_ =	shalt  }
0x70: {  	_ =	shalt  }
0x71: {  	_ =	shalt  }
0x72: {  	_ =	shalt  }
0x73: {  	_ =	shalt  }
0x74: {  	_ =	shalt  }
0x75: {  	_ =	shalt  }
0x76: {  	_ =	shalt  }
0x77: {  	_ =	shalt  }
0x78: {  	_ =	shalt  }
0x79: {  	_ =	shalt  }
0x7a: {  	_ =	shalt  }
0x7b: {  	_ =	shalt  }
0x7c: {  	_ =	shalt  }
0x7d: {  	_ =	shalt  }
0x7e: {  	_ =	shalt  }
0x7f: {  	_ =	shalt  }
0x80: {  	_ =	shalt  }
0x81: {  	_ =	shalt  }
0x82: {  	_ =	shalt  }
0x83: {  	_ =	shalt  }
0x84: {  	_ =	shalt  }
0x85: {  	_ =	shalt  }
0x86: {  	_ =	shalt  }
0x87: {  	_ =	shalt  }
.Lfunc_end0:
.L_simem_size_0:
called_computation.1_lowered:
.L_overlay_start_0:
0x88: {  	s2 =	sld [smem:$0x3FD9]  }
0x89: {  	s3 =	sld [smem:$0x3FFE];
	_ =	sdelay $0x1  }
0x8a: {  	s1 =	srdreg.scid  }
0x8b: {  	s0 =	sand.u32 $0x1, s1  }
0x8c: {  	s16 =	sshll.u32 s0, $0xA;
	s2 =	sadd.s32 s3, s2  }
0x8d: {  	s2 =	sadd.s32 s2, s16  }
0x8e: {  	[smem:$0x3F9F] =	sst s2  }
0x8f: {  	_ = 	snop  }
0x90: {  	(tm) =	ssettm $0x1  }
0x91: {  	s17 =	sld [smem:$0x3FFB];
	_ =	sdelay $0x3  }
0x92: {  	_ =	strace s17  }
0x93: {  	s2 =	sld [smem:$0x3FFC];
	_ =	sdelay $0x3  }
0x94: {  	_ =	strace s2  }
0x95: {  	s2 =	sld [smem:$0x3FFD];
	_ =	sdelay $0x3  }
0x96: {  	_ =	strace s2  }
0x97: {  	_ =	strace $0x8FFFFFFF  }
0x98: {  	s18 =	sld [smem:$0x3FDB];
	_ =	sdelay $0x1  }
0x99: {  	s19 =	simm.s32 $_scs_section_size  }
0x9a: {  	s4 =	simm.s32 $_size__tile_overlayer_lowered;
	s5 =	simm.s32 $_tile_overlayer_lowered  }
0x9b: {  	s22 =	simm.s32 $0x1BFF;
	s21 =	sshll.u32 s5, $0x1;
	s2 =	sadd.s32 s19, s18  }
0x9c: {  	s6 =	simm.s32 $0x0;
	s20 =	sshll.u32 s4, $0x1;
	s4 =	sadd.s32 s21, s2  }
0x9d: {  	[timem:s6], [sflag:s22] =	dma.local [hbm:s4], s20  }
0x9e: {  	_ =	swait.ge [sflag:s22], s20  }
0x9f: {  	s3 =	ssub.s32 $0x0, s20;
	[sflag:s22] =	ssyncset.done $0x0  }
0xa0: {  	[sflag:s22] =	ssyncadd.s32 s3;
	_ =	sdelay $0x1  }
0xa1: {  	s23 =	simm.s32 $0x1B8B  }
0xa2: {  	_ =	swait.ge [sflag:s23], $0x1  }
0xa3: {  	[sflag:s23] =	ssyncset.done $0x0  }
0xa4: {  	s25 =	simm.s32 $0x1B8E;
	s24 =	sld [smem:$0x3FFE];
	[sflag:s23] =	ssyncadd.s32 $0xFFFFFFFF  }
0xa5: {  	s26 =	simm.s32 $execute0_lowered;
	[smem:$0x3FD2] =	sst s25  }
0xa6: {  	s4 =	sshll.u32 s26, $0x1;
	_ =	strace $0x80000049;
	[dreg:$0x1] =	wrdreg $0xFFFFFFFF  }
0xa7: {  	s28 =	simm.s32 $_size_execute0_lowered;
	s2 =	sadd.s32 s2, s4;
	[dreg:$0x0] =	wrdreg $0x0  }
0xa8: {  	s4 =	sshll.u32 s28, $0x1;
	[dreg:$0x2] =	wrdreg s2  }
0xa9: {  	[dreg:$0x3] =	wrdreg s4  }
0xaa: {  	[dreg:$0x4] =	wrdreg $0xC0  }
0xab: {  	_ =	task [dreg:s6], $0x5FFFF  }
0xac: {  	[dreg:$0x1] =	wrdreg $0xFFFFFFFF  }
0xad: {  	[dreg:$0x0] =	wrdreg $0x60  }
0xae: {  	[dreg:$0x2] =	wrdreg s24  }
0xaf: {  	[dreg:$0x3] =	wrdreg $0x9  }
0xb0: {  	_ =	task.clear_ibuf [dreg:s6], $0x4FFFF;
	_ =	strace $0x90000049  }
0xb1: {  	s29 =	simm.s32 $0x9;
	_ =	strace $0x8000004B  }
0xb2: {  	_ =	swait.ge [sflag:s29], $0x1  }
0xb3: {  	[sflag:s29] =	ssyncadd.s32 $0xFFFFFFFF  }
0xb4: {  	_ =	strace $0x9000004B  }
0xb5: {  	_ =	sfence  }
0xb6: {  	s30 =	sld [smem:$0x0];
	_ =	sdelay $0x2  }
0xb7: {  	s31 =	sshll.u32 s1, $0xD;
	s1 =	sshrl.u32 s1, $0x2  }
0xb8: {  	s3 =	sand.u32 $0x4000, s31;
	s1 =	sadd.s32 s1, s30  }
0xb9: {  	s0 =	sor.u32 s3, s0;
	s1 =	sshll.u32 s1, $0x11  }
0xba: {  	s0 =	sor.u32 s1, s0  }
0xbb: {  	s0 =	sadd.s32 $0x8F2B, s0  }
0xbc: {  	[sflag:s0] =	ssyncadd.remote.s32 $0x1  }
0xbd: {  	_ =	sfence.sel $0xFFFF  }
0xbe: {  	[dreg:$0x0] =	wrdreg $0xFFFFFFFF;
	(pc) =	sbr.abs _section_cstart, $3  }
0xbf: {  	[dreg:$0x1] =	wrdreg $0xFFFFFFFF  }
0xc0: {  	_ =	task.clear_ibuf [dreg:s6], $0x2FFFF;
	_ =	strace $0x9FFFFFFF  }
0xc1: {  	(tm) =	ssettm $0x7FFFFFFF  }
tec
execute0_lowered:
.L_overlay_start_1:
0x0: {  	(tag) =	ssettag $0x1  }
0x1: {  	s4 =	rddreg [dreg:$0x0];
	s2 =	srdreg.scid  }
0x2: {  	s0 =	rddreg [dreg:$0x1];
	s1 =	stileid.u32  }
0x3: {  	s9 =	simm.s32 $0x2000;
	s10 =	simm.s32 $0x6000;
	s11 =	simm.s32 $0x1  }
0x4: {  	s12 =	simm.s32 $0x2;
	s13 =	simm.s32 $0x0;
	s5 =	sand.u32 $0x1, s2  }
0x5: {  	s2 =	simm.s32 $0x0;
	s3 =	sshll.u32 s1, $0xE;
	s7 =	sshll.u32 s1, $0x12  }
0x6: {  	s6 =	sshll.u32 s5, $0xD;
	[smem:$0x7FF] =	sst s2;
	s8 =	ssub.s32 $0x2, s5  }
0x7: {  	s7 =	sadd.s32 s7, s4;
	s5 =	sshll.u32 s5, $0x11;
	s6 =	sor.u32 s6, s3  }
0x8: {  	_ =	strace $0x8000004A;
	s3 =	sadd.s32 $0x51B600, s4;
	s30 =	sshrl.u32 s8, $0x1  }
0x9: {  	s31 =	sadd.s32 s5, s7;
	s6 =	sshrl.u32 s6, $0x3;
	s8 =	ssub.s32 s8, s30  }
0xa: {  	s7 =	simm.s32 $0x3;
	s6 =	sadd.s32 s6, s4;
	s5 =	smax.u32 s8, $0x1  }
0xb: {  	s8 =	simm.s32 $0x80;
	s4 =	sadd.s32 $0xD3600, s6;
	s6 =	sadd.s32 $0x151B600, s31  }
.LBB2_1:
0xc: {  	[tilespmem:s2], [sflag:$0x3] =	stream.linear.gather [hbm4b:s4+s2], $0x2000, $0x38;
	[tilespmem:$0xA000] =	vst v63  }
0xd: {  	_ =	swait.ge [sflag:s7], $0x2000  }
0xe: {  	[sflag:s7] =	ssyncset.done $0x0  }
0xf: {  	s14 =	simm.s32 $0x0;
	[sflag:s7] =	ssyncadd.s32 $0xFFFFE000  }
0x10: {  	[tilespmem:s9], [sflag:$0x1] =	stream.indirect.gather [hbm4b:s3+s8], $0x80, s14, s8, $0xb8;
	[tilespmem:$0xA000] =	vst v63  }
0x11: {  	s30 =	simm.s32 $0x80  }
0x12: {  	[tilespmem:s10], [sflag:$0x2] =	stream.indirect.gather [hbm4b:s3+s8], $0x80, s30, s8, $0xb8;
	[tilespmem:$0xA000] =	vst v63  }
0x13: {  	_ =	swait.ge [sflag:s11], $0x4000  }
0x14: {  	[sflag:s11] =	ssyncset.done $0x0  }
0x15: {  	[sflag:s11] =	ssyncadd.s32 $0xFFFFC000  }
0x16: {  	[hbm4b:s6+s2] =	stream.linear.scatter [tilespmem:s9], [sflag:$0x3], $0x4000, $0x38;
	[tilespmem:$0xA000] =	vst v63  }
0x17: {  	_ =	swait.ge [sflag:s7], $0x4000  }
0x18: {  	[sflag:s7] =	ssyncset.done $0x0  }
0x19: {  	[sflag:s7] =	ssyncadd.s32 $0xFFFFC000  }
0x1a: {  	_ =	swait.ge [sflag:s12], $0x4000  }
0x1b: {  	[sflag:s12] =	ssyncset.done $0x0  }
0x1c: {  	s31 =	sadd.s32 $0x800, s6;
	[sflag:s12] =	ssyncadd.s32 $0xFFFFC000  }
0x1d: {  	[hbm4b:s31+s2] =	stream.linear.scatter [tilespmem:s10], [sflag:$0x3], $0x4000, $0x38;
	[tilespmem:$0xA000] =	vst v63  }
0x1e: {  	s15 =	simm.s32 $0x400;
	_ =	swait.ge [sflag:s7], $0x4000  }
0x1f: {  	s16 =	simm.s32 $0x800;
	s14 =	sadd.s32 $0x1000, s6;
	[sflag:s7] =	ssyncset.done $0x0  }
.LBB2_2:
0x20: {  	s17 =	sshra.s32 s15, $0x2  }
0x21: {  	[sflag:s7] =	ssyncadd.s32 $0xFFFFC000;
	s15 =	smov.u32 s16;
	s18 =	sadd.s32 $0x400, s16  }
0x22: {  	[tilespmem:s9], [sflag:$0x1] =	stream.indirect.gather [hbm4b:s3+s8], $0x80, s17, s8, $0xb8;
	[tilespmem:$0xA000] =	vst v63  }
0x23: {  	p0 =	sne.s32 s16, $0x7C00;
	s16 =	sadd.s32 $0x80, s17  }
0x24: {  	[tilespmem:s10], [sflag:$0x2] =	stream.indirect.gather [hbm4b:s3+s8], $0x80, s16, s8, $0xb8;
	[tilespmem:$0xA000] =	vst v63  }
0x25: {  	_ =	swait.ge [sflag:s11], $0x4000  }
0x26: {  	[sflag:s11] =	ssyncset.done $0x0  }
0x27: {  	[sflag:s11] =	ssyncadd.s32 $0xFFFFC000  }
0x28: {  	[hbm4b:s14+s2] =	stream.linear.scatter [tilespmem:s9], [sflag:$0x3], $0x4000, $0x38;
	[tilespmem:$0xA000] =	vst v63  }
0x29: {  	_ =	swait.ge [sflag:s7], $0x4000  }
0x2a: {  	[sflag:s7] =	ssyncset.done $0x0  }
0x2b: {  	[sflag:s7] =	ssyncadd.s32 $0xFFFFC000  }
0x2c: {  	_ =	swait.ge [sflag:s12], $0x4000  }
.Ltmp0:
0x2d: {  	[sflag:s12] =	ssyncset.done $0x0;
	(pc) =	sbr.rel @p0 .LBB2_2-.Ltmp0, $4  }
0x2e: {  	s16 =	sadd.s32 $0x800, s14;
	[sflag:s12] =	ssyncadd.s32 $0xFFFFC000  }
0x2f: {  	[hbm4b:s16+s2] =	stream.linear.scatter [tilespmem:s10], [sflag:$0x3], $0x4000, $0x38;
	[tilespmem:$0xA000] =	vst v63  }
0x30: {  	_ =	swait.ge [sflag:s7], $0x4000  }
0x31: {  	s14 =	sadd.s32 $0x1000, s14;
	s16 =	smov.u32 s18;
	[sflag:s7] =	ssyncset.done $0x0  }
0x32: {  	s15 =	sshra.s32 s15, $0x2;
	[sflag:s7] =	ssyncadd.s32 $0xFFFFC000  }
0x33: {  	[tilespmem:s9], [sflag:$0x1] =	stream.indirect.gather [hbm4b:s3+s8], $0x80, s15, s8, $0xb8;
	[tilespmem:$0xA000] =	vst v63  }
0x34: {  	s15 =	sadd.s32 $0x80, s15  }
0x35: {  	[tilespmem:s10], [sflag:$0x2] =	stream.indirect.gather [hbm4b:s3+s8], $0x80, s15, s8, $0xb8;
	[tilespmem:$0xA000] =	vst v63  }
0x36: {  	_ =	swait.ge [sflag:s11], $0x4000  }
0x37: {  	[sflag:s11] =	ssyncset.done $0x0  }
0x38: {  	[sflag:s11] =	ssyncadd.s32 $0xFFFFC000  }
0x39: {  	[hbm4b:s14+s2] =	stream.linear.scatter [tilespmem:s9], [sflag:$0x3], $0x4000, $0x38;
	[tilespmem:$0xA000] =	vst v63  }
0x3a: {  	_ =	swait.ge [sflag:s7], $0x4000  }
0x3b: {  	[sflag:s7] =	ssyncset.done $0x0  }
0x3c: {  	[sflag:s7] =	ssyncadd.s32 $0xFFFFC000  }
0x3d: {  	s13 =	sadd.s32 $0x1, s13;
	_ =	swait.ge [sflag:s12], $0x4000  }
0x3e: {  	p0 =	sne.s32 s13, s5;
	[sflag:s12] =	ssyncset.done $0x0  }
.Ltmp1:
0x3f: {  	s31 =	sadd.s32 $0x800, s14;
	[sflag:s12] =	ssyncadd.s32 $0xFFFFC000;
	(pc) =	sbr.rel @p0 .LBB2_1-.Ltmp1, $4  }
0x40: {  	[hbm4b:s31+s2] =	stream.linear.scatter [tilespmem:s10], [sflag:$0x3], $0x4000, $0x38;
	[tilespmem:$0xA000] =	vst v63  }
0x41: {  	_ =	swait.ge [sflag:s7], $0x4000  }
0x42: {  	[sflag:s7] =	ssyncset.done $0x0  }
0x43: {  	[sflag:s7] =	ssyncadd.s32 $0xFFFFC000  }
0x44: {  	_ =	sfence.sel $0x180000  }
0x45: {  	[bflag:$0x0] =	sbarrier.arrive $0xFFFF  }
0x46: {  	p0 =	sne.s32 s1, $0x0;
	_ =	strace $0x9000004A  }
0x47: {  	s0 =	sadd.s32 @!p0 $0x100000, s0;
	[bflag:$0x2] =	sbarrier.arrive $0xFFFF  }
0x48: {  	[sflag:s0] =	ssyncadd.tile.s32 @!p0 $0x1;
	_ =	shalt  }
.Lfunc_end2:
_tile_overlayer_lowered:
.L_overlay_start_2:
0x49: {  	(tag) =	ssettag $0x2  }
0x4a: {  	s0 =	rddreg [dreg:$0x0];
	s2 =	stileid.u32  }
0x4b: {  	s1 =	rddreg [dreg:$0x1];
	p0 =	sne.s32 s2, $0x0  }
0x4c: {  	s3 =	rddreg [dreg:$0x2];
	[bflag:$0x3] =	sbarrier.arrive $0xFFFF;
	s2 =	simm.s32 @!p0 $0x1C03  }
0x4d: {  	[timem:s3], [sflag:s2] =	dma.local @!p0 [hbm:s0], s1  }
0x4e: {  	s0 =	simm.s32 @!p0 $0x3  }
0x4f: {  	_ =	swait.ge @!p0 [sflag:s0], s1  }
0x50: {  	s1 =	ssub.s32 @!p0 $0x0, s1;
	[sflag:s0] =	ssyncset.done @!p0 $0x0  }
0x51: {  	[sflag:s0] =	ssyncadd.s32 @!p0 s1  }
0x52: {  	[bflag:$0x3] =	sbarrier.arrive $0xFFFF  }
0x53: {  	_ =	shalt  }

// kernel: kernel.25.cloned.1.call-start
scs
__scs_entry_jumppad:
0x0: {  	(pc) =	sbr.rel $0x88, $3  }
0x1: {  	(tag) =	ssettag $0x0;
	lr =	simm.s32 $0x1  }
0x2: {  	[smem:$0x3F78] =	sst lr;
	_ =	strace $0xD0000000  }
0x3: {  	_ = 	snop  }
0x4: {  	_ = 	snop  }
0x5: {  	_ = 	snop  }
0x6: {  	_ = 	snop  }
0x7: {  	_ = 	snop  }
__scs_overlays_trampoline_lowered:
0x8: {  	[smem:$0x3F87] =	sst s0  }
0x9: {  	[smem:$0x3F88] =	sst s1  }
0xa: {  	[smem:$0x3F89] =	sst s2  }
0xb: {  	[smem:$0x3F8A] =	sst s3  }
0xc: {  	[smem:$0x3F8B] =	sst s4  }
0xd: {  	[smem:$0x3F8C] =	sst s5  }
0xe: {  	[smem:$0x3F8D] =	sst s6  }
0xf: {  	[smem:$0x3F8E] =	sst s7  }
0x10: {  	[smem:$0x3F8F] =	sst s8  }
0x11: {  	[smem:$0x3F90] =	sst s9;
	s0 =	simm.s32 @!p0 $0x0  }
0x12: {  	s1 =	sld [smem:$0x3F76];
	s0 =	simm.s32 @p0 $0x1  }
0x13: {  	[smem:$0x3F91] =	sst s0;
	s0 =	simm.s32 @!p1 $0x0  }
0x14: {  	s2 =	sld [smem:$0x3F75];
	s0 =	simm.s32 @p1 $0x1  }
0x15: {  	[smem:$0x3F92] =	sst s0;
	s0 =	simm.s32 @!p2 $0x0  }
0x16: {  	s3 =	sld [smem:$0x3FDB];
	s0 =	simm.s32 @p2 $0x1  }
0x17: {  	s4 =	simm.s32 $0x1BF5;
	[smem:$0x3F94] =	sst s0  }
0x18: {  	s0 =	sld [smem:$0x3F77];
	_ =	swait.ge [sflag:s4], $0x0  }
0x19: {  	s7 =	sld [smem:$0x3F78]  }
0x1a: {  	s8 =	sadd.s32 $0xFFFFE003, lr  }
0x1b: {  	s9 =	sadd.s32 $0xFFFFFEF7, lr;
	s5 =	simm.s32 $0xFFFFFFFF;
	p2 =	slt.u32 s8, $0xFFFFF086  }
0x1c: {  	p1 =	slt.u32 s9, $0xF7A;
	s5 =	simm.s32 @!p2 $0x0  }
0x1d: {  	s5 =	simm.s32 @p1 $0x1;
	p0 =	seq.s32 s7, s2  }
0x1e: {  	s7 =	smul.u32 @!p0 $0xF7A, s2;
	p2 =	seq.s32 @!p0 s5, $0x0  }
0x1f: {  	s9 =	smul.u32 $0xF7A, s1;
	s8 =	simm.s32 @!p0 $0x1BF5;
	p2 =	por !p2, p0  }
0x20: {  	[sflag:s8] =	ssyncset.s32 @!p0 $0xFFFFF086;
	s6 =	sadd.s32 @!p0 s3, s7;
	s7 =	simm.s32 @!p0 $0x108  }
0x21: {  	s3 =	sadd.s32 s3, s9;
	s6 =	sadd.s32 @!p0 $0x88, s6;
	s7 =	simm.s32 @p2 $0x1082  }
0x22: {  	[simem:s7], [sflag:s8] =	dma.local @!p0 [hbm:s6], $0xF7A  }
0x23: {  	s9 =	sor.u32 $0xD0000000, s2;
	s6 =	simm.s32 $0x108;
	_ =	swait.ge @!p0 [sflag:s8], $0x0  }
0x24: {  	s3 =	sadd.s32 $0x88, s3;
	s6 =	simm.s32 @!p1 $0x1082;
	[sflag:s4] =	ssyncset.s32 $0xFFFFF086  }
0x25: {  	[simem:s6], [sflag:s4] =	dma.local [hbm:s3], $0xF7A  }
0x26: {  	[smem:$0x3F78] =	sst s1;
	(tag) =	ssettag s2;
	_ =	strace s9  }
0x27: {  	s1 =	sld [smem:$0x3F88]  }
0x28: {  	s2 =	sld [smem:$0x3F89]  }
0x29: {  	s4 =	sld [smem:$0x3F8B]  }
0x2a: {  	p0 =	seq.s32 s5, $0x0;
	s5 =	sld [smem:$0x3F8C]  }
0x2b: {  	s6 =	sld [smem:$0x3F8D]  }
0x2c: {  	s7 =	sld [smem:$0x3F8E]  }
0x2d: {  	s3 =	simm.s32 $0x108;
	s8 =	sld [smem:$0x3F8F]  }
0x2e: {  	s3 =	simm.s32 @!p0 $0x1082;
	s9 =	sld [smem:$0x3F90]  }
0x2f: {  	lr =	sadd.s32 s0, s3;
	s0 =	sld [smem:$0x3F87]  }
0x30: {  	s3 =	sld [smem:$0x3F8A]  }
0x31: {  	[smem:$0x3F93] =	sst s10  }
0x32: {  	s10 =	sld [smem:$0x3F91];
	_ =	sdelay $0x3  }
0x33: {  	p0 =	seq.s32 s10, $0x1;
	s10 =	sld [smem:$0x3F93];
	_ =	sdelay $0x3  }
0x34: {  	[smem:$0x3F93] =	sst s10  }
0x35: {  	s10 =	sld [smem:$0x3F92];
	_ =	sdelay $0x3  }
0x36: {  	p1 =	seq.s32 s10, $0x1;
	s10 =	sld [smem:$0x3F93];
	_ =	sdelay $0x3  }
0x37: {  	[smem:$0x3F93] =	sst s10  }
0x38: {  	s10 =	sld [smem:$0x3F94]  }
0x39: {  	_ = 	snop;
	(pc) =	sbr.ind lr, $3  }
0x3a: {  	_ = 	snop  }
0x3b: {  	_ = 	snop  }
0x3c: {  	p2 =	seq.s32 s10, $0x1;
	s10 =	sld [smem:$0x3F93]  }
0x3d: {  	_ =	shalt  }
0x3e: {  	_ =	shalt  }
0x3f: {  	_ =	shalt  }
0x40: {  	_ =	shalt  }
0x41: {  	_ =	shalt  }
0x42: {  	_ =	shalt  }
0x43: {  	_ =	shalt  }
0x44: {  	_ =	shalt  }
0x45: {  	_ =	shalt  }
0x46: {  	_ =	shalt  }
0x47: {  	_ =	shalt  }
0x48: {  	_ =	shalt  }
0x49: {  	_ =	shalt  }
0x4a: {  	_ =	shalt  }
0x4b: {  	_ =	shalt  }
0x4c: {  	_ =	shalt  }
0x4d: {  	_ =	shalt  }
0x4e: {  	_ =	shalt  }
0x4f: {  	_ =	shalt  }
0x50: {  	_ =	shalt  }
0x51: {  	_ =	shalt  }
0x52: {  	_ =	shalt  }
0x53: {  	_ =	shalt  }
0x54: {  	_ =	shalt  }
0x55: {  	_ =	shalt  }
0x56: {  	_ =	shalt  }
0x57: {  	_ =	shalt  }
0x58: {  	_ =	shalt  }
0x59: {  	_ =	shalt  }
0x5a: {  	_ =	shalt  }
0x5b: {  	_ =	shalt  }
0x5c: {  	_ =	shalt  }
0x5d: {  	_ =	shalt  }
0x5e: {  	_ =	shalt  }
0x5f: {  	_ =	shalt  }
0x60: {  	_ =	shalt  }
0x61: {  	_ =	shalt  }
0x62: {  	_ =	shalt  }
0x63: {  	_ =	shalt  }
0x64: {  	_ =	shalt  }
0x65: {  	_ =	shalt  }
0x66: {  	_ =	shalt  }
0x67: {  	_ =	shalt  }
0x68: {  	_ =	shalt  }
0x69: {  	_ =	shalt  }
0x6a: {  	_ =	shalt  }
0x6b: {  	_ =	shalt  }
0x6c: {  	_ =	shalt  }
0x6d: {  	_ =	shalt  }
0x6e: {  	_ =	shalt  }
0x6f: {  	_ =	shalt  }
0x70: {  	_ =	shalt  }
0x71: {  	_ =	shalt  }
0x72: {  	_ =	shalt  }
0x73: {  	_ =	shalt  }
0x74: {  	_ =	shalt  }
0x75: {  	_ =	shalt  }
0x76: {  	_ =	shalt  }
0x77: {  	_ =	shalt  }
0x78: {  	_ =	shalt  }
0x79: {  	_ =	shalt  }
0x7a: {  	_ =	shalt  }
0x7b: {  	_ =	shalt  }
0x7c: {  	_ =	shalt  }
0x7d: {  	_ =	shalt  }
0x7e: {  	_ =	shalt  }
0x7f: {  	_ =	shalt  }
0x80: {  	_ =	shalt  }
0x81: {  	_ =	shalt  }
0x82: {  	_ =	shalt  }
0x83: {  	_ =	shalt  }
0x84: {  	_ =	shalt  }
0x85: {  	_ =	shalt  }
0x86: {  	_ =	shalt  }
0x87: {  	_ =	shalt  }
.Lfunc_end0:
.L_simem_size_0:
called_computation.2_lowered:
.L_overlay_start_0:
0x88: {  	s2 =	sld [smem:$0x3FD9]  }
0x89: {  	s3 =	sld [smem:$0x3FFE];
	_ =	sdelay $0x1  }
0x8a: {  	s1 =	srdreg.scid  }
0x8b: {  	s0 =	sand.u32 $0x1, s1  }
0x8c: {  	s16 =	sshll.u32 s0, $0xA;
	s2 =	sadd.s32 s3, s2  }
0x8d: {  	s2 =	sadd.s32 s2, s16  }
0x8e: {  	[smem:$0x3F9F] =	sst s2  }
0x8f: {  	_ = 	snop  }
0x90: {  	(tm) =	ssettm $0x1  }
0x91: {  	s17 =	sld [smem:$0x3FFB];
	_ =	sdelay $0x3  }
0x92: {  	_ =	strace s17  }
0x93: {  	s2 =	sld [smem:$0x3FFC];
	_ =	sdelay $0x3  }
0x94: {  	_ =	strace s2  }
0x95: {  	s2 =	sld [smem:$0x3FFD];
	_ =	sdelay $0x3  }
0x96: {  	_ =	strace s2  }
0x97: {  	_ =	strace $0x8FFFFFFF  }
0x98: {  	s18 =	sld [smem:$0x3FDB];
	_ =	sdelay $0x1  }
0x99: {  	s19 =	simm.s32 $_scs_section_size  }
0x9a: {  	s4 =	simm.s32 $_size__tile_overlayer_lowered;
	s5 =	simm.s32 $_tile_overlayer_lowered  }
0x9b: {  	s22 =	simm.s32 $0x1BFF;
	s21 =	sshll.u32 s5, $0x1;
	s2 =	sadd.s32 s19, s18  }
0x9c: {  	s6 =	simm.s32 $0x0;
	s20 =	sshll.u32 s4, $0x1;
	s4 =	sadd.s32 s21, s2  }
0x9d: {  	[timem:s6], [sflag:s22] =	dma.local [hbm:s4], s20  }
0x9e: {  	_ =	swait.ge [sflag:s22], s20  }
0x9f: {  	s3 =	ssub.s32 $0x0, s20;
	[sflag:s22] =	ssyncset.done $0x0  }
0xa0: {  	[sflag:s22] =	ssyncadd.s32 s3;
	_ =	sdelay $0x1  }
0xa1: {  	s23 =	simm.s32 $0x1B8B  }
0xa2: {  	_ =	swait.ge [sflag:s23], $0x1  }
0xa3: {  	[sflag:s23] =	ssyncset.done $0x0  }
0xa4: {  	s25 =	simm.s32 $0x1B8E;
	s24 =	sld [smem:$0x3FFE];
	[sflag:s23] =	ssyncadd.s32 $0xFFFFFFFF  }
0xa5: {  	s26 =	simm.s32 $execute0_lowered;
	[smem:$0x3FD2] =	sst s25  }
0xa6: {  	s4 =	sshll.u32 s26, $0x1;
	_ =	strace $0x8000004C;
	[dreg:$0x1] =	wrdreg $0xFFFFFFFF  }
0xa7: {  	s28 =	simm.s32 $_size_execute0_lowered;
	s2 =	sadd.s32 s2, s4;
	[dreg:$0x0] =	wrdreg $0x0  }
0xa8: {  	s4 =	sshll.u32 s28, $0x1;
	[dreg:$0x2] =	wrdreg s2  }
0xa9: {  	[dreg:$0x3] =	wrdreg s4  }
0xaa: {  	[dreg:$0x4] =	wrdreg $0xC0  }
0xab: {  	_ =	task [dreg:s6], $0x5FFFF  }
0xac: {  	[dreg:$0x1] =	wrdreg $0xFFFFFFFF  }
0xad: {  	[dreg:$0x0] =	wrdreg $0x60  }
0xae: {  	[dreg:$0x2] =	wrdreg s24  }
0xaf: {  	[dreg:$0x3] =	wrdreg $0x9  }
0xb0: {  	_ =	task.clear_ibuf [dreg:s6], $0x4FFFF;
	_ =	strace $0x9000004C  }
0xb1: {  	s29 =	simm.s32 $0x9;
	_ =	strace $0x8000004E  }
0xb2: {  	_ =	swait.ge [sflag:s29], $0x1  }
0xb3: {  	[sflag:s29] =	ssyncadd.s32 $0xFFFFFFFF  }
0xb4: {  	_ =	strace $0x9000004E  }
0xb5: {  	_ =	sfence  }
0xb6: {  	s30 =	sld [smem:$0x0];
	_ =	sdelay $0x2  }
0xb7: {  	s31 =	sshll.u32 s1, $0xD;
	s1 =	sshrl.u32 s1, $0x2  }
0xb8: {  	s3 =	sand.u32 $0x4000, s31;
	s1 =	sadd.s32 s1, s30  }
0xb9: {  	s0 =	sor.u32 s3, s0;
	s1 =	sshll.u32 s1, $0x11  }
0xba: {  	s0 =	sor.u32 s1, s0  }
0xbb: {  	s0 =	sadd.s32 $0x8F2B, s0  }
0xbc: {  	[sflag:s0] =	ssyncadd.remote.s32 $0x1  }
0xbd: {  	_ =	sfence.sel $0xFFFF  }
0xbe: {  	[dreg:$0x0] =	wrdreg $0xFFFFFFFF;
	(pc) =	sbr.abs _section_cstart, $3  }
0xbf: {  	[dreg:$0x1] =	wrdreg $0xFFFFFFFF  }
0xc0: {  	_ =	task.clear_ibuf [dreg:s6], $0x2FFFF;
	_ =	strace $0x9FFFFFFF  }
0xc1: {  	(tm) =	ssettm $0x7FFFFFFF  }
tec
execute0_lowered:
.L_overlay_start_1:
0x0: {  	(tag) =	ssettag $0x1  }
0x1: {  	s4 =	rddreg [dreg:$0x0];
	s2 =	srdreg.scid  }
0x2: {  	s0 =	rddreg [dreg:$0x1];
	s1 =	stileid.u32  }
0x3: {  	s9 =	simm.s32 $0x1000;
	s10 =	simm.s32 $0x5000;
	s11 =	simm.s32 $0x1  }
0x4: {  	s12 =	simm.s32 $0x2;
	s13 =	simm.s32 $0x0;
	s5 =	sand.u32 $0x1, s2  }
0x5: {  	s2 =	simm.s32 $0x0;
	s3 =	sshll.u32 s1, $0xD;
	s7 =	sshll.u32 s1, $0x11  }
0x6: {  	s6 =	sshll.u32 s5, $0xC;
	[smem:$0x7FF] =	sst s2;
	s8 =	ssub.s32 $0x2, s5  }
0x7: {  	s7 =	sadd.s32 s7, s4;
	s5 =	sshll.u32 s5, $0x10;
	s6 =	sor.u32 s6, s3  }
0x8: {  	_ =	strace $0x8000004D;
	s3 =	sadd.s32 $0x4B600, s4;
	s30 =	sshrl.u32 s8, $0x1  }
0x9: {  	s31 =	sadd.s32 s5, s7;
	s6 =	sshrl.u32 s6, $0x3;
	s8 =	ssub.s32 s8, s30  }
0xa: {  	s7 =	simm.s32 $0x3;
	s6 =	sadd.s32 s6, s4;
	s5 =	smax.u32 s8, $0x1  }
0xb: {  	s8 =	simm.s32 $0x80;
	s4 =	sadd.s32 $0x93600, s6;
	s6 =	sadd.s32 $0x157600, s31  }
.LBB2_1:
0xc: {  	[tilespmem:s2], [sflag:$0x3] =	stream.linear.gather [hbm4b:s4+s2], $0x1000, $0x38;
	[tilespmem:$0x9000] =	vst v63  }
0xd: {  	_ =	swait.ge [sflag:s7], $0x1000  }
0xe: {  	[sflag:s7] =	ssyncset.done $0x0  }
0xf: {  	s14 =	simm.s32 $0x0;
	[sflag:s7] =	ssyncadd.s32 $0xFFFFF000  }
0x10: {  	[tilespmem:s9], [sflag:$0x1] =	stream.indirect.gather [hbm4b:s3+s8], $0x80, s14, s8, $0xb8;
	[tilespmem:$0x9000] =	vst v63  }
0x11: {  	s30 =	simm.s32 $0x80  }
0x12: {  	[tilespmem:s10], [sflag:$0x2] =	stream.indirect.gather [hbm4b:s3+s8], $0x80, s30, s8, $0xb8;
	[tilespmem:$0x9000] =	vst v63  }
0x13: {  	_ =	swait.ge [sflag:s11], $0x4000  }
0x14: {  	[sflag:s11] =	ssyncset.done $0x0  }
0x15: {  	[sflag:s11] =	ssyncadd.s32 $0xFFFFC000  }
0x16: {  	[hbm4b:s6+s2] =	stream.linear.scatter [tilespmem:s9], [sflag:$0x3], $0x4000, $0x38;
	[tilespmem:$0x9000] =	vst v63  }
0x17: {  	_ =	swait.ge [sflag:s7], $0x4000  }
0x18: {  	[sflag:s7] =	ssyncset.done $0x0  }
0x19: {  	[sflag:s7] =	ssyncadd.s32 $0xFFFFC000  }
0x1a: {  	_ =	swait.ge [sflag:s12], $0x4000  }
0x1b: {  	[sflag:s12] =	ssyncset.done $0x0  }
0x1c: {  	s31 =	sadd.s32 $0x800, s6;
	[sflag:s12] =	ssyncadd.s32 $0xFFFFC000  }
0x1d: {  	[hbm4b:s31+s2] =	stream.linear.scatter [tilespmem:s10], [sflag:$0x3], $0x4000, $0x38;
	[tilespmem:$0x9000] =	vst v63  }
0x1e: {  	s15 =	simm.s32 $0x400;
	_ =	swait.ge [sflag:s7], $0x4000  }
0x1f: {  	s16 =	simm.s32 $0x800;
	s14 =	sadd.s32 $0x1000, s6;
	[sflag:s7] =	ssyncset.done $0x0  }
.LBB2_2:
0x20: {  	s17 =	sshra.s32 s15, $0x2  }
0x21: {  	[sflag:s7] =	ssyncadd.s32 $0xFFFFC000;
	s15 =	smov.u32 s16;
	s18 =	sadd.s32 $0x400, s16  }
0x22: {  	[tilespmem:s9], [sflag:$0x1] =	stream.indirect.gather [hbm4b:s3+s8], $0x80, s17, s8, $0xb8;
	[tilespmem:$0x9000] =	vst v63  }
0x23: {  	p0 =	sne.s32 s16, $0x3C00;
	s16 =	sadd.s32 $0x80, s17  }
0x24: {  	[tilespmem:s10], [sflag:$0x2] =	stream.indirect.gather [hbm4b:s3+s8], $0x80, s16, s8, $0xb8;
	[tilespmem:$0x9000] =	vst v63  }
0x25: {  	_ =	swait.ge [sflag:s11], $0x4000  }
0x26: {  	[sflag:s11] =	ssyncset.done $0x0  }
0x27: {  	[sflag:s11] =	ssyncadd.s32 $0xFFFFC000  }
0x28: {  	[hbm4b:s14+s2] =	stream.linear.scatter [tilespmem:s9], [sflag:$0x3], $0x4000, $0x38;
	[tilespmem:$0x9000] =	vst v63  }
0x29: {  	_ =	swait.ge [sflag:s7], $0x4000  }
0x2a: {  	[sflag:s7] =	ssyncset.done $0x0  }
0x2b: {  	[sflag:s7] =	ssyncadd.s32 $0xFFFFC000  }
0x2c: {  	_ =	swait.ge [sflag:s12], $0x4000  }
.Ltmp0:
0x2d: {  	[sflag:s12] =	ssyncset.done $0x0;
	(pc) =	sbr.rel @p0 .LBB2_2-.Ltmp0, $4  }
0x2e: {  	s16 =	sadd.s32 $0x800, s14;
	[sflag:s12] =	ssyncadd.s32 $0xFFFFC000  }
0x2f: {  	[hbm4b:s16+s2] =	stream.linear.scatter [tilespmem:s10], [sflag:$0x3], $0x4000, $0x38;
	[tilespmem:$0x9000] =	vst v63  }
0x30: {  	_ =	swait.ge [sflag:s7], $0x4000  }
0x31: {  	s14 =	sadd.s32 $0x1000, s14;
	s16 =	smov.u32 s18;
	[sflag:s7] =	ssyncset.done $0x0  }
0x32: {  	s15 =	sshra.s32 s15, $0x2;
	[sflag:s7] =	ssyncadd.s32 $0xFFFFC000  }
0x33: {  	[tilespmem:s9], [sflag:$0x1] =	stream.indirect.gather [hbm4b:s3+s8], $0x80, s15, s8, $0xb8;
	[tilespmem:$0x9000] =	vst v63  }
0x34: {  	s15 =	sadd.s32 $0x80, s15  }
0x35: {  	[tilespmem:s10], [sflag:$0x2] =	stream.indirect.gather [hbm4b:s3+s8], $0x80, s15, s8, $0xb8;
	[tilespmem:$0x9000] =	vst v63  }
0x36: {  	_ =	swait.ge [sflag:s11], $0x4000  }
0x37: {  	[sflag:s11] =	ssyncset.done $0x0  }
0x38: {  	[sflag:s11] =	ssyncadd.s32 $0xFFFFC000  }
0x39: {  	[hbm4b:s14+s2] =	stream.linear.scatter [tilespmem:s9], [sflag:$0x3], $0x4000, $0x38;
	[tilespmem:$0x9000] =	vst v63  }
0x3a: {  	_ =	swait.ge [sflag:s7], $0x4000  }
0x3b: {  	[sflag:s7] =	ssyncset.done $0x0  }
0x3c: {  	[sflag:s7] =	ssyncadd.s32 $0xFFFFC000  }
0x3d: {  	s13 =	sadd.s32 $0x1, s13;
	_ =	swait.ge [sflag:s12], $0x4000  }
0x3e: {  	p0 =	sne.s32 s13, s5;
	[sflag:s12] =	ssyncset.done $0x0  }
.Ltmp1:
0x3f: {  	s31 =	sadd.s32 $0x800, s14;
	[sflag:s12] =	ssyncadd.s32 $0xFFFFC000;
	(pc) =	sbr.rel @p0 .LBB2_1-.Ltmp1, $4  }
0x40: {  	[hbm4b:s31+s2] =	stream.linear.scatter [tilespmem:s10], [sflag:$0x3], $0x4000, $0x38;
	[tilespmem:$0x9000] =	vst v63  }
0x41: {  	_ =	swait.ge [sflag:s7], $0x4000  }
0x42: {  	[sflag:s7] =	ssyncset.done $0x0  }
0x43: {  	[sflag:s7] =	ssyncadd.s32 $0xFFFFC000  }
0x44: {  	_ =	sfence.sel $0x180000  }
0x45: {  	[bflag:$0x0] =	sbarrier.arrive $0xFFFF  }
0x46: {  	p0 =	sne.s32 s1, $0x0;
	_ =	strace $0x9000004D  }
0x47: {  	s0 =	sadd.s32 @!p0 $0x100000, s0;
	[bflag:$0x2] =	sbarrier.arrive $0xFFFF  }
0x48: {  	[sflag:s0] =	ssyncadd.tile.s32 @!p0 $0x1;
	_ =	shalt  }
.Lfunc_end2:
_tile_overlayer_lowered:
.L_overlay_start_2:
0x49: {  	(tag) =	ssettag $0x2  }
0x4a: {  	s0 =	rddreg [dreg:$0x0];
	s2 =	stileid.u32  }
0x4b: {  	s1 =	rddreg [dreg:$0x1];
	p0 =	sne.s32 s2, $0x0  }
0x4c: {  	s3 =	rddreg [dreg:$0x2];
	[bflag:$0x3] =	sbarrier.arrive $0xFFFF;
	s2 =	simm.s32 @!p0 $0x1C03  }
0x4d: {  	[timem:s3], [sflag:s2] =	dma.local @!p0 [hbm:s0], s1  }
0x4e: {  	s0 =	simm.s32 @!p0 $0x3  }
0x4f: {  	_ =	swait.ge @!p0 [sflag:s0], s1  }
0x50: {  	s1 =	ssub.s32 @!p0 $0x0, s1;
	[sflag:s0] =	ssyncset.done @!p0 $0x0  }
0x51: {  	[sflag:s0] =	ssyncadd.s32 @!p0 s1  }
0x52: {  	[bflag:$0x3] =	sbarrier.arrive $0xFFFF  }
0x53: {  	_ =	shalt  }

// kernel: kernel.28.cloned.1.call-start
scs
__scs_entry_jumppad:
0x0: {  	(pc) =	sbr.rel $0x88, $3  }
0x1: {  	(tag) =	ssettag $0x0;
	lr =	simm.s32 $0x1  }
0x2: {  	[smem:$0x3F78] =	sst lr;
	_ =	strace $0xD0000000  }
0x3: {  	_ = 	snop  }
0x4: {  	_ = 	snop  }
0x5: {  	_ = 	snop  }
0x6: {  	_ = 	snop  }
0x7: {  	_ = 	snop  }
__scs_overlays_trampoline_lowered:
0x8: {  	[smem:$0x3F87] =	sst s0  }
0x9: {  	[smem:$0x3F88] =	sst s1  }
0xa: {  	[smem:$0x3F89] =	sst s2  }
0xb: {  	[smem:$0x3F8A] =	sst s3  }
0xc: {  	[smem:$0x3F8B] =	sst s4  }
0xd: {  	[smem:$0x3F8C] =	sst s5  }
0xe: {  	[smem:$0x3F8D] =	sst s6  }
0xf: {  	[smem:$0x3F8E] =	sst s7  }
0x10: {  	[smem:$0x3F8F] =	sst s8  }
0x11: {  	[smem:$0x3F90] =	sst s9;
	s0 =	simm.s32 @!p0 $0x0  }
0x12: {  	s1 =	sld [smem:$0x3F76];
	s0 =	simm.s32 @p0 $0x1  }
0x13: {  	[smem:$0x3F91] =	sst s0;
	s0 =	simm.s32 @!p1 $0x0  }
0x14: {  	s2 =	sld [smem:$0x3F75];
	s0 =	simm.s32 @p1 $0x1  }
0x15: {  	[smem:$0x3F92] =	sst s0;
	s0 =	simm.s32 @!p2 $0x0  }
0x16: {  	s3 =	sld [smem:$0x3FDB];
	s0 =	simm.s32 @p2 $0x1  }
0x17: {  	s4 =	simm.s32 $0x1BF5;
	[smem:$0x3F94] =	sst s0  }
0x18: {  	s0 =	sld [smem:$0x3F77];
	_ =	swait.ge [sflag:s4], $0x0  }
0x19: {  	s7 =	sld [smem:$0x3F78]  }
0x1a: {  	s8 =	sadd.s32 $0xFFFFE003, lr  }
0x1b: {  	s9 =	sadd.s32 $0xFFFFFEF7, lr;
	s5 =	simm.s32 $0xFFFFFFFF;
	p2 =	slt.u32 s8, $0xFFFFF086  }
0x1c: {  	p1 =	slt.u32 s9, $0xF7A;
	s5 =	simm.s32 @!p2 $0x0  }
0x1d: {  	s5 =	simm.s32 @p1 $0x1;
	p0 =	seq.s32 s7, s2  }
0x1e: {  	s7 =	smul.u32 @!p0 $0xF7A, s2;
	p2 =	seq.s32 @!p0 s5, $0x0  }
0x1f: {  	s9 =	smul.u32 $0xF7A, s1;
	s8 =	simm.s32 @!p0 $0x1BF5;
	p2 =	por !p2, p0  }
0x20: {  	[sflag:s8] =	ssyncset.s32 @!p0 $0xFFFFF086;
	s6 =	sadd.s32 @!p0 s3, s7;
	s7 =	simm.s32 @!p0 $0x108  }
0x21: {  	s3 =	sadd.s32 s3, s9;
	s6 =	sadd.s32 @!p0 $0x88, s6;
	s7 =	simm.s32 @p2 $0x1082  }
0x22: {  	[simem:s7], [sflag:s8] =	dma.local @!p0 [hbm:s6], $0xF7A  }
0x23: {  	s9 =	sor.u32 $0xD0000000, s2;
	s6 =	simm.s32 $0x108;
	_ =	swait.ge @!p0 [sflag:s8], $0x0  }
0x24: {  	s3 =	sadd.s32 $0x88, s3;
	s6 =	simm.s32 @!p1 $0x1082;
	[sflag:s4] =	ssyncset.s32 $0xFFFFF086  }
0x25: {  	[simem:s6], [sflag:s4] =	dma.local [hbm:s3], $0xF7A  }
0x26: {  	[smem:$0x3F78] =	sst s1;
	(tag) =	ssettag s2;
	_ =	strace s9  }
0x27: {  	s1 =	sld [smem:$0x3F88]  }
0x28: {  	s2 =	sld [smem:$0x3F89]  }
0x29: {  	s4 =	sld [smem:$0x3F8B]  }
0x2a: {  	p0 =	seq.s32 s5, $0x0;
	s5 =	sld [smem:$0x3F8C]  }
0x2b: {  	s6 =	sld [smem:$0x3F8D]  }
0x2c: {  	s7 =	sld [smem:$0x3F8E]  }
0x2d: {  	s3 =	simm.s32 $0x108;
	s8 =	sld [smem:$0x3F8F]  }
0x2e: {  	s3 =	simm.s32 @!p0 $0x1082;
	s9 =	sld [smem:$0x3F90]  }
0x2f: {  	lr =	sadd.s32 s0, s3;
	s0 =	sld [smem:$0x3F87]  }
0x30: {  	s3 =	sld [smem:$0x3F8A]  }
0x31: {  	[smem:$0x3F93] =	sst s10  }
0x32: {  	s10 =	sld [smem:$0x3F91];
	_ =	sdelay $0x3  }
0x33: {  	p0 =	seq.s32 s10, $0x1;
	s10 =	sld [smem:$0x3F93];
	_ =	sdelay $0x3  }
0x34: {  	[smem:$0x3F93] =	sst s10  }
0x35: {  	s10 =	sld [smem:$0x3F92];
	_ =	sdelay $0x3  }
0x36: {  	p1 =	seq.s32 s10, $0x1;
	s10 =	sld [smem:$0x3F93];
	_ =	sdelay $0x3  }
0x37: {  	[smem:$0x3F93] =	sst s10  }
0x38: {  	s10 =	sld [smem:$0x3F94]  }
0x39: {  	_ = 	snop;
	(pc) =	sbr.ind lr, $3  }
0x3a: {  	_ = 	snop  }
0x3b: {  	_ = 	snop  }
0x3c: {  	p2 =	seq.s32 s10, $0x1;
	s10 =	sld [smem:$0x3F93]  }
0x3d: {  	_ =	shalt  }
0x3e: {  	_ =	shalt  }
0x3f: {  	_ =	shalt  }
0x40: {  	_ =	shalt  }
0x41: {  	_ =	shalt  }
0x42: {  	_ =	shalt  }
0x43: {  	_ =	shalt  }
0x44: {  	_ =	shalt  }
0x45: {  	_ =	shalt  }
0x46: {  	_ =	shalt  }
0x47: {  	_ =	shalt  }
0x48: {  	_ =	shalt  }
0x49: {  	_ =	shalt  }
0x4a: {  	_ =	shalt  }
0x4b: {  	_ =	shalt  }
0x4c: {  	_ =	shalt  }
0x4d: {  	_ =	shalt  }
0x4e: {  	_ =	shalt  }
0x4f: {  	_ =	shalt  }
0x50: {  	_ =	shalt  }
0x51: {  	_ =	shalt  }
0x52: {  	_ =	shalt  }
0x53: {  	_ =	shalt  }
0x54: {  	_ =	shalt  }
0x55: {  	_ =	shalt  }
0x56: {  	_ =	shalt  }
0x57: {  	_ =	shalt  }
0x58: {  	_ =	shalt  }
0x59: {  	_ =	shalt  }
0x5a: {  	_ =	shalt  }
0x5b: {  	_ =	shalt  }
0x5c: {  	_ =	shalt  }
0x5d: {  	_ =	shalt  }
0x5e: {  	_ =	shalt  }
0x5f: {  	_ =	shalt  }
0x60: {  	_ =	shalt  }
0x61: {  	_ =	shalt  }
0x62: {  	_ =	shalt  }
0x63: {  	_ =	shalt  }
0x64: {  	_ =	shalt  }
0x65: {  	_ =	shalt  }
0x66: {  	_ =	shalt  }
0x67: {  	_ =	shalt  }
0x68: {  	_ =	shalt  }
0x69: {  	_ =	shalt  }
0x6a: {  	_ =	shalt  }
0x6b: {  	_ =	shalt  }
0x6c: {  	_ =	shalt  }
0x6d: {  	_ =	shalt  }
0x6e: {  	_ =	shalt  }
0x6f: {  	_ =	shalt  }
0x70: {  	_ =	shalt  }
0x71: {  	_ =	shalt  }
0x72: {  	_ =	shalt  }
0x73: {  	_ =	shalt  }
0x74: {  	_ =	shalt  }
0x75: {  	_ =	shalt  }
0x76: {  	_ =	shalt  }
0x77: {  	_ =	shalt  }
0x78: {  	_ =	shalt  }
0x79: {  	_ =	shalt  }
0x7a: {  	_ =	shalt  }
0x7b: {  	_ =	shalt  }
0x7c: {  	_ =	shalt  }
0x7d: {  	_ =	shalt  }
0x7e: {  	_ =	shalt  }
0x7f: {  	_ =	shalt  }
0x80: {  	_ =	shalt  }
0x81: {  	_ =	shalt  }
0x82: {  	_ =	shalt  }
0x83: {  	_ =	shalt  }
0x84: {  	_ =	shalt  }
0x85: {  	_ =	shalt  }
0x86: {  	_ =	shalt  }
0x87: {  	_ =	shalt  }
.Lfunc_end0:
.L_simem_size_0:
called_computation.3_lowered:
.L_overlay_start_0:
0x88: {  	s2 =	sld [smem:$0x3FD9]  }
0x89: {  	s3 =	sld [smem:$0x3FFE];
	_ =	sdelay $0x1  }
0x8a: {  	s1 =	srdreg.scid  }
0x8b: {  	s0 =	sand.u32 $0x1, s1  }
0x8c: {  	s17 =	sshll.u32 s0, $0xA;
	s2 =	sadd.s32 s3, s2  }
0x8d: {  	s2 =	sadd.s32 s2, s17  }
0x8e: {  	[smem:$0x3F9F] =	sst s2  }
0x8f: {  	_ = 	snop  }
0x90: {  	(tm) =	ssettm $0x1  }
0x91: {  	s18 =	sld [smem:$0x3FFB];
	_ =	sdelay $0x3  }
0x92: {  	_ =	strace s18  }
0x93: {  	s2 =	sld [smem:$0x3FFC];
	_ =	sdelay $0x3  }
0x94: {  	_ =	strace s2  }
0x95: {  	s2 =	sld [smem:$0x3FFD];
	_ =	sdelay $0x3  }
0x96: {  	_ =	strace s2  }
0x97: {  	_ =	strace $0x8FFFFFFF  }
0x98: {  	s19 =	sld [smem:$0x3FDB];
	_ =	sdelay $0x1  }
0x99: {  	s20 =	simm.s32 $_scs_section_size  }
0x9a: {  	s4 =	simm.s32 $_size__tile_overlayer_lowered;
	s5 =	simm.s32 $_tile_overlayer_lowered  }
0x9b: {  	s6 =	simm.s32 $0x1BFF;
	s21 =	sshll.u32 s5, $0x1;
	s3 =	sadd.s32 s20, s19  }
0x9c: {  	s22 =	simm.s32 $0x0;
	s4 =	sshll.u32 s4, $0x1;
	s5 =	sadd.s32 s21, s3  }
0x9d: {  	[timem:s22], [sflag:s6] =	dma.local [hbm:s5], s4  }
0x9e: {  	_ =	swait.ge [sflag:s6], s4  }
0x9f: {  	s4 =	ssub.s32 $0x0, s4;
	[sflag:s6] =	ssyncset.done $0x0  }
0xa0: {  	[sflag:s6] =	ssyncadd.s32 s4;
	_ =	sdelay $0x1  }
0xa1: {  	s23 =	simm.s32 $0x1B8B  }
0xa2: {  	_ =	swait.ge [sflag:s23], $0x1  }
0xa3: {  	[sflag:s23] =	ssyncset.done $0x0  }
0xa4: {  	[sflag:s23] =	ssyncadd.s32 $0xFFFFFFFF  }
0xa5: {  	s4 =	sld [smem:$0x0]  }
0xa6: {  	s5 =	sand.u32 $0xFFFFFFFE, s1  }
0xa7: {  	p0 =	sne.s32 s1, s5  }
0xa8: {  	s5 =	sshll.u32 @p0 s5, $0xE  }
0xa9: {  	s5 =	sadd.s32 @p0 $0x11B8D, s5;
	s6 =	sshll.u32 @p0 s4, $0x11  }
0xaa: {  	s5 =	sor.u32 @p0 s6, s5  }
0xab: {  	[sflag:s5] =	ssyncadd.remote.s32 @p0 $0x1;
	_ =	sdelay $0x1  }
0xac: {  	s5 =	simm.s32 @p0 $0x1B8D  }
0xad: {  	_ =	swait.eq @p0 [sflag:s5], $0x1  }
0xae: {  	[sflag:s5] =	ssyncadd.s32 @p0 $0xFFFFFFFF  }
0xaf: {  	s6 =	sshll.u32 @!p0 s1, $0xE  }
0xb0: {  	s6 =	sor.u32 @!p0 $0x4000, s6;
	s5 =	simm.s32 @!p0 $0x1B8D  }
0xb1: {  	s4 =	sshll.u32 @!p0 s4, $0x11;
	s6 =	sadd.s32 @!p0 $0x11B8D, s6;
	_ =	swait.eq @!p0 [sflag:s5], $0x1  }
0xb2: {  	s4 =	sor.u32 @!p0 s4, s6;
	[sflag:s5] =	ssyncadd.s32 @!p0 $0xFFFFFFFF  }
0xb3: {  	s25 =	simm.s32 $0x1B8E;
	s24 =	sld [smem:$0x3FFE];
	[sflag:s4] =	ssyncadd.remote.s32 @!p0 $0x1  }
0xb4: {  	s26 =	simm.s32 $execute0_lowered;
	[smem:$0x3FD2] =	sst s25  }
0xb5: {  	s5 =	sshll.u32 s26, $0x1;
	_ =	strace $0x8000004F;
	[dreg:$0x1] =	wrdreg $0xFFFFFFFF  }
0xb6: {  	s28 =	simm.s32 $_size_execute0_lowered;
	s3 =	sadd.s32 s3, s5;
	[dreg:$0x0] =	wrdreg $0x0  }
0xb7: {  	s5 =	sshll.u32 s28, $0x1;
	[dreg:$0x2] =	wrdreg s3  }
0xb8: {  	[dreg:$0x3] =	wrdreg s5  }
0xb9: {  	[dreg:$0x4] =	wrdreg $0xC0  }
0xba: {  	_ =	task [dreg:s22], $0x5FFFF  }
0xbb: {  	[dreg:$0x1] =	wrdreg $0xFFFFFFFF  }
0xbc: {  	[dreg:$0x0] =	wrdreg $0x60  }
0xbd: {  	[dreg:$0x2] =	wrdreg s24  }
0xbe: {  	[dreg:$0x3] =	wrdreg $0xA  }
0xbf: {  	_ =	task.clear_ibuf [dreg:s22], $0x4FFFF;
	_ =	strace $0x9000004F  }
0xc0: {  	s29 =	simm.s32 $0xA;
	_ =	strace $0x80000051  }
0xc1: {  	_ =	swait.ge [sflag:s29], $0x1  }
0xc2: {  	[sflag:s29] =	ssyncadd.s32 $0xFFFFFFFF  }
0xc3: {  	_ =	strace $0x90000051  }
0xc4: {  	_ =	sfence  }
0xc5: {  	s30 =	sld [smem:$0x0];
	_ =	sdelay $0x2  }
0xc6: {  	s31 =	sshll.u32 s1, $0xD;
	s1 =	sshrl.u32 s1, $0x2  }
0xc7: {  	s4 =	sand.u32 $0x4000, s31;
	s1 =	sadd.s32 s1, s30  }
0xc8: {  	s0 =	sor.u32 s4, s0;
	s1 =	sshll.u32 s1, $0x11  }
0xc9: {  	s0 =	sor.u32 s1, s0  }
0xca: {  	s0 =	sadd.s32 $0x8F2B, s0  }
0xcb: {  	[sflag:s0] =	ssyncadd.remote.s32 $0x1  }
0xcc: {  	_ =	sfence.sel $0xFFFF  }
0xcd: {  	[dreg:$0x0] =	wrdreg $0xFFFFFFFF;
	(pc) =	sbr.abs _section_cstart, $3  }
0xce: {  	[dreg:$0x1] =	wrdreg $0xFFFFFFFF  }
0xcf: {  	_ =	task.clear_ibuf [dreg:s22], $0x2FFFF;
	_ =	strace $0x9FFFFFFF  }
0xd0: {  	(tm) =	ssettm $0x7FFFFFFF  }
0xd1: {  	_ =	shalt  }
tec
execute0_lowered:
.L_overlay_start_1:
0x0: {  	(tag) =	ssettag $0x1  }
0x1: {  	s4 =	rddreg [dreg:$0x0];
	s2 =	srdreg.scid  }
0x2: {  	s0 =	rddreg [dreg:$0x1];
	s1 =	stileid.u32  }
0x3: {  	s9 =	simm.s32 $0x1000;
	s10 =	simm.s32 $0x5000;
	s11 =	simm.s32 $0x1  }
0x4: {  	s12 =	simm.s32 $0x2;
	s13 =	simm.s32 $0x0;
	s5 =	sand.u32 $0x1, s2  }
0x5: {  	s2 =	simm.s32 $0x0;
	s3 =	sshll.u32 s1, $0xD;
	s7 =	sshll.u32 s1, $0x11  }
0x6: {  	s6 =	sshll.u32 s5, $0xC;
	[smem:$0x7FF] =	sst s2;
	s8 =	ssub.s32 $0x2, s5  }
0x7: {  	s7 =	sadd.s32 s7, s4;
	s5 =	sshll.u32 s5, $0x10;
	s6 =	sor.u32 s6, s3  }
0x8: {  	_ =	strace $0x80000050;
	s3 =	sadd.s32 $0xB600, s4;
	s30 =	sshrl.u32 s8, $0x1  }
0x9: {  	s31 =	sadd.s32 s5, s7;
	s6 =	sshrl.u32 s6, $0x3;
	s8 =	ssub.s32 s8, s30  }
0xa: {  	s7 =	simm.s32 $0x3;
	s6 =	sadd.s32 s6, s4;
	s5 =	smax.u32 s8, $0x1  }
0xb: {  	s8 =	simm.s32 $0x80;
	s4 =	sadd.s32 $0x93600, s6;
	s6 =	sadd.s32 $0x51B600, s31  }
.LBB2_1:
0xc: {  	[tilespmem:s2], [sflag:$0x3] =	stream.linear.gather [hbm4b:s4+s2], $0x1000, $0x38;
	[tilespmem:$0x9000] =	vst v63  }
0xd: {  	_ =	swait.ge [sflag:s7], $0x1000  }
0xe: {  	[sflag:s7] =	ssyncset.done $0x0  }
0xf: {  	s14 =	simm.s32 $0x0;
	[sflag:s7] =	ssyncadd.s32 $0xFFFFF000  }
0x10: {  	[tilespmem:s9], [sflag:$0x1] =	stream.indirect.gather [hbm4b:s3+s8], $0x80, s14, s8, $0xb8;
	[tilespmem:$0x9000] =	vst v63  }
0x11: {  	s30 =	simm.s32 $0x80  }
0x12: {  	[tilespmem:s10], [sflag:$0x2] =	stream.indirect.gather [hbm4b:s3+s8], $0x80, s30, s8, $0xb8;
	[tilespmem:$0x9000] =	vst v63  }
0x13: {  	_ =	swait.ge [sflag:s11], $0x4000  }
0x14: {  	[sflag:s11] =	ssyncset.done $0x0  }
0x15: {  	[sflag:s11] =	ssyncadd.s32 $0xFFFFC000  }
0x16: {  	[hbm4b:s6+s2] =	stream.linear.scatter [tilespmem:s9], [sflag:$0x3], $0x4000, $0x38;
	[tilespmem:$0x9000] =	vst v63  }
0x17: {  	_ =	swait.ge [sflag:s7], $0x4000  }
0x18: {  	[sflag:s7] =	ssyncset.done $0x0  }
0x19: {  	[sflag:s7] =	ssyncadd.s32 $0xFFFFC000  }
0x1a: {  	_ =	swait.ge [sflag:s12], $0x4000  }
0x1b: {  	[sflag:s12] =	ssyncset.done $0x0  }
0x1c: {  	s31 =	sadd.s32 $0x800, s6;
	[sflag:s12] =	ssyncadd.s32 $0xFFFFC000  }
0x1d: {  	[hbm4b:s31+s2] =	stream.linear.scatter [tilespmem:s10], [sflag:$0x3], $0x4000, $0x38;
	[tilespmem:$0x9000] =	vst v63  }
0x1e: {  	s15 =	simm.s32 $0x400;
	_ =	swait.ge [sflag:s7], $0x4000  }
0x1f: {  	s16 =	simm.s32 $0x800;
	s14 =	sadd.s32 $0x1000, s6;
	[sflag:s7] =	ssyncset.done $0x0  }
.LBB2_2:
0x20: {  	s17 =	sshra.s32 s15, $0x2  }
0x21: {  	[sflag:s7] =	ssyncadd.s32 $0xFFFFC000;
	s15 =	smov.u32 s16;
	s18 =	sadd.s32 $0x400, s16  }
0x22: {  	[tilespmem:s9], [sflag:$0x1] =	stream.indirect.gather [hbm4b:s3+s8], $0x80, s17, s8, $0xb8;
	[tilespmem:$0x9000] =	vst v63  }
0x23: {  	p0 =	sne.s32 s16, $0x3C00;
	s16 =	sadd.s32 $0x80, s17  }
0x24: {  	[tilespmem:s10], [sflag:$0x2] =	stream.indirect.gather [hbm4b:s3+s8], $0x80, s16, s8, $0xb8;
	[tilespmem:$0x9000] =	vst v63  }
0x25: {  	_ =	swait.ge [sflag:s11], $0x4000  }
0x26: {  	[sflag:s11] =	ssyncset.done $0x0  }
0x27: {  	[sflag:s11] =	ssyncadd.s32 $0xFFFFC000  }
0x28: {  	[hbm4b:s14+s2] =	stream.linear.scatter [tilespmem:s9], [sflag:$0x3], $0x4000, $0x38;
	[tilespmem:$0x9000] =	vst v63  }
0x29: {  	_ =	swait.ge [sflag:s7], $0x4000  }
0x2a: {  	[sflag:s7] =	ssyncset.done $0x0  }
0x2b: {  	[sflag:s7] =	ssyncadd.s32 $0xFFFFC000  }
0x2c: {  	_ =	swait.ge [sflag:s12], $0x4000  }
.Ltmp0:
0x2d: {  	[sflag:s12] =	ssyncset.done $0x0;
	(pc) =	sbr.rel @p0 .LBB2_2-.Ltmp0, $4  }
0x2e: {  	s16 =	sadd.s32 $0x800, s14;
	[sflag:s12] =	ssyncadd.s32 $0xFFFFC000  }
0x2f: {  	[hbm4b:s16+s2] =	stream.linear.scatter [tilespmem:s10], [sflag:$0x3], $0x4000, $0x38;
	[tilespmem:$0x9000] =	vst v63  }
0x30: {  	_ =	swait.ge [sflag:s7], $0x4000  }
0x31: {  	s14 =	sadd.s32 $0x1000, s14;
	s16 =	smov.u32 s18;
	[sflag:s7] =	ssyncset.done $0x0  }
0x32: {  	s15 =	sshra.s32 s15, $0x2;
	[sflag:s7] =	ssyncadd.s32 $0xFFFFC000  }
0x33: {  	[tilespmem:s9], [sflag:$0x1] =	stream.indirect.gather [hbm4b:s3+s8], $0x80, s15, s8, $0xb8;
	[tilespmem:$0x9000] =	vst v63  }
0x34: {  	s15 =	sadd.s32 $0x80, s15  }
0x35: {  	[tilespmem:s10], [sflag:$0x2] =	stream.indirect.gather [hbm4b:s3+s8], $0x80, s15, s8, $0xb8;
	[tilespmem:$0x9000] =	vst v63  }
0x36: {  	_ =	swait.ge [sflag:s11], $0x4000  }
0x37: {  	[sflag:s11] =	ssyncset.done $0x0  }
0x38: {  	[sflag:s11] =	ssyncadd.s32 $0xFFFFC000  }
0x39: {  	[hbm4b:s14+s2] =	stream.linear.scatter [tilespmem:s9], [sflag:$0x3], $0x4000, $0x38;
	[tilespmem:$0x9000] =	vst v63  }
0x3a: {  	_ =	swait.ge [sflag:s7], $0x4000  }
0x3b: {  	[sflag:s7] =	ssyncset.done $0x0  }
0x3c: {  	[sflag:s7] =	ssyncadd.s32 $0xFFFFC000  }
0x3d: {  	s13 =	sadd.s32 $0x1, s13;
	_ =	swait.ge [sflag:s12], $0x4000  }
0x3e: {  	p0 =	sne.s32 s13, s5;
	[sflag:s12] =	ssyncset.done $0x0  }
.Ltmp1:
0x3f: {  	s31 =	sadd.s32 $0x800, s14;
	[sflag:s12] =	ssyncadd.s32 $0xFFFFC000;
	(pc) =	sbr.rel @p0 .LBB2_1-.Ltmp1, $4  }
0x40: {  	[hbm4b:s31+s2] =	stream.linear.scatter [tilespmem:s10], [sflag:$0x3], $0x4000, $0x38;
	[tilespmem:$0x9000] =	vst v63  }
0x41: {  	_ =	swait.ge [sflag:s7], $0x4000  }
0x42: {  	[sflag:s7] =	ssyncset.done $0x0  }
0x43: {  	[sflag:s7] =	ssyncadd.s32 $0xFFFFC000  }
0x44: {  	_ =	sfence.sel $0x180000  }
0x45: {  	[bflag:$0x0] =	sbarrier.arrive $0xFFFF  }
0x46: {  	p0 =	sne.s32 s1, $0x0;
	_ =	strace $0x90000050  }
0x47: {  	s0 =	sadd.s32 @!p0 $0x100000, s0;
	[bflag:$0x2] =	sbarrier.arrive $0xFFFF  }
0x48: {  	[sflag:s0] =	ssyncadd.tile.s32 @!p0 $0x1;
	_ =	shalt  }
.Lfunc_end2:
_tile_overlayer_lowered:
.L_overlay_start_2:
0x49: {  	(tag) =	ssettag $0x2  }
0x4a: {  	s0 =	rddreg [dreg:$0x0];
	s2 =	stileid.u32  }
0x4b: {  	s1 =	rddreg [dreg:$0x1];
	p0 =	sne.s32 s2, $0x0  }
0x4c: {  	s3 =	rddreg [dreg:$0x2];
	[bflag:$0x3] =	sbarrier.arrive $0xFFFF;
	s2 =	simm.s32 @!p0 $0x1C03  }
0x4d: {  	[timem:s3], [sflag:s2] =	dma.local @!p0 [hbm:s0], s1  }
0x4e: {  	s0 =	simm.s32 @!p0 $0x3  }
0x4f: {  	_ =	swait.ge @!p0 [sflag:s0], s1  }
0x50: {  	s1 =	ssub.s32 @!p0 $0x0, s1;
	[sflag:s0] =	ssyncset.done @!p0 $0x0  }
0x51: {  	[sflag:s0] =	ssyncadd.s32 @!p0 s1  }
0x52: {  	[bflag:$0x3] =	sbarrier.arrive $0xFFFF  }
0x53: {  	_ =	shalt  }

// kernel: kernel.31.cloned.1.call-start
scs
__scs_entry_jumppad:
0x0: {  	(pc) =	sbr.rel $0x88, $3  }
0x1: {  	(tag) =	ssettag $0x0;
	lr =	simm.s32 $0x1  }
0x2: {  	[smem:$0x3F78] =	sst lr;
	_ =	strace $0xD0000000  }
0x3: {  	_ = 	snop  }
0x4: {  	_ = 	snop  }
0x5: {  	_ = 	snop  }
0x6: {  	_ = 	snop  }
0x7: {  	_ = 	snop  }
__scs_overlays_trampoline_lowered:
0x8: {  	[smem:$0x3F87] =	sst s0  }
0x9: {  	[smem:$0x3F88] =	sst s1  }
0xa: {  	[smem:$0x3F89] =	sst s2  }
0xb: {  	[smem:$0x3F8A] =	sst s3  }
0xc: {  	[smem:$0x3F8B] =	sst s4  }
0xd: {  	[smem:$0x3F8C] =	sst s5  }
0xe: {  	[smem:$0x3F8D] =	sst s6  }
0xf: {  	[smem:$0x3F8E] =	sst s7  }
0x10: {  	[smem:$0x3F8F] =	sst s8  }
0x11: {  	[smem:$0x3F90] =	sst s9;
	s0 =	simm.s32 @!p0 $0x0  }
0x12: {  	s1 =	sld [smem:$0x3F76];
	s0 =	simm.s32 @p0 $0x1  }
0x13: {  	[smem:$0x3F91] =	sst s0;
	s0 =	simm.s32 @!p1 $0x0  }
0x14: {  	s2 =	sld [smem:$0x3F75];
	s0 =	simm.s32 @p1 $0x1  }
0x15: {  	[smem:$0x3F92] =	sst s0;
	s0 =	simm.s32 @!p2 $0x0  }
0x16: {  	s3 =	sld [smem:$0x3FDB];
	s0 =	simm.s32 @p2 $0x1  }
0x17: {  	s4 =	simm.s32 $0x1BF5;
	[smem:$0x3F94] =	sst s0  }
0x18: {  	s0 =	sld [smem:$0x3F77];
	_ =	swait.ge [sflag:s4], $0x0  }
0x19: {  	s7 =	sld [smem:$0x3F78]  }
0x1a: {  	s8 =	sadd.s32 $0xFFFFE003, lr  }
0x1b: {  	s9 =	sadd.s32 $0xFFFFFEF7, lr;
	s5 =	simm.s32 $0xFFFFFFFF;
	p2 =	slt.u32 s8, $0xFFFFF086  }
0x1c: {  	p1 =	slt.u32 s9, $0xF7A;
	s5 =	simm.s32 @!p2 $0x0  }
0x1d: {  	s5 =	simm.s32 @p1 $0x1;
	p0 =	seq.s32 s7, s2  }
0x1e: {  	s7 =	smul.u32 @!p0 $0xF7A, s2;
	p2 =	seq.s32 @!p0 s5, $0x0  }
0x1f: {  	s9 =	smul.u32 $0xF7A, s1;
	s8 =	simm.s32 @!p0 $0x1BF5;
	p2 =	por !p2, p0  }
0x20: {  	[sflag:s8] =	ssyncset.s32 @!p0 $0xFFFFF086;
	s6 =	sadd.s32 @!p0 s3, s7;
	s7 =	simm.s32 @!p0 $0x108  }
0x21: {  	s3 =	sadd.s32 s3, s9;
	s6 =	sadd.s32 @!p0 $0x88, s6;
	s7 =	simm.s32 @p2 $0x1082  }
0x22: {  	[simem:s7], [sflag:s8] =	dma.local @!p0 [hbm:s6], $0xF7A  }
0x23: {  	s9 =	sor.u32 $0xD0000000, s2;
	s6 =	simm.s32 $0x108;
	_ =	swait.ge @!p0 [sflag:s8], $0x0  }
0x24: {  	s3 =	sadd.s32 $0x88, s3;
	s6 =	simm.s32 @!p1 $0x1082;
	[sflag:s4] =	ssyncset.s32 $0xFFFFF086  }
0x25: {  	[simem:s6], [sflag:s4] =	dma.local [hbm:s3], $0xF7A  }
0x26: {  	[smem:$0x3F78] =	sst s1;
	(tag) =	ssettag s2;
	_ =	strace s9  }
0x27: {  	s1 =	sld [smem:$0x3F88]  }
0x28: {  	s2 =	sld [smem:$0x3F89]  }
0x29: {  	s4 =	sld [smem:$0x3F8B]  }
0x2a: {  	p0 =	seq.s32 s5, $0x0;
	s5 =	sld [smem:$0x3F8C]  }
0x2b: {  	s6 =	sld [smem:$0x3F8D]  }
0x2c: {  	s7 =	sld [smem:$0x3F8E]  }
0x2d: {  	s3 =	simm.s32 $0x108;
	s8 =	sld [smem:$0x3F8F]  }
0x2e: {  	s3 =	simm.s32 @!p0 $0x1082;
	s9 =	sld [smem:$0x3F90]  }
0x2f: {  	lr =	sadd.s32 s0, s3;
	s0 =	sld [smem:$0x3F87]  }
0x30: {  	s3 =	sld [smem:$0x3F8A]  }
0x31: {  	[smem:$0x3F93] =	sst s10  }
0x32: {  	s10 =	sld [smem:$0x3F91];
	_ =	sdelay $0x3  }
0x33: {  	p0 =	seq.s32 s10, $0x1;
	s10 =	sld [smem:$0x3F93];
	_ =	sdelay $0x3  }
0x34: {  	[smem:$0x3F93] =	sst s10  }
0x35: {  	s10 =	sld [smem:$0x3F92];
	_ =	sdelay $0x3  }
0x36: {  	p1 =	seq.s32 s10, $0x1;
	s10 =	sld [smem:$0x3F93];
	_ =	sdelay $0x3  }
0x37: {  	[smem:$0x3F93] =	sst s10  }
0x38: {  	s10 =	sld [smem:$0x3F94]  }
0x39: {  	_ = 	snop;
	(pc) =	sbr.ind lr, $3  }
0x3a: {  	_ = 	snop  }
0x3b: {  	_ = 	snop  }
0x3c: {  	p2 =	seq.s32 s10, $0x1;
	s10 =	sld [smem:$0x3F93]  }
0x3d: {  	_ =	shalt  }
0x3e: {  	_ =	shalt  }
0x3f: {  	_ =	shalt  }
0x40: {  	_ =	shalt  }
0x41: {  	_ =	shalt  }
0x42: {  	_ =	shalt  }
0x43: {  	_ =	shalt  }
0x44: {  	_ =	shalt  }
0x45: {  	_ =	shalt  }
0x46: {  	_ =	shalt  }
0x47: {  	_ =	shalt  }
0x48: {  	_ =	shalt  }
0x49: {  	_ =	shalt  }
0x4a: {  	_ =	shalt  }
0x4b: {  	_ =	shalt  }
0x4c: {  	_ =	shalt  }
0x4d: {  	_ =	shalt  }
0x4e: {  	_ =	shalt  }
0x4f: {  	_ =	shalt  }
0x50: {  	_ =	shalt  }
0x51: {  	_ =	shalt  }
0x52: {  	_ =	shalt  }
0x53: {  	_ =	shalt  }
0x54: {  	_ =	shalt  }
0x55: {  	_ =	shalt  }
0x56: {  	_ =	shalt  }
0x57: {  	_ =	shalt  }
0x58: {  	_ =	shalt  }
0x59: {  	_ =	shalt  }
0x5a: {  	_ =	shalt  }
0x5b: {  	_ =	shalt  }
0x5c: {  	_ =	shalt  }
0x5d: {  	_ =	shalt  }
0x5e: {  	_ =	shalt  }
0x5f: {  	_ =	shalt  }
0x60: {  	_ =	shalt  }
0x61: {  	_ =	shalt  }
0x62: {  	_ =	shalt  }
0x63: {  	_ =	shalt  }
0x64: {  	_ =	shalt  }
0x65: {  	_ =	shalt  }
0x66: {  	_ =	shalt  }
0x67: {  	_ =	shalt  }
0x68: {  	_ =	shalt  }
0x69: {  	_ =	shalt  }
0x6a: {  	_ =	shalt  }
0x6b: {  	_ =	shalt  }
0x6c: {  	_ =	shalt  }
0x6d: {  	_ =	shalt  }
0x6e: {  	_ =	shalt  }
0x6f: {  	_ =	shalt  }
0x70: {  	_ =	shalt  }
0x71: {  	_ =	shalt  }
0x72: {  	_ =	shalt  }
0x73: {  	_ =	shalt  }
0x74: {  	_ =	shalt  }
0x75: {  	_ =	shalt  }
0x76: {  	_ =	shalt  }
0x77: {  	_ =	shalt  }
0x78: {  	_ =	shalt  }
0x79: {  	_ =	shalt  }
0x7a: {  	_ =	shalt  }
0x7b: {  	_ =	shalt  }
0x7c: {  	_ =	shalt  }
0x7d: {  	_ =	shalt  }
0x7e: {  	_ =	shalt  }
0x7f: {  	_ =	shalt  }
0x80: {  	_ =	shalt  }
0x81: {  	_ =	shalt  }
0x82: {  	_ =	shalt  }
0x83: {  	_ =	shalt  }
0x84: {  	_ =	shalt  }
0x85: {  	_ =	shalt  }
0x86: {  	_ =	shalt  }
0x87: {  	_ =	shalt  }
.Lfunc_end0:
.L_simem_size_0:
called_computation.4_lowered:
.L_overlay_start_0:
0x88: {  	s2 =	sld [smem:$0x3FD9]  }
0x89: {  	s3 =	sld [smem:$0x3FFE];
	_ =	sdelay $0x1  }
0x8a: {  	s1 =	srdreg.scid  }
0x8b: {  	s0 =	sand.u32 $0x1, s1  }
0x8c: {  	s16 =	sshll.u32 s0, $0xA;
	s2 =	sadd.s32 s3, s2  }
0x8d: {  	s2 =	sadd.s32 s2, s16  }
0x8e: {  	[smem:$0x3F9F] =	sst s2  }
0x8f: {  	_ = 	snop  }
0x90: {  	(tm) =	ssettm $0x1  }
0x91: {  	s17 =	sld [smem:$0x3FFB];
	_ =	sdelay $0x3  }
0x92: {  	_ =	strace s17  }
0x93: {  	s2 =	sld [smem:$0x3FFC];
	_ =	sdelay $0x3  }
0x94: {  	_ =	strace s2  }
0x95: {  	s2 =	sld [smem:$0x3FFD];
	_ =	sdelay $0x3  }
0x96: {  	_ =	strace s2  }
0x97: {  	_ =	strace $0x8FFFFFFF  }
0x98: {  	s18 =	sld [smem:$0x3FDB];
	_ =	sdelay $0x1  }
0x99: {  	s19 =	simm.s32 $_scs_section_size  }
0x9a: {  	s4 =	simm.s32 $_size__tile_overlayer_lowered;
	s5 =	simm.s32 $_tile_overlayer_lowered  }
0x9b: {  	s22 =	simm.s32 $0x1BFF;
	s21 =	sshll.u32 s5, $0x1;
	s2 =	sadd.s32 s19, s18  }
0x9c: {  	s6 =	simm.s32 $0x0;
	s20 =	sshll.u32 s4, $0x1;
	s4 =	sadd.s32 s21, s2  }
0x9d: {  	[timem:s6], [sflag:s22] =	dma.local [hbm:s4], s20  }
0x9e: {  	_ =	swait.ge [sflag:s22], s20  }
0x9f: {  	s3 =	ssub.s32 $0x0, s20;
	[sflag:s22] =	ssyncset.done $0x0  }
0xa0: {  	[sflag:s22] =	ssyncadd.s32 s3;
	_ =	sdelay $0x1  }
0xa1: {  	s23 =	simm.s32 $0x1B8B  }
0xa2: {  	_ =	swait.ge [sflag:s23], $0x1  }
0xa3: {  	[sflag:s23] =	ssyncset.done $0x0  }
0xa4: {  	s25 =	simm.s32 $0x1B8E;
	s24 =	sld [smem:$0x3FFE];
	[sflag:s23] =	ssyncadd.s32 $0xFFFFFFFF  }
0xa5: {  	s26 =	simm.s32 $execute0_lowered;
	[smem:$0x3FD2] =	sst s25  }
0xa6: {  	s4 =	sshll.u32 s26, $0x1;
	_ =	strace $0x80000052;
	[dreg:$0x1] =	wrdreg $0xFFFFFFFF  }
0xa7: {  	s28 =	simm.s32 $_size_execute0_lowered;
	s2 =	sadd.s32 s2, s4;
	[dreg:$0x0] =	wrdreg $0x0  }
0xa8: {  	s4 =	sshll.u32 s28, $0x1;
	[dreg:$0x2] =	wrdreg s2  }
0xa9: {  	[dreg:$0x3] =	wrdreg s4  }
0xaa: {  	[dreg:$0x4] =	wrdreg $0xC0  }
0xab: {  	_ =	task [dreg:s6], $0x5FFFF  }
0xac: {  	[dreg:$0x1] =	wrdreg $0xFFFFFFFF  }
0xad: {  	[dreg:$0x0] =	wrdreg $0x60  }
0xae: {  	[dreg:$0x2] =	wrdreg s24  }
0xaf: {  	[dreg:$0x3] =	wrdreg $0x9  }
0xb0: {  	_ =	task.clear_ibuf [dreg:s6], $0x4FFFF;
	_ =	strace $0x90000052  }
0xb1: {  	s29 =	simm.s32 $0x9;
	_ =	strace $0x80000054  }
0xb2: {  	_ =	swait.ge [sflag:s29], $0x1  }
0xb3: {  	[sflag:s29] =	ssyncadd.s32 $0xFFFFFFFF  }
0xb4: {  	_ =	strace $0x90000054  }
0xb5: {  	_ =	sfence  }
0xb6: {  	s30 =	sld [smem:$0x0];
	_ =	sdelay $0x2  }
0xb7: {  	s31 =	sshll.u32 s1, $0xD;
	s1 =	sshrl.u32 s1, $0x2  }
0xb8: {  	s3 =	sand.u32 $0x4000, s31;
	s1 =	sadd.s32 s1, s30  }
0xb9: {  	s0 =	sor.u32 s3, s0;
	s1 =	sshll.u32 s1, $0x11  }
0xba: {  	s0 =	sor.u32 s1, s0  }
0xbb: {  	s0 =	sadd.s32 $0x8F2B, s0  }
0xbc: {  	[sflag:s0] =	ssyncadd.remote.s32 $0x1  }
0xbd: {  	_ =	sfence.sel $0xFFFF  }
0xbe: {  	[dreg:$0x0] =	wrdreg $0xFFFFFFFF;
	(pc) =	sbr.abs _section_cstart, $3  }
0xbf: {  	[dreg:$0x1] =	wrdreg $0xFFFFFFFF  }
0xc0: {  	_ =	task.clear_ibuf [dreg:s6], $0x2FFFF;
	_ =	strace $0x9FFFFFFF  }
0xc1: {  	(tm) =	ssettm $0x7FFFFFFF  }
tec
execute0_lowered:
.L_overlay_start_1:
0x0: {  	(tag) =	ssettag $0x1  }
0x1: {  	s4 =	rddreg [dreg:$0x0];
	s2 =	srdreg.scid  }
0x2: {  	s0 =	rddreg [dreg:$0x1];
	s1 =	stileid.u32  }
0x3: {  	s9 =	simm.s32 $0x2000;
	s10 =	simm.s32 $0x6000;
	s11 =	simm.s32 $0x1  }
0x4: {  	s12 =	simm.s32 $0x2;
	s13 =	simm.s32 $0x0;
	s5 =	sand.u32 $0x1, s2  }
0x5: {  	s2 =	simm.s32 $0x0;
	s3 =	sshll.u32 s1, $0xE;
	s7 =	sshll.u32 s1, $0x12  }
0x6: {  	s6 =	sshll.u32 s5, $0xD;
	[smem:$0x7FF] =	sst s2;
	s8 =	ssub.s32 $0x2, s5  }
0x7: {  	s7 =	sadd.s32 s7, s4;
	s5 =	sshll.u32 s5, $0x11;
	s6 =	sor.u32 s6, s3  }
0x8: {  	_ =	strace $0x80000053;
	s3 =	sadd.s32 $0x51B600, s4;
	s30 =	sshrl.u32 s8, $0x1  }
0x9: {  	s31 =	sadd.s32 s5, s7;
	s6 =	sshrl.u32 s6, $0x3;
	s8 =	ssub.s32 s8, s30  }
0xa: {  	s7 =	simm.s32 $0x3;
	s6 =	sadd.s32 s6, s4;
	s5 =	smax.u32 s8, $0x1  }
0xb: {  	s8 =	simm.s32 $0x80;
	s4 =	sadd.s32 $0xCB600, s6;
	s6 =	sadd.s32 $0x151B600, s31  }
.LBB2_1:
0xc: {  	[tilespmem:s2], [sflag:$0x3] =	stream.linear.gather [hbm4b:s4+s2], $0x2000, $0x38;
	[tilespmem:$0xA000] =	vst v63  }
0xd: {  	_ =	swait.ge [sflag:s7], $0x2000  }
0xe: {  	[sflag:s7] =	ssyncset.done $0x0  }
0xf: {  	s14 =	simm.s32 $0x0;
	[sflag:s7] =	ssyncadd.s32 $0xFFFFE000  }
0x10: {  	[tilespmem:s9], [sflag:$0x1] =	stream.indirect.gather [hbm4b:s3+s8], $0x80, s14, s8, $0xb8;
	[tilespmem:$0xA000] =	vst v63  }
0x11: {  	s30 =	simm.s32 $0x80  }
0x12: {  	[tilespmem:s10], [sflag:$0x2] =	stream.indirect.gather [hbm4b:s3+s8], $0x80, s30, s8, $0xb8;
	[tilespmem:$0xA000] =	vst v63  }
0x13: {  	_ =	swait.ge [sflag:s11], $0x4000  }
0x14: {  	[sflag:s11] =	ssyncset.done $0x0  }
0x15: {  	[sflag:s11] =	ssyncadd.s32 $0xFFFFC000  }
0x16: {  	[hbm4b:s6+s2] =	stream.linear.scatter [tilespmem:s9], [sflag:$0x3], $0x4000, $0x38;
	[tilespmem:$0xA000] =	vst v63  }
0x17: {  	_ =	swait.ge [sflag:s7], $0x4000  }
0x18: {  	[sflag:s7] =	ssyncset.done $0x0  }
0x19: {  	[sflag:s7] =	ssyncadd.s32 $0xFFFFC000  }
0x1a: {  	_ =	swait.ge [sflag:s12], $0x4000  }
0x1b: {  	[sflag:s12] =	ssyncset.done $0x0  }
0x1c: {  	s31 =	sadd.s32 $0x800, s6;
	[sflag:s12] =	ssyncadd.s32 $0xFFFFC000  }
0x1d: {  	[hbm4b:s31+s2] =	stream.linear.scatter [tilespmem:s10], [sflag:$0x3], $0x4000, $0x38;
	[tilespmem:$0xA000] =	vst v63  }
0x1e: {  	s15 =	simm.s32 $0x400;
	_ =	swait.ge [sflag:s7], $0x4000  }
0x1f: {  	s16 =	simm.s32 $0x800;
	s14 =	sadd.s32 $0x1000, s6;
	[sflag:s7] =	ssyncset.done $0x0  }
.LBB2_2:
0x20: {  	s17 =	sshra.s32 s15, $0x2  }
0x21: {  	[sflag:s7] =	ssyncadd.s32 $0xFFFFC000;
	s15 =	smov.u32 s16;
	s18 =	sadd.s32 $0x400, s16  }
0x22: {  	[tilespmem:s9], [sflag:$0x1] =	stream.indirect.gather [hbm4b:s3+s8], $0x80, s17, s8, $0xb8;
	[tilespmem:$0xA000] =	vst v63  }
0x23: {  	p0 =	sne.s32 s16, $0x7C00;
	s16 =	sadd.s32 $0x80, s17  }
0x24: {  	[tilespmem:s10], [sflag:$0x2] =	stream.indirect.gather [hbm4b:s3+s8], $0x80, s16, s8, $0xb8;
	[tilespmem:$0xA000] =	vst v63  }
0x25: {  	_ =	swait.ge [sflag:s11], $0x4000  }
0x26: {  	[sflag:s11] =	ssyncset.done $0x0  }
0x27: {  	[sflag:s11] =	ssyncadd.s32 $0xFFFFC000  }
0x28: {  	[hbm4b:s14+s2] =	stream.linear.scatter [tilespmem:s9], [sflag:$0x3], $0x4000, $0x38;
	[tilespmem:$0xA000] =	vst v63  }
0x29: {  	_ =	swait.ge [sflag:s7], $0x4000  }
0x2a: {  	[sflag:s7] =	ssyncset.done $0x0  }
0x2b: {  	[sflag:s7] =	ssyncadd.s32 $0xFFFFC000  }
0x2c: {  	_ =	swait.ge [sflag:s12], $0x4000  }
.Ltmp0:
0x2d: {  	[sflag:s12] =	ssyncset.done $0x0;
	(pc) =	sbr.rel @p0 .LBB2_2-.Ltmp0, $4  }
0x2e: {  	s16 =	sadd.s32 $0x800, s14;
	[sflag:s12] =	ssyncadd.s32 $0xFFFFC000  }
0x2f: {  	[hbm4b:s16+s2] =	stream.linear.scatter [tilespmem:s10], [sflag:$0x3], $0x4000, $0x38;
	[tilespmem:$0xA000] =	vst v63  }
0x30: {  	_ =	swait.ge [sflag:s7], $0x4000  }
0x31: {  	s14 =	sadd.s32 $0x1000, s14;
	s16 =	smov.u32 s18;
	[sflag:s7] =	ssyncset.done $0x0  }
0x32: {  	s15 =	sshra.s32 s15, $0x2;
	[sflag:s7] =	ssyncadd.s32 $0xFFFFC000  }
0x33: {  	[tilespmem:s9], [sflag:$0x1] =	stream.indirect.gather [hbm4b:s3+s8], $0x80, s15, s8, $0xb8;
	[tilespmem:$0xA000] =	vst v63  }
0x34: {  	s15 =	sadd.s32 $0x80, s15  }
0x35: {  	[tilespmem:s10], [sflag:$0x2] =	stream.indirect.gather [hbm4b:s3+s8], $0x80, s15, s8, $0xb8;
	[tilespmem:$0xA000] =	vst v63  }
0x36: {  	_ =	swait.ge [sflag:s11], $0x4000  }
0x37: {  	[sflag:s11] =	ssyncset.done $0x0  }
0x38: {  	[sflag:s11] =	ssyncadd.s32 $0xFFFFC000  }
0x39: {  	[hbm4b:s14+s2] =	stream.linear.scatter [tilespmem:s9], [sflag:$0x3], $0x4000, $0x38;
	[tilespmem:$0xA000] =	vst v63  }
0x3a: {  	_ =	swait.ge [sflag:s7], $0x4000  }
0x3b: {  	[sflag:s7] =	ssyncset.done $0x0  }
0x3c: {  	[sflag:s7] =	ssyncadd.s32 $0xFFFFC000  }
0x3d: {  	s13 =	sadd.s32 $0x1, s13;
	_ =	swait.ge [sflag:s12], $0x4000  }
0x3e: {  	p0 =	sne.s32 s13, s5;
	[sflag:s12] =	ssyncset.done $0x0  }
.Ltmp1:
0x3f: {  	s31 =	sadd.s32 $0x800, s14;
	[sflag:s12] =	ssyncadd.s32 $0xFFFFC000;
	(pc) =	sbr.rel @p0 .LBB2_1-.Ltmp1, $4  }
0x40: {  	[hbm4b:s31+s2] =	stream.linear.scatter [tilespmem:s10], [sflag:$0x3], $0x4000, $0x38;
	[tilespmem:$0xA000] =	vst v63  }
0x41: {  	_ =	swait.ge [sflag:s7], $0x4000  }
0x42: {  	[sflag:s7] =	ssyncset.done $0x0  }
0x43: {  	[sflag:s7] =	ssyncadd.s32 $0xFFFFC000  }
0x44: {  	_ =	sfence.sel $0x180000  }
0x45: {  	[bflag:$0x0] =	sbarrier.arrive $0xFFFF  }
0x46: {  	p0 =	sne.s32 s1, $0x0;
	_ =	strace $0x90000053  }
0x47: {  	s0 =	sadd.s32 @!p0 $0x100000, s0;
	[bflag:$0x2] =	sbarrier.arrive $0xFFFF  }
0x48: {  	[sflag:s0] =	ssyncadd.tile.s32 @!p0 $0x1;
	_ =	shalt  }
.Lfunc_end2:
_tile_overlayer_lowered:
.L_overlay_start_2:
0x49: {  	(tag) =	ssettag $0x2  }
0x4a: {  	s0 =	rddreg [dreg:$0x0];
	s2 =	stileid.u32  }
0x4b: {  	s1 =	rddreg [dreg:$0x1];
	p0 =	sne.s32 s2, $0x0  }
0x4c: {  	s3 =	rddreg [dreg:$0x2];
	[bflag:$0x3] =	sbarrier.arrive $0xFFFF;
	s2 =	simm.s32 @!p0 $0x1C03  }
0x4d: {  	[timem:s3], [sflag:s2] =	dma.local @!p0 [hbm:s0], s1  }
0x4e: {  	s0 =	simm.s32 @!p0 $0x3  }
0x4f: {  	_ =	swait.ge @!p0 [sflag:s0], s1  }
0x50: {  	s1 =	ssub.s32 @!p0 $0x0, s1;
	[sflag:s0] =	ssyncset.done @!p0 $0x0  }
0x51: {  	[sflag:s0] =	ssyncadd.s32 @!p0 s1  }
0x52: {  	[bflag:$0x3] =	sbarrier.arrive $0xFFFF  }
0x53: {  	_ =	shalt  }

// kernel: kernel.34.cloned.1.call-start
scs
__scs_entry_jumppad:
0x0: {  	(pc) =	sbr.rel $0x88, $3  }
0x1: {  	(tag) =	ssettag $0x0;
	lr =	simm.s32 $0x1  }
0x2: {  	[smem:$0x3F78] =	sst lr;
	_ =	strace $0xD0000000  }
0x3: {  	_ = 	snop  }
0x4: {  	_ = 	snop  }
0x5: {  	_ = 	snop  }
0x6: {  	_ = 	snop  }
0x7: {  	_ = 	snop  }
__scs_overlays_trampoline_lowered:
0x8: {  	[smem:$0x3F87] =	sst s0  }
0x9: {  	[smem:$0x3F88] =	sst s1  }
0xa: {  	[smem:$0x3F89] =	sst s2  }
0xb: {  	[smem:$0x3F8A] =	sst s3  }
0xc: {  	[smem:$0x3F8B] =	sst s4  }
0xd: {  	[smem:$0x3F8C] =	sst s5  }
0xe: {  	[smem:$0x3F8D] =	sst s6  }
0xf: {  	[smem:$0x3F8E] =	sst s7  }
0x10: {  	[smem:$0x3F8F] =	sst s8  }
0x11: {  	[smem:$0x3F90] =	sst s9;
	s0 =	simm.s32 @!p0 $0x0  }
0x12: {  	s1 =	sld [smem:$0x3F76];
	s0 =	simm.s32 @p0 $0x1  }
0x13: {  	[smem:$0x3F91] =	sst s0;
	s0 =	simm.s32 @!p1 $0x0  }
0x14: {  	s2 =	sld [smem:$0x3F75];
	s0 =	simm.s32 @p1 $0x1  }
0x15: {  	[smem:$0x3F92] =	sst s0;
	s0 =	simm.s32 @!p2 $0x0  }
0x16: {  	s3 =	sld [smem:$0x3FDB];
	s0 =	simm.s32 @p2 $0x1  }
0x17: {  	s4 =	simm.s32 $0x1BF5;
	[smem:$0x3F94] =	sst s0  }
0x18: {  	s0 =	sld [smem:$0x3F77];
	_ =	swait.ge [sflag:s4], $0x0  }
0x19: {  	s7 =	sld [smem:$0x3F78]  }
0x1a: {  	s8 =	sadd.s32 $0xFFFFE003, lr  }
0x1b: {  	s9 =	sadd.s32 $0xFFFFFEF7, lr;
	s5 =	simm.s32 $0xFFFFFFFF;
	p2 =	slt.u32 s8, $0xFFFFF086  }
0x1c: {  	p1 =	slt.u32 s9, $0xF7A;
	s5 =	simm.s32 @!p2 $0x0  }
0x1d: {  	s5 =	simm.s32 @p1 $0x1;
	p0 =	seq.s32 s7, s2  }
0x1e: {  	s7 =	smul.u32 @!p0 $0xF7A, s2;
	p2 =	seq.s32 @!p0 s5, $0x0  }
0x1f: {  	s9 =	smul.u32 $0xF7A, s1;
	s8 =	simm.s32 @!p0 $0x1BF5;
	p2 =	por !p2, p0  }
0x20: {  	[sflag:s8] =	ssyncset.s32 @!p0 $0xFFFFF086;
	s6 =	sadd.s32 @!p0 s3, s7;
	s7 =	simm.s32 @!p0 $0x108  }
0x21: {  	s3 =	sadd.s32 s3, s9;
	s6 =	sadd.s32 @!p0 $0x88, s6;
	s7 =	simm.s32 @p2 $0x1082  }
0x22: {  	[simem:s7], [sflag:s8] =	dma.local @!p0 [hbm:s6], $0xF7A  }
0x23: {  	s9 =	sor.u32 $0xD0000000, s2;
	s6 =	simm.s32 $0x108;
	_ =	swait.ge @!p0 [sflag:s8], $0x0  }
0x24: {  	s3 =	sadd.s32 $0x88, s3;
	s6 =	simm.s32 @!p1 $0x1082;
	[sflag:s4] =	ssyncset.s32 $0xFFFFF086  }
0x25: {  	[simem:s6], [sflag:s4] =	dma.local [hbm:s3], $0xF7A  }
0x26: {  	[smem:$0x3F78] =	sst s1;
	(tag) =	ssettag s2;
	_ =	strace s9  }
0x27: {  	s1 =	sld [smem:$0x3F88]  }
0x28: {  	s2 =	sld [smem:$0x3F89]  }
0x29: {  	s4 =	sld [smem:$0x3F8B]  }
0x2a: {  	p0 =	seq.s32 s5, $0x0;
	s5 =	sld [smem:$0x3F8C]  }
0x2b: {  	s6 =	sld [smem:$0x3F8D]  }
0x2c: {  	s7 =	sld [smem:$0x3F8E]  }
0x2d: {  	s3 =	simm.s32 $0x108;
	s8 =	sld [smem:$0x3F8F]  }
0x2e: {  	s3 =	simm.s32 @!p0 $0x1082;
	s9 =	sld [smem:$0x3F90]  }
0x2f: {  	lr =	sadd.s32 s0, s3;
	s0 =	sld [smem:$0x3F87]  }
0x30: {  	s3 =	sld [smem:$0x3F8A]  }
0x31: {  	[smem:$0x3F93] =	sst s10  }
0x32: {  	s10 =	sld [smem:$0x3F91];
	_ =	sdelay $0x3  }
0x33: {  	p0 =	seq.s32 s10, $0x1;
	s10 =	sld [smem:$0x3F93];
	_ =	sdelay $0x3  }
0x34: {  	[smem:$0x3F93] =	sst s10  }
0x35: {  	s10 =	sld [smem:$0x3F92];
	_ =	sdelay $0x3  }
0x36: {  	p1 =	seq.s32 s10, $0x1;
	s10 =	sld [smem:$0x3F93];
	_ =	sdelay $0x3  }
0x37: {  	[smem:$0x3F93] =	sst s10  }
0x38: {  	s10 =	sld [smem:$0x3F94]  }
0x39: {  	_ = 	snop;
	(pc) =	sbr.ind lr, $3  }
0x3a: {  	_ = 	snop  }
0x3b: {  	_ = 	snop  }
0x3c: {  	p2 =	seq.s32 s10, $0x1;
	s10 =	sld [smem:$0x3F93]  }
0x3d: {  	_ =	shalt  }
0x3e: {  	_ =	shalt  }
0x3f: {  	_ =	shalt  }
0x40: {  	_ =	shalt  }
0x41: {  	_ =	shalt  }
0x42: {  	_ =	shalt  }
0x43: {  	_ =	shalt  }
0x44: {  	_ =	shalt  }
0x45: {  	_ =	shalt  }
0x46: {  	_ =	shalt  }
0x47: {  	_ =	shalt  }
0x48: {  	_ =	shalt  }
0x49: {  	_ =	shalt  }
0x4a: {  	_ =	shalt  }
0x4b: {  	_ =	shalt  }
0x4c: {  	_ =	shalt  }
0x4d: {  	_ =	shalt  }
0x4e: {  	_ =	shalt  }
0x4f: {  	_ =	shalt  }
0x50: {  	_ =	shalt  }
0x51: {  	_ =	shalt  }
0x52: {  	_ =	shalt  }
0x53: {  	_ =	shalt  }
0x54: {  	_ =	shalt  }
0x55: {  	_ =	shalt  }
0x56: {  	_ =	shalt  }
0x57: {  	_ =	shalt  }
0x58: {  	_ =	shalt  }
0x59: {  	_ =	shalt  }
0x5a: {  	_ =	shalt  }
0x5b: {  	_ =	shalt  }
0x5c: {  	_ =	shalt  }
0x5d: {  	_ =	shalt  }
0x5e: {  	_ =	shalt  }
0x5f: {  	_ =	shalt  }
0x60: {  	_ =	shalt  }
0x61: {  	_ =	shalt  }
0x62: {  	_ =	shalt  }
0x63: {  	_ =	shalt  }
0x64: {  	_ =	shalt  }
0x65: {  	_ =	shalt  }
0x66: {  	_ =	shalt  }
0x67: {  	_ =	shalt  }
0x68: {  	_ =	shalt  }
0x69: {  	_ =	shalt  }
0x6a: {  	_ =	shalt  }
0x6b: {  	_ =	shalt  }
0x6c: {  	_ =	shalt  }
0x6d: {  	_ =	shalt  }
0x6e: {  	_ =	shalt  }
0x6f: {  	_ =	shalt  }
0x70: {  	_ =	shalt  }
0x71: {  	_ =	shalt  }
0x72: {  	_ =	shalt  }
0x73: {  	_ =	shalt  }
0x74: {  	_ =	shalt  }
0x75: {  	_ =	shalt  }
0x76: {  	_ =	shalt  }
0x77: {  	_ =	shalt  }
0x78: {  	_ =	shalt  }
0x79: {  	_ =	shalt  }
0x7a: {  	_ =	shalt  }
0x7b: {  	_ =	shalt  }
0x7c: {  	_ =	shalt  }
0x7d: {  	_ =	shalt  }
0x7e: {  	_ =	shalt  }
0x7f: {  	_ =	shalt  }
0x80: {  	_ =	shalt  }
0x81: {  	_ =	shalt  }
0x82: {  	_ =	shalt  }
0x83: {  	_ =	shalt  }
0x84: {  	_ =	shalt  }
0x85: {  	_ =	shalt  }
0x86: {  	_ =	shalt  }
0x87: {  	_ =	shalt  }
.Lfunc_end0:
.L_simem_size_0:
called_computation.5_lowered:
.L_overlay_start_0:
0x88: {  	s2 =	sld [smem:$0x3FD9]  }
0x89: {  	s3 =	sld [smem:$0x3FFE];
	_ =	sdelay $0x1  }
0x8a: {  	s1 =	srdreg.scid  }
0x8b: {  	s0 =	sand.u32 $0x1, s1  }
0x8c: {  	s17 =	sshll.u32 s0, $0xA;
	s2 =	sadd.s32 s3, s2  }
0x8d: {  	s2 =	sadd.s32 s2, s17  }
0x8e: {  	[smem:$0x3F9F] =	sst s2  }
0x8f: {  	_ = 	snop  }
0x90: {  	(tm) =	ssettm $0x1  }
0x91: {  	s18 =	sld [smem:$0x3FFB];
	_ =	sdelay $0x3  }
0x92: {  	_ =	strace s18  }
0x93: {  	s2 =	sld [smem:$0x3FFC];
	_ =	sdelay $0x3  }
0x94: {  	_ =	strace s2  }
0x95: {  	s2 =	sld [smem:$0x3FFD];
	_ =	sdelay $0x3  }
0x96: {  	_ =	strace s2  }
0x97: {  	_ =	strace $0x8FFFFFFF  }
0x98: {  	s19 =	sld [smem:$0x3FDB];
	_ =	sdelay $0x1  }
0x99: {  	s20 =	simm.s32 $_scs_section_size  }
0x9a: {  	s4 =	simm.s32 $_size__tile_overlayer_lowered;
	s5 =	simm.s32 $_tile_overlayer_lowered  }
0x9b: {  	s6 =	simm.s32 $0x1BFF;
	s21 =	sshll.u32 s5, $0x1;
	s3 =	sadd.s32 s20, s19  }
0x9c: {  	s22 =	simm.s32 $0x0;
	s4 =	sshll.u32 s4, $0x1;
	s5 =	sadd.s32 s21, s3  }
0x9d: {  	[timem:s22], [sflag:s6] =	dma.local [hbm:s5], s4  }
0x9e: {  	_ =	swait.ge [sflag:s6], s4  }
0x9f: {  	s4 =	ssub.s32 $0x0, s4;
	[sflag:s6] =	ssyncset.done $0x0  }
0xa0: {  	[sflag:s6] =	ssyncadd.s32 s4;
	_ =	sdelay $0x1  }
0xa1: {  	s23 =	simm.s32 $0x1B8B  }
0xa2: {  	_ =	swait.ge [sflag:s23], $0x1  }
0xa3: {  	[sflag:s23] =	ssyncset.done $0x0  }
0xa4: {  	[sflag:s23] =	ssyncadd.s32 $0xFFFFFFFF  }
0xa5: {  	s4 =	sld [smem:$0x0]  }
0xa6: {  	s5 =	sand.u32 $0xFFFFFFFE, s1  }
0xa7: {  	p0 =	sne.s32 s1, s5  }
0xa8: {  	s5 =	sshll.u32 @p0 s5, $0xE  }
0xa9: {  	s5 =	sadd.s32 @p0 $0x11B8D, s5;
	s6 =	sshll.u32 @p0 s4, $0x11  }
0xaa: {  	s5 =	sor.u32 @p0 s6, s5  }
0xab: {  	[sflag:s5] =	ssyncadd.remote.s32 @p0 $0x1;
	_ =	sdelay $0x1  }
0xac: {  	s5 =	simm.s32 @p0 $0x1B8D  }
0xad: {  	_ =	swait.eq @p0 [sflag:s5], $0x1  }
0xae: {  	[sflag:s5] =	ssyncadd.s32 @p0 $0xFFFFFFFF  }
0xaf: {  	s6 =	sshll.u32 @!p0 s1, $0xE  }
0xb0: {  	s6 =	sor.u32 @!p0 $0x4000, s6;
	s5 =	simm.s32 @!p0 $0x1B8D  }
0xb1: {  	s4 =	sshll.u32 @!p0 s4, $0x11;
	s6 =	sadd.s32 @!p0 $0x11B8D, s6;
	_ =	swait.eq @!p0 [sflag:s5], $0x1  }
0xb2: {  	s4 =	sor.u32 @!p0 s4, s6;
	[sflag:s5] =	ssyncadd.s32 @!p0 $0xFFFFFFFF  }
0xb3: {  	s25 =	simm.s32 $0x1B8E;
	s24 =	sld [smem:$0x3FFE];
	[sflag:s4] =	ssyncadd.remote.s32 @!p0 $0x1  }
0xb4: {  	s26 =	simm.s32 $execute0_lowered;
	[smem:$0x3FD2] =	sst s25  }
0xb5: {  	s5 =	sshll.u32 s26, $0x1;
	_ =	strace $0x80000055;
	[dreg:$0x1] =	wrdreg $0xFFFFFFFF  }
0xb6: {  	s28 =	simm.s32 $_size_execute0_lowered;
	s3 =	sadd.s32 s3, s5;
	[dreg:$0x0] =	wrdreg $0x0  }
0xb7: {  	s5 =	sshll.u32 s28, $0x1;
	[dreg:$0x2] =	wrdreg s3  }
0xb8: {  	[dreg:$0x3] =	wrdreg s5  }
0xb9: {  	[dreg:$0x4] =	wrdreg $0xC0  }
0xba: {  	_ =	task [dreg:s22], $0x5FFFF  }
0xbb: {  	[dreg:$0x1] =	wrdreg $0xFFFFFFFF  }
0xbc: {  	[dreg:$0x0] =	wrdreg $0x60  }
0xbd: {  	[dreg:$0x2] =	wrdreg s24  }
0xbe: {  	[dreg:$0x3] =	wrdreg $0xA  }
0xbf: {  	_ =	task.clear_ibuf [dreg:s22], $0x4FFFF;
	_ =	strace $0x90000055  }
0xc0: {  	s29 =	simm.s32 $0xA;
	_ =	strace $0x80000057  }
0xc1: {  	_ =	swait.ge [sflag:s29], $0x1  }
0xc2: {  	[sflag:s29] =	ssyncadd.s32 $0xFFFFFFFF  }
0xc3: {  	_ =	strace $0x90000057  }
0xc4: {  	_ =	sfence  }
0xc5: {  	s30 =	sld [smem:$0x0];
	_ =	sdelay $0x2  }
0xc6: {  	s31 =	sshll.u32 s1, $0xD;
	s1 =	sshrl.u32 s1, $0x2  }
0xc7: {  	s4 =	sand.u32 $0x4000, s31;
	s1 =	sadd.s32 s1, s30  }
0xc8: {  	s0 =	sor.u32 s4, s0;
	s1 =	sshll.u32 s1, $0x11  }
0xc9: {  	s0 =	sor.u32 s1, s0  }
0xca: {  	s0 =	sadd.s32 $0x8F2B, s0  }
0xcb: {  	[sflag:s0] =	ssyncadd.remote.s32 $0x1  }
0xcc: {  	_ =	sfence.sel $0xFFFF  }
0xcd: {  	[dreg:$0x0] =	wrdreg $0xFFFFFFFF;
	(pc) =	sbr.abs _section_cstart, $3  }
0xce: {  	[dreg:$0x1] =	wrdreg $0xFFFFFFFF  }
0xcf: {  	_ =	task.clear_ibuf [dreg:s22], $0x2FFFF;
	_ =	strace $0x9FFFFFFF  }
0xd0: {  	(tm) =	ssettm $0x7FFFFFFF  }
0xd1: {  	_ =	shalt  }
tec
execute0_lowered:
.L_overlay_start_1:
0x0: {  	(tag) =	ssettag $0x1  }
0x1: {  	s4 =	rddreg [dreg:$0x0];
	s2 =	srdreg.scid  }
0x2: {  	s0 =	rddreg [dreg:$0x1];
	s1 =	stileid.u32  }
0x3: {  	s9 =	simm.s32 $0x2000;
	s10 =	simm.s32 $0x6000;
	s11 =	simm.s32 $0x1  }
0x4: {  	s12 =	simm.s32 $0x2;
	s13 =	simm.s32 $0x0;
	s5 =	sand.u32 $0x1, s2  }
0x5: {  	s2 =	simm.s32 $0x0;
	s3 =	sshll.u32 s1, $0xE;
	s7 =	sshll.u32 s1, $0x12  }
0x6: {  	s6 =	sshll.u32 s5, $0xD;
	[smem:$0x7FF] =	sst s2;
	s8 =	ssub.s32 $0x2, s5  }
0x7: {  	s7 =	sadd.s32 s7, s4;
	s5 =	sshll.u32 s5, $0x11;
	s6 =	sor.u32 s6, s3  }
0x8: {  	_ =	strace $0x80000056;
	s3 =	sadd.s32 $0x191B600, s4;
	s30 =	sshrl.u32 s8, $0x1  }
0x9: {  	s31 =	sadd.s32 s5, s7;
	s6 =	sshrl.u32 s6, $0x3;
	s8 =	ssub.s32 s8, s30  }
0xa: {  	s7 =	simm.s32 $0x3;
	s6 =	sadd.s32 s6, s4;
	s5 =	smax.u32 s8, $0x1  }
0xb: {  	s8 =	simm.s32 $0x80;
	s4 =	sadd.s32 $0xCB600, s6;
	s6 =	sadd.s32 $0x291B600, s31  }
.LBB2_1:
0xc: {  	[tilespmem:s2], [sflag:$0x3] =	stream.linear.gather [hbm4b:s4+s2], $0x2000, $0x38;
	[tilespmem:$0xA000] =	vst v63  }
0xd: {  	_ =	swait.ge [sflag:s7], $0x2000  }
0xe: {  	[sflag:s7] =	ssyncset.done $0x0  }
0xf: {  	s14 =	simm.s32 $0x0;
	[sflag:s7] =	ssyncadd.s32 $0xFFFFE000  }
0x10: {  	[tilespmem:s9], [sflag:$0x1] =	stream.indirect.gather [hbm4b:s3+s8], $0x80, s14, s8, $0xb8;
	[tilespmem:$0xA000] =	vst v63  }
0x11: {  	s30 =	simm.s32 $0x80  }
0x12: {  	[tilespmem:s10], [sflag:$0x2] =	stream.indirect.gather [hbm4b:s3+s8], $0x80, s30, s8, $0xb8;
	[tilespmem:$0xA000] =	vst v63  }
0x13: {  	_ =	swait.ge [sflag:s11], $0x4000  }
0x14: {  	[sflag:s11] =	ssyncset.done $0x0  }
0x15: {  	[sflag:s11] =	ssyncadd.s32 $0xFFFFC000  }
0x16: {  	[hbm4b:s6+s2] =	stream.linear.scatter [tilespmem:s9], [sflag:$0x3], $0x4000, $0x38;
	[tilespmem:$0xA000] =	vst v63  }
0x17: {  	_ =	swait.ge [sflag:s7], $0x4000  }
0x18: {  	[sflag:s7] =	ssyncset.done $0x0  }
0x19: {  	[sflag:s7] =	ssyncadd.s32 $0xFFFFC000  }
0x1a: {  	_ =	swait.ge [sflag:s12], $0x4000  }
0x1b: {  	[sflag:s12] =	ssyncset.done $0x0  }
0x1c: {  	s31 =	sadd.s32 $0x800, s6;
	[sflag:s12] =	ssyncadd.s32 $0xFFFFC000  }
0x1d: {  	[hbm4b:s31+s2] =	stream.linear.scatter [tilespmem:s10], [sflag:$0x3], $0x4000, $0x38;
	[tilespmem:$0xA000] =	vst v63  }
0x1e: {  	s15 =	simm.s32 $0x400;
	_ =	swait.ge [sflag:s7], $0x4000  }
0x1f: {  	s16 =	simm.s32 $0x800;
	s14 =	sadd.s32 $0x1000, s6;
	[sflag:s7] =	ssyncset.done $0x0  }
.LBB2_2:
0x20: {  	s17 =	sshra.s32 s15, $0x2  }
0x21: {  	[sflag:s7] =	ssyncadd.s32 $0xFFFFC000;
	s15 =	smov.u32 s16;
	s18 =	sadd.s32 $0x400, s16  }
0x22: {  	[tilespmem:s9], [sflag:$0x1] =	stream.indirect.gather [hbm4b:s3+s8], $0x80, s17, s8, $0xb8;
	[tilespmem:$0xA000] =	vst v63  }
0x23: {  	p0 =	sne.s32 s16, $0x7C00;
	s16 =	sadd.s32 $0x80, s17  }
0x24: {  	[tilespmem:s10], [sflag:$0x2] =	stream.indirect.gather [hbm4b:s3+s8], $0x80, s16, s8, $0xb8;
	[tilespmem:$0xA000] =	vst v63  }
0x25: {  	_ =	swait.ge [sflag:s11], $0x4000  }
0x26: {  	[sflag:s11] =	ssyncset.done $0x0  }
0x27: {  	[sflag:s11] =	ssyncadd.s32 $0xFFFFC000  }
0x28: {  	[hbm4b:s14+s2] =	stream.linear.scatter [tilespmem:s9], [sflag:$0x3], $0x4000, $0x38;
	[tilespmem:$0xA000] =	vst v63  }
0x29: {  	_ =	swait.ge [sflag:s7], $0x4000  }
0x2a: {  	[sflag:s7] =	ssyncset.done $0x0  }
0x2b: {  	[sflag:s7] =	ssyncadd.s32 $0xFFFFC000  }
0x2c: {  	_ =	swait.ge [sflag:s12], $0x4000  }
.Ltmp0:
0x2d: {  	[sflag:s12] =	ssyncset.done $0x0;
	(pc) =	sbr.rel @p0 .LBB2_2-.Ltmp0, $4  }
0x2e: {  	s16 =	sadd.s32 $0x800, s14;
	[sflag:s12] =	ssyncadd.s32 $0xFFFFC000  }
0x2f: {  	[hbm4b:s16+s2] =	stream.linear.scatter [tilespmem:s10], [sflag:$0x3], $0x4000, $0x38;
	[tilespmem:$0xA000] =	vst v63  }
0x30: {  	_ =	swait.ge [sflag:s7], $0x4000  }
0x31: {  	s14 =	sadd.s32 $0x1000, s14;
	s16 =	smov.u32 s18;
	[sflag:s7] =	ssyncset.done $0x0  }
0x32: {  	s15 =	sshra.s32 s15, $0x2;
	[sflag:s7] =	ssyncadd.s32 $0xFFFFC000  }
0x33: {  	[tilespmem:s9], [sflag:$0x1] =	stream.indirect.gather [hbm4b:s3+s8], $0x80, s15, s8, $0xb8;
	[tilespmem:$0xA000] =	vst v63  }
0x34: {  	s15 =	sadd.s32 $0x80, s15  }
0x35: {  	[tilespmem:s10], [sflag:$0x2] =	stream.indirect.gather [hbm4b:s3+s8], $0x80, s15, s8, $0xb8;
	[tilespmem:$0xA000] =	vst v63  }
0x36: {  	_ =	swait.ge [sflag:s11], $0x4000  }
0x37: {  	[sflag:s11] =	ssyncset.done $0x0  }
0x38: {  	[sflag:s11] =	ssyncadd.s32 $0xFFFFC000  }
0x39: {  	[hbm4b:s14+s2] =	stream.linear.scatter [tilespmem:s9], [sflag:$0x3], $0x4000, $0x38;
	[tilespmem:$0xA000] =	vst v63  }
0x3a: {  	_ =	swait.ge [sflag:s7], $0x4000  }
0x3b: {  	[sflag:s7] =	ssyncset.done $0x0  }
0x3c: {  	[sflag:s7] =	ssyncadd.s32 $0xFFFFC000  }
0x3d: {  	s13 =	sadd.s32 $0x1, s13;
	_ =	swait.ge [sflag:s12], $0x4000  }
0x3e: {  	p0 =	sne.s32 s13, s5;
	[sflag:s12] =	ssyncset.done $0x0  }
.Ltmp1:
0x3f: {  	s31 =	sadd.s32 $0x800, s14;
	[sflag:s12] =	ssyncadd.s32 $0xFFFFC000;
	(pc) =	sbr.rel @p0 .LBB2_1-.Ltmp1, $4  }
0x40: {  	[hbm4b:s31+s2] =	stream.linear.scatter [tilespmem:s10], [sflag:$0x3], $0x4000, $0x38;
	[tilespmem:$0xA000] =	vst v63  }
0x41: {  	_ =	swait.ge [sflag:s7], $0x4000  }
0x42: {  	[sflag:s7] =	ssyncset.done $0x0  }
0x43: {  	[sflag:s7] =	ssyncadd.s32 $0xFFFFC000  }
0x44: {  	_ =	sfence.sel $0x180000  }
0x45: {  	[bflag:$0x0] =	sbarrier.arrive $0xFFFF  }
0x46: {  	p0 =	sne.s32 s1, $0x0;
	_ =	strace $0x90000056  }
0x47: {  	s0 =	sadd.s32 @!p0 $0x100000, s0;
	[bflag:$0x2] =	sbarrier.arrive $0xFFFF  }
0x48: {  	[sflag:s0] =	ssyncadd.tile.s32 @!p0 $0x1;
	_ =	shalt  }
.Lfunc_end2:
_tile_overlayer_lowered:
.L_overlay_start_2:
0x49: {  	(tag) =	ssettag $0x2  }
0x4a: {  	s0 =	rddreg [dreg:$0x0];
	s2 =	stileid.u32  }
0x4b: {  	s1 =	rddreg [dreg:$0x1];
	p0 =	sne.s32 s2, $0x0  }
0x4c: {  	s3 =	rddreg [dreg:$0x2];
	[bflag:$0x3] =	sbarrier.arrive $0xFFFF;
	s2 =	simm.s32 @!p0 $0x1C03  }
0x4d: {  	[timem:s3], [sflag:s2] =	dma.local @!p0 [hbm:s0], s1  }
0x4e: {  	s0 =	simm.s32 @!p0 $0x3  }
0x4f: {  	_ =	swait.ge @!p0 [sflag:s0], s1  }
0x50: {  	s1 =	ssub.s32 @!p0 $0x0, s1;
	[sflag:s0] =	ssyncset.done @!p0 $0x0  }
0x51: {  	[sflag:s0] =	ssyncadd.s32 @!p0 s1  }
0x52: {  	[bflag:$0x3] =	sbarrier.arrive $0xFFFF  }
0x53: {  	_ =	shalt  }

</sc_bundles>
